<compile_context>
chip_gen: v7x
topology: tpu7x:2x2x1
jax: 0.10.2.dev20260603
libtpu: 0.0.44.dev20260713+nightly
codegen_flags: <defaults>
</compile_context>

<pallas_src>
import functools

import jax
import jax.numpy as jnp
from jax import lax
from jax.experimental import pallas as pl
from jax.experimental.pallas import tpu as pltpu
from jax.experimental.pallas import tpu_sc as plsc

_B, _N, _D = 128, 8192, 64
_L = 16
_NCH = _N // _L
_NW = 32
_RPW = _B // _NW
_DSL = 2
_SLW = _DSL * _N
_NSL = _D // _DSL
_NPAIR = _NSL // 2


def _kvec(v):
    d = v * jnp.float32(_N) - jnp.float32(0.5)
    k = d.astype(jnp.int32) + 1
    k = jnp.where(d < jnp.float32(0.0), 0, k)
    return jnp.minimum(k, _N)


def _resample_call(st, cs, weight, maskf):
    mesh = plsc.VectorSubcoreMesh(core_axis_name="c", subcore_axis_name="s")

    @functools.partial(
        pl.kernel,
        out_type=(
            jax.ShapeDtypeStruct((_B, _D, _N), jnp.float32),
            jax.ShapeDtypeStruct((_B, _N), jnp.float32),
        ),
        mesh=mesh,
        scratch_types=[
            pltpu.VMEM((_N,), jnp.float32),
            pltpu.VMEM((_N,), jnp.float32),
            pltpu.VMEM((_N,), jnp.float32),
            pltpu.VMEM((_N,), jnp.float32),
            pltpu.VMEM((_N,), jnp.int32),
            pltpu.VMEM((_B,), jnp.float32),
            pltpu.VMEM((_NCH,), jnp.float32),
            pltpu.VMEM((_DSL, _N), jnp.float32),
            pltpu.VMEM((_DSL, _N), jnp.float32),
            pltpu.VMEM((_DSL, _N), jnp.float32),
            pltpu.VMEM((_DSL, _N), jnp.float32),
            pltpu.SemaphoreType.DMA,
            pltpu.SemaphoreType.DMA,
            pltpu.SemaphoreType.DMA,
            pltpu.SemaphoreType.DMA,
        ],
        compiler_params=pltpu.CompilerParams(needs_layout_passes=False),
    )
    def k(st_hbm, cs_hbm, w_hbm, m_hbm, outs_hbm, outw_hbm,
          cs_buf, w_buf, wconst, a_buf, idx_buf, m_all, bmax,
          in_a, in_b, out_a, out_b, sia, sib, soa, sob):
        wid = lax.axis_index("s") * 2 + lax.axis_index("c")
        lane = lax.iota(jnp.int32, _L)
        zero16f = jnp.zeros((_L,), jnp.float32)
        invn = jnp.full((_L,), 1.0 / _N, jnp.float32)

        pltpu.sync_copy(m_hbm, m_all)

        @plsc.parallel_loop(0, _N, _L, unroll=4)
        def _zl(off):
            a_buf[pl.ds(off, _L)] = zero16f
            wconst[pl.ds(off, _L)] = invn

        for kk in range(_RPW):
            r = wid + _NW * kk
            base = r * _N
            mch = m_all[pl.ds((r // _L) * _L, _L)]
            mval = jnp.max(jnp.where(lane == r % _L, mch, jnp.float32(0.0)))
            do_rs = mval != jnp.float32(0.0)

            @pl.when(do_rs)
            def _masked():
                pltpu.sync_copy(cs_hbm.at[r], cs_buf)
                pltpu.sync_copy(wconst, outw_hbm.at[r])

                @plsc.parallel_loop(0, _N, _L, unroll=4)
                def _p1(off):
                    glob = off + lane
                    v = cs_buf[pl.ds(off, _L)]
                    gi = jnp.maximum(glob - 1, 0)
                    vm1 = plsc.load_gather(cs_buf, [gi])
                    kcur = _kvec(v)
                    kcur = jnp.where(glob == _N - 1, _N, kcur)
                    kprev = _kvec(vm1)
                    kprev = jnp.where(glob == 0, 0, kprev)
                    mw = kcur > kprev
                    pos = jnp.minimum(kprev, _N - 1)
                    plsc.store_scatter(
                        a_buf, [pos], (base + glob).astype(jnp.float32),
                        mask=mw)

                basef = zero16f + base.astype(jnp.float32)

                @plsc.parallel_loop(0, _N, _L, unroll=4)
                def _p2a(off):
                    c16 = lane * 0 + off // _L
                    v = a_buf[pl.ds(off, _L)]
                    sc = plsc.cummax(v)
                    w_buf[pl.ds(off, _L)] = sc
                    cmx = jnp.max(sc)
                    plsc.store_scatter(
                        bmax, [c16], zero16f + cmx, mask=lane == 0)

                def p2b(c, m):
                    off = c * _L
                    v = bmax[pl.ds(off, _L)]
                    sc = jnp.maximum(plsc.cummax(v), m)
                    bmax[pl.ds(off, _L)] = sc
                    return jnp.max(sc)
                lax.fori_loop(0, _NCH // _L, p2b, base.astype(jnp.float32))

                @plsc.parallel_loop(0, _N, _L, unroll=4)
                def _p2c(off):
                    c16 = lane * 0 + off // _L
                    sc = w_buf[pl.ds(off, _L)]
                    pm1 = plsc.load_gather(bmax, [jnp.maximum(c16 - 1, 0)])
                    exc = jnp.where(c16 == 0, basef, pm1)
                    f = jnp.maximum(sc, exc)
                    idx_buf[pl.ds(off, _L)] = f.astype(jnp.int32) - base

                pltpu.async_copy(st_hbm.at[r, pl.ds(0, _DSL)], in_a, sia)
                pltpu.async_copy(st_hbm.at[r, pl.ds(_DSL, _DSL)], in_b, sib)

                def pair(i, carry):
                    d0 = 2 * i * _DSL
                    pltpu.make_async_copy(
                        st_hbm.at[r, pl.ds(0, _DSL)], in_a, sia).wait()
                    pltpu.make_async_copy(
                        st_hbm.at[r, pl.ds(0, _DSL)], in_b, sib).wait()

                    @pl.when(i > 0)
                    def _drain_outs():
                        pltpu.make_async_copy(
                            out_a, outs_hbm.at[r, pl.ds(0, _DSL)], soa).wait()
                        pltpu.make_async_copy(
                            out_b, outs_hbm.at[r, pl.ds(0, _DSL)], sob).wait()

                    @plsc.parallel_loop(0, _N, _L, unroll=4)
                    def _gath(off):
                        idx16 = idx_buf[pl.ds(off, _L)]
                        for dr in range(_DSL):
                            di = jnp.full((_L,), dr, jnp.int32)
                            out_a[dr, pl.ds(off, _L)] = plsc.load_gather(
                                in_a, [di, idx16])
                            out_b[dr, pl.ds(off, _L)] = plsc.load_gather(
                                in_b, [di, idx16])

                    pltpu.async_copy(
                        out_a, outs_hbm.at[r, pl.ds(d0, _DSL)], soa)
                    pltpu.async_copy(
                        out_b, outs_hbm.at[r, pl.ds(d0 + _DSL, _DSL)], sob)

                    @pl.when(i < _NPAIR - 1)
                    def _prefetch():
                        pltpu.async_copy(
                            st_hbm.at[r, pl.ds(d0 + 2 * _DSL, _DSL)],
                            in_a, sia)
                        pltpu.async_copy(
                            st_hbm.at[r, pl.ds(d0 + 3 * _DSL, _DSL)],
                            in_b, sib)
                    return carry
                lax.fori_loop(0, _NPAIR, pair, 0)
                pltpu.make_async_copy(
                    out_a, outs_hbm.at[r, pl.ds(0, _DSL)], soa).wait()
                pltpu.make_async_copy(
                    out_b, outs_hbm.at[r, pl.ds(0, _DSL)], sob).wait()

            @pl.when(jnp.logical_not(do_rs))
            def _passthrough():
                pltpu.sync_copy(w_hbm.at[r], w_buf)
                pltpu.sync_copy(w_buf, outw_hbm.at[r])
                pltpu.async_copy(st_hbm.at[r, pl.ds(0, _DSL)], in_a, sia)
                pltpu.async_copy(st_hbm.at[r, pl.ds(_DSL, _DSL)], in_b, sib)

                def cpair(i, carry):
                    d0 = 2 * i * _DSL
                    pltpu.make_async_copy(
                        st_hbm.at[r, pl.ds(0, _DSL)], in_a, sia).wait()
                    pltpu.make_async_copy(
                        st_hbm.at[r, pl.ds(0, _DSL)], in_b, sib).wait()
                    pltpu.async_copy(
                        in_a, outs_hbm.at[r, pl.ds(d0, _DSL)], soa)
                    pltpu.async_copy(
                        in_b, outs_hbm.at[r, pl.ds(d0 + _DSL, _DSL)], sob)
                    pltpu.make_async_copy(
                        in_a, outs_hbm.at[r, pl.ds(0, _DSL)], soa).wait()
                    pltpu.make_async_copy(
                        in_b, outs_hbm.at[r, pl.ds(0, _DSL)], sob).wait()

                    @pl.when(i < _NPAIR - 1)
                    def _prefetch2():
                        pltpu.async_copy(
                            st_hbm.at[r, pl.ds(d0 + 2 * _DSL, _DSL)],
                            in_a, sia)
                        pltpu.async_copy(
                            st_hbm.at[r, pl.ds(d0 + 3 * _DSL, _DSL)],
                            in_b, sib)
                    return carry
                lax.fori_loop(0, _NPAIR, cpair, 0)

    return k(st, cs, weight, maskf)


def kernel(state, weight):
    b, n, d = state.shape
    s = jnp.sum(weight, axis=1, keepdims=True)
    w = weight / s
    ess = 1.0 / jnp.sum(w * w, axis=1)
    mask = ess < 0.5 * n
    cs = jnp.cumsum(w, axis=1)
    st = jnp.transpose(state, (0, 2, 1))
    outs, outw = _resample_call(st, cs, weight, mask.astype(jnp.float32))
    return jnp.transpose(outs, (0, 2, 1)), outw

# --- scband reference (transcript-rebuilt; emitter-appended) ---
"""Pipeline reference for scband-conditional-resampler-8993661518578 (READ-ONLY COPY).

The authoritative reference and input builder live on the scoring server;
editing this copy changes nothing except your own understanding.
"""

import jax, jax.numpy as jnp
import numpy as np

B, N, D = 128, 8192, 64
ESS_FRAC = 0.5


def setup_inputs(seed: int = 0) -> dict:
    key = jax.random.key(seed)
    k1, k2 = jax.random.split(key)
    state = jax.random.normal(k1, (B, N, D), dtype=jnp.float32)
    # heterogeneous weight concentration per filter so the ESS condition
    # triggers for some rows and not others (like a real particle filter)
    z = jax.random.normal(k2, (B, N), dtype=jnp.float32)
    temp = jnp.linspace(0.25, 3.0, B, dtype=jnp.float32)[:, None]
    weight = jnp.exp(temp * z)
    return {"state": state, "weight": weight}


def _condition(state, weight):
    # ESS(w) < 0.5 * N  (per filter row), computed under no_grad in torch
    w = weight / jnp.sum(weight, axis=1, keepdims=True)
    ess = 1.0 / jnp.sum(w * w, axis=1)
    return ess < ESS_FRAC * weight.shape[1]


def _systematic_resample(state, weight):
    # systematic resampler applied independently per row
    w = weight / jnp.sum(weight, axis=1, keepdims=True)
    cs = jnp.cumsum(w, axis=1)
    n = weight.shape[1]
    pos = (jnp.arange(n, dtype=jnp.float32) + 0.5) / n
    idx = jax.vmap(lambda c: jnp.searchsorted(c, pos))(cs)
    idx = jnp.clip(idx, 0, n - 1)
    rs = jnp.take_along_axis(state, idx[:, :, None], axis=1)
    rw = jnp.full_like(weight, 1.0 / n)
    return rs, rw


def reference(state, weight):
    # torch code boolean-masks rows then scatters resampled rows back.
    # Equivalent static-shape formulation: resample every row, then select
    # per-row with the condition mask (rows are independent, so identical math).
    mask = jax.lax.stop_gradient(_condition(state, weight))
    rs, rw = _systematic_resample(state, weight)
    out_state = jnp.where(mask[:, None, None], rs, state)
    out_weight = jnp.where(mask[:, None], rw, weight)
    return (out_state, out_weight)

if __name__ == "__main__":
    import jax
    _d = setup_inputs()
    print(jax.jit(kernel)(*tuple(_d.values())))

</pallas_src>

<mosaic_0001>
#map = affine_map<(d0, d1) -> (0, 0, 0)>
#map1 = affine_map<(d0, d1) -> (0, 0)>
#map2 = affine_map<(d0, d1) -> (0)>
module attributes {stable_mosaic.version = 14 : i64} {
  func.func @k(%arg0: i32, %arg1: i32, %arg2: memref<128x64x8192xf32, #tpu.memory_space<hbm>>, %arg3: memref<128x8192xf32, #tpu.memory_space<hbm>>, %arg4: memref<128x8192xf32, #tpu.memory_space<hbm>>, %arg5: memref<128xf32, #tpu.memory_space<hbm>>, %arg6: memref<128x64x8192xf32, #tpu.memory_space<hbm>>, %arg7: memref<128x8192xf32, #tpu.memory_space<hbm>>, %arg8: memref<8192xf32, #tpu.memory_space<vmem>>, %arg9: memref<8192xf32, #tpu.memory_space<vmem>>, %arg10: memref<8192xf32, #tpu.memory_space<vmem>>, %arg11: memref<8192xf32, #tpu.memory_space<vmem>>, %arg12: memref<8192xi32, #tpu.memory_space<vmem>>, %arg13: memref<128xf32, #tpu.memory_space<vmem>>, %arg14: memref<512xf32, #tpu.memory_space<vmem>>, %arg15: memref<2x8192xf32, #tpu.memory_space<vmem>>, %arg16: memref<2x8192xf32, #tpu.memory_space<vmem>>, %arg17: memref<2x8192xf32, #tpu.memory_space<vmem>>, %arg18: memref<2x8192xf32, #tpu.memory_space<vmem>>, %arg19: memref<!tpu.dma_semaphore, #tpu.memory_space<semaphore_mem>>, %arg20: memref<!tpu.dma_semaphore, #tpu.memory_space<semaphore_mem>>, %arg21: memref<!tpu.dma_semaphore, #tpu.memory_space<semaphore_mem>>, %arg22: memref<!tpu.dma_semaphore, #tpu.memory_space<semaphore_mem>>) attributes {dimension_semantics = [#tpu.dimension_semantics<core_parallel>, #tpu.dimension_semantics<subcore_parallel>], iteration_bounds = array<i64: 2, 16>, scalar_prefetch = 0 : i64, scratch_operands = 15 : i64, tpu.core_type = #tpu.core_type<sc_vector_subcore>, window_params = [{transform_indices = #map}, {transform_indices = #map1}, {transform_indices = #map1}, {transform_indices = #map2}, {transform_indices = #map}, {transform_indices = #map1}]} {
    %mul3A = arith.constant 2 : i32
    %mul3A_0 = arith.muli %arg1, %mul3A : i32
    %add3A = arith.addi %mul3A_0, %arg0 : i32
    %iota3A = tpu.iota {dimensions = array<i32: 0>} : vector<16xi32>
    %broadcast_in_dim3A = arith.constant 0.000000e+00 : f32
    %broadcast_in_dim3A_1 = vector.broadcast %broadcast_in_dim3A : f32 to vector<16xf32>
    %broadcast_in_dim3A_2 = arith.constant 1.22070313E-4 : f32
    %broadcast_in_dim3A_3 = vector.broadcast %broadcast_in_dim3A_2 : f32 to vector<16xf32>
    "tpu.region"() ({
      %run_scoped3A = tpu.sem_alloc : memref<!tpu.dma_semaphore, #tpu.memory_space<semaphore_mem>>
      tpu.enqueue_dma source(%arg5 : memref<128xf32, #tpu.memory_space<hbm>>) target(%arg13 : memref<128xf32, #tpu.memory_space<vmem>>) target_semaphore(%run_scoped3A : memref<!tpu.dma_semaphore, #tpu.memory_space<semaphore_mem>>)
      tpu.wait_dma2 semaphore(%run_scoped3A : memref<!tpu.dma_semaphore, #tpu.memory_space<semaphore_mem>>) src(%arg5 : memref<128xf32, #tpu.memory_space<hbm>>) dst(%arg13 : memref<128xf32, #tpu.memory_space<vmem>>)
      tpu.yield
    }) : () -> ()
    %parallel_loop3A = arith.constant 0 : i32
    %parallel_loop3A_4 = arith.constant 8192 : i32
    %parallel_loop3A_5 = arith.constant 16 : i32
    scf.for %parallel_loop3A_259 = %parallel_loop3A to %parallel_loop3A_4 step %parallel_loop3A_5  : i32 {
      %parallel_loop3A_260 = arith.index_cast %parallel_loop3A_259 : i32 to index
      %parallel_loop3A_261 = tpu.vector_load %arg11[%parallel_loop3A_260] {strides = array<i32>} : memref<8192xf32, #tpu.memory_space<vmem>>, vector<16xf32>,
      tpu.vector_store %arg11[%parallel_loop3A_260], %broadcast_in_dim3A_1 {strides = array<i32>} : memref<8192xf32, #tpu.memory_space<vmem>>, vector<16xf32>,
      %parallel_loop3A_262 = arith.index_cast %parallel_loop3A_259 : i32 to index
      %parallel_loop3A_263 = tpu.vector_load %arg10[%parallel_loop3A_262] {strides = array<i32>} : memref<8192xf32, #tpu.memory_space<vmem>>, vector<16xf32>,
      tpu.vector_store %arg10[%parallel_loop3A_262], %broadcast_in_dim3A_3 {strides = array<i32>} : memref<8192xf32, #tpu.memory_space<vmem>>, vector<16xf32>,
    } {sc.loop_unroll_factor = 4 : i64, sc.parallel_access}
    %add3A_6 = arith.constant 0 : i32
    %add3A_7 = arith.addi %add3A, %add3A_6 : i32
    %mul3A_8 = arith.constant 8192 : i32
    %mul3A_9 = arith.muli %add3A_7, %mul3A_8 : i32
    %jit3A = arith.constant 16 : i32
    %div3A = arith.divsi %add3A_7, %jit3A : i32
    %sign3A = arith.constant 0 : i32
    %sign3A_10 = arith.cmpi sgt, %add3A_7, %sign3A : i32
    %sign3A_11 = arith.extui %sign3A_10 : i1 to i32
    %sign3A_12 = arith.constant 0 : i32
    %sign3A_13 = arith.cmpi slt, %add3A_7, %sign3A_12 : i32
    %sign3A_14 = arith.extui %sign3A_13 : i1 to i32
    %sign3A_15 = arith.subi %sign3A_11, %sign3A_14 : i32
    %sign3A_16 = arith.constant 0 : i32
    %sign3A_17 = arith.cmpi sgt, %jit3A, %sign3A_16 : i32
    %sign3A_18 = arith.extui %sign3A_17 : i1 to i32
    %sign3A_19 = arith.constant 0 : i32
    %sign3A_20 = arith.cmpi slt, %jit3A, %sign3A_19 : i32
    %sign3A_21 = arith.extui %sign3A_20 : i1 to i32
    %sign3A_22 = arith.subi %sign3A_18, %sign3A_21 : i32
    %ne3A = arith.cmpi ne, %sign3A_15, %sign3A_22 : i32
    %rem3A = arith.remsi %add3A_7, %jit3A : i32
    %ne3A_23 = arith.constant 0 : i32
    %ne3A_24 = arith.cmpi ne, %rem3A, %ne3A_23 : i32
    %and3A = arith.andi %ne3A, %ne3A_24 : i1
    %sub3A = arith.constant 1 : i32
    %sub3A_25 = arith.subi %div3A, %sub3A : i32
    %select_n3A = arith.select %and3A, %sub3A_25, %div3A : i32
    %mul3A_26 = arith.constant 16 : i32
    %mul3A_27 = arith.muli %select_n3A, %mul3A_26 : i32
    %get3A = arith.index_cast %mul3A_27 : i32 to index
    %get3A_28 = tpu.vector_load %arg13[%get3A] {strides = array<i32>} : memref<128xf32, #tpu.memory_space<vmem>>, vector<16xf32>,
    %jit3A_29 = arith.constant 16 : i32
    %eq3A = arith.constant 0 : i32
    %eq3A_30 = arith.cmpi eq, %jit3A_29, %eq3A : i32
    %jit3A_31 = arith.constant 1 : i32
    %select_n3A_32 = arith.select %eq3A_30, %jit3A_31, %jit3A_29 : i32
    %rem3A_33 = arith.remsi %add3A_7, %select_n3A_32 : i32
    %ne3A_34 = arith.constant 0 : i32
    %ne3A_35 = arith.cmpi ne, %rem3A_33, %ne3A_34 : i32
    %lt3A = arith.constant 0 : i32
    %lt3A_36 = arith.cmpi slt, %rem3A_33, %lt3A : i32
    %lt3A_37 = arith.constant 0 : i32
    %lt3A_38 = arith.cmpi slt, %select_n3A_32, %lt3A_37 : i32
    %ne3A_39 = arith.xori %lt3A_36, %lt3A_38 : i1
    %and3A_40 = arith.andi %ne3A_39, %ne3A_35 : i1
    %add3A_41 = arith.addi %rem3A_33, %select_n3A_32 : i32
    %select_n3A_42 = arith.select %and3A_40, %add3A_41, %rem3A_33 : i32
    %eq3A_43 = vector.broadcast %select_n3A_42 : i32 to vector<16xi32>
    %eq3A_44 = arith.cmpi eq, %iota3A, %eq3A_43 : vector<16xi32>
    %jit3A_45 = arith.constant 0.000000e+00 : f32
    %broadcast_in_dim3A_46 = vector.broadcast %jit3A_45 : f32 to vector<16xf32>
    %select_n3A_47 = arith.select %eq3A_44, %get3A_28, %broadcast_in_dim3A_46 : vector<16xi1>, vector<16xf32>
    %reduce_max3A = arith.constant true
    %reduce_max3A_48 = vector.broadcast %reduce_max3A : i1 to vector<16xi1>
    %reduce_max3A_49 = tpu.scan <max>, %select_n3A_47 masked %reduce_max3A_48 : vector<16xf32>, vector<16xi1> -> vector<16xf32>
    %reduce_max3A_50 = vector.extract %reduce_max3A_49[15] : f32 from vector<16xf32>
    %ne3A_51 = arith.constant 0.000000e+00 : f32
    %ne3A_52 = arith.cmpf one, %reduce_max3A_50, %ne3A_51 : f32
    %convert_element_type3A = arith.extui %ne3A_52 : i1 to i32
    %cond3A = arith.constant 0 : i32
    %cond3A_53 = arith.cmpi ne, %convert_element_type3A, %cond3A : i32
    scf.if %cond3A_53 {
      "tpu.region"() ({
        %run_scoped3A = tpu.sem_alloc : memref<!tpu.dma_semaphore, #tpu.memory_space<semaphore_mem>>
        %dma_start3A_313 = arith.constant 0 : i32
        %dma_start3A_314 = tpu.memref_slice %arg3[%add3A_7, %dma_start3A_313] : memref<128x8192xf32, #tpu.memory_space<hbm>> -> memref<1x8192xf32, #tpu.memory_space<hbm>>
        %dma_start3A_315 = tpu.memref_squeeze %dma_start3A_314 : memref<1x8192xf32, #tpu.memory_space<hbm>> -> memref<8192xf32, #tpu.memory_space<hbm>>
        %dma_start3A_316 = arith.constant 0 : i32
        %dma_start3A_317 = tpu.memref_slice %arg3[%add3A_7, %dma_start3A_316] : memref<128x8192xf32, #tpu.memory_space<hbm>> -> memref<1x8192xf32, #tpu.memory_space<hbm>>
        %dma_start3A_318 = tpu.memref_squeeze %dma_start3A_317 : memref<1x8192xf32, #tpu.memory_space<hbm>> -> memref<8192xf32, #tpu.memory_space<hbm>>
        tpu.enqueue_dma source(%dma_start3A_318 : memref<8192xf32, #tpu.memory_space<hbm>>) target(%arg8 : memref<8192xf32, #tpu.memory_space<vmem>>) target_semaphore(%run_scoped3A : memref<!tpu.dma_semaphore, #tpu.memory_space<semaphore_mem>>)
        %dma_wait3A_319 = arith.constant 0 : i32
        %dma_wait3A_320 = tpu.memref_slice %arg3[%add3A_7, %dma_wait3A_319] : memref<128x8192xf32, #tpu.memory_space<hbm>> -> memref<1x8192xf32, #tpu.memory_space<hbm>>
        %dma_wait3A_321 = tpu.memref_squeeze %dma_wait3A_320 : memref<1x8192xf32, #tpu.memory_space<hbm>> -> memref<8192xf32, #tpu.memory_space<hbm>>
        %dma_wait3A_322 = arith.constant 0 : i32
        %dma_wait3A_323 = tpu.memref_slice %arg3[%add3A_7, %dma_wait3A_322] : memref<128x8192xf32, #tpu.memory_space<hbm>> -> memref<1x8192xf32, #tpu.memory_space<hbm>>
        %dma_wait3A_324 = tpu.memref_squeeze %dma_wait3A_323 : memref<1x8192xf32, #tpu.memory_space<hbm>> -> memref<8192xf32, #tpu.memory_space<hbm>>
        tpu.wait_dma2 semaphore(%run_scoped3A : memref<!tpu.dma_semaphore, #tpu.memory_space<semaphore_mem>>) src(%dma_wait3A_324 : memref<8192xf32, #tpu.memory_space<hbm>>) dst(%arg8 : memref<8192xf32, #tpu.memory_space<vmem>>)
        tpu.yield
      }) : () -> ()
      "tpu.region"() ({
        %run_scoped3A = tpu.sem_alloc : memref<!tpu.dma_semaphore, #tpu.memory_space<semaphore_mem>>
        %dma_start3A_313 = arith.constant 0 : i32
        %dma_start3A_314 = tpu.memref_slice %arg7[%add3A_7, %dma_start3A_313] : memref<128x8192xf32, #tpu.memory_space<hbm>> -> memref<1x8192xf32, #tpu.memory_space<hbm>>
        %dma_start3A_315 = tpu.memref_squeeze %dma_start3A_314 : memref<1x8192xf32, #tpu.memory_space<hbm>> -> memref<8192xf32, #tpu.memory_space<hbm>>
        %dma_start3A_316 = arith.constant 0 : i32
        %dma_start3A_317 = tpu.memref_slice %arg7[%add3A_7, %dma_start3A_316] : memref<128x8192xf32, #tpu.memory_space<hbm>> -> memref<1x8192xf32, #tpu.memory_space<hbm>>
        %dma_start3A_318 = tpu.memref_squeeze %dma_start3A_317 : memref<1x8192xf32, #tpu.memory_space<hbm>> -> memref<8192xf32, #tpu.memory_space<hbm>>
        tpu.enqueue_dma source(%arg10 : memref<8192xf32, #tpu.memory_space<vmem>>) target(%dma_start3A_318 : memref<8192xf32, #tpu.memory_space<hbm>>) target_semaphore(%run_scoped3A : memref<!tpu.dma_semaphore, #tpu.memory_space<semaphore_mem>>)
        %dma_wait3A_319 = arith.constant 0 : i32
        %dma_wait3A_320 = tpu.memref_slice %arg7[%add3A_7, %dma_wait3A_319] : memref<128x8192xf32, #tpu.memory_space<hbm>> -> memref<1x8192xf32, #tpu.memory_space<hbm>>
        %dma_wait3A_321 = tpu.memref_squeeze %dma_wait3A_320 : memref<1x8192xf32, #tpu.memory_space<hbm>> -> memref<8192xf32, #tpu.memory_space<hbm>>
        %dma_wait3A_322 = arith.constant 0 : i32
        %dma_wait3A_323 = tpu.memref_slice %arg7[%add3A_7, %dma_wait3A_322] : memref<128x8192xf32, #tpu.memory_space<hbm>> -> memref<1x8192xf32, #tpu.memory_space<hbm>>
        %dma_wait3A_324 = tpu.memref_squeeze %dma_wait3A_323 : memref<1x8192xf32, #tpu.memory_space<hbm>> -> memref<8192xf32, #tpu.memory_space<hbm>>
        tpu.wait_dma2 semaphore(%run_scoped3A : memref<!tpu.dma_semaphore, #tpu.memory_space<semaphore_mem>>) src(%arg10 : memref<8192xf32, #tpu.memory_space<vmem>>) dst(%dma_wait3A_324 : memref<8192xf32, #tpu.memory_space<hbm>>)
        tpu.yield
      }) : () -> ()
      %parallel_loop3A_259 = arith.constant 0 : i32
      %parallel_loop3A_260 = arith.constant 8192 : i32
      %parallel_loop3A_261 = arith.constant 16 : i32
      scf.for %parallel_loop3A_313 = %parallel_loop3A_259 to %parallel_loop3A_260 step %parallel_loop3A_261  : i32 {
        %parallel_loop3A_314 = vector.broadcast %parallel_loop3A_313 : i32 to vector<16xi32>
        %parallel_loop3A_315 = arith.addi %parallel_loop3A_314, %iota3A : vector<16xi32>
        %parallel_loop3A_316 = arith.index_cast %parallel_loop3A_313 : i32 to index
        %parallel_loop3A_317 = tpu.vector_load %arg8[%parallel_loop3A_316] {strides = array<i32>} : memref<8192xf32, #tpu.memory_space<vmem>>, vector<16xf32>,
        %parallel_loop3A_318 = arith.constant 1 : i32
        %parallel_loop3A_319 = vector.broadcast %parallel_loop3A_318 : i32 to vector<16xi32>
        %parallel_loop3A_320 = arith.subi %parallel_loop3A_315, %parallel_loop3A_319 : vector<16xi32>
        %parallel_loop3A_321 = arith.constant 0 : i32
        %parallel_loop3A_322 = vector.broadcast %parallel_loop3A_321 : i32 to vector<16xi32>
        %parallel_loop3A_323 = arith.maxsi %parallel_loop3A_320, %parallel_loop3A_322 : vector<16xi32>
        %parallel_loop3A_324 = tpu.vector_load_idx %arg8[%parallel_loop3A_323] : memref<8192xf32, #tpu.memory_space<vmem>>[vector<16xi32>], vector<16xf32>,
        %parallel_loop3A_325 = arith.constant 8.192000e+03 : f32
        %parallel_loop3A_326 = vector.broadcast %parallel_loop3A_325 : f32 to vector<16xf32>
        %parallel_loop3A_327 = arith.mulf %parallel_loop3A_317, %parallel_loop3A_326 : vector<16xf32>
        %parallel_loop3A_328 = arith.constant 5.000000e-01 : f32
        %parallel_loop3A_329 = vector.broadcast %parallel_loop3A_328 : f32 to vector<16xf32>
        %parallel_loop3A_330 = arith.subf %parallel_loop3A_327, %parallel_loop3A_329 : vector<16xf32>
        %parallel_loop3A_331 = arith.fptosi %parallel_loop3A_330 : vector<16xf32> to vector<16xi32>
        %parallel_loop3A_332 = arith.constant 1 : i32
        %parallel_loop3A_333 = vector.broadcast %parallel_loop3A_332 : i32 to vector<16xi32>
        %parallel_loop3A_334 = arith.addi %parallel_loop3A_331, %parallel_loop3A_333 : vector<16xi32>
        %parallel_loop3A_335 = arith.constant 0.000000e+00 : f32
        %parallel_loop3A_336 = vector.broadcast %parallel_loop3A_335 : f32 to vector<16xf32>
        %parallel_loop3A_337 = arith.cmpf olt, %parallel_loop3A_330, %parallel_loop3A_336 : vector<16xf32>
        %parallel_loop3A_338 = arith.constant 0 : i32
        %parallel_loop3A_339 = vector.broadcast %parallel_loop3A_338 : i32 to vector<16xi32>
        %parallel_loop3A_340 = arith.select %parallel_loop3A_337, %parallel_loop3A_339, %parallel_loop3A_334 : vector<16xi1>, vector<16xi32>
        %parallel_loop3A_341 = arith.constant 8192 : i32
        %parallel_loop3A_342 = vector.broadcast %parallel_loop3A_341 : i32 to vector<16xi32>
        %parallel_loop3A_343 = arith.minsi %parallel_loop3A_340, %parallel_loop3A_342 : vector<16xi32>
        %parallel_loop3A_344 = arith.constant 8191 : i32
        %parallel_loop3A_345 = vector.broadcast %parallel_loop3A_344 : i32 to vector<16xi32>
        %parallel_loop3A_346 = arith.cmpi eq, %parallel_loop3A_315, %parallel_loop3A_345 : vector<16xi32>
        %parallel_loop3A_347 = arith.constant 8192 : i32
        %parallel_loop3A_348 = vector.broadcast %parallel_loop3A_347 : i32 to vector<16xi32>
        %parallel_loop3A_349 = arith.select %parallel_loop3A_346, %parallel_loop3A_348, %parallel_loop3A_343 : vector<16xi1>, vector<16xi32>
        %parallel_loop3A_350 = arith.constant 8.192000e+03 : f32
        %parallel_loop3A_351 = vector.broadcast %parallel_loop3A_350 : f32 to vector<16xf32>
        %parallel_loop3A_352 = arith.mulf %parallel_loop3A_324, %parallel_loop3A_351 : vector<16xf32>
        %parallel_loop3A_353 = arith.constant 5.000000e-01 : f32
        %parallel_loop3A_354 = vector.broadcast %parallel_loop3A_353 : f32 to vector<16xf32>
        %parallel_loop3A_355 = arith.subf %parallel_loop3A_352, %parallel_loop3A_354 : vector<16xf32>
        %parallel_loop3A_356 = arith.fptosi %parallel_loop3A_355 : vector<16xf32> to vector<16xi32>
        %parallel_loop3A_357 = arith.constant 1 : i32
        %parallel_loop3A_358 = vector.broadcast %parallel_loop3A_357 : i32 to vector<16xi32>
        %parallel_loop3A_359 = arith.addi %parallel_loop3A_356, %parallel_loop3A_358 : vector<16xi32>
        %parallel_loop3A_360 = arith.constant 0.000000e+00 : f32
        %parallel_loop3A_361 = vector.broadcast %parallel_loop3A_360 : f32 to vector<16xf32>
        %parallel_loop3A_362 = arith.cmpf olt, %parallel_loop3A_355, %parallel_loop3A_361 : vector<16xf32>
        %parallel_loop3A_363 = arith.constant 0 : i32
        %parallel_loop3A_364 = vector.broadcast %parallel_loop3A_363 : i32 to vector<16xi32>
        %parallel_loop3A_365 = arith.select %parallel_loop3A_362, %parallel_loop3A_364, %parallel_loop3A_359 : vector<16xi1>, vector<16xi32>
        %parallel_loop3A_366 = arith.constant 8192 : i32
        %parallel_loop3A_367 = vector.broadcast %parallel_loop3A_366 : i32 to vector<16xi32>
        %parallel_loop3A_368 = arith.minsi %parallel_loop3A_365, %parallel_loop3A_367 : vector<16xi32>
        %parallel_loop3A_369 = arith.constant 0 : i32
        %parallel_loop3A_370 = vector.broadcast %parallel_loop3A_369 : i32 to vector<16xi32>
        %parallel_loop3A_371 = arith.cmpi eq, %parallel_loop3A_315, %parallel_loop3A_370 : vector<16xi32>
        %parallel_loop3A_372 = arith.constant 0 : i32
        %parallel_loop3A_373 = vector.broadcast %parallel_loop3A_372 : i32 to vector<16xi32>
        %parallel_loop3A_374 = arith.select %parallel_loop3A_371, %parallel_loop3A_373, %parallel_loop3A_368 : vector<16xi1>, vector<16xi32>
        %parallel_loop3A_375 = arith.cmpi sgt, %parallel_loop3A_349, %parallel_loop3A_374 : vector<16xi32>
        %parallel_loop3A_376 = arith.constant 8191 : i32
        %parallel_loop3A_377 = vector.broadcast %parallel_loop3A_376 : i32 to vector<16xi32>
        %parallel_loop3A_378 = arith.minsi %parallel_loop3A_374, %parallel_loop3A_377 : vector<16xi32>
        %parallel_loop3A_379 = vector.broadcast %mul3A_9 : i32 to vector<16xi32>
        %parallel_loop3A_380 = arith.addi %parallel_loop3A_379, %parallel_loop3A_315 : vector<16xi32>
        %parallel_loop3A_381 = arith.sitofp %parallel_loop3A_380 : vector<16xi32> to vector<16xf32>
        tpu.vector_store_idx %arg11[%parallel_loop3A_378], %parallel_loop3A_381 masked %parallel_loop3A_375 : memref<8192xf32, #tpu.memory_space<vmem>>[vector<16xi32>], vector<16xf32>, vector<16xi1>
      } {sc.loop_unroll_factor = 4 : i64, sc.parallel_access}
      %convert_element_type3A_262 = arith.sitofp %mul3A_9 : i32 to f32
      %add3A_263 = vector.broadcast %convert_element_type3A_262 : f32 to vector<16xf32>
      %add3A_264 = arith.addf %broadcast_in_dim3A_1, %add3A_263 : vector<16xf32>
      %parallel_loop3A_265 = arith.constant 0 : i32
      %parallel_loop3A_266 = arith.constant 8192 : i32
      %parallel_loop3A_267 = arith.constant 16 : i32
      scf.for %parallel_loop3A_313 = %parallel_loop3A_265 to %parallel_loop3A_266 step %parallel_loop3A_267  : i32 {
        %parallel_loop3A_314 = arith.constant 0 : i32
        %parallel_loop3A_315 = vector.broadcast %parallel_loop3A_314 : i32 to vector<16xi32>
        %parallel_loop3A_316 = arith.muli %iota3A, %parallel_loop3A_315 : vector<16xi32>
        %parallel_loop3A_317 = arith.constant 16 : i32
        %parallel_loop3A_318 = arith.divsi %parallel_loop3A_313, %parallel_loop3A_317 : i32
        %parallel_loop3A_319 = arith.constant 0 : i32
        %parallel_loop3A_320 = arith.cmpi sgt, %parallel_loop3A_313, %parallel_loop3A_319 : i32
        %parallel_loop3A_321 = arith.extui %parallel_loop3A_320 : i1 to i32
        %parallel_loop3A_322 = arith.constant 0 : i32
        %parallel_loop3A_323 = arith.cmpi slt, %parallel_loop3A_313, %parallel_loop3A_322 : i32
        %parallel_loop3A_324 = arith.extui %parallel_loop3A_323 : i1 to i32
        %parallel_loop3A_325 = arith.subi %parallel_loop3A_321, %parallel_loop3A_324 : i32
        %parallel_loop3A_326 = arith.constant 0 : i32
        %parallel_loop3A_327 = arith.cmpi sgt, %parallel_loop3A_317, %parallel_loop3A_326 : i32
        %parallel_loop3A_328 = arith.extui %parallel_loop3A_327 : i1 to i32
        %parallel_loop3A_329 = arith.constant 0 : i32
        %parallel_loop3A_330 = arith.cmpi slt, %parallel_loop3A_317, %parallel_loop3A_329 : i32
        %parallel_loop3A_331 = arith.extui %parallel_loop3A_330 : i1 to i32
        %parallel_loop3A_332 = arith.subi %parallel_loop3A_328, %parallel_loop3A_331 : i32
        %parallel_loop3A_333 = arith.cmpi ne, %parallel_loop3A_325, %parallel_loop3A_332 : i32
        %parallel_loop3A_334 = arith.remsi %parallel_loop3A_313, %parallel_loop3A_317 : i32
        %parallel_loop3A_335 = arith.constant 0 : i32
        %parallel_loop3A_336 = arith.cmpi ne, %parallel_loop3A_334, %parallel_loop3A_335 : i32
        %parallel_loop3A_337 = arith.andi %parallel_loop3A_333, %parallel_loop3A_336 : i1
        %parallel_loop3A_338 = arith.constant 1 : i32
        %parallel_loop3A_339 = arith.subi %parallel_loop3A_318, %parallel_loop3A_338 : i32
        %parallel_loop3A_340 = arith.select %parallel_loop3A_337, %parallel_loop3A_339, %parallel_loop3A_318 : i32
        %parallel_loop3A_341 = vector.broadcast %parallel_loop3A_340 : i32 to vector<16xi32>
        %parallel_loop3A_342 = arith.addi %parallel_loop3A_316, %parallel_loop3A_341 : vector<16xi32>
        %parallel_loop3A_343 = arith.index_cast %parallel_loop3A_313 : i32 to index
        %parallel_loop3A_344 = tpu.vector_load %arg11[%parallel_loop3A_343] {strides = array<i32>} : memref<8192xf32, #tpu.memory_space<vmem>>, vector<16xf32>,
        %parallel_loop3A_345 = arith.constant true
        %parallel_loop3A_346 = vector.broadcast %parallel_loop3A_345 : i1 to vector<16xi1>
        %parallel_loop3A_347 = tpu.scan <max>, %parallel_loop3A_344 masked %parallel_loop3A_346 : vector<16xf32>, vector<16xi1> -> vector<16xf32>
        %parallel_loop3A_348 = arith.index_cast %parallel_loop3A_313 : i32 to index
        %parallel_loop3A_349 = tpu.vector_load %arg9[%parallel_loop3A_348] {strides = array<i32>} : memref<8192xf32, #tpu.memory_space<vmem>>, vector<16xf32>,
        tpu.vector_store %arg9[%parallel_loop3A_348], %parallel_loop3A_347 {strides = array<i32>} : memref<8192xf32, #tpu.memory_space<vmem>>, vector<16xf32>,
        %parallel_loop3A_350 = arith.constant true
        %parallel_loop3A_351 = vector.broadcast %parallel_loop3A_350 : i1 to vector<16xi1>
        %parallel_loop3A_352 = tpu.scan <max>, %parallel_loop3A_347 masked %parallel_loop3A_351 : vector<16xf32>, vector<16xi1> -> vector<16xf32>
        %parallel_loop3A_353 = vector.extract %parallel_loop3A_352[15] : f32 from vector<16xf32>
        %parallel_loop3A_354 = vector.broadcast %parallel_loop3A_353 : f32 to vector<16xf32>
        %parallel_loop3A_355 = arith.addf %broadcast_in_dim3A_1, %parallel_loop3A_354 : vector<16xf32>
        %parallel_loop3A_356 = arith.constant 0 : i32
        %parallel_loop3A_357 = vector.broadcast %parallel_loop3A_356 : i32 to vector<16xi32>
        %parallel_loop3A_358 = arith.cmpi eq, %iota3A, %parallel_loop3A_357 : vector<16xi32>
        tpu.vector_store_idx %arg14[%parallel_loop3A_342], %parallel_loop3A_355 masked %parallel_loop3A_358 : memref<512xf32, #tpu.memory_space<vmem>>[vector<16xi32>], vector<16xf32>, vector<16xi1>
      } {sc.loop_unroll_factor = 4 : i64, sc.parallel_access}
      %convert_element_type3A_268 = arith.sitofp %mul3A_9 : i32 to f32
      %scan3A = arith.constant 0 : i32
      %scan3A_269 = arith.constant 32 : i32
      %scan3A_270 = arith.addi %scan3A, %scan3A_269 : i32
      %scan3A_271 = arith.constant 1 : i32
      %scan3A_272 = scf.for %scan3A_313 = %scan3A to %scan3A_270 step %scan3A_271 iter_args(%scan3A_314 = %convert_element_type3A_268) -> (f32)  : i32 {
        %mul3A_315 = arith.constant 16 : i32
        %mul3A_316 = arith.muli %scan3A_313, %mul3A_315 : i32
        %get3A_317 = arith.index_cast %mul3A_316 : i32 to index
        %get3A_318 = tpu.vector_load %arg14[%get3A_317] {strides = array<i32>} : memref<512xf32, #tpu.memory_space<vmem>>, vector<16xf32>,
        %broadcast_in_dim3A_319 = arith.constant true
        %broadcast_in_dim3A_320 = vector.broadcast %broadcast_in_dim3A_319 : i1 to vector<16xi1>
        %masked_cummax3A = tpu.scan <max>, %get3A_318 masked %broadcast_in_dim3A_320 : vector<16xf32>, vector<16xi1> -> vector<16xf32>
        %max3A = vector.broadcast %scan3A_314 : f32 to vector<16xf32>
        %max3A_321 = arith.maximumf %masked_cummax3A, %max3A : vector<16xf32>
        %swap3A = arith.index_cast %mul3A_316 : i32 to index
        %swap3A_322 = tpu.vector_load %arg14[%swap3A] {strides = array<i32>} : memref<512xf32, #tpu.memory_space<vmem>>, vector<16xf32>,
        tpu.vector_store %arg14[%swap3A], %max3A_321 {strides = array<i32>} : memref<512xf32, #tpu.memory_space<vmem>>, vector<16xf32>,
        %reduce_max3A_323 = arith.constant true
        %reduce_max3A_324 = vector.broadcast %reduce_max3A_323 : i1 to vector<16xi1>
        %reduce_max3A_325 = tpu.scan <max>, %max3A_321 masked %reduce_max3A_324 : vector<16xf32>, vector<16xi1> -> vector<16xf32>
        %reduce_max3A_326 = vector.extract %reduce_max3A_325[15] : f32 from vector<16xf32>
        scf.yield %reduce_max3A_326 : f32
      }
      %scan3A_273 = arith.constant 32 : i32
      %parallel_loop3A_274 = arith.constant 0 : i32
      %parallel_loop3A_275 = arith.constant 8192 : i32
      %parallel_loop3A_276 = arith.constant 16 : i32
      scf.for %parallel_loop3A_313 = %parallel_loop3A_274 to %parallel_loop3A_275 step %parallel_loop3A_276  : i32 {
        %parallel_loop3A_314 = arith.constant 0 : i32
        %parallel_loop3A_315 = vector.broadcast %parallel_loop3A_314 : i32 to vector<16xi32>
        %parallel_loop3A_316 = arith.muli %iota3A, %parallel_loop3A_315 : vector<16xi32>
        %parallel_loop3A_317 = arith.constant 16 : i32
        %parallel_loop3A_318 = arith.divsi %parallel_loop3A_313, %parallel_loop3A_317 : i32
        %parallel_loop3A_319 = arith.constant 0 : i32
        %parallel_loop3A_320 = arith.cmpi sgt, %parallel_loop3A_313, %parallel_loop3A_319 : i32
        %parallel_loop3A_321 = arith.extui %parallel_loop3A_320 : i1 to i32
        %parallel_loop3A_322 = arith.constant 0 : i32
        %parallel_loop3A_323 = arith.cmpi slt, %parallel_loop3A_313, %parallel_loop3A_322 : i32
        %parallel_loop3A_324 = arith.extui %parallel_loop3A_323 : i1 to i32
        %parallel_loop3A_325 = arith.subi %parallel_loop3A_321, %parallel_loop3A_324 : i32
        %parallel_loop3A_326 = arith.constant 0 : i32
        %parallel_loop3A_327 = arith.cmpi sgt, %parallel_loop3A_317, %parallel_loop3A_326 : i32
        %parallel_loop3A_328 = arith.extui %parallel_loop3A_327 : i1 to i32
        %parallel_loop3A_329 = arith.constant 0 : i32
        %parallel_loop3A_330 = arith.cmpi slt, %parallel_loop3A_317, %parallel_loop3A_329 : i32
        %parallel_loop3A_331 = arith.extui %parallel_loop3A_330 : i1 to i32
        %parallel_loop3A_332 = arith.subi %parallel_loop3A_328, %parallel_loop3A_331 : i32
        %parallel_loop3A_333 = arith.cmpi ne, %parallel_loop3A_325, %parallel_loop3A_332 : i32
        %parallel_loop3A_334 = arith.remsi %parallel_loop3A_313, %parallel_loop3A_317 : i32
        %parallel_loop3A_335 = arith.constant 0 : i32
        %parallel_loop3A_336 = arith.cmpi ne, %parallel_loop3A_334, %parallel_loop3A_335 : i32
        %parallel_loop3A_337 = arith.andi %parallel_loop3A_333, %parallel_loop3A_336 : i1
        %parallel_loop3A_338 = arith.constant 1 : i32
        %parallel_loop3A_339 = arith.subi %parallel_loop3A_318, %parallel_loop3A_338 : i32
        %parallel_loop3A_340 = arith.select %parallel_loop3A_337, %parallel_loop3A_339, %parallel_loop3A_318 : i32
        %parallel_loop3A_341 = vector.broadcast %parallel_loop3A_340 : i32 to vector<16xi32>
        %parallel_loop3A_342 = arith.addi %parallel_loop3A_316, %parallel_loop3A_341 : vector<16xi32>
        %parallel_loop3A_343 = arith.index_cast %parallel_loop3A_313 : i32 to index
        %parallel_loop3A_344 = tpu.vector_load %arg9[%parallel_loop3A_343] {strides = array<i32>} : memref<8192xf32, #tpu.memory_space<vmem>>, vector<16xf32>,
        %parallel_loop3A_345 = arith.constant 1 : i32
        %parallel_loop3A_346 = vector.broadcast %parallel_loop3A_345 : i32 to vector<16xi32>
        %parallel_loop3A_347 = arith.subi %parallel_loop3A_342, %parallel_loop3A_346 : vector<16xi32>
        %parallel_loop3A_348 = arith.constant 0 : i32
        %parallel_loop3A_349 = vector.broadcast %parallel_loop3A_348 : i32 to vector<16xi32>
        %parallel_loop3A_350 = arith.maxsi %parallel_loop3A_347, %parallel_loop3A_349 : vector<16xi32>
        %parallel_loop3A_351 = tpu.vector_load_idx %arg14[%parallel_loop3A_350] : memref<512xf32, #tpu.memory_space<vmem>>[vector<16xi32>], vector<16xf32>,
        %parallel_loop3A_352 = arith.constant 0 : i32
        %parallel_loop3A_353 = vector.broadcast %parallel_loop3A_352 : i32 to vector<16xi32>
        %parallel_loop3A_354 = arith.cmpi eq, %parallel_loop3A_342, %parallel_loop3A_353 : vector<16xi32>
        %parallel_loop3A_355 = arith.select %parallel_loop3A_354, %add3A_264, %parallel_loop3A_351 : vector<16xi1>, vector<16xf32>
        %parallel_loop3A_356 = arith.maximumf %parallel_loop3A_344, %parallel_loop3A_355 : vector<16xf32>
        %parallel_loop3A_357 = arith.fptosi %parallel_loop3A_356 : vector<16xf32> to vector<16xi32>
        %parallel_loop3A_358 = vector.broadcast %mul3A_9 : i32 to vector<16xi32>
        %parallel_loop3A_359 = arith.subi %parallel_loop3A_357, %parallel_loop3A_358 : vector<16xi32>
        %parallel_loop3A_360 = arith.index_cast %parallel_loop3A_313 : i32 to index
        %parallel_loop3A_361 = tpu.vector_load %arg12[%parallel_loop3A_360] {strides = array<i32>} : memref<8192xi32, #tpu.memory_space<vmem>>, vector<16xi32>,
        tpu.vector_store %arg12[%parallel_loop3A_360], %parallel_loop3A_359 {strides = array<i32>} : memref<8192xi32, #tpu.memory_space<vmem>>, vector<16xi32>,
      } {sc.loop_unroll_factor = 4 : i64, sc.parallel_access}
      %dma_start3A = arith.constant 0 : i32
      %dma_start3A_277 = arith.constant 0 : i32
      %dma_start3A_278 = tpu.memref_slice %arg2[%add3A_7, %dma_start3A, %dma_start3A_277] : memref<128x64x8192xf32, #tpu.memory_space<hbm>> -> memref<1x2x8192xf32, #tpu.memory_space<hbm>>
      %dma_start3A_279 = tpu.memref_squeeze %dma_start3A_278 : memref<1x2x8192xf32, #tpu.memory_space<hbm>> -> memref<2x8192xf32, #tpu.memory_space<hbm>>
      %dma_start3A_280 = arith.constant 0 : i32
      %dma_start3A_281 = arith.constant 0 : i32
      %dma_start3A_282 = tpu.memref_slice %arg2[%add3A_7, %dma_start3A_280, %dma_start3A_281] : memref<128x64x8192xf32, #tpu.memory_space<hbm>> -> memref<1x2x8192xf32, #tpu.memory_space<hbm>>
      %dma_start3A_283 = tpu.memref_squeeze %dma_start3A_282 : memref<1x2x8192xf32, #tpu.memory_space<hbm>> -> memref<2x8192xf32, #tpu.memory_space<hbm>>
      tpu.enqueue_dma source(%dma_start3A_283 : memref<2x8192xf32, #tpu.memory_space<hbm>>) target(%arg15 : memref<2x8192xf32, #tpu.memory_space<vmem>>) target_semaphore(%arg19 : memref<!tpu.dma_semaphore, #tpu.memory_space<semaphore_mem>>)
      %dma_start3A_284 = arith.constant 2 : i32
      %dma_start3A_285 = arith.constant 0 : i32
      %dma_start3A_286 = tpu.memref_slice %arg2[%add3A_7, %dma_start3A_284, %dma_start3A_285] : memref<128x64x8192xf32, #tpu.memory_space<hbm>> -> memref<1x2x8192xf32, #tpu.memory_space<hbm>>
      %dma_start3A_287 = tpu.memref_squeeze %dma_start3A_286 : memref<1x2x8192xf32, #tpu.memory_space<hbm>> -> memref<2x8192xf32, #tpu.memory_space<hbm>>
      %dma_start3A_288 = arith.constant 2 : i32
      %dma_start3A_289 = arith.constant 0 : i32
      %dma_start3A_290 = tpu.memref_slice %arg2[%add3A_7, %dma_start3A_288, %dma_start3A_289] : memref<128x64x8192xf32, #tpu.memory_space<hbm>> -> memref<1x2x8192xf32, #tpu.memory_space<hbm>>
      %dma_start3A_291 = tpu.memref_squeeze %dma_start3A_290 : memref<1x2x8192xf32, #tpu.memory_space<hbm>> -> memref<2x8192xf32, #tpu.memory_space<hbm>>
      tpu.enqueue_dma source(%dma_start3A_291 : memref<2x8192xf32, #tpu.memory_space<hbm>>) target(%arg16 : memref<2x8192xf32, #tpu.memory_space<vmem>>) target_semaphore(%arg20 : memref<!tpu.dma_semaphore, #tpu.memory_space<semaphore_mem>>)
      %scan3A_292 = arith.constant 0 : i32
      %scan3A_293 = arith.constant 0 : i32
      %scan3A_294 = arith.constant 16 : i32
      %scan3A_295 = arith.addi %scan3A_293, %scan3A_294 : i32
      %scan3A_296 = arith.constant 1 : i32
      scf.for %scan3A_313 = %scan3A_293 to %scan3A_295 step %scan3A_296  : i32 {
        %mul3A_314 = arith.constant 2 : i32
        %mul3A_315 = arith.muli %mul3A_314, %scan3A_313 : i32
        %mul3A_316 = arith.constant 2 : i32
        %mul3A_317 = arith.muli %mul3A_315, %mul3A_316 : i32
        %dma_wait3A_318 = arith.constant 0 : i32
        %dma_wait3A_319 = arith.constant 0 : i32
        %dma_wait3A_320 = tpu.memref_slice %arg2[%add3A_7, %dma_wait3A_318, %dma_wait3A_319] : memref<128x64x8192xf32, #tpu.memory_space<hbm>> -> memref<1x2x8192xf32, #tpu.memory_space<hbm>>
        %dma_wait3A_321 = tpu.memref_squeeze %dma_wait3A_320 : memref<1x2x8192xf32, #tpu.memory_space<hbm>> -> memref<2x8192xf32, #tpu.memory_space<hbm>>
        %dma_wait3A_322 = arith.constant 0 : i32
        %dma_wait3A_323 = arith.constant 0 : i32
        %dma_wait3A_324 = tpu.memref_slice %arg2[%add3A_7, %dma_wait3A_322, %dma_wait3A_323] : memref<128x64x8192xf32, #tpu.memory_space<hbm>> -> memref<1x2x8192xf32, #tpu.memory_space<hbm>>
        %dma_wait3A_325 = tpu.memref_squeeze %dma_wait3A_324 : memref<1x2x8192xf32, #tpu.memory_space<hbm>> -> memref<2x8192xf32, #tpu.memory_space<hbm>>
        tpu.wait_dma2 semaphore(%arg19 : memref<!tpu.dma_semaphore, #tpu.memory_space<semaphore_mem>>) src(%dma_wait3A_325 : memref<2x8192xf32, #tpu.memory_space<hbm>>) dst(%arg15 : memref<2x8192xf32, #tpu.memory_space<vmem>>)
        %dma_wait3A_326 = arith.constant 0 : i32
        %dma_wait3A_327 = arith.constant 0 : i32
        %dma_wait3A_328 = tpu.memref_slice %arg2[%add3A_7, %dma_wait3A_326, %dma_wait3A_327] : memref<128x64x8192xf32, #tpu.memory_space<hbm>> -> memref<1x2x8192xf32, #tpu.memory_space<hbm>>
        %dma_wait3A_329 = tpu.memref_squeeze %dma_wait3A_328 : memref<1x2x8192xf32, #tpu.memory_space<hbm>> -> memref<2x8192xf32, #tpu.memory_space<hbm>>
        %dma_wait3A_330 = arith.constant 0 : i32
        %dma_wait3A_331 = arith.constant 0 : i32
        %dma_wait3A_332 = tpu.memref_slice %arg2[%add3A_7, %dma_wait3A_330, %dma_wait3A_331] : memref<128x64x8192xf32, #tpu.memory_space<hbm>> -> memref<1x2x8192xf32, #tpu.memory_space<hbm>>
        %dma_wait3A_333 = tpu.memref_squeeze %dma_wait3A_332 : memref<1x2x8192xf32, #tpu.memory_space<hbm>> -> memref<2x8192xf32, #tpu.memory_space<hbm>>
        tpu.wait_dma2 semaphore(%arg20 : memref<!tpu.dma_semaphore, #tpu.memory_space<semaphore_mem>>) src(%dma_wait3A_333 : memref<2x8192xf32, #tpu.memory_space<hbm>>) dst(%arg16 : memref<2x8192xf32, #tpu.memory_space<vmem>>)
        %gt3A = arith.constant 0 : i32
        %gt3A_334 = arith.cmpi sgt, %scan3A_313, %gt3A : i32
        %convert_element_type3A_335 = arith.extui %gt3A_334 : i1 to i32
        %cond3A_336 = arith.constant 0 : i32
        %cond3A_337 = arith.cmpi ne, %convert_element_type3A_335, %cond3A_336 : i32
        scf.if %cond3A_337 {
          %dma_wait3A_360 = arith.constant 0 : i32
          %dma_wait3A_361 = arith.constant 0 : i32
          %dma_wait3A_362 = tpu.memref_slice %arg6[%add3A_7, %dma_wait3A_360, %dma_wait3A_361] : memref<128x64x8192xf32, #tpu.memory_space<hbm>> -> memref<1x2x8192xf32, #tpu.memory_space<hbm>>
          %dma_wait3A_363 = tpu.memref_squeeze %dma_wait3A_362 : memref<1x2x8192xf32, #tpu.memory_space<hbm>> -> memref<2x8192xf32, #tpu.memory_space<hbm>>
          %dma_wait3A_364 = arith.constant 0 : i32
          %dma_wait3A_365 = arith.constant 0 : i32
          %dma_wait3A_366 = tpu.memref_slice %arg6[%add3A_7, %dma_wait3A_364, %dma_wait3A_365] : memref<128x64x8192xf32, #tpu.memory_space<hbm>> -> memref<1x2x8192xf32, #tpu.memory_space<hbm>>
          %dma_wait3A_367 = tpu.memref_squeeze %dma_wait3A_366 : memref<1x2x8192xf32, #tpu.memory_space<hbm>> -> memref<2x8192xf32, #tpu.memory_space<hbm>>
          tpu.wait_dma2 semaphore(%arg21 : memref<!tpu.dma_semaphore, #tpu.memory_space<semaphore_mem>>) src(%arg17 : memref<2x8192xf32, #tpu.memory_space<vmem>>) dst(%dma_wait3A_367 : memref<2x8192xf32, #tpu.memory_space<hbm>>)
          %dma_wait3A_368 = arith.constant 0 : i32
          %dma_wait3A_369 = arith.constant 0 : i32
          %dma_wait3A_370 = tpu.memref_slice %arg6[%add3A_7, %dma_wait3A_368, %dma_wait3A_369] : memref<128x64x8192xf32, #tpu.memory_space<hbm>> -> memref<1x2x8192xf32, #tpu.memory_space<hbm>>
          %dma_wait3A_371 = tpu.memref_squeeze %dma_wait3A_370 : memref<1x2x8192xf32, #tpu.memory_space<hbm>> -> memref<2x8192xf32, #tpu.memory_space<hbm>>
          %dma_wait3A_372 = arith.constant 0 : i32
          %dma_wait3A_373 = arith.constant 0 : i32
          %dma_wait3A_374 = tpu.memref_slice %arg6[%add3A_7, %dma_wait3A_372, %dma_wait3A_373] : memref<128x64x8192xf32, #tpu.memory_space<hbm>> -> memref<1x2x8192xf32, #tpu.memory_space<hbm>>
          %dma_wait3A_375 = tpu.memref_squeeze %dma_wait3A_374 : memref<1x2x8192xf32, #tpu.memory_space<hbm>> -> memref<2x8192xf32, #tpu.memory_space<hbm>>
          tpu.wait_dma2 semaphore(%arg22 : memref<!tpu.dma_semaphore, #tpu.memory_space<semaphore_mem>>) src(%arg18 : memref<2x8192xf32, #tpu.memory_space<vmem>>) dst(%dma_wait3A_375 : memref<2x8192xf32, #tpu.memory_space<hbm>>)
        } else {
        }
        %parallel_loop3A_338 = arith.constant 0 : i32
        %parallel_loop3A_339 = arith.constant 8192 : i32
        %parallel_loop3A_340 = arith.constant 16 : i32
        scf.for %parallel_loop3A_360 = %parallel_loop3A_338 to %parallel_loop3A_339 step %parallel_loop3A_340  : i32 {
          %parallel_loop3A_361 = arith.index_cast %parallel_loop3A_360 : i32 to index
          %parallel_loop3A_362 = tpu.vector_load %arg12[%parallel_loop3A_361] {strides = array<i32>} : memref<8192xi32, #tpu.memory_space<vmem>>, vector<16xi32>,
          %parallel_loop3A_363 = arith.constant 0 : i32
          %parallel_loop3A_364 = vector.broadcast %parallel_loop3A_363 : i32 to vector<16xi32>
          %parallel_loop3A_365 = tpu.vector_load_idx %arg15[%parallel_loop3A_364, %parallel_loop3A_362] : memref<2x8192xf32, #tpu.memory_space<vmem>>[vector<16xi32>, vector<16xi32>], vector<16xf32>,
          %parallel_loop3A_366 = arith.constant 0 : i32
          %parallel_loop3A_367 = arith.index_cast %parallel_loop3A_366 : i32 to index
          %parallel_loop3A_368 = arith.index_cast %parallel_loop3A_360 : i32 to index
          %parallel_loop3A_369 = tpu.vector_load %arg17[%parallel_loop3A_367, %parallel_loop3A_368] {strides = array<i32>} : memref<2x8192xf32, #tpu.memory_space<vmem>>, vector<16xf32>,
          tpu.vector_store %arg17[%parallel_loop3A_367, %parallel_loop3A_368], %parallel_loop3A_365 {strides = array<i32>} : memref<2x8192xf32, #tpu.memory_space<vmem>>, vector<16xf32>,
          %parallel_loop3A_370 = tpu.vector_load_idx %arg16[%parallel_loop3A_364, %parallel_loop3A_362] : memref<2x8192xf32, #tpu.memory_space<vmem>>[vector<16xi32>, vector<16xi32>], vector<16xf32>,
          %parallel_loop3A_371 = arith.constant 0 : i32
          %parallel_loop3A_372 = arith.index_cast %parallel_loop3A_371 : i32 to index
          %parallel_loop3A_373 = arith.index_cast %parallel_loop3A_360 : i32 to index
          %parallel_loop3A_374 = tpu.vector_load %arg18[%parallel_loop3A_372, %parallel_loop3A_373] {strides = array<i32>} : memref<2x8192xf32, #tpu.memory_space<vmem>>, vector<16xf32>,
          tpu.vector_store %arg18[%parallel_loop3A_372, %parallel_loop3A_373], %parallel_loop3A_370 {strides = array<i32>} : memref<2x8192xf32, #tpu.memory_space<vmem>>, vector<16xf32>,
          %parallel_loop3A_375 = arith.constant 1 : i32
          %parallel_loop3A_376 = vector.broadcast %parallel_loop3A_375 : i32 to vector<16xi32>
          %parallel_loop3A_377 = tpu.vector_load_idx %arg15[%parallel_loop3A_376, %parallel_loop3A_362] : memref<2x8192xf32, #tpu.memory_space<vmem>>[vector<16xi32>, vector<16xi32>], vector<16xf32>,
          %parallel_loop3A_378 = arith.constant 1 : i32
          %parallel_loop3A_379 = arith.index_cast %parallel_loop3A_378 : i32 to index
          %parallel_loop3A_380 = arith.index_cast %parallel_loop3A_360 : i32 to index
          %parallel_loop3A_381 = tpu.vector_load %arg17[%parallel_loop3A_379, %parallel_loop3A_380] {strides = array<i32>} : memref<2x8192xf32, #tpu.memory_space<vmem>>, vector<16xf32>,
          tpu.vector_store %arg17[%parallel_loop3A_379, %parallel_loop3A_380], %parallel_loop3A_377 {strides = array<i32>} : memref<2x8192xf32, #tpu.memory_space<vmem>>, vector<16xf32>,
          %parallel_loop3A_382 = tpu.vector_load_idx %arg16[%parallel_loop3A_376, %parallel_loop3A_362] : memref<2x8192xf32, #tpu.memory_space<vmem>>[vector<16xi32>, vector<16xi32>], vector<16xf32>,
          %parallel_loop3A_383 = arith.constant 1 : i32
          %parallel_loop3A_384 = arith.index_cast %parallel_loop3A_383 : i32 to index
          %parallel_loop3A_385 = arith.index_cast %parallel_loop3A_360 : i32 to index
          %parallel_loop3A_386 = tpu.vector_load %arg18[%parallel_loop3A_384, %parallel_loop3A_385] {strides = array<i32>} : memref<2x8192xf32, #tpu.memory_space<vmem>>, vector<16xf32>,
          tpu.vector_store %arg18[%parallel_loop3A_384, %parallel_loop3A_385], %parallel_loop3A_382 {strides = array<i32>} : memref<2x8192xf32, #tpu.memory_space<vmem>>, vector<16xf32>,
        } {sc.loop_unroll_factor = 4 : i64, sc.parallel_access}
        %dma_start3A_341 = arith.constant 0 : i32
        %dma_start3A_342 = tpu.memref_slice %arg6[%add3A_7, %mul3A_317, %dma_start3A_341] : memref<128x64x8192xf32, #tpu.memory_space<hbm>> -> memref<1x2x8192xf32, #tpu.memory_space<hbm>>
        %dma_start3A_343 = tpu.memref_squeeze %dma_start3A_342 : memref<1x2x8192xf32, #tpu.memory_space<hbm>> -> memref<2x8192xf32, #tpu.memory_space<hbm>>
        %dma_start3A_344 = arith.constant 0 : i32
        %dma_start3A_345 = tpu.memref_slice %arg6[%add3A_7, %mul3A_317, %dma_start3A_344] : memref<128x64x8192xf32, #tpu.memory_space<hbm>> -> memref<1x2x8192xf32, #tpu.memory_space<hbm>>
        %dma_start3A_346 = tpu.memref_squeeze %dma_start3A_345 : memref<1x2x8192xf32, #tpu.memory_space<hbm>> -> memref<2x8192xf32, #tpu.memory_space<hbm>>
        tpu.enqueue_dma source(%arg17 : memref<2x8192xf32, #tpu.memory_space<vmem>>) target(%dma_start3A_346 : memref<2x8192xf32, #tpu.memory_space<hbm>>) target_semaphore(%arg21 : memref<!tpu.dma_semaphore, #tpu.memory_space<semaphore_mem>>)
        %add3A_347 = arith.constant 2 : i32
        %add3A_348 = arith.addi %mul3A_317, %add3A_347 : i32
        %dma_start3A_349 = arith.constant 0 : i32
        %dma_start3A_350 = tpu.memref_slice %arg6[%add3A_7, %add3A_348, %dma_start3A_349] : memref<128x64x8192xf32, #tpu.memory_space<hbm>> -> memref<1x2x8192xf32, #tpu.memory_space<hbm>>
        %dma_start3A_351 = tpu.memref_squeeze %dma_start3A_350 : memref<1x2x8192xf32, #tpu.memory_space<hbm>> -> memref<2x8192xf32, #tpu.memory_space<hbm>>
        %dma_start3A_352 = arith.constant 0 : i32
        %dma_start3A_353 = tpu.memref_slice %arg6[%add3A_7, %add3A_348, %dma_start3A_352] : memref<128x64x8192xf32, #tpu.memory_space<hbm>> -> memref<1x2x8192xf32, #tpu.memory_space<hbm>>
        %dma_start3A_354 = tpu.memref_squeeze %dma_start3A_353 : memref<1x2x8192xf32, #tpu.memory_space<hbm>> -> memref<2x8192xf32, #tpu.memory_space<hbm>>
        tpu.enqueue_dma source(%arg18 : memref<2x8192xf32, #tpu.memory_space<vmem>>) target(%dma_start3A_354 : memref<2x8192xf32, #tpu.memory_space<hbm>>) target_semaphore(%arg22 : memref<!tpu.dma_semaphore, #tpu.memory_space<semaphore_mem>>)
        %lt3A_355 = arith.constant 15 : i32
        %lt3A_356 = arith.cmpi slt, %scan3A_313, %lt3A_355 : i32
        %convert_element_type3A_357 = arith.extui %lt3A_356 : i1 to i32
        %cond3A_358 = arith.constant 0 : i32
        %cond3A_359 = arith.cmpi ne, %convert_element_type3A_357, %cond3A_358 : i32
        scf.if %cond3A_359 {
          %add3A_360 = arith.constant 4 : i32
          %add3A_361 = arith.addi %mul3A_317, %add3A_360 : i32
          %dma_start3A_362 = arith.constant 0 : i32
          %dma_start3A_363 = tpu.memref_slice %arg2[%add3A_7, %add3A_361, %dma_start3A_362] : memref<128x64x8192xf32, #tpu.memory_space<hbm>> -> memref<1x2x8192xf32, #tpu.memory_space<hbm>>
          %dma_start3A_364 = tpu.memref_squeeze %dma_start3A_363 : memref<1x2x8192xf32, #tpu.memory_space<hbm>> -> memref<2x8192xf32, #tpu.memory_space<hbm>>
          %dma_start3A_365 = arith.constant 0 : i32
          %dma_start3A_366 = tpu.memref_slice %arg2[%add3A_7, %add3A_361, %dma_start3A_365] : memref<128x64x8192xf32, #tpu.memory_space<hbm>> -> memref<1x2x8192xf32, #tpu.memory_space<hbm>>
          %dma_start3A_367 = tpu.memref_squeeze %dma_start3A_366 : memref<1x2x8192xf32, #tpu.memory_space<hbm>> -> memref<2x8192xf32, #tpu.memory_space<hbm>>
          tpu.enqueue_dma source(%dma_start3A_367 : memref<2x8192xf32, #tpu.memory_space<hbm>>) target(%arg15 : memref<2x8192xf32, #tpu.memory_space<vmem>>) target_semaphore(%arg19 : memref<!tpu.dma_semaphore, #tpu.memory_space<semaphore_mem>>)
          %add3A_368 = arith.constant 6 : i32
          %add3A_369 = arith.addi %mul3A_317, %add3A_368 : i32
          %dma_start3A_370 = arith.constant 0 : i32
          %dma_start3A_371 = tpu.memref_slice %arg2[%add3A_7, %add3A_369, %dma_start3A_370] : memref<128x64x8192xf32, #tpu.memory_space<hbm>> -> memref<1x2x8192xf32, #tpu.memory_space<hbm>>
          %dma_start3A_372 = tpu.memref_squeeze %dma_start3A_371 : memref<1x2x8192xf32, #tpu.memory_space<hbm>> -> memref<2x8192xf32, #tpu.memory_space<hbm>>
          %dma_start3A_373 = arith.constant 0 : i32
          %dma_start3A_374 = tpu.memref_slice %arg2[%add3A_7, %add3A_369, %dma_start3A_373] : memref<128x64x8192xf32, #tpu.memory_space<hbm>> -> memref<1x2x8192xf32, #tpu.memory_space<hbm>>
          %dma_start3A_375 = tpu.memref_squeeze %dma_start3A_374 : memref<1x2x8192xf32, #tpu.memory_space<hbm>> -> memref<2x8192xf32, #tpu.memory_space<hbm>>
          tpu.enqueue_dma source(%dma_start3A_375 : memref<2x8192xf32, #tpu.memory_space<hbm>>) target(%arg16 : memref<2x8192xf32, #tpu.memory_space<vmem>>) target_semaphore(%arg20 : memref<!tpu.dma_semaphore, #tpu.memory_space<semaphore_mem>>)
        } else {
        }
      }
      %scan3A_297 = arith.constant 16 : i32
      %dma_wait3A = arith.constant 0 : i32
      %dma_wait3A_298 = arith.constant 0 : i32
      %dma_wait3A_299 = tpu.memref_slice %arg6[%add3A_7, %dma_wait3A, %dma_wait3A_298] : memref<128x64x8192xf32, #tpu.memory_space<hbm>> -> memref<1x2x8192xf32, #tpu.memory_space<hbm>>
      %dma_wait3A_300 = tpu.memref_squeeze %dma_wait3A_299 : memref<1x2x8192xf32, #tpu.memory_space<hbm>> -> memref<2x8192xf32, #tpu.memory_space<hbm>>
      %dma_wait3A_301 = arith.constant 0 : i32
      %dma_wait3A_302 = arith.constant 0 : i32
      %dma_wait3A_303 = tpu.memref_slice %arg6[%add3A_7, %dma_wait3A_301, %dma_wait3A_302] : memref<128x64x8192xf32, #tpu.memory_space<hbm>> -> memref<1x2x8192xf32, #tpu.memory_space<hbm>>
      %dma_wait3A_304 = tpu.memref_squeeze %dma_wait3A_303 : memref<1x2x8192xf32, #tpu.memory_space<hbm>> -> memref<2x8192xf32, #tpu.memory_space<hbm>>
      tpu.wait_dma2 semaphore(%arg21 : memref<!tpu.dma_semaphore, #tpu.memory_space<semaphore_mem>>) src(%arg17 : memref<2x8192xf32, #tpu.memory_space<vmem>>) dst(%dma_wait3A_304 : memref<2x8192xf32, #tpu.memory_space<hbm>>)
      %dma_wait3A_305 = arith.constant 0 : i32
      %dma_wait3A_306 = arith.constant 0 : i32
      %dma_wait3A_307 = tpu.memref_slice %arg6[%add3A_7, %dma_wait3A_305, %dma_wait3A_306] : memref<128x64x8192xf32, #tpu.memory_space<hbm>> -> memref<1x2x8192xf32, #tpu.memory_space<hbm>>
      %dma_wait3A_308 = tpu.memref_squeeze %dma_wait3A_307 : memref<1x2x8192xf32, #tpu.memory_space<hbm>> -> memref<2x8192xf32, #tpu.memory_space<hbm>>
      %dma_wait3A_309 = arith.constant 0 : i32
      %dma_wait3A_310 = arith.constant 0 : i32
      %dma_wait3A_311 = tpu.memref_slice %arg6[%add3A_7, %dma_wait3A_309, %dma_wait3A_310] : memref<128x64x8192xf32, #tpu.memory_space<hbm>> -> memref<1x2x8192xf32, #tpu.memory_space<hbm>>
      %dma_wait3A_312 = tpu.memref_squeeze %dma_wait3A_311 : memref<1x2x8192xf32, #tpu.memory_space<hbm>> -> memref<2x8192xf32, #tpu.memory_space<hbm>>
      tpu.wait_dma2 semaphore(%arg22 : memref<!tpu.dma_semaphore, #tpu.memory_space<semaphore_mem>>) src(%arg18 : memref<2x8192xf32, #tpu.memory_space<vmem>>) dst(%dma_wait3A_312 : memref<2x8192xf32, #tpu.memory_space<hbm>>)
    } else {
    }
    %not3A = arith.constant true
    %not3A_54 = arith.xori %ne3A_52, %not3A : i1
    %convert_element_type3A_55 = arith.extui %not3A_54 : i1 to i32
    %cond3A_56 = arith.constant 0 : i32
    %cond3A_57 = arith.cmpi ne, %convert_element_type3A_55, %cond3A_56 : i32
    scf.if %cond3A_57 {
      "tpu.region"() ({
        %run_scoped3A = tpu.sem_alloc : memref<!tpu.dma_semaphore, #tpu.memory_space<semaphore_mem>>
        %dma_start3A_279 = arith.constant 0 : i32
        %dma_start3A_280 = tpu.memref_slice %arg4[%add3A_7, %dma_start3A_279] : memref<128x8192xf32, #tpu.memory_space<hbm>> -> memref<1x8192xf32, #tpu.memory_space<hbm>>
        %dma_start3A_281 = tpu.memref_squeeze %dma_start3A_280 : memref<1x8192xf32, #tpu.memory_space<hbm>> -> memref<8192xf32, #tpu.memory_space<hbm>>
        %dma_start3A_282 = arith.constant 0 : i32
        %dma_start3A_283 = tpu.memref_slice %arg4[%add3A_7, %dma_start3A_282] : memref<128x8192xf32, #tpu.memory_space<hbm>> -> memref<1x8192xf32, #tpu.memory_space<hbm>>
        %dma_start3A_284 = tpu.memref_squeeze %dma_start3A_283 : memref<1x8192xf32, #tpu.memory_space<hbm>> -> memref<8192xf32, #tpu.memory_space<hbm>>
        tpu.enqueue_dma source(%dma_start3A_284 : memref<8192xf32, #tpu.memory_space<hbm>>) target(%arg9 : memref<8192xf32, #tpu.memory_space<vmem>>) target_semaphore(%run_scoped3A : memref<!tpu.dma_semaphore, #tpu.memory_space<semaphore_mem>>)
        %dma_wait3A = arith.constant 0 : i32
        %dma_wait3A_285 = tpu.memref_slice %arg4[%add3A_7, %dma_wait3A] : memref<128x8192xf32, #tpu.memory_space<hbm>> -> memref<1x8192xf32, #tpu.memory_space<hbm>>
        %dma_wait3A_286 = tpu.memref_squeeze %dma_wait3A_285 : memref<1x8192xf32, #tpu.memory_space<hbm>> -> memref<8192xf32, #tpu.memory_space<hbm>>
        %dma_wait3A_287 = arith.constant 0 : i32
        %dma_wait3A_288 = tpu.memref_slice %arg4[%add3A_7, %dma_wait3A_287] : memref<128x8192xf32, #tpu.memory_space<hbm>> -> memref<1x8192xf32, #tpu.memory_space<hbm>>
        %dma_wait3A_289 = tpu.memref_squeeze %dma_wait3A_288 : memref<1x8192xf32, #tpu.memory_space<hbm>> -> memref<8192xf32, #tpu.memory_space<hbm>>
        tpu.wait_dma2 semaphore(%run_scoped3A : memref<!tpu.dma_semaphore, #tpu.memory_space<semaphore_mem>>) src(%dma_wait3A_289 : memref<8192xf32, #tpu.memory_space<hbm>>) dst(%arg9 : memref<8192xf32, #tpu.memory_space<vmem>>)
        tpu.yield
      }) : () -> ()
      "tpu.region"() ({
        %run_scoped3A = tpu.sem_alloc : memref<!tpu.dma_semaphore, #tpu.memory_space<semaphore_mem>>
        %dma_start3A_279 = arith.constant 0 : i32
        %dma_start3A_280 = tpu.memref_slice %arg7[%add3A_7, %dma_start3A_279] : memref<128x8192xf32, #tpu.memory_space<hbm>> -> memref<1x8192xf32, #tpu.memory_space<hbm>>
        %dma_start3A_281 = tpu.memref_squeeze %dma_start3A_280 : memref<1x8192xf32, #tpu.memory_space<hbm>> -> memref<8192xf32, #tpu.memory_space<hbm>>
        %dma_start3A_282 = arith.constant 0 : i32
        %dma_start3A_283 = tpu.memref_slice %arg7[%add3A_7, %dma_start3A_282] : memref<128x8192xf32, #tpu.memory_space<hbm>> -> memref<1x8192xf32, #tpu.memory_space<hbm>>
        %dma_start3A_284 = tpu.memref_squeeze %dma_start3A_283 : memref<1x8192xf32, #tpu.memory_space<hbm>> -> memref<8192xf32, #tpu.memory_space<hbm>>
        tpu.enqueue_dma source(%arg9 : memref<8192xf32, #tpu.memory_space<vmem>>) target(%dma_start3A_284 : memref<8192xf32, #tpu.memory_space<hbm>>) target_semaphore(%run_scoped3A : memref<!tpu.dma_semaphore, #tpu.memory_space<semaphore_mem>>)
        %dma_wait3A = arith.constant 0 : i32
        %dma_wait3A_285 = tpu.memref_slice %arg7[%add3A_7, %dma_wait3A] : memref<128x8192xf32, #tpu.memory_space<hbm>> -> memref<1x8192xf32, #tpu.memory_space<hbm>>
        %dma_wait3A_286 = tpu.memref_squeeze %dma_wait3A_285 : memref<1x8192xf32, #tpu.memory_space<hbm>> -> memref<8192xf32, #tpu.memory_space<hbm>>
        %dma_wait3A_287 = arith.constant 0 : i32
        %dma_wait3A_288 = tpu.memref_slice %arg7[%add3A_7, %dma_wait3A_287] : memref<128x8192xf32, #tpu.memory_space<hbm>> -> memref<1x8192xf32, #tpu.memory_space<hbm>>
        %dma_wait3A_289 = tpu.memref_squeeze %dma_wait3A_288 : memref<1x8192xf32, #tpu.memory_space<hbm>> -> memref<8192xf32, #tpu.memory_space<hbm>>
        tpu.wait_dma2 semaphore(%run_scoped3A : memref<!tpu.dma_semaphore, #tpu.memory_space<semaphore_mem>>) src(%arg9 : memref<8192xf32, #tpu.memory_space<vmem>>) dst(%dma_wait3A_289 : memref<8192xf32, #tpu.memory_space<hbm>>)
        tpu.yield
      }) : () -> ()
      %dma_start3A = arith.constant 0 : i32
      %dma_start3A_259 = arith.constant 0 : i32
      %dma_start3A_260 = tpu.memref_slice %arg2[%add3A_7, %dma_start3A, %dma_start3A_259] : memref<128x64x8192xf32, #tpu.memory_space<hbm>> -> memref<1x2x8192xf32, #tpu.memory_space<hbm>>
      %dma_start3A_261 = tpu.memref_squeeze %dma_start3A_260 : memref<1x2x8192xf32, #tpu.memory_space<hbm>> -> memref<2x8192xf32, #tpu.memory_space<hbm>>
      %dma_start3A_262 = arith.constant 0 : i32
      %dma_start3A_263 = arith.constant 0 : i32
      %dma_start3A_264 = tpu.memref_slice %arg2[%add3A_7, %dma_start3A_262, %dma_start3A_263] : memref<128x64x8192xf32, #tpu.memory_space<hbm>> -> memref<1x2x8192xf32, #tpu.memory_space<hbm>>
      %dma_start3A_265 = tpu.memref_squeeze %dma_start3A_264 : memref<1x2x8192xf32, #tpu.memory_space<hbm>> -> memref<2x8192xf32, #tpu.memory_space<hbm>>
      tpu.enqueue_dma source(%dma_start3A_265 : memref<2x8192xf32, #tpu.memory_space<hbm>>) target(%arg15 : memref<2x8192xf32, #tpu.memory_space<vmem>>) target_semaphore(%arg19 : memref<!tpu.dma_semaphore, #tpu.memory_space<semaphore_mem>>)
      %dma_start3A_266 = arith.constant 2 : i32
      %dma_start3A_267 = arith.constant 0 : i32
      %dma_start3A_268 = tpu.memref_slice %arg2[%add3A_7, %dma_start3A_266, %dma_start3A_267] : memref<128x64x8192xf32, #tpu.memory_space<hbm>> -> memref<1x2x8192xf32, #tpu.memory_space<hbm>>
      %dma_start3A_269 = tpu.memref_squeeze %dma_start3A_268 : memref<1x2x8192xf32, #tpu.memory_space<hbm>> -> memref<2x8192xf32, #tpu.memory_space<hbm>>
      %dma_start3A_270 = arith.constant 2 : i32
      %dma_start3A_271 = arith.constant 0 : i32
      %dma_start3A_272 = tpu.memref_slice %arg2[%add3A_7, %dma_start3A_270, %dma_start3A_271] : memref<128x64x8192xf32, #tpu.memory_space<hbm>> -> memref<1x2x8192xf32, #tpu.memory_space<hbm>>
      %dma_start3A_273 = tpu.memref_squeeze %dma_start3A_272 : memref<1x2x8192xf32, #tpu.memory_space<hbm>> -> memref<2x8192xf32, #tpu.memory_space<hbm>>
      tpu.enqueue_dma source(%dma_start3A_273 : memref<2x8192xf32, #tpu.memory_space<hbm>>) target(%arg16 : memref<2x8192xf32, #tpu.memory_space<vmem>>) target_semaphore(%arg20 : memref<!tpu.dma_semaphore, #tpu.memory_space<semaphore_mem>>)
      %scan3A = arith.constant 0 : i32
      %scan3A_274 = arith.constant 0 : i32
      %scan3A_275 = arith.constant 16 : i32
      %scan3A_276 = arith.addi %scan3A_274, %scan3A_275 : i32
      %scan3A_277 = arith.constant 1 : i32
      scf.for %scan3A_279 = %scan3A_274 to %scan3A_276 step %scan3A_277  : i32 {
        %mul3A_280 = arith.constant 2 : i32
        %mul3A_281 = arith.muli %mul3A_280, %scan3A_279 : i32
        %mul3A_282 = arith.constant 2 : i32
        %mul3A_283 = arith.muli %mul3A_281, %mul3A_282 : i32
        %dma_wait3A = arith.constant 0 : i32
        %dma_wait3A_284 = arith.constant 0 : i32
        %dma_wait3A_285 = tpu.memref_slice %arg2[%add3A_7, %dma_wait3A, %dma_wait3A_284] : memref<128x64x8192xf32, #tpu.memory_space<hbm>> -> memref<1x2x8192xf32, #tpu.memory_space<hbm>>
        %dma_wait3A_286 = tpu.memref_squeeze %dma_wait3A_285 : memref<1x2x8192xf32, #tpu.memory_space<hbm>> -> memref<2x8192xf32, #tpu.memory_space<hbm>>
        %dma_wait3A_287 = arith.constant 0 : i32
        %dma_wait3A_288 = arith.constant 0 : i32
        %dma_wait3A_289 = tpu.memref_slice %arg2[%add3A_7, %dma_wait3A_287, %dma_wait3A_288] : memref<128x64x8192xf32, #tpu.memory_space<hbm>> -> memref<1x2x8192xf32, #tpu.memory_space<hbm>>
        %dma_wait3A_290 = tpu.memref_squeeze %dma_wait3A_289 : memref<1x2x8192xf32, #tpu.memory_space<hbm>> -> memref<2x8192xf32, #tpu.memory_space<hbm>>
        tpu.wait_dma2 semaphore(%arg19 : memref<!tpu.dma_semaphore, #tpu.memory_space<semaphore_mem>>) src(%dma_wait3A_290 : memref<2x8192xf32, #tpu.memory_space<hbm>>) dst(%arg15 : memref<2x8192xf32, #tpu.memory_space<vmem>>)
        %dma_wait3A_291 = arith.constant 0 : i32
        %dma_wait3A_292 = arith.constant 0 : i32
        %dma_wait3A_293 = tpu.memref_slice %arg2[%add3A_7, %dma_wait3A_291, %dma_wait3A_292] : memref<128x64x8192xf32, #tpu.memory_space<hbm>> -> memref<1x2x8192xf32, #tpu.memory_space<hbm>>
        %dma_wait3A_294 = tpu.memref_squeeze %dma_wait3A_293 : memref<1x2x8192xf32, #tpu.memory_space<hbm>> -> memref<2x8192xf32, #tpu.memory_space<hbm>>
        %dma_wait3A_295 = arith.constant 0 : i32
        %dma_wait3A_296 = arith.constant 0 : i32
        %dma_wait3A_297 = tpu.memref_slice %arg2[%add3A_7, %dma_wait3A_295, %dma_wait3A_296] : memref<128x64x8192xf32, #tpu.memory_space<hbm>> -> memref<1x2x8192xf32, #tpu.memory_space<hbm>>
        %dma_wait3A_298 = tpu.memref_squeeze %dma_wait3A_297 : memref<1x2x8192xf32, #tpu.memory_space<hbm>> -> memref<2x8192xf32, #tpu.memory_space<hbm>>
        tpu.wait_dma2 semaphore(%arg20 : memref<!tpu.dma_semaphore, #tpu.memory_space<semaphore_mem>>) src(%dma_wait3A_298 : memref<2x8192xf32, #tpu.memory_space<hbm>>) dst(%arg16 : memref<2x8192xf32, #tpu.memory_space<vmem>>)
        %dma_start3A_299 = arith.constant 0 : i32
        %dma_start3A_300 = tpu.memref_slice %arg6[%add3A_7, %mul3A_283, %dma_start3A_299] : memref<128x64x8192xf32, #tpu.memory_space<hbm>> -> memref<1x2x8192xf32, #tpu.memory_space<hbm>>
        %dma_start3A_301 = tpu.memref_squeeze %dma_start3A_300 : memref<1x2x8192xf32, #tpu.memory_space<hbm>> -> memref<2x8192xf32, #tpu.memory_space<hbm>>
        %dma_start3A_302 = arith.constant 0 : i32
        %dma_start3A_303 = tpu.memref_slice %arg6[%add3A_7, %mul3A_283, %dma_start3A_302] : memref<128x64x8192xf32, #tpu.memory_space<hbm>> -> memref<1x2x8192xf32, #tpu.memory_space<hbm>>
        %dma_start3A_304 = tpu.memref_squeeze %dma_start3A_303 : memref<1x2x8192xf32, #tpu.memory_space<hbm>> -> memref<2x8192xf32, #tpu.memory_space<hbm>>
        tpu.enqueue_dma source(%arg15 : memref<2x8192xf32, #tpu.memory_space<vmem>>) target(%dma_start3A_304 : memref<2x8192xf32, #tpu.memory_space<hbm>>) target_semaphore(%arg21 : memref<!tpu.dma_semaphore, #tpu.memory_space<semaphore_mem>>)
        %add3A_305 = arith.constant 2 : i32
        %add3A_306 = arith.addi %mul3A_283, %add3A_305 : i32
        %dma_start3A_307 = arith.constant 0 : i32
        %dma_start3A_308 = tpu.memref_slice %arg6[%add3A_7, %add3A_306, %dma_start3A_307] : memref<128x64x8192xf32, #tpu.memory_space<hbm>> -> memref<1x2x8192xf32, #tpu.memory_space<hbm>>
        %dma_start3A_309 = tpu.memref_squeeze %dma_start3A_308 : memref<1x2x8192xf32, #tpu.memory_space<hbm>> -> memref<2x8192xf32, #tpu.memory_space<hbm>>
        %dma_start3A_310 = arith.constant 0 : i32
        %dma_start3A_311 = tpu.memref_slice %arg6[%add3A_7, %add3A_306, %dma_start3A_310] : memref<128x64x8192xf32, #tpu.memory_space<hbm>> -> memref<1x2x8192xf32, #tpu.memory_space<hbm>>
        %dma_start3A_312 = tpu.memref_squeeze %dma_start3A_311 : memref<1x2x8192xf32, #tpu.memory_space<hbm>> -> memref<2x8192xf32, #tpu.memory_space<hbm>>
        tpu.enqueue_dma source(%arg16 : memref<2x8192xf32, #tpu.memory_space<vmem>>) target(%dma_start3A_312 : memref<2x8192xf32, #tpu.memory_space<hbm>>) target_semaphore(%arg22 : memref<!tpu.dma_semaphore, #tpu.memory_space<semaphore_mem>>)
        %dma_wait3A_313 = arith.constant 0 : i32
        %dma_wait3A_314 = arith.constant 0 : i32
        %dma_wait3A_315 = tpu.memref_slice %arg6[%add3A_7, %dma_wait3A_313, %dma_wait3A_314] : memref<128x64x8192xf32, #tpu.memory_space<hbm>> -> memref<1x2x8192xf32, #tpu.memory_space<hbm>>
        %dma_wait3A_316 = tpu.memref_squeeze %dma_wait3A_315 : memref<1x2x8192xf32, #tpu.memory_space<hbm>> -> memref<2x8192xf32, #tpu.memory_space<hbm>>
        %dma_wait3A_317 = arith.constant 0 : i32
        %dma_wait3A_318 = arith.constant 0 : i32
        %dma_wait3A_319 = tpu.memref_slice %arg6[%add3A_7, %dma_wait3A_317, %dma_wait3A_318] : memref<128x64x8192xf32, #tpu.memory_space<hbm>> -> memref<1x2x8192xf32, #tpu.memory_space<hbm>>
        %dma_wait3A_320 = tpu.memref_squeeze %dma_wait3A_319 : memref<1x2x8192xf32, #tpu.memory_space<hbm>> -> memref<2x8192xf32, #tpu.memory_space<hbm>>
        tpu.wait_dma2 semaphore(%arg21 : memref<!tpu.dma_semaphore, #tpu.memory_space<semaphore_mem>>) src(%arg15 : memref<2x8192xf32, #tpu.memory_space<vmem>>) dst(%dma_wait3A_320 : memref<2x8192xf32, #tpu.memory_space<hbm>>)
        %dma_wait3A_321 = arith.constant 0 : i32
        %dma_wait3A_322 = arith.constant 0 : i32
        %dma_wait3A_323 = tpu.memref_slice %arg6[%add3A_7, %dma_wait3A_321, %dma_wait3A_322] : memref<128x64x8192xf32, #tpu.memory_space<hbm>> -> memref<1x2x8192xf32, #tpu.memory_space<hbm>>
        %dma_wait3A_324 = tpu.memref_squeeze %dma_wait3A_323 : memref<1x2x8192xf32, #tpu.memory_space<hbm>> -> memref<2x8192xf32, #tpu.memory_space<hbm>>
        %dma_wait3A_325 = arith.constant 0 : i32
        %dma_wait3A_326 = arith.constant 0 : i32
        %dma_wait3A_327 = tpu.memref_slice %arg6[%add3A_7, %dma_wait3A_325, %dma_wait3A_326] : memref<128x64x8192xf32, #tpu.memory_space<hbm>> -> memref<1x2x8192xf32, #tpu.memory_space<hbm>>
        %dma_wait3A_328 = tpu.memref_squeeze %dma_wait3A_327 : memref<1x2x8192xf32, #tpu.memory_space<hbm>> -> memref<2x8192xf32, #tpu.memory_space<hbm>>
        tpu.wait_dma2 semaphore(%arg22 : memref<!tpu.dma_semaphore, #tpu.memory_space<semaphore_mem>>) src(%arg16 : memref<2x8192xf32, #tpu.memory_space<vmem>>) dst(%dma_wait3A_328 : memref<2x8192xf32, #tpu.memory_space<hbm>>)
        %lt3A_329 = arith.constant 15 : i32
        %lt3A_330 = arith.cmpi slt, %scan3A_279, %lt3A_329 : i32
        %convert_element_type3A_331 = arith.extui %lt3A_330 : i1 to i32
        %cond3A_332 = arith.constant 0 : i32
        %cond3A_333 = arith.cmpi ne, %convert_element_type3A_331, %cond3A_332 : i32
        scf.if %cond3A_333 {
          %add3A_334 = arith.constant 4 : i32
          %add3A_335 = arith.addi %mul3A_283, %add3A_334 : i32
          %dma_start3A_336 = arith.constant 0 : i32
          %dma_start3A_337 = tpu.memref_slice %arg2[%add3A_7, %add3A_335, %dma_start3A_336] : memref<128x64x8192xf32, #tpu.memory_space<hbm>> -> memref<1x2x8192xf32, #tpu.memory_space<hbm>>
          %dma_start3A_338 = tpu.memref_squeeze %dma_start3A_337 : memref<1x2x8192xf32, #tpu.memory_space<hbm>> -> memref<2x8192xf32, #tpu.memory_space<hbm>>
          %dma_start3A_339 = arith.constant 0 : i32
          %dma_start3A_340 = tpu.memref_slice %arg2[%add3A_7, %add3A_335, %dma_start3A_339] : memref<128x64x8192xf32, #tpu.memory_space<hbm>> -> memref<1x2x8192xf32, #tpu.memory_space<hbm>>
          %dma_start3A_341 = tpu.memref_squeeze %dma_start3A_340 : memref<1x2x8192xf32, #tpu.memory_space<hbm>> -> memref<2x8192xf32, #tpu.memory_space<hbm>>
          tpu.enqueue_dma source(%dma_start3A_341 : memref<2x8192xf32, #tpu.memory_space<hbm>>) target(%arg15 : memref<2x8192xf32, #tpu.memory_space<vmem>>) target_semaphore(%arg19 : memref<!tpu.dma_semaphore, #tpu.memory_space<semaphore_mem>>)
          %add3A_342 = arith.constant 6 : i32
          %add3A_343 = arith.addi %mul3A_283, %add3A_342 : i32
          %dma_start3A_344 = arith.constant 0 : i32
          %dma_start3A_345 = tpu.memref_slice %arg2[%add3A_7, %add3A_343, %dma_start3A_344] : memref<128x64x8192xf32, #tpu.memory_space<hbm>> -> memref<1x2x8192xf32, #tpu.memory_space<hbm>>
          %dma_start3A_346 = tpu.memref_squeeze %dma_start3A_345 : memref<1x2x8192xf32, #tpu.memory_space<hbm>> -> memref<2x8192xf32, #tpu.memory_space<hbm>>
          %dma_start3A_347 = arith.constant 0 : i32
          %dma_start3A_348 = tpu.memref_slice %arg2[%add3A_7, %add3A_343, %dma_start3A_347] : memref<128x64x8192xf32, #tpu.memory_space<hbm>> -> memref<1x2x8192xf32, #tpu.memory_space<hbm>>
          %dma_start3A_349 = tpu.memref_squeeze %dma_start3A_348 : memref<1x2x8192xf32, #tpu.memory_space<hbm>> -> memref<2x8192xf32, #tpu.memory_space<hbm>>
          tpu.enqueue_dma source(%dma_start3A_349 : memref<2x8192xf32, #tpu.memory_space<hbm>>) target(%arg16 : memref<2x8192xf32, #tpu.memory_space<vmem>>) target_semaphore(%arg20 : memref<!tpu.dma_semaphore, #tpu.memory_space<semaphore_mem>>)
        } else {
        }
      }
      %scan3A_278 = arith.constant 16 : i32
    } else {
    }
    %add3A_58 = arith.constant 32 : i32
    %add3A_59 = arith.addi %add3A, %add3A_58 : i32
    %mul3A_60 = arith.constant 8192 : i32
    %mul3A_61 = arith.muli %add3A_59, %mul3A_60 : i32
    %jit3A_62 = arith.constant 16 : i32
    %div3A_63 = arith.divsi %add3A_59, %jit3A_62 : i32
    %sign3A_64 = arith.constant 0 : i32
    %sign3A_65 = arith.cmpi sgt, %add3A_59, %sign3A_64 : i32
    %sign3A_66 = arith.extui %sign3A_65 : i1 to i32
    %sign3A_67 = arith.constant 0 : i32
    %sign3A_68 = arith.cmpi slt, %add3A_59, %sign3A_67 : i32
    %sign3A_69 = arith.extui %sign3A_68 : i1 to i32
    %sign3A_70 = arith.subi %sign3A_66, %sign3A_69 : i32
    %sign3A_71 = arith.constant 0 : i32
    %sign3A_72 = arith.cmpi sgt, %jit3A_62, %sign3A_71 : i32
    %sign3A_73 = arith.extui %sign3A_72 : i1 to i32
    %sign3A_74 = arith.constant 0 : i32
    %sign3A_75 = arith.cmpi slt, %jit3A_62, %sign3A_74 : i32
    %sign3A_76 = arith.extui %sign3A_75 : i1 to i32
    %sign3A_77 = arith.subi %sign3A_73, %sign3A_76 : i32
    %ne3A_78 = arith.cmpi ne, %sign3A_70, %sign3A_77 : i32
    %rem3A_79 = arith.remsi %add3A_59, %jit3A_62 : i32
    %ne3A_80 = arith.constant 0 : i32
    %ne3A_81 = arith.cmpi ne, %rem3A_79, %ne3A_80 : i32
    %and3A_82 = arith.andi %ne3A_78, %ne3A_81 : i1
    %sub3A_83 = arith.constant 1 : i32
    %sub3A_84 = arith.subi %div3A_63, %sub3A_83 : i32
    %select_n3A_85 = arith.select %and3A_82, %sub3A_84, %div3A_63 : i32
    %mul3A_86 = arith.constant 16 : i32
    %mul3A_87 = arith.muli %select_n3A_85, %mul3A_86 : i32
    %get3A_88 = arith.index_cast %mul3A_87 : i32 to index
    %get3A_89 = tpu.vector_load %arg13[%get3A_88] {strides = array<i32>} : memref<128xf32, #tpu.memory_space<vmem>>, vector<16xf32>,
    %jit3A_90 = arith.constant 16 : i32
    %eq3A_91 = arith.constant 0 : i32
    %eq3A_92 = arith.cmpi eq, %jit3A_90, %eq3A_91 : i32
    %jit3A_93 = arith.constant 1 : i32
    %select_n3A_94 = arith.select %eq3A_92, %jit3A_93, %jit3A_90 : i32
    %rem3A_95 = arith.remsi %add3A_59, %select_n3A_94 : i32
    %ne3A_96 = arith.constant 0 : i32
    %ne3A_97 = arith.cmpi ne, %rem3A_95, %ne3A_96 : i32
    %lt3A_98 = arith.constant 0 : i32
    %lt3A_99 = arith.cmpi slt, %rem3A_95, %lt3A_98 : i32
    %lt3A_100 = arith.constant 0 : i32
    %lt3A_101 = arith.cmpi slt, %select_n3A_94, %lt3A_100 : i32
    %ne3A_102 = arith.xori %lt3A_99, %lt3A_101 : i1
    %and3A_103 = arith.andi %ne3A_102, %ne3A_97 : i1
    %add3A_104 = arith.addi %rem3A_95, %select_n3A_94 : i32
    %select_n3A_105 = arith.select %and3A_103, %add3A_104, %rem3A_95 : i32
    %eq3A_106 = vector.broadcast %select_n3A_105 : i32 to vector<16xi32>
    %eq3A_107 = arith.cmpi eq, %iota3A, %eq3A_106 : vector<16xi32>
    %jit3A_108 = arith.constant 0.000000e+00 : f32
    %broadcast_in_dim3A_109 = vector.broadcast %jit3A_108 : f32 to vector<16xf32>
    %select_n3A_110 = arith.select %eq3A_107, %get3A_89, %broadcast_in_dim3A_109 : vector<16xi1>, vector<16xf32>
    %reduce_max3A_111 = arith.constant true
    %reduce_max3A_112 = vector.broadcast %reduce_max3A_111 : i1 to vector<16xi1>
    %reduce_max3A_113 = tpu.scan <max>, %select_n3A_110 masked %reduce_max3A_112 : vector<16xf32>, vector<16xi1> -> vector<16xf32>
    %reduce_max3A_114 = vector.extract %reduce_max3A_113[15] : f32 from vector<16xf32>
    %ne3A_115 = arith.constant 0.000000e+00 : f32
    %ne3A_116 = arith.cmpf one, %reduce_max3A_114, %ne3A_115 : f32
    %convert_element_type3A_117 = arith.extui %ne3A_116 : i1 to i32
    %cond3A_118 = arith.constant 0 : i32
    %cond3A_119 = arith.cmpi ne, %convert_element_type3A_117, %cond3A_118 : i32
    scf.if %cond3A_119 {
      "tpu.region"() ({
        %run_scoped3A = tpu.sem_alloc : memref<!tpu.dma_semaphore, #tpu.memory_space<semaphore_mem>>
        %dma_start3A_313 = arith.constant 0 : i32
        %dma_start3A_314 = tpu.memref_slice %arg3[%add3A_59, %dma_start3A_313] : memref<128x8192xf32, #tpu.memory_space<hbm>> -> memref<1x8192xf32, #tpu.memory_space<hbm>>
        %dma_start3A_315 = tpu.memref_squeeze %dma_start3A_314 : memref<1x8192xf32, #tpu.memory_space<hbm>> -> memref<8192xf32, #tpu.memory_space<hbm>>
        %dma_start3A_316 = arith.constant 0 : i32
        %dma_start3A_317 = tpu.memref_slice %arg3[%add3A_59, %dma_start3A_316] : memref<128x8192xf32, #tpu.memory_space<hbm>> -> memref<1x8192xf32, #tpu.memory_space<hbm>>
        %dma_start3A_318 = tpu.memref_squeeze %dma_start3A_317 : memref<1x8192xf32, #tpu.memory_space<hbm>> -> memref<8192xf32, #tpu.memory_space<hbm>>
        tpu.enqueue_dma source(%dma_start3A_318 : memref<8192xf32, #tpu.memory_space<hbm>>) target(%arg8 : memref<8192xf32, #tpu.memory_space<vmem>>) target_semaphore(%run_scoped3A : memref<!tpu.dma_semaphore, #tpu.memory_space<semaphore_mem>>)
        %dma_wait3A_319 = arith.constant 0 : i32
        %dma_wait3A_320 = tpu.memref_slice %arg3[%add3A_59, %dma_wait3A_319] : memref<128x8192xf32, #tpu.memory_space<hbm>> -> memref<1x8192xf32, #tpu.memory_space<hbm>>
        %dma_wait3A_321 = tpu.memref_squeeze %dma_wait3A_320 : memref<1x8192xf32, #tpu.memory_space<hbm>> -> memref<8192xf32, #tpu.memory_space<hbm>>
        %dma_wait3A_322 = arith.constant 0 : i32
        %dma_wait3A_323 = tpu.memref_slice %arg3[%add3A_59, %dma_wait3A_322] : memref<128x8192xf32, #tpu.memory_space<hbm>> -> memref<1x8192xf32, #tpu.memory_space<hbm>>
        %dma_wait3A_324 = tpu.memref_squeeze %dma_wait3A_323 : memref<1x8192xf32, #tpu.memory_space<hbm>> -> memref<8192xf32, #tpu.memory_space<hbm>>
        tpu.wait_dma2 semaphore(%run_scoped3A : memref<!tpu.dma_semaphore, #tpu.memory_space<semaphore_mem>>) src(%dma_wait3A_324 : memref<8192xf32, #tpu.memory_space<hbm>>) dst(%arg8 : memref<8192xf32, #tpu.memory_space<vmem>>)
        tpu.yield
      }) : () -> ()
      "tpu.region"() ({
        %run_scoped3A = tpu.sem_alloc : memref<!tpu.dma_semaphore, #tpu.memory_space<semaphore_mem>>
        %dma_start3A_313 = arith.constant 0 : i32
        %dma_start3A_314 = tpu.memref_slice %arg7[%add3A_59, %dma_start3A_313] : memref<128x8192xf32, #tpu.memory_space<hbm>> -> memref<1x8192xf32, #tpu.memory_space<hbm>>
        %dma_start3A_315 = tpu.memref_squeeze %dma_start3A_314 : memref<1x8192xf32, #tpu.memory_space<hbm>> -> memref<8192xf32, #tpu.memory_space<hbm>>
        %dma_start3A_316 = arith.constant 0 : i32
        %dma_start3A_317 = tpu.memref_slice %arg7[%add3A_59, %dma_start3A_316] : memref<128x8192xf32, #tpu.memory_space<hbm>> -> memref<1x8192xf32, #tpu.memory_space<hbm>>
        %dma_start3A_318 = tpu.memref_squeeze %dma_start3A_317 : memref<1x8192xf32, #tpu.memory_space<hbm>> -> memref<8192xf32, #tpu.memory_space<hbm>>
        tpu.enqueue_dma source(%arg10 : memref<8192xf32, #tpu.memory_space<vmem>>) target(%dma_start3A_318 : memref<8192xf32, #tpu.memory_space<hbm>>) target_semaphore(%run_scoped3A : memref<!tpu.dma_semaphore, #tpu.memory_space<semaphore_mem>>)
        %dma_wait3A_319 = arith.constant 0 : i32
        %dma_wait3A_320 = tpu.memref_slice %arg7[%add3A_59, %dma_wait3A_319] : memref<128x8192xf32, #tpu.memory_space<hbm>> -> memref<1x8192xf32, #tpu.memory_space<hbm>>
        %dma_wait3A_321 = tpu.memref_squeeze %dma_wait3A_320 : memref<1x8192xf32, #tpu.memory_space<hbm>> -> memref<8192xf32, #tpu.memory_space<hbm>>
        %dma_wait3A_322 = arith.constant 0 : i32
        %dma_wait3A_323 = tpu.memref_slice %arg7[%add3A_59, %dma_wait3A_322] : memref<128x8192xf32, #tpu.memory_space<hbm>> -> memref<1x8192xf32, #tpu.memory_space<hbm>>
        %dma_wait3A_324 = tpu.memref_squeeze %dma_wait3A_323 : memref<1x8192xf32, #tpu.memory_space<hbm>> -> memref<8192xf32, #tpu.memory_space<hbm>>
        tpu.wait_dma2 semaphore(%run_scoped3A : memref<!tpu.dma_semaphore, #tpu.memory_space<semaphore_mem>>) src(%arg10 : memref<8192xf32, #tpu.memory_space<vmem>>) dst(%dma_wait3A_324 : memref<8192xf32, #tpu.memory_space<hbm>>)
        tpu.yield
      }) : () -> ()
      %parallel_loop3A_259 = arith.constant 0 : i32
      %parallel_loop3A_260 = arith.constant 8192 : i32
      %parallel_loop3A_261 = arith.constant 16 : i32
      scf.for %parallel_loop3A_313 = %parallel_loop3A_259 to %parallel_loop3A_260 step %parallel_loop3A_261  : i32 {
        %parallel_loop3A_314 = vector.broadcast %parallel_loop3A_313 : i32 to vector<16xi32>
        %parallel_loop3A_315 = arith.addi %parallel_loop3A_314, %iota3A : vector<16xi32>
        %parallel_loop3A_316 = arith.index_cast %parallel_loop3A_313 : i32 to index
        %parallel_loop3A_317 = tpu.vector_load %arg8[%parallel_loop3A_316] {strides = array<i32>} : memref<8192xf32, #tpu.memory_space<vmem>>, vector<16xf32>,
        %parallel_loop3A_318 = arith.constant 1 : i32
        %parallel_loop3A_319 = vector.broadcast %parallel_loop3A_318 : i32 to vector<16xi32>
        %parallel_loop3A_320 = arith.subi %parallel_loop3A_315, %parallel_loop3A_319 : vector<16xi32>
        %parallel_loop3A_321 = arith.constant 0 : i32
        %parallel_loop3A_322 = vector.broadcast %parallel_loop3A_321 : i32 to vector<16xi32>
        %parallel_loop3A_323 = arith.maxsi %parallel_loop3A_320, %parallel_loop3A_322 : vector<16xi32>
        %parallel_loop3A_324 = tpu.vector_load_idx %arg8[%parallel_loop3A_323] : memref<8192xf32, #tpu.memory_space<vmem>>[vector<16xi32>], vector<16xf32>,
        %parallel_loop3A_325 = arith.constant 8.192000e+03 : f32
        %parallel_loop3A_326 = vector.broadcast %parallel_loop3A_325 : f32 to vector<16xf32>
        %parallel_loop3A_327 = arith.mulf %parallel_loop3A_317, %parallel_loop3A_326 : vector<16xf32>
        %parallel_loop3A_328 = arith.constant 5.000000e-01 : f32
        %parallel_loop3A_329 = vector.broadcast %parallel_loop3A_328 : f32 to vector<16xf32>
        %parallel_loop3A_330 = arith.subf %parallel_loop3A_327, %parallel_loop3A_329 : vector<16xf32>
        %parallel_loop3A_331 = arith.fptosi %parallel_loop3A_330 : vector<16xf32> to vector<16xi32>
        %parallel_loop3A_332 = arith.constant 1 : i32
        %parallel_loop3A_333 = vector.broadcast %parallel_loop3A_332 : i32 to vector<16xi32>
        %parallel_loop3A_334 = arith.addi %parallel_loop3A_331, %parallel_loop3A_333 : vector<16xi32>
        %parallel_loop3A_335 = arith.constant 0.000000e+00 : f32
        %parallel_loop3A_336 = vector.broadcast %parallel_loop3A_335 : f32 to vector<16xf32>
        %parallel_loop3A_337 = arith.cmpf olt, %parallel_loop3A_330, %parallel_loop3A_336 : vector<16xf32>
        %parallel_loop3A_338 = arith.constant 0 : i32
        %parallel_loop3A_339 = vector.broadcast %parallel_loop3A_338 : i32 to vector<16xi32>
        %parallel_loop3A_340 = arith.select %parallel_loop3A_337, %parallel_loop3A_339, %parallel_loop3A_334 : vector<16xi1>, vector<16xi32>
        %parallel_loop3A_341 = arith.constant 8192 : i32
        %parallel_loop3A_342 = vector.broadcast %parallel_loop3A_341 : i32 to vector<16xi32>
        %parallel_loop3A_343 = arith.minsi %parallel_loop3A_340, %parallel_loop3A_342 : vector<16xi32>
        %parallel_loop3A_344 = arith.constant 8191 : i32
        %parallel_loop3A_345 = vector.broadcast %parallel_loop3A_344 : i32 to vector<16xi32>
        %parallel_loop3A_346 = arith.cmpi eq, %parallel_loop3A_315, %parallel_loop3A_345 : vector<16xi32>
        %parallel_loop3A_347 = arith.constant 8192 : i32
        %parallel_loop3A_348 = vector.broadcast %parallel_loop3A_347 : i32 to vector<16xi32>
        %parallel_loop3A_349 = arith.select %parallel_loop3A_346, %parallel_loop3A_348, %parallel_loop3A_343 : vector<16xi1>, vector<16xi32>
        %parallel_loop3A_350 = arith.constant 8.192000e+03 : f32
        %parallel_loop3A_351 = vector.broadcast %parallel_loop3A_350 : f32 to vector<16xf32>
        %parallel_loop3A_352 = arith.mulf %parallel_loop3A_324, %parallel_loop3A_351 : vector<16xf32>
        %parallel_loop3A_353 = arith.constant 5.000000e-01 : f32
        %parallel_loop3A_354 = vector.broadcast %parallel_loop3A_353 : f32 to vector<16xf32>
        %parallel_loop3A_355 = arith.subf %parallel_loop3A_352, %parallel_loop3A_354 : vector<16xf32>
        %parallel_loop3A_356 = arith.fptosi %parallel_loop3A_355 : vector<16xf32> to vector<16xi32>
        %parallel_loop3A_357 = arith.constant 1 : i32
        %parallel_loop3A_358 = vector.broadcast %parallel_loop3A_357 : i32 to vector<16xi32>
        %parallel_loop3A_359 = arith.addi %parallel_loop3A_356, %parallel_loop3A_358 : vector<16xi32>
        %parallel_loop3A_360 = arith.constant 0.000000e+00 : f32
        %parallel_loop3A_361 = vector.broadcast %parallel_loop3A_360 : f32 to vector<16xf32>
        %parallel_loop3A_362 = arith.cmpf olt, %parallel_loop3A_355, %parallel_loop3A_361 : vector<16xf32>
        %parallel_loop3A_363 = arith.constant 0 : i32
        %parallel_loop3A_364 = vector.broadcast %parallel_loop3A_363 : i32 to vector<16xi32>
        %parallel_loop3A_365 = arith.select %parallel_loop3A_362, %parallel_loop3A_364, %parallel_loop3A_359 : vector<16xi1>, vector<16xi32>
        %parallel_loop3A_366 = arith.constant 8192 : i32
        %parallel_loop3A_367 = vector.broadcast %parallel_loop3A_366 : i32 to vector<16xi32>
        %parallel_loop3A_368 = arith.minsi %parallel_loop3A_365, %parallel_loop3A_367 : vector<16xi32>
        %parallel_loop3A_369 = arith.constant 0 : i32
        %parallel_loop3A_370 = vector.broadcast %parallel_loop3A_369 : i32 to vector<16xi32>
        %parallel_loop3A_371 = arith.cmpi eq, %parallel_loop3A_315, %parallel_loop3A_370 : vector<16xi32>
        %parallel_loop3A_372 = arith.constant 0 : i32
        %parallel_loop3A_373 = vector.broadcast %parallel_loop3A_372 : i32 to vector<16xi32>
        %parallel_loop3A_374 = arith.select %parallel_loop3A_371, %parallel_loop3A_373, %parallel_loop3A_368 : vector<16xi1>, vector<16xi32>
        %parallel_loop3A_375 = arith.cmpi sgt, %parallel_loop3A_349, %parallel_loop3A_374 : vector<16xi32>
        %parallel_loop3A_376 = arith.constant 8191 : i32
        %parallel_loop3A_377 = vector.broadcast %parallel_loop3A_376 : i32 to vector<16xi32>
        %parallel_loop3A_378 = arith.minsi %parallel_loop3A_374, %parallel_loop3A_377 : vector<16xi32>
        %parallel_loop3A_379 = vector.broadcast %mul3A_61 : i32 to vector<16xi32>
        %parallel_loop3A_380 = arith.addi %parallel_loop3A_379, %parallel_loop3A_315 : vector<16xi32>
        %parallel_loop3A_381 = arith.sitofp %parallel_loop3A_380 : vector<16xi32> to vector<16xf32>
        tpu.vector_store_idx %arg11[%parallel_loop3A_378], %parallel_loop3A_381 masked %parallel_loop3A_375 : memref<8192xf32, #tpu.memory_space<vmem>>[vector<16xi32>], vector<16xf32>, vector<16xi1>
      } {sc.loop_unroll_factor = 4 : i64, sc.parallel_access}
      %convert_element_type3A_262 = arith.sitofp %mul3A_61 : i32 to f32
      %add3A_263 = vector.broadcast %convert_element_type3A_262 : f32 to vector<16xf32>
      %add3A_264 = arith.addf %broadcast_in_dim3A_1, %add3A_263 : vector<16xf32>
      %parallel_loop3A_265 = arith.constant 0 : i32
      %parallel_loop3A_266 = arith.constant 8192 : i32
      %parallel_loop3A_267 = arith.constant 16 : i32
      scf.for %parallel_loop3A_313 = %parallel_loop3A_265 to %parallel_loop3A_266 step %parallel_loop3A_267  : i32 {
        %parallel_loop3A_314 = arith.constant 0 : i32
        %parallel_loop3A_315 = vector.broadcast %parallel_loop3A_314 : i32 to vector<16xi32>
        %parallel_loop3A_316 = arith.muli %iota3A, %parallel_loop3A_315 : vector<16xi32>
        %parallel_loop3A_317 = arith.constant 16 : i32
        %parallel_loop3A_318 = arith.divsi %parallel_loop3A_313, %parallel_loop3A_317 : i32
        %parallel_loop3A_319 = arith.constant 0 : i32
        %parallel_loop3A_320 = arith.cmpi sgt, %parallel_loop3A_313, %parallel_loop3A_319 : i32
        %parallel_loop3A_321 = arith.extui %parallel_loop3A_320 : i1 to i32
        %parallel_loop3A_322 = arith.constant 0 : i32
        %parallel_loop3A_323 = arith.cmpi slt, %parallel_loop3A_313, %parallel_loop3A_322 : i32
        %parallel_loop3A_324 = arith.extui %parallel_loop3A_323 : i1 to i32
        %parallel_loop3A_325 = arith.subi %parallel_loop3A_321, %parallel_loop3A_324 : i32
        %parallel_loop3A_326 = arith.constant 0 : i32
        %parallel_loop3A_327 = arith.cmpi sgt, %parallel_loop3A_317, %parallel_loop3A_326 : i32
        %parallel_loop3A_328 = arith.extui %parallel_loop3A_327 : i1 to i32
        %parallel_loop3A_329 = arith.constant 0 : i32
        %parallel_loop3A_330 = arith.cmpi slt, %parallel_loop3A_317, %parallel_loop3A_329 : i32
        %parallel_loop3A_331 = arith.extui %parallel_loop3A_330 : i1 to i32
        %parallel_loop3A_332 = arith.subi %parallel_loop3A_328, %parallel_loop3A_331 : i32
        %parallel_loop3A_333 = arith.cmpi ne, %parallel_loop3A_325, %parallel_loop3A_332 : i32
        %parallel_loop3A_334 = arith.remsi %parallel_loop3A_313, %parallel_loop3A_317 : i32
        %parallel_loop3A_335 = arith.constant 0 : i32
        %parallel_loop3A_336 = arith.cmpi ne, %parallel_loop3A_334, %parallel_loop3A_335 : i32
        %parallel_loop3A_337 = arith.andi %parallel_loop3A_333, %parallel_loop3A_336 : i1
        %parallel_loop3A_338 = arith.constant 1 : i32
        %parallel_loop3A_339 = arith.subi %parallel_loop3A_318, %parallel_loop3A_338 : i32
        %parallel_loop3A_340 = arith.select %parallel_loop3A_337, %parallel_loop3A_339, %parallel_loop3A_318 : i32
        %parallel_loop3A_341 = vector.broadcast %parallel_loop3A_340 : i32 to vector<16xi32>
        %parallel_loop3A_342 = arith.addi %parallel_loop3A_316, %parallel_loop3A_341 : vector<16xi32>
        %parallel_loop3A_343 = arith.index_cast %parallel_loop3A_313 : i32 to index
        %parallel_loop3A_344 = tpu.vector_load %arg11[%parallel_loop3A_343] {strides = array<i32>} : memref<8192xf32, #tpu.memory_space<vmem>>, vector<16xf32>,
        %parallel_loop3A_345 = arith.constant true
        %parallel_loop3A_346 = vector.broadcast %parallel_loop3A_345 : i1 to vector<16xi1>
        %parallel_loop3A_347 = tpu.scan <max>, %parallel_loop3A_344 masked %parallel_loop3A_346 : vector<16xf32>, vector<16xi1> -> vector<16xf32>
        %parallel_loop3A_348 = arith.index_cast %parallel_loop3A_313 : i32 to index
        %parallel_loop3A_349 = tpu.vector_load %arg9[%parallel_loop3A_348] {strides = array<i32>} : memref<8192xf32, #tpu.memory_space<vmem>>, vector<16xf32>,
        tpu.vector_store %arg9[%parallel_loop3A_348], %parallel_loop3A_347 {strides = array<i32>} : memref<8192xf32, #tpu.memory_space<vmem>>, vector<16xf32>,
        %parallel_loop3A_350 = arith.constant true
        %parallel_loop3A_351 = vector.broadcast %parallel_loop3A_350 : i1 to vector<16xi1>
        %parallel_loop3A_352 = tpu.scan <max>, %parallel_loop3A_347 masked %parallel_loop3A_351 : vector<16xf32>, vector<16xi1> -> vector<16xf32>
        %parallel_loop3A_353 = vector.extract %parallel_loop3A_352[15] : f32 from vector<16xf32>
        %parallel_loop3A_354 = vector.broadcast %parallel_loop3A_353 : f32 to vector<16xf32>
        %parallel_loop3A_355 = arith.addf %broadcast_in_dim3A_1, %parallel_loop3A_354 : vector<16xf32>
        %parallel_loop3A_356 = arith.constant 0 : i32
        %parallel_loop3A_357 = vector.broadcast %parallel_loop3A_356 : i32 to vector<16xi32>
        %parallel_loop3A_358 = arith.cmpi eq, %iota3A, %parallel_loop3A_357 : vector<16xi32>
        tpu.vector_store_idx %arg14[%parallel_loop3A_342], %parallel_loop3A_355 masked %parallel_loop3A_358 : memref<512xf32, #tpu.memory_space<vmem>>[vector<16xi32>], vector<16xf32>, vector<16xi1>
      } {sc.loop_unroll_factor = 4 : i64, sc.parallel_access}
      %convert_element_type3A_268 = arith.sitofp %mul3A_61 : i32 to f32
      %scan3A = arith.constant 0 : i32
      %scan3A_269 = arith.constant 32 : i32
      %scan3A_270 = arith.addi %scan3A, %scan3A_269 : i32
      %scan3A_271 = arith.constant 1 : i32
      %scan3A_272 = scf.for %scan3A_313 = %scan3A to %scan3A_270 step %scan3A_271 iter_args(%scan3A_314 = %convert_element_type3A_268) -> (f32)  : i32 {
        %mul3A_315 = arith.constant 16 : i32
        %mul3A_316 = arith.muli %scan3A_313, %mul3A_315 : i32
        %get3A_317 = arith.index_cast %mul3A_316 : i32 to index
        %get3A_318 = tpu.vector_load %arg14[%get3A_317] {strides = array<i32>} : memref<512xf32, #tpu.memory_space<vmem>>, vector<16xf32>,
        %broadcast_in_dim3A_319 = arith.constant true
        %broadcast_in_dim3A_320 = vector.broadcast %broadcast_in_dim3A_319 : i1 to vector<16xi1>
        %masked_cummax3A = tpu.scan <max>, %get3A_318 masked %broadcast_in_dim3A_320 : vector<16xf32>, vector<16xi1> -> vector<16xf32>
        %max3A = vector.broadcast %scan3A_314 : f32 to vector<16xf32>
        %max3A_321 = arith.maximumf %masked_cummax3A, %max3A : vector<16xf32>
        %swap3A = arith.index_cast %mul3A_316 : i32 to index
        %swap3A_322 = tpu.vector_load %arg14[%swap3A] {strides = array<i32>} : memref<512xf32, #tpu.memory_space<vmem>>, vector<16xf32>,
        tpu.vector_store %arg14[%swap3A], %max3A_321 {strides = array<i32>} : memref<512xf32, #tpu.memory_space<vmem>>, vector<16xf32>,
        %reduce_max3A_323 = arith.constant true
        %reduce_max3A_324 = vector.broadcast %reduce_max3A_323 : i1 to vector<16xi1>
        %reduce_max3A_325 = tpu.scan <max>, %max3A_321 masked %reduce_max3A_324 : vector<16xf32>, vector<16xi1> -> vector<16xf32>
        %reduce_max3A_326 = vector.extract %reduce_max3A_325[15] : f32 from vector<16xf32>
        scf.yield %reduce_max3A_326 : f32
      }
      %scan3A_273 = arith.constant 32 : i32
      %parallel_loop3A_274 = arith.constant 0 : i32
      %parallel_loop3A_275 = arith.constant 8192 : i32
      %parallel_loop3A_276 = arith.constant 16 : i32
      scf.for %parallel_loop3A_313 = %parallel_loop3A_274 to %parallel_loop3A_275 step %parallel_loop3A_276  : i32 {
        %parallel_loop3A_314 = arith.constant 0 : i32
        %parallel_loop3A_315 = vector.broadcast %parallel_loop3A_314 : i32 to vector<16xi32>
        %parallel_loop3A_316 = arith.muli %iota3A, %parallel_loop3A_315 : vector<16xi32>
        %parallel_loop3A_317 = arith.constant 16 : i32
        %parallel_loop3A_318 = arith.divsi %parallel_loop3A_313, %parallel_loop3A_317 : i32
        %parallel_loop3A_319 = arith.constant 0 : i32
        %parallel_loop3A_320 = arith.cmpi sgt, %parallel_loop3A_313, %parallel_loop3A_319 : i32
        %parallel_loop3A_321 = arith.extui %parallel_loop3A_320 : i1 to i32
        %parallel_loop3A_322 = arith.constant 0 : i32
        %parallel_loop3A_323 = arith.cmpi slt, %parallel_loop3A_313, %parallel_loop3A_322 : i32
        %parallel_loop3A_324 = arith.extui %parallel_loop3A_323 : i1 to i32
        %parallel_loop3A_325 = arith.subi %parallel_loop3A_321, %parallel_loop3A_324 : i32
        %parallel_loop3A_326 = arith.constant 0 : i32
        %parallel_loop3A_327 = arith.cmpi sgt, %parallel_loop3A_317, %parallel_loop3A_326 : i32
        %parallel_loop3A_328 = arith.extui %parallel_loop3A_327 : i1 to i32
        %parallel_loop3A_329 = arith.constant 0 : i32
        %parallel_loop3A_330 = arith.cmpi slt, %parallel_loop3A_317, %parallel_loop3A_329 : i32
        %parallel_loop3A_331 = arith.extui %parallel_loop3A_330 : i1 to i32
        %parallel_loop3A_332 = arith.subi %parallel_loop3A_328, %parallel_loop3A_331 : i32
        %parallel_loop3A_333 = arith.cmpi ne, %parallel_loop3A_325, %parallel_loop3A_332 : i32
        %parallel_loop3A_334 = arith.remsi %parallel_loop3A_313, %parallel_loop3A_317 : i32
        %parallel_loop3A_335 = arith.constant 0 : i32
        %parallel_loop3A_336 = arith.cmpi ne, %parallel_loop3A_334, %parallel_loop3A_335 : i32
        %parallel_loop3A_337 = arith.andi %parallel_loop3A_333, %parallel_loop3A_336 : i1
        %parallel_loop3A_338 = arith.constant 1 : i32
        %parallel_loop3A_339 = arith.subi %parallel_loop3A_318, %parallel_loop3A_338 : i32
        %parallel_loop3A_340 = arith.select %parallel_loop3A_337, %parallel_loop3A_339, %parallel_loop3A_318 : i32
        %parallel_loop3A_341 = vector.broadcast %parallel_loop3A_340 : i32 to vector<16xi32>
        %parallel_loop3A_342 = arith.addi %parallel_loop3A_316, %parallel_loop3A_341 : vector<16xi32>
        %parallel_loop3A_343 = arith.index_cast %parallel_loop3A_313 : i32 to index
        %parallel_loop3A_344 = tpu.vector_load %arg9[%parallel_loop3A_343] {strides = array<i32>} : memref<8192xf32, #tpu.memory_space<vmem>>, vector<16xf32>,
        %parallel_loop3A_345 = arith.constant 1 : i32
        %parallel_loop3A_346 = vector.broadcast %parallel_loop3A_345 : i32 to vector<16xi32>
        %parallel_loop3A_347 = arith.subi %parallel_loop3A_342, %parallel_loop3A_346 : vector<16xi32>
        %parallel_loop3A_348 = arith.constant 0 : i32
        %parallel_loop3A_349 = vector.broadcast %parallel_loop3A_348 : i32 to vector<16xi32>
        %parallel_loop3A_350 = arith.maxsi %parallel_loop3A_347, %parallel_loop3A_349 : vector<16xi32>
        %parallel_loop3A_351 = tpu.vector_load_idx %arg14[%parallel_loop3A_350] : memref<512xf32, #tpu.memory_space<vmem>>[vector<16xi32>], vector<16xf32>,
        %parallel_loop3A_352 = arith.constant 0 : i32
        %parallel_loop3A_353 = vector.broadcast %parallel_loop3A_352 : i32 to vector<16xi32>
        %parallel_loop3A_354 = arith.cmpi eq, %parallel_loop3A_342, %parallel_loop3A_353 : vector<16xi32>
        %parallel_loop3A_355 = arith.select %parallel_loop3A_354, %add3A_264, %parallel_loop3A_351 : vector<16xi1>, vector<16xf32>
        %parallel_loop3A_356 = arith.maximumf %parallel_loop3A_344, %parallel_loop3A_355 : vector<16xf32>
        %parallel_loop3A_357 = arith.fptosi %parallel_loop3A_356 : vector<16xf32> to vector<16xi32>
        %parallel_loop3A_358 = vector.broadcast %mul3A_61 : i32 to vector<16xi32>
        %parallel_loop3A_359 = arith.subi %parallel_loop3A_357, %parallel_loop3A_358 : vector<16xi32>
        %parallel_loop3A_360 = arith.index_cast %parallel_loop3A_313 : i32 to index
        %parallel_loop3A_361 = tpu.vector_load %arg12[%parallel_loop3A_360] {strides = array<i32>} : memref<8192xi32, #tpu.memory_space<vmem>>, vector<16xi32>,
        tpu.vector_store %arg12[%parallel_loop3A_360], %parallel_loop3A_359 {strides = array<i32>} : memref<8192xi32, #tpu.memory_space<vmem>>, vector<16xi32>,
      } {sc.loop_unroll_factor = 4 : i64, sc.parallel_access}
      %dma_start3A = arith.constant 0 : i32
      %dma_start3A_277 = arith.constant 0 : i32
      %dma_start3A_278 = tpu.memref_slice %arg2[%add3A_59, %dma_start3A, %dma_start3A_277] : memref<128x64x8192xf32, #tpu.memory_space<hbm>> -> memref<1x2x8192xf32, #tpu.memory_space<hbm>>
      %dma_start3A_279 = tpu.memref_squeeze %dma_start3A_278 : memref<1x2x8192xf32, #tpu.memory_space<hbm>> -> memref<2x8192xf32, #tpu.memory_space<hbm>>
      %dma_start3A_280 = arith.constant 0 : i32
      %dma_start3A_281 = arith.constant 0 : i32
      %dma_start3A_282 = tpu.memref_slice %arg2[%add3A_59, %dma_start3A_280, %dma_start3A_281] : memref<128x64x8192xf32, #tpu.memory_space<hbm>> -> memref<1x2x8192xf32, #tpu.memory_space<hbm>>
      %dma_start3A_283 = tpu.memref_squeeze %dma_start3A_282 : memref<1x2x8192xf32, #tpu.memory_space<hbm>> -> memref<2x8192xf32, #tpu.memory_space<hbm>>
      tpu.enqueue_dma source(%dma_start3A_283 : memref<2x8192xf32, #tpu.memory_space<hbm>>) target(%arg15 : memref<2x8192xf32, #tpu.memory_space<vmem>>) target_semaphore(%arg19 : memref<!tpu.dma_semaphore, #tpu.memory_space<semaphore_mem>>)
      %dma_start3A_284 = arith.constant 2 : i32
      %dma_start3A_285 = arith.constant 0 : i32
      %dma_start3A_286 = tpu.memref_slice %arg2[%add3A_59, %dma_start3A_284, %dma_start3A_285] : memref<128x64x8192xf32, #tpu.memory_space<hbm>> -> memref<1x2x8192xf32, #tpu.memory_space<hbm>>
      %dma_start3A_287 = tpu.memref_squeeze %dma_start3A_286 : memref<1x2x8192xf32, #tpu.memory_space<hbm>> -> memref<2x8192xf32, #tpu.memory_space<hbm>>
      %dma_start3A_288 = arith.constant 2 : i32
      %dma_start3A_289 = arith.constant 0 : i32
      %dma_start3A_290 = tpu.memref_slice %arg2[%add3A_59, %dma_start3A_288, %dma_start3A_289] : memref<128x64x8192xf32, #tpu.memory_space<hbm>> -> memref<1x2x8192xf32, #tpu.memory_space<hbm>>
      %dma_start3A_291 = tpu.memref_squeeze %dma_start3A_290 : memref<1x2x8192xf32, #tpu.memory_space<hbm>> -> memref<2x8192xf32, #tpu.memory_space<hbm>>
      tpu.enqueue_dma source(%dma_start3A_291 : memref<2x8192xf32, #tpu.memory_space<hbm>>) target(%arg16 : memref<2x8192xf32, #tpu.memory_space<vmem>>) target_semaphore(%arg20 : memref<!tpu.dma_semaphore, #tpu.memory_space<semaphore_mem>>)
      %scan3A_292 = arith.constant 0 : i32
      %scan3A_293 = arith.constant 0 : i32
      %scan3A_294 = arith.constant 16 : i32
      %scan3A_295 = arith.addi %scan3A_293, %scan3A_294 : i32
      %scan3A_296 = arith.constant 1 : i32
      scf.for %scan3A_313 = %scan3A_293 to %scan3A_295 step %scan3A_296  : i32 {
        %mul3A_314 = arith.constant 2 : i32
        %mul3A_315 = arith.muli %mul3A_314, %scan3A_313 : i32
        %mul3A_316 = arith.constant 2 : i32
        %mul3A_317 = arith.muli %mul3A_315, %mul3A_316 : i32
        %dma_wait3A_318 = arith.constant 0 : i32
        %dma_wait3A_319 = arith.constant 0 : i32
        %dma_wait3A_320 = tpu.memref_slice %arg2[%add3A_59, %dma_wait3A_318, %dma_wait3A_319] : memref<128x64x8192xf32, #tpu.memory_space<hbm>> -> memref<1x2x8192xf32, #tpu.memory_space<hbm>>
        %dma_wait3A_321 = tpu.memref_squeeze %dma_wait3A_320 : memref<1x2x8192xf32, #tpu.memory_space<hbm>> -> memref<2x8192xf32, #tpu.memory_space<hbm>>
        %dma_wait3A_322 = arith.constant 0 : i32
        %dma_wait3A_323 = arith.constant 0 : i32
        %dma_wait3A_324 = tpu.memref_slice %arg2[%add3A_59, %dma_wait3A_322, %dma_wait3A_323] : memref<128x64x8192xf32, #tpu.memory_space<hbm>> -> memref<1x2x8192xf32, #tpu.memory_space<hbm>>
        %dma_wait3A_325 = tpu.memref_squeeze %dma_wait3A_324 : memref<1x2x8192xf32, #tpu.memory_space<hbm>> -> memref<2x8192xf32, #tpu.memory_space<hbm>>
        tpu.wait_dma2 semaphore(%arg19 : memref<!tpu.dma_semaphore, #tpu.memory_space<semaphore_mem>>) src(%dma_wait3A_325 : memref<2x8192xf32, #tpu.memory_space<hbm>>) dst(%arg15 : memref<2x8192xf32, #tpu.memory_space<vmem>>)
        %dma_wait3A_326 = arith.constant 0 : i32
        %dma_wait3A_327 = arith.constant 0 : i32
        %dma_wait3A_328 = tpu.memref_slice %arg2[%add3A_59, %dma_wait3A_326, %dma_wait3A_327] : memref<128x64x8192xf32, #tpu.memory_space<hbm>> -> memref<1x2x8192xf32, #tpu.memory_space<hbm>>
        %dma_wait3A_329 = tpu.memref_squeeze %dma_wait3A_328 : memref<1x2x8192xf32, #tpu.memory_space<hbm>> -> memref<2x8192xf32, #tpu.memory_space<hbm>>
        %dma_wait3A_330 = arith.constant 0 : i32
        %dma_wait3A_331 = arith.constant 0 : i32
        %dma_wait3A_332 = tpu.memref_slice %arg2[%add3A_59, %dma_wait3A_330, %dma_wait3A_331] : memref<128x64x8192xf32, #tpu.memory_space<hbm>> -> memref<1x2x8192xf32, #tpu.memory_space<hbm>>
        %dma_wait3A_333 = tpu.memref_squeeze %dma_wait3A_332 : memref<1x2x8192xf32, #tpu.memory_space<hbm>> -> memref<2x8192xf32, #tpu.memory_space<hbm>>
        tpu.wait_dma2 semaphore(%arg20 : memref<!tpu.dma_semaphore, #tpu.memory_space<semaphore_mem>>) src(%dma_wait3A_333 : memref<2x8192xf32, #tpu.memory_space<hbm>>) dst(%arg16 : memref<2x8192xf32, #tpu.memory_space<vmem>>)
        %gt3A = arith.constant 0 : i32
        %gt3A_334 = arith.cmpi sgt, %scan3A_313, %gt3A : i32
        %convert_element_type3A_335 = arith.extui %gt3A_334 : i1 to i32
        %cond3A_336 = arith.constant 0 : i32
        %cond3A_337 = arith.cmpi ne, %convert_element_type3A_335, %cond3A_336 : i32
        scf.if %cond3A_337 {
          %dma_wait3A_360 = arith.constant 0 : i32
          %dma_wait3A_361 = arith.constant 0 : i32
          %dma_wait3A_362 = tpu.memref_slice %arg6[%add3A_59, %dma_wait3A_360, %dma_wait3A_361] : memref<128x64x8192xf32, #tpu.memory_space<hbm>> -> memref<1x2x8192xf32, #tpu.memory_space<hbm>>
          %dma_wait3A_363 = tpu.memref_squeeze %dma_wait3A_362 : memref<1x2x8192xf32, #tpu.memory_space<hbm>> -> memref<2x8192xf32, #tpu.memory_space<hbm>>
          %dma_wait3A_364 = arith.constant 0 : i32
          %dma_wait3A_365 = arith.constant 0 : i32
          %dma_wait3A_366 = tpu.memref_slice %arg6[%add3A_59, %dma_wait3A_364, %dma_wait3A_365] : memref<128x64x8192xf32, #tpu.memory_space<hbm>> -> memref<1x2x8192xf32, #tpu.memory_space<hbm>>
          %dma_wait3A_367 = tpu.memref_squeeze %dma_wait3A_366 : memref<1x2x8192xf32, #tpu.memory_space<hbm>> -> memref<2x8192xf32, #tpu.memory_space<hbm>>
          tpu.wait_dma2 semaphore(%arg21 : memref<!tpu.dma_semaphore, #tpu.memory_space<semaphore_mem>>) src(%arg17 : memref<2x8192xf32, #tpu.memory_space<vmem>>) dst(%dma_wait3A_367 : memref<2x8192xf32, #tpu.memory_space<hbm>>)
          %dma_wait3A_368 = arith.constant 0 : i32
          %dma_wait3A_369 = arith.constant 0 : i32
          %dma_wait3A_370 = tpu.memref_slice %arg6[%add3A_59, %dma_wait3A_368, %dma_wait3A_369] : memref<128x64x8192xf32, #tpu.memory_space<hbm>> -> memref<1x2x8192xf32, #tpu.memory_space<hbm>>
          %dma_wait3A_371 = tpu.memref_squeeze %dma_wait3A_370 : memref<1x2x8192xf32, #tpu.memory_space<hbm>> -> memref<2x8192xf32, #tpu.memory_space<hbm>>
          %dma_wait3A_372 = arith.constant 0 : i32
          %dma_wait3A_373 = arith.constant 0 : i32
          %dma_wait3A_374 = tpu.memref_slice %arg6[%add3A_59, %dma_wait3A_372, %dma_wait3A_373] : memref<128x64x8192xf32, #tpu.memory_space<hbm>> -> memref<1x2x8192xf32, #tpu.memory_space<hbm>>
          %dma_wait3A_375 = tpu.memref_squeeze %dma_wait3A_374 : memref<1x2x8192xf32, #tpu.memory_space<hbm>> -> memref<2x8192xf32, #tpu.memory_space<hbm>>
          tpu.wait_dma2 semaphore(%arg22 : memref<!tpu.dma_semaphore, #tpu.memory_space<semaphore_mem>>) src(%arg18 : memref<2x8192xf32, #tpu.memory_space<vmem>>) dst(%dma_wait3A_375 : memref<2x8192xf32, #tpu.memory_space<hbm>>)
        } else {
        }
        %parallel_loop3A_338 = arith.constant 0 : i32
        %parallel_loop3A_339 = arith.constant 8192 : i32
        %parallel_loop3A_340 = arith.constant 16 : i32
        scf.for %parallel_loop3A_360 = %parallel_loop3A_338 to %parallel_loop3A_339 step %parallel_loop3A_340  : i32 {
          %parallel_loop3A_361 = arith.index_cast %parallel_loop3A_360 : i32 to index
          %parallel_loop3A_362 = tpu.vector_load %arg12[%parallel_loop3A_361] {strides = array<i32>} : memref<8192xi32, #tpu.memory_space<vmem>>, vector<16xi32>,
          %parallel_loop3A_363 = arith.constant 0 : i32
          %parallel_loop3A_364 = vector.broadcast %parallel_loop3A_363 : i32 to vector<16xi32>
          %parallel_loop3A_365 = tpu.vector_load_idx %arg15[%parallel_loop3A_364, %parallel_loop3A_362] : memref<2x8192xf32, #tpu.memory_space<vmem>>[vector<16xi32>, vector<16xi32>], vector<16xf32>,
          %parallel_loop3A_366 = arith.constant 0 : i32
          %parallel_loop3A_367 = arith.index_cast %parallel_loop3A_366 : i32 to index
          %parallel_loop3A_368 = arith.index_cast %parallel_loop3A_360 : i32 to index
          %parallel_loop3A_369 = tpu.vector_load %arg17[%parallel_loop3A_367, %parallel_loop3A_368] {strides = array<i32>} : memref<2x8192xf32, #tpu.memory_space<vmem>>, vector<16xf32>,
          tpu.vector_store %arg17[%parallel_loop3A_367, %parallel_loop3A_368], %parallel_loop3A_365 {strides = array<i32>} : memref<2x8192xf32, #tpu.memory_space<vmem>>, vector<16xf32>,
          %parallel_loop3A_370 = tpu.vector_load_idx %arg16[%parallel_loop3A_364, %parallel_loop3A_362] : memref<2x8192xf32, #tpu.memory_space<vmem>>[vector<16xi32>, vector<16xi32>], vector<16xf32>,
          %parallel_loop3A_371 = arith.constant 0 : i32
          %parallel_loop3A_372 = arith.index_cast %parallel_loop3A_371 : i32 to index
          %parallel_loop3A_373 = arith.index_cast %parallel_loop3A_360 : i32 to index
          %parallel_loop3A_374 = tpu.vector_load %arg18[%parallel_loop3A_372, %parallel_loop3A_373] {strides = array<i32>} : memref<2x8192xf32, #tpu.memory_space<vmem>>, vector<16xf32>,
          tpu.vector_store %arg18[%parallel_loop3A_372, %parallel_loop3A_373], %parallel_loop3A_370 {strides = array<i32>} : memref<2x8192xf32, #tpu.memory_space<vmem>>, vector<16xf32>,
          %parallel_loop3A_375 = arith.constant 1 : i32
          %parallel_loop3A_376 = vector.broadcast %parallel_loop3A_375 : i32 to vector<16xi32>
          %parallel_loop3A_377 = tpu.vector_load_idx %arg15[%parallel_loop3A_376, %parallel_loop3A_362] : memref<2x8192xf32, #tpu.memory_space<vmem>>[vector<16xi32>, vector<16xi32>], vector<16xf32>,
          %parallel_loop3A_378 = arith.constant 1 : i32
          %parallel_loop3A_379 = arith.index_cast %parallel_loop3A_378 : i32 to index
          %parallel_loop3A_380 = arith.index_cast %parallel_loop3A_360 : i32 to index
          %parallel_loop3A_381 = tpu.vector_load %arg17[%parallel_loop3A_379, %parallel_loop3A_380] {strides = array<i32>} : memref<2x8192xf32, #tpu.memory_space<vmem>>, vector<16xf32>,
          tpu.vector_store %arg17[%parallel_loop3A_379, %parallel_loop3A_380], %parallel_loop3A_377 {strides = array<i32>} : memref<2x8192xf32, #tpu.memory_space<vmem>>, vector<16xf32>,
          %parallel_loop3A_382 = tpu.vector_load_idx %arg16[%parallel_loop3A_376, %parallel_loop3A_362] : memref<2x8192xf32, #tpu.memory_space<vmem>>[vector<16xi32>, vector<16xi32>], vector<16xf32>,
          %parallel_loop3A_383 = arith.constant 1 : i32
          %parallel_loop3A_384 = arith.index_cast %parallel_loop3A_383 : i32 to index
          %parallel_loop3A_385 = arith.index_cast %parallel_loop3A_360 : i32 to index
          %parallel_loop3A_386 = tpu.vector_load %arg18[%parallel_loop3A_384, %parallel_loop3A_385] {strides = array<i32>} : memref<2x8192xf32, #tpu.memory_space<vmem>>, vector<16xf32>,
          tpu.vector_store %arg18[%parallel_loop3A_384, %parallel_loop3A_385], %parallel_loop3A_382 {strides = array<i32>} : memref<2x8192xf32, #tpu.memory_space<vmem>>, vector<16xf32>,
        } {sc.loop_unroll_factor = 4 : i64, sc.parallel_access}
        %dma_start3A_341 = arith.constant 0 : i32
        %dma_start3A_342 = tpu.memref_slice %arg6[%add3A_59, %mul3A_317, %dma_start3A_341] : memref<128x64x8192xf32, #tpu.memory_space<hbm>> -> memref<1x2x8192xf32, #tpu.memory_space<hbm>>
        %dma_start3A_343 = tpu.memref_squeeze %dma_start3A_342 : memref<1x2x8192xf32, #tpu.memory_space<hbm>> -> memref<2x8192xf32, #tpu.memory_space<hbm>>
        %dma_start3A_344 = arith.constant 0 : i32
        %dma_start3A_345 = tpu.memref_slice %arg6[%add3A_59, %mul3A_317, %dma_start3A_344] : memref<128x64x8192xf32, #tpu.memory_space<hbm>> -> memref<1x2x8192xf32, #tpu.memory_space<hbm>>
        %dma_start3A_346 = tpu.memref_squeeze %dma_start3A_345 : memref<1x2x8192xf32, #tpu.memory_space<hbm>> -> memref<2x8192xf32, #tpu.memory_space<hbm>>
        tpu.enqueue_dma source(%arg17 : memref<2x8192xf32, #tpu.memory_space<vmem>>) target(%dma_start3A_346 : memref<2x8192xf32, #tpu.memory_space<hbm>>) target_semaphore(%arg21 : memref<!tpu.dma_semaphore, #tpu.memory_space<semaphore_mem>>)
        %add3A_347 = arith.constant 2 : i32
        %add3A_348 = arith.addi %mul3A_317, %add3A_347 : i32
        %dma_start3A_349 = arith.constant 0 : i32
        %dma_start3A_350 = tpu.memref_slice %arg6[%add3A_59, %add3A_348, %dma_start3A_349] : memref<128x64x8192xf32, #tpu.memory_space<hbm>> -> memref<1x2x8192xf32, #tpu.memory_space<hbm>>
        %dma_start3A_351 = tpu.memref_squeeze %dma_start3A_350 : memref<1x2x8192xf32, #tpu.memory_space<hbm>> -> memref<2x8192xf32, #tpu.memory_space<hbm>>
        %dma_start3A_352 = arith.constant 0 : i32
        %dma_start3A_353 = tpu.memref_slice %arg6[%add3A_59, %add3A_348, %dma_start3A_352] : memref<128x64x8192xf32, #tpu.memory_space<hbm>> -> memref<1x2x8192xf32, #tpu.memory_space<hbm>>
        %dma_start3A_354 = tpu.memref_squeeze %dma_start3A_353 : memref<1x2x8192xf32, #tpu.memory_space<hbm>> -> memref<2x8192xf32, #tpu.memory_space<hbm>>
        tpu.enqueue_dma source(%arg18 : memref<2x8192xf32, #tpu.memory_space<vmem>>) target(%dma_start3A_354 : memref<2x8192xf32, #tpu.memory_space<hbm>>) target_semaphore(%arg22 : memref<!tpu.dma_semaphore, #tpu.memory_space<semaphore_mem>>)
        %lt3A_355 = arith.constant 15 : i32
        %lt3A_356 = arith.cmpi slt, %scan3A_313, %lt3A_355 : i32
        %convert_element_type3A_357 = arith.extui %lt3A_356 : i1 to i32
        %cond3A_358 = arith.constant 0 : i32
        %cond3A_359 = arith.cmpi ne, %convert_element_type3A_357, %cond3A_358 : i32
        scf.if %cond3A_359 {
          %add3A_360 = arith.constant 4 : i32
          %add3A_361 = arith.addi %mul3A_317, %add3A_360 : i32
          %dma_start3A_362 = arith.constant 0 : i32
          %dma_start3A_363 = tpu.memref_slice %arg2[%add3A_59, %add3A_361, %dma_start3A_362] : memref<128x64x8192xf32, #tpu.memory_space<hbm>> -> memref<1x2x8192xf32, #tpu.memory_space<hbm>>
          %dma_start3A_364 = tpu.memref_squeeze %dma_start3A_363 : memref<1x2x8192xf32, #tpu.memory_space<hbm>> -> memref<2x8192xf32, #tpu.memory_space<hbm>>
          %dma_start3A_365 = arith.constant 0 : i32
          %dma_start3A_366 = tpu.memref_slice %arg2[%add3A_59, %add3A_361, %dma_start3A_365] : memref<128x64x8192xf32, #tpu.memory_space<hbm>> -> memref<1x2x8192xf32, #tpu.memory_space<hbm>>
          %dma_start3A_367 = tpu.memref_squeeze %dma_start3A_366 : memref<1x2x8192xf32, #tpu.memory_space<hbm>> -> memref<2x8192xf32, #tpu.memory_space<hbm>>
          tpu.enqueue_dma source(%dma_start3A_367 : memref<2x8192xf32, #tpu.memory_space<hbm>>) target(%arg15 : memref<2x8192xf32, #tpu.memory_space<vmem>>) target_semaphore(%arg19 : memref<!tpu.dma_semaphore, #tpu.memory_space<semaphore_mem>>)
          %add3A_368 = arith.constant 6 : i32
          %add3A_369 = arith.addi %mul3A_317, %add3A_368 : i32
          %dma_start3A_370 = arith.constant 0 : i32
          %dma_start3A_371 = tpu.memref_slice %arg2[%add3A_59, %add3A_369, %dma_start3A_370] : memref<128x64x8192xf32, #tpu.memory_space<hbm>> -> memref<1x2x8192xf32, #tpu.memory_space<hbm>>
          %dma_start3A_372 = tpu.memref_squeeze %dma_start3A_371 : memref<1x2x8192xf32, #tpu.memory_space<hbm>> -> memref<2x8192xf32, #tpu.memory_space<hbm>>
          %dma_start3A_373 = arith.constant 0 : i32
          %dma_start3A_374 = tpu.memref_slice %arg2[%add3A_59, %add3A_369, %dma_start3A_373] : memref<128x64x8192xf32, #tpu.memory_space<hbm>> -> memref<1x2x8192xf32, #tpu.memory_space<hbm>>
          %dma_start3A_375 = tpu.memref_squeeze %dma_start3A_374 : memref<1x2x8192xf32, #tpu.memory_space<hbm>> -> memref<2x8192xf32, #tpu.memory_space<hbm>>
          tpu.enqueue_dma source(%dma_start3A_375 : memref<2x8192xf32, #tpu.memory_space<hbm>>) target(%arg16 : memref<2x8192xf32, #tpu.memory_space<vmem>>) target_semaphore(%arg20 : memref<!tpu.dma_semaphore, #tpu.memory_space<semaphore_mem>>)
        } else {
        }
      }
      %scan3A_297 = arith.constant 16 : i32
      %dma_wait3A = arith.constant 0 : i32
      %dma_wait3A_298 = arith.constant 0 : i32
      %dma_wait3A_299 = tpu.memref_slice %arg6[%add3A_59, %dma_wait3A, %dma_wait3A_298] : memref<128x64x8192xf32, #tpu.memory_space<hbm>> -> memref<1x2x8192xf32, #tpu.memory_space<hbm>>
      %dma_wait3A_300 = tpu.memref_squeeze %dma_wait3A_299 : memref<1x2x8192xf32, #tpu.memory_space<hbm>> -> memref<2x8192xf32, #tpu.memory_space<hbm>>
      %dma_wait3A_301 = arith.constant 0 : i32
      %dma_wait3A_302 = arith.constant 0 : i32
      %dma_wait3A_303 = tpu.memref_slice %arg6[%add3A_59, %dma_wait3A_301, %dma_wait3A_302] : memref<128x64x8192xf32, #tpu.memory_space<hbm>> -> memref<1x2x8192xf32, #tpu.memory_space<hbm>>
      %dma_wait3A_304 = tpu.memref_squeeze %dma_wait3A_303 : memref<1x2x8192xf32, #tpu.memory_space<hbm>> -> memref<2x8192xf32, #tpu.memory_space<hbm>>
      tpu.wait_dma2 semaphore(%arg21 : memref<!tpu.dma_semaphore, #tpu.memory_space<semaphore_mem>>) src(%arg17 : memref<2x8192xf32, #tpu.memory_space<vmem>>) dst(%dma_wait3A_304 : memref<2x8192xf32, #tpu.memory_space<hbm>>)
      %dma_wait3A_305 = arith.constant 0 : i32
      %dma_wait3A_306 = arith.constant 0 : i32
      %dma_wait3A_307 = tpu.memref_slice %arg6[%add3A_59, %dma_wait3A_305, %dma_wait3A_306] : memref<128x64x8192xf32, #tpu.memory_space<hbm>> -> memref<1x2x8192xf32, #tpu.memory_space<hbm>>
      %dma_wait3A_308 = tpu.memref_squeeze %dma_wait3A_307 : memref<1x2x8192xf32, #tpu.memory_space<hbm>> -> memref<2x8192xf32, #tpu.memory_space<hbm>>
      %dma_wait3A_309 = arith.constant 0 : i32
      %dma_wait3A_310 = arith.constant 0 : i32
      %dma_wait3A_311 = tpu.memref_slice %arg6[%add3A_59, %dma_wait3A_309, %dma_wait3A_310] : memref<128x64x8192xf32, #tpu.memory_space<hbm>> -> memref<1x2x8192xf32, #tpu.memory_space<hbm>>
      %dma_wait3A_312 = tpu.memref_squeeze %dma_wait3A_311 : memref<1x2x8192xf32, #tpu.memory_space<hbm>> -> memref<2x8192xf32, #tpu.memory_space<hbm>>
      tpu.wait_dma2 semaphore(%arg22 : memref<!tpu.dma_semaphore, #tpu.memory_space<semaphore_mem>>) src(%arg18 : memref<2x8192xf32, #tpu.memory_space<vmem>>) dst(%dma_wait3A_312 : memref<2x8192xf32, #tpu.memory_space<hbm>>)
    } else {
    }
    %not3A_120 = arith.constant true
    %not3A_121 = arith.xori %ne3A_116, %not3A_120 : i1
    %convert_element_type3A_122 = arith.extui %not3A_121 : i1 to i32
    %cond3A_123 = arith.constant 0 : i32
    %cond3A_124 = arith.cmpi ne, %convert_element_type3A_122, %cond3A_123 : i32
    scf.if %cond3A_124 {
      "tpu.region"() ({
        %run_scoped3A = tpu.sem_alloc : memref<!tpu.dma_semaphore, #tpu.memory_space<semaphore_mem>>
        %dma_start3A_279 = arith.constant 0 : i32
        %dma_start3A_280 = tpu.memref_slice %arg4[%add3A_59, %dma_start3A_279] : memref<128x8192xf32, #tpu.memory_space<hbm>> -> memref<1x8192xf32, #tpu.memory_space<hbm>>
        %dma_start3A_281 = tpu.memref_squeeze %dma_start3A_280 : memref<1x8192xf32, #tpu.memory_space<hbm>> -> memref<8192xf32, #tpu.memory_space<hbm>>
        %dma_start3A_282 = arith.constant 0 : i32
        %dma_start3A_283 = tpu.memref_slice %arg4[%add3A_59, %dma_start3A_282] : memref<128x8192xf32, #tpu.memory_space<hbm>> -> memref<1x8192xf32, #tpu.memory_space<hbm>>
        %dma_start3A_284 = tpu.memref_squeeze %dma_start3A_283 : memref<1x8192xf32, #tpu.memory_space<hbm>> -> memref<8192xf32, #tpu.memory_space<hbm>>
        tpu.enqueue_dma source(%dma_start3A_284 : memref<8192xf32, #tpu.memory_space<hbm>>) target(%arg9 : memref<8192xf32, #tpu.memory_space<vmem>>) target_semaphore(%run_scoped3A : memref<!tpu.dma_semaphore, #tpu.memory_space<semaphore_mem>>)
        %dma_wait3A = arith.constant 0 : i32
        %dma_wait3A_285 = tpu.memref_slice %arg4[%add3A_59, %dma_wait3A] : memref<128x8192xf32, #tpu.memory_space<hbm>> -> memref<1x8192xf32, #tpu.memory_space<hbm>>
        %dma_wait3A_286 = tpu.memref_squeeze %dma_wait3A_285 : memref<1x8192xf32, #tpu.memory_space<hbm>> -> memref<8192xf32, #tpu.memory_space<hbm>>
        %dma_wait3A_287 = arith.constant 0 : i32
        %dma_wait3A_288 = tpu.memref_slice %arg4[%add3A_59, %dma_wait3A_287] : memref<128x8192xf32, #tpu.memory_space<hbm>> -> memref<1x8192xf32, #tpu.memory_space<hbm>>
        %dma_wait3A_289 = tpu.memref_squeeze %dma_wait3A_288 : memref<1x8192xf32, #tpu.memory_space<hbm>> -> memref<8192xf32, #tpu.memory_space<hbm>>
        tpu.wait_dma2 semaphore(%run_scoped3A : memref<!tpu.dma_semaphore, #tpu.memory_space<semaphore_mem>>) src(%dma_wait3A_289 : memref<8192xf32, #tpu.memory_space<hbm>>) dst(%arg9 : memref<8192xf32, #tpu.memory_space<vmem>>)
        tpu.yield
      }) : () -> ()
      "tpu.region"() ({
        %run_scoped3A = tpu.sem_alloc : memref<!tpu.dma_semaphore, #tpu.memory_space<semaphore_mem>>
        %dma_start3A_279 = arith.constant 0 : i32
        %dma_start3A_280 = tpu.memref_slice %arg7[%add3A_59, %dma_start3A_279] : memref<128x8192xf32, #tpu.memory_space<hbm>> -> memref<1x8192xf32, #tpu.memory_space<hbm>>
        %dma_start3A_281 = tpu.memref_squeeze %dma_start3A_280 : memref<1x8192xf32, #tpu.memory_space<hbm>> -> memref<8192xf32, #tpu.memory_space<hbm>>
        %dma_start3A_282 = arith.constant 0 : i32
        %dma_start3A_283 = tpu.memref_slice %arg7[%add3A_59, %dma_start3A_282] : memref<128x8192xf32, #tpu.memory_space<hbm>> -> memref<1x8192xf32, #tpu.memory_space<hbm>>
        %dma_start3A_284 = tpu.memref_squeeze %dma_start3A_283 : memref<1x8192xf32, #tpu.memory_space<hbm>> -> memref<8192xf32, #tpu.memory_space<hbm>>
        tpu.enqueue_dma source(%arg9 : memref<8192xf32, #tpu.memory_space<vmem>>) target(%dma_start3A_284 : memref<8192xf32, #tpu.memory_space<hbm>>) target_semaphore(%run_scoped3A : memref<!tpu.dma_semaphore, #tpu.memory_space<semaphore_mem>>)
        %dma_wait3A = arith.constant 0 : i32
        %dma_wait3A_285 = tpu.memref_slice %arg7[%add3A_59, %dma_wait3A] : memref<128x8192xf32, #tpu.memory_space<hbm>> -> memref<1x8192xf32, #tpu.memory_space<hbm>>
        %dma_wait3A_286 = tpu.memref_squeeze %dma_wait3A_285 : memref<1x8192xf32, #tpu.memory_space<hbm>> -> memref<8192xf32, #tpu.memory_space<hbm>>
        %dma_wait3A_287 = arith.constant 0 : i32
        %dma_wait3A_288 = tpu.memref_slice %arg7[%add3A_59, %dma_wait3A_287] : memref<128x8192xf32, #tpu.memory_space<hbm>> -> memref<1x8192xf32, #tpu.memory_space<hbm>>
        %dma_wait3A_289 = tpu.memref_squeeze %dma_wait3A_288 : memref<1x8192xf32, #tpu.memory_space<hbm>> -> memref<8192xf32, #tpu.memory_space<hbm>>
        tpu.wait_dma2 semaphore(%run_scoped3A : memref<!tpu.dma_semaphore, #tpu.memory_space<semaphore_mem>>) src(%arg9 : memref<8192xf32, #tpu.memory_space<vmem>>) dst(%dma_wait3A_289 : memref<8192xf32, #tpu.memory_space<hbm>>)
        tpu.yield
      }) : () -> ()
      %dma_start3A = arith.constant 0 : i32
      %dma_start3A_259 = arith.constant 0 : i32
      %dma_start3A_260 = tpu.memref_slice %arg2[%add3A_59, %dma_start3A, %dma_start3A_259] : memref<128x64x8192xf32, #tpu.memory_space<hbm>> -> memref<1x2x8192xf32, #tpu.memory_space<hbm>>
      %dma_start3A_261 = tpu.memref_squeeze %dma_start3A_260 : memref<1x2x8192xf32, #tpu.memory_space<hbm>> -> memref<2x8192xf32, #tpu.memory_space<hbm>>
      %dma_start3A_262 = arith.constant 0 : i32
      %dma_start3A_263 = arith.constant 0 : i32
      %dma_start3A_264 = tpu.memref_slice %arg2[%add3A_59, %dma_start3A_262, %dma_start3A_263] : memref<128x64x8192xf32, #tpu.memory_space<hbm>> -> memref<1x2x8192xf32, #tpu.memory_space<hbm>>
      %dma_start3A_265 = tpu.memref_squeeze %dma_start3A_264 : memref<1x2x8192xf32, #tpu.memory_space<hbm>> -> memref<2x8192xf32, #tpu.memory_space<hbm>>
      tpu.enqueue_dma source(%dma_start3A_265 : memref<2x8192xf32, #tpu.memory_space<hbm>>) target(%arg15 : memref<2x8192xf32, #tpu.memory_space<vmem>>) target_semaphore(%arg19 : memref<!tpu.dma_semaphore, #tpu.memory_space<semaphore_mem>>)
      %dma_start3A_266 = arith.constant 2 : i32
      %dma_start3A_267 = arith.constant 0 : i32
      %dma_start3A_268 = tpu.memref_slice %arg2[%add3A_59, %dma_start3A_266, %dma_start3A_267] : memref<128x64x8192xf32, #tpu.memory_space<hbm>> -> memref<1x2x8192xf32, #tpu.memory_space<hbm>>
      %dma_start3A_269 = tpu.memref_squeeze %dma_start3A_268 : memref<1x2x8192xf32, #tpu.memory_space<hbm>> -> memref<2x8192xf32, #tpu.memory_space<hbm>>
      %dma_start3A_270 = arith.constant 2 : i32
      %dma_start3A_271 = arith.constant 0 : i32
      %dma_start3A_272 = tpu.memref_slice %arg2[%add3A_59, %dma_start3A_270, %dma_start3A_271] : memref<128x64x8192xf32, #tpu.memory_space<hbm>> -> memref<1x2x8192xf32, #tpu.memory_space<hbm>>
      %dma_start3A_273 = tpu.memref_squeeze %dma_start3A_272 : memref<1x2x8192xf32, #tpu.memory_space<hbm>> -> memref<2x8192xf32, #tpu.memory_space<hbm>>
      tpu.enqueue_dma source(%dma_start3A_273 : memref<2x8192xf32, #tpu.memory_space<hbm>>) target(%arg16 : memref<2x8192xf32, #tpu.memory_space<vmem>>) target_semaphore(%arg20 : memref<!tpu.dma_semaphore, #tpu.memory_space<semaphore_mem>>)
      %scan3A = arith.constant 0 : i32
      %scan3A_274 = arith.constant 0 : i32
      %scan3A_275 = arith.constant 16 : i32
      %scan3A_276 = arith.addi %scan3A_274, %scan3A_275 : i32
      %scan3A_277 = arith.constant 1 : i32
      scf.for %scan3A_279 = %scan3A_274 to %scan3A_276 step %scan3A_277  : i32 {
        %mul3A_280 = arith.constant 2 : i32
        %mul3A_281 = arith.muli %mul3A_280, %scan3A_279 : i32
        %mul3A_282 = arith.constant 2 : i32
        %mul3A_283 = arith.muli %mul3A_281, %mul3A_282 : i32
        %dma_wait3A = arith.constant 0 : i32
        %dma_wait3A_284 = arith.constant 0 : i32
        %dma_wait3A_285 = tpu.memref_slice %arg2[%add3A_59, %dma_wait3A, %dma_wait3A_284] : memref<128x64x8192xf32, #tpu.memory_space<hbm>> -> memref<1x2x8192xf32, #tpu.memory_space<hbm>>
        %dma_wait3A_286 = tpu.memref_squeeze %dma_wait3A_285 : memref<1x2x8192xf32, #tpu.memory_space<hbm>> -> memref<2x8192xf32, #tpu.memory_space<hbm>>
        %dma_wait3A_287 = arith.constant 0 : i32
        %dma_wait3A_288 = arith.constant 0 : i32
        %dma_wait3A_289 = tpu.memref_slice %arg2[%add3A_59, %dma_wait3A_287, %dma_wait3A_288] : memref<128x64x8192xf32, #tpu.memory_space<hbm>> -> memref<1x2x8192xf32, #tpu.memory_space<hbm>>
        %dma_wait3A_290 = tpu.memref_squeeze %dma_wait3A_289 : memref<1x2x8192xf32, #tpu.memory_space<hbm>> -> memref<2x8192xf32, #tpu.memory_space<hbm>>
        tpu.wait_dma2 semaphore(%arg19 : memref<!tpu.dma_semaphore, #tpu.memory_space<semaphore_mem>>) src(%dma_wait3A_290 : memref<2x8192xf32, #tpu.memory_space<hbm>>) dst(%arg15 : memref<2x8192xf32, #tpu.memory_space<vmem>>)
        %dma_wait3A_291 = arith.constant 0 : i32
        %dma_wait3A_292 = arith.constant 0 : i32
        %dma_wait3A_293 = tpu.memref_slice %arg2[%add3A_59, %dma_wait3A_291, %dma_wait3A_292] : memref<128x64x8192xf32, #tpu.memory_space<hbm>> -> memref<1x2x8192xf32, #tpu.memory_space<hbm>>
        %dma_wait3A_294 = tpu.memref_squeeze %dma_wait3A_293 : memref<1x2x8192xf32, #tpu.memory_space<hbm>> -> memref<2x8192xf32, #tpu.memory_space<hbm>>
        %dma_wait3A_295 = arith.constant 0 : i32
        %dma_wait3A_296 = arith.constant 0 : i32
        %dma_wait3A_297 = tpu.memref_slice %arg2[%add3A_59, %dma_wait3A_295, %dma_wait3A_296] : memref<128x64x8192xf32, #tpu.memory_space<hbm>> -> memref<1x2x8192xf32, #tpu.memory_space<hbm>>
        %dma_wait3A_298 = tpu.memref_squeeze %dma_wait3A_297 : memref<1x2x8192xf32, #tpu.memory_space<hbm>> -> memref<2x8192xf32, #tpu.memory_space<hbm>>
        tpu.wait_dma2 semaphore(%arg20 : memref<!tpu.dma_semaphore, #tpu.memory_space<semaphore_mem>>) src(%dma_wait3A_298 : memref<2x8192xf32, #tpu.memory_space<hbm>>) dst(%arg16 : memref<2x8192xf32, #tpu.memory_space<vmem>>)
        %dma_start3A_299 = arith.constant 0 : i32
        %dma_start3A_300 = tpu.memref_slice %arg6[%add3A_59, %mul3A_283, %dma_start3A_299] : memref<128x64x8192xf32, #tpu.memory_space<hbm>> -> memref<1x2x8192xf32, #tpu.memory_space<hbm>>
        %dma_start3A_301 = tpu.memref_squeeze %dma_start3A_300 : memref<1x2x8192xf32, #tpu.memory_space<hbm>> -> memref<2x8192xf32, #tpu.memory_space<hbm>>
        %dma_start3A_302 = arith.constant 0 : i32
        %dma_start3A_303 = tpu.memref_slice %arg6[%add3A_59, %mul3A_283, %dma_start3A_302] : memref<128x64x8192xf32, #tpu.memory_space<hbm>> -> memref<1x2x8192xf32, #tpu.memory_space<hbm>>
        %dma_start3A_304 = tpu.memref_squeeze %dma_start3A_303 : memref<1x2x8192xf32, #tpu.memory_space<hbm>> -> memref<2x8192xf32, #tpu.memory_space<hbm>>
        tpu.enqueue_dma source(%arg15 : memref<2x8192xf32, #tpu.memory_space<vmem>>) target(%dma_start3A_304 : memref<2x8192xf32, #tpu.memory_space<hbm>>) target_semaphore(%arg21 : memref<!tpu.dma_semaphore, #tpu.memory_space<semaphore_mem>>)
        %add3A_305 = arith.constant 2 : i32
        %add3A_306 = arith.addi %mul3A_283, %add3A_305 : i32
        %dma_start3A_307 = arith.constant 0 : i32
        %dma_start3A_308 = tpu.memref_slice %arg6[%add3A_59, %add3A_306, %dma_start3A_307] : memref<128x64x8192xf32, #tpu.memory_space<hbm>> -> memref<1x2x8192xf32, #tpu.memory_space<hbm>>
        %dma_start3A_309 = tpu.memref_squeeze %dma_start3A_308 : memref<1x2x8192xf32, #tpu.memory_space<hbm>> -> memref<2x8192xf32, #tpu.memory_space<hbm>>
        %dma_start3A_310 = arith.constant 0 : i32
        %dma_start3A_311 = tpu.memref_slice %arg6[%add3A_59, %add3A_306, %dma_start3A_310] : memref<128x64x8192xf32, #tpu.memory_space<hbm>> -> memref<1x2x8192xf32, #tpu.memory_space<hbm>>
        %dma_start3A_312 = tpu.memref_squeeze %dma_start3A_311 : memref<1x2x8192xf32, #tpu.memory_space<hbm>> -> memref<2x8192xf32, #tpu.memory_space<hbm>>
        tpu.enqueue_dma source(%arg16 : memref<2x8192xf32, #tpu.memory_space<vmem>>) target(%dma_start3A_312 : memref<2x8192xf32, #tpu.memory_space<hbm>>) target_semaphore(%arg22 : memref<!tpu.dma_semaphore, #tpu.memory_space<semaphore_mem>>)
        %dma_wait3A_313 = arith.constant 0 : i32
        %dma_wait3A_314 = arith.constant 0 : i32
        %dma_wait3A_315 = tpu.memref_slice %arg6[%add3A_59, %dma_wait3A_313, %dma_wait3A_314] : memref<128x64x8192xf32, #tpu.memory_space<hbm>> -> memref<1x2x8192xf32, #tpu.memory_space<hbm>>
        %dma_wait3A_316 = tpu.memref_squeeze %dma_wait3A_315 : memref<1x2x8192xf32, #tpu.memory_space<hbm>> -> memref<2x8192xf32, #tpu.memory_space<hbm>>
        %dma_wait3A_317 = arith.constant 0 : i32
        %dma_wait3A_318 = arith.constant 0 : i32
        %dma_wait3A_319 = tpu.memref_slice %arg6[%add3A_59, %dma_wait3A_317, %dma_wait3A_318] : memref<128x64x8192xf32, #tpu.memory_space<hbm>> -> memref<1x2x8192xf32, #tpu.memory_space<hbm>>
        %dma_wait3A_320 = tpu.memref_squeeze %dma_wait3A_319 : memref<1x2x8192xf32, #tpu.memory_space<hbm>> -> memref<2x8192xf32, #tpu.memory_space<hbm>>
        tpu.wait_dma2 semaphore(%arg21 : memref<!tpu.dma_semaphore, #tpu.memory_space<semaphore_mem>>) src(%arg15 : memref<2x8192xf32, #tpu.memory_space<vmem>>) dst(%dma_wait3A_320 : memref<2x8192xf32, #tpu.memory_space<hbm>>)
        %dma_wait3A_321 = arith.constant 0 : i32
        %dma_wait3A_322 = arith.constant 0 : i32
        %dma_wait3A_323 = tpu.memref_slice %arg6[%add3A_59, %dma_wait3A_321, %dma_wait3A_322] : memref<128x64x8192xf32, #tpu.memory_space<hbm>> -> memref<1x2x8192xf32, #tpu.memory_space<hbm>>
        %dma_wait3A_324 = tpu.memref_squeeze %dma_wait3A_323 : memref<1x2x8192xf32, #tpu.memory_space<hbm>> -> memref<2x8192xf32, #tpu.memory_space<hbm>>
        %dma_wait3A_325 = arith.constant 0 : i32
        %dma_wait3A_326 = arith.constant 0 : i32
        %dma_wait3A_327 = tpu.memref_slice %arg6[%add3A_59, %dma_wait3A_325, %dma_wait3A_326] : memref<128x64x8192xf32, #tpu.memory_space<hbm>> -> memref<1x2x8192xf32, #tpu.memory_space<hbm>>
        %dma_wait3A_328 = tpu.memref_squeeze %dma_wait3A_327 : memref<1x2x8192xf32, #tpu.memory_space<hbm>> -> memref<2x8192xf32, #tpu.memory_space<hbm>>
        tpu.wait_dma2 semaphore(%arg22 : memref<!tpu.dma_semaphore, #tpu.memory_space<semaphore_mem>>) src(%arg16 : memref<2x8192xf32, #tpu.memory_space<vmem>>) dst(%dma_wait3A_328 : memref<2x8192xf32, #tpu.memory_space<hbm>>)
        %lt3A_329 = arith.constant 15 : i32
        %lt3A_330 = arith.cmpi slt, %scan3A_279, %lt3A_329 : i32
        %convert_element_type3A_331 = arith.extui %lt3A_330 : i1 to i32
        %cond3A_332 = arith.constant 0 : i32
        %cond3A_333 = arith.cmpi ne, %convert_element_type3A_331, %cond3A_332 : i32
        scf.if %cond3A_333 {
          %add3A_334 = arith.constant 4 : i32
          %add3A_335 = arith.addi %mul3A_283, %add3A_334 : i32
          %dma_start3A_336 = arith.constant 0 : i32
          %dma_start3A_337 = tpu.memref_slice %arg2[%add3A_59, %add3A_335, %dma_start3A_336] : memref<128x64x8192xf32, #tpu.memory_space<hbm>> -> memref<1x2x8192xf32, #tpu.memory_space<hbm>>
          %dma_start3A_338 = tpu.memref_squeeze %dma_start3A_337 : memref<1x2x8192xf32, #tpu.memory_space<hbm>> -> memref<2x8192xf32, #tpu.memory_space<hbm>>
          %dma_start3A_339 = arith.constant 0 : i32
          %dma_start3A_340 = tpu.memref_slice %arg2[%add3A_59, %add3A_335, %dma_start3A_339] : memref<128x64x8192xf32, #tpu.memory_space<hbm>> -> memref<1x2x8192xf32, #tpu.memory_space<hbm>>
          %dma_start3A_341 = tpu.memref_squeeze %dma_start3A_340 : memref<1x2x8192xf32, #tpu.memory_space<hbm>> -> memref<2x8192xf32, #tpu.memory_space<hbm>>
          tpu.enqueue_dma source(%dma_start3A_341 : memref<2x8192xf32, #tpu.memory_space<hbm>>) target(%arg15 : memref<2x8192xf32, #tpu.memory_space<vmem>>) target_semaphore(%arg19 : memref<!tpu.dma_semaphore, #tpu.memory_space<semaphore_mem>>)
          %add3A_342 = arith.constant 6 : i32
          %add3A_343 = arith.addi %mul3A_283, %add3A_342 : i32
          %dma_start3A_344 = arith.constant 0 : i32
          %dma_start3A_345 = tpu.memref_slice %arg2[%add3A_59, %add3A_343, %dma_start3A_344] : memref<128x64x8192xf32, #tpu.memory_space<hbm>> -> memref<1x2x8192xf32, #tpu.memory_space<hbm>>
          %dma_start3A_346 = tpu.memref_squeeze %dma_start3A_345 : memref<1x2x8192xf32, #tpu.memory_space<hbm>> -> memref<2x8192xf32, #tpu.memory_space<hbm>>
          %dma_start3A_347 = arith.constant 0 : i32
          %dma_start3A_348 = tpu.memref_slice %arg2[%add3A_59, %add3A_343, %dma_start3A_347] : memref<128x64x8192xf32, #tpu.memory_space<hbm>> -> memref<1x2x8192xf32, #tpu.memory_space<hbm>>
          %dma_start3A_349 = tpu.memref_squeeze %dma_start3A_348 : memref<1x2x8192xf32, #tpu.memory_space<hbm>> -> memref<2x8192xf32, #tpu.memory_space<hbm>>
          tpu.enqueue_dma source(%dma_start3A_349 : memref<2x8192xf32, #tpu.memory_space<hbm>>) target(%arg16 : memref<2x8192xf32, #tpu.memory_space<vmem>>) target_semaphore(%arg20 : memref<!tpu.dma_semaphore, #tpu.memory_space<semaphore_mem>>)
        } else {
        }
      }
      %scan3A_278 = arith.constant 16 : i32
    } else {
    }
    %add3A_125 = arith.constant 64 : i32
    %add3A_126 = arith.addi %add3A, %add3A_125 : i32
    %mul3A_127 = arith.constant 8192 : i32
    %mul3A_128 = arith.muli %add3A_126, %mul3A_127 : i32
    %jit3A_129 = arith.constant 16 : i32
    %div3A_130 = arith.divsi %add3A_126, %jit3A_129 : i32
    %sign3A_131 = arith.constant 0 : i32
    %sign3A_132 = arith.cmpi sgt, %add3A_126, %sign3A_131 : i32
    %sign3A_133 = arith.extui %sign3A_132 : i1 to i32
    %sign3A_134 = arith.constant 0 : i32
    %sign3A_135 = arith.cmpi slt, %add3A_126, %sign3A_134 : i32
    %sign3A_136 = arith.extui %sign3A_135 : i1 to i32
    %sign3A_137 = arith.subi %sign3A_133, %sign3A_136 : i32
    %sign3A_138 = arith.constant 0 : i32
    %sign3A_139 = arith.cmpi sgt, %jit3A_129, %sign3A_138 : i32
    %sign3A_140 = arith.extui %sign3A_139 : i1 to i32
    %sign3A_141 = arith.constant 0 : i32
    %sign3A_142 = arith.cmpi slt, %jit3A_129, %sign3A_141 : i32
    %sign3A_143 = arith.extui %sign3A_142 : i1 to i32
    %sign3A_144 = arith.subi %sign3A_140, %sign3A_143 : i32
    %ne3A_145 = arith.cmpi ne, %sign3A_137, %sign3A_144 : i32
    %rem3A_146 = arith.remsi %add3A_126, %jit3A_129 : i32
    %ne3A_147 = arith.constant 0 : i32
    %ne3A_148 = arith.cmpi ne, %rem3A_146, %ne3A_147 : i32
    %and3A_149 = arith.andi %ne3A_145, %ne3A_148 : i1
    %sub3A_150 = arith.constant 1 : i32
    %sub3A_151 = arith.subi %div3A_130, %sub3A_150 : i32
    %select_n3A_152 = arith.select %and3A_149, %sub3A_151, %div3A_130 : i32
    %mul3A_153 = arith.constant 16 : i32
    %mul3A_154 = arith.muli %select_n3A_152, %mul3A_153 : i32
    %get3A_155 = arith.index_cast %mul3A_154 : i32 to index
    %get3A_156 = tpu.vector_load %arg13[%get3A_155] {strides = array<i32>} : memref<128xf32, #tpu.memory_space<vmem>>, vector<16xf32>,
    %jit3A_157 = arith.constant 16 : i32
    %eq3A_158 = arith.constant 0 : i32
    %eq3A_159 = arith.cmpi eq, %jit3A_157, %eq3A_158 : i32
    %jit3A_160 = arith.constant 1 : i32
    %select_n3A_161 = arith.select %eq3A_159, %jit3A_160, %jit3A_157 : i32
    %rem3A_162 = arith.remsi %add3A_126, %select_n3A_161 : i32
    %ne3A_163 = arith.constant 0 : i32
    %ne3A_164 = arith.cmpi ne, %rem3A_162, %ne3A_163 : i32
    %lt3A_165 = arith.constant 0 : i32
    %lt3A_166 = arith.cmpi slt, %rem3A_162, %lt3A_165 : i32
    %lt3A_167 = arith.constant 0 : i32
    %lt3A_168 = arith.cmpi slt, %select_n3A_161, %lt3A_167 : i32
    %ne3A_169 = arith.xori %lt3A_166, %lt3A_168 : i1
    %and3A_170 = arith.andi %ne3A_169, %ne3A_164 : i1
    %add3A_171 = arith.addi %rem3A_162, %select_n3A_161 : i32
    %select_n3A_172 = arith.select %and3A_170, %add3A_171, %rem3A_162 : i32
    %eq3A_173 = vector.broadcast %select_n3A_172 : i32 to vector<16xi32>
    %eq3A_174 = arith.cmpi eq, %iota3A, %eq3A_173 : vector<16xi32>
    %jit3A_175 = arith.constant 0.000000e+00 : f32
    %broadcast_in_dim3A_176 = vector.broadcast %jit3A_175 : f32 to vector<16xf32>
    %select_n3A_177 = arith.select %eq3A_174, %get3A_156, %broadcast_in_dim3A_176 : vector<16xi1>, vector<16xf32>
    %reduce_max3A_178 = arith.constant true
    %reduce_max3A_179 = vector.broadcast %reduce_max3A_178 : i1 to vector<16xi1>
    %reduce_max3A_180 = tpu.scan <max>, %select_n3A_177 masked %reduce_max3A_179 : vector<16xf32>, vector<16xi1> -> vector<16xf32>
    %reduce_max3A_181 = vector.extract %reduce_max3A_180[15] : f32 from vector<16xf32>
    %ne3A_182 = arith.constant 0.000000e+00 : f32
    %ne3A_183 = arith.cmpf one, %reduce_max3A_181, %ne3A_182 : f32
    %convert_element_type3A_184 = arith.extui %ne3A_183 : i1 to i32
    %cond3A_185 = arith.constant 0 : i32
    %cond3A_186 = arith.cmpi ne, %convert_element_type3A_184, %cond3A_185 : i32
    scf.if %cond3A_186 {
      "tpu.region"() ({
        %run_scoped3A = tpu.sem_alloc : memref<!tpu.dma_semaphore, #tpu.memory_space<semaphore_mem>>
        %dma_start3A_313 = arith.constant 0 : i32
        %dma_start3A_314 = tpu.memref_slice %arg3[%add3A_126, %dma_start3A_313] : memref<128x8192xf32, #tpu.memory_space<hbm>> -> memref<1x8192xf32, #tpu.memory_space<hbm>>
        %dma_start3A_315 = tpu.memref_squeeze %dma_start3A_314 : memref<1x8192xf32, #tpu.memory_space<hbm>> -> memref<8192xf32, #tpu.memory_space<hbm>>
        %dma_start3A_316 = arith.constant 0 : i32
        %dma_start3A_317 = tpu.memref_slice %arg3[%add3A_126, %dma_start3A_316] : memref<128x8192xf32, #tpu.memory_space<hbm>> -> memref<1x8192xf32, #tpu.memory_space<hbm>>
        %dma_start3A_318 = tpu.memref_squeeze %dma_start3A_317 : memref<1x8192xf32, #tpu.memory_space<hbm>> -> memref<8192xf32, #tpu.memory_space<hbm>>
        tpu.enqueue_dma source(%dma_start3A_318 : memref<8192xf32, #tpu.memory_space<hbm>>) target(%arg8 : memref<8192xf32, #tpu.memory_space<vmem>>) target_semaphore(%run_scoped3A : memref<!tpu.dma_semaphore, #tpu.memory_space<semaphore_mem>>)
        %dma_wait3A_319 = arith.constant 0 : i32
        %dma_wait3A_320 = tpu.memref_slice %arg3[%add3A_126, %dma_wait3A_319] : memref<128x8192xf32, #tpu.memory_space<hbm>> -> memref<1x8192xf32, #tpu.memory_space<hbm>>
        %dma_wait3A_321 = tpu.memref_squeeze %dma_wait3A_320 : memref<1x8192xf32, #tpu.memory_space<hbm>> -> memref<8192xf32, #tpu.memory_space<hbm>>
        %dma_wait3A_322 = arith.constant 0 : i32
        %dma_wait3A_323 = tpu.memref_slice %arg3[%add3A_126, %dma_wait3A_322] : memref<128x8192xf32, #tpu.memory_space<hbm>> -> memref<1x8192xf32, #tpu.memory_space<hbm>>
        %dma_wait3A_324 = tpu.memref_squeeze %dma_wait3A_323 : memref<1x8192xf32, #tpu.memory_space<hbm>> -> memref<8192xf32, #tpu.memory_space<hbm>>
        tpu.wait_dma2 semaphore(%run_scoped3A : memref<!tpu.dma_semaphore, #tpu.memory_space<semaphore_mem>>) src(%dma_wait3A_324 : memref<8192xf32, #tpu.memory_space<hbm>>) dst(%arg8 : memref<8192xf32, #tpu.memory_space<vmem>>)
        tpu.yield
      }) : () -> ()
      "tpu.region"() ({
        %run_scoped3A = tpu.sem_alloc : memref<!tpu.dma_semaphore, #tpu.memory_space<semaphore_mem>>
        %dma_start3A_313 = arith.constant 0 : i32
        %dma_start3A_314 = tpu.memref_slice %arg7[%add3A_126, %dma_start3A_313] : memref<128x8192xf32, #tpu.memory_space<hbm>> -> memref<1x8192xf32, #tpu.memory_space<hbm>>
        %dma_start3A_315 = tpu.memref_squeeze %dma_start3A_314 : memref<1x8192xf32, #tpu.memory_space<hbm>> -> memref<8192xf32, #tpu.memory_space<hbm>>
        %dma_start3A_316 = arith.constant 0 : i32
        %dma_start3A_317 = tpu.memref_slice %arg7[%add3A_126, %dma_start3A_316] : memref<128x8192xf32, #tpu.memory_space<hbm>> -> memref<1x8192xf32, #tpu.memory_space<hbm>>
        %dma_start3A_318 = tpu.memref_squeeze %dma_start3A_317 : memref<1x8192xf32, #tpu.memory_space<hbm>> -> memref<8192xf32, #tpu.memory_space<hbm>>
        tpu.enqueue_dma source(%arg10 : memref<8192xf32, #tpu.memory_space<vmem>>) target(%dma_start3A_318 : memref<8192xf32, #tpu.memory_space<hbm>>) target_semaphore(%run_scoped3A : memref<!tpu.dma_semaphore, #tpu.memory_space<semaphore_mem>>)
        %dma_wait3A_319 = arith.constant 0 : i32
        %dma_wait3A_320 = tpu.memref_slice %arg7[%add3A_126, %dma_wait3A_319] : memref<128x8192xf32, #tpu.memory_space<hbm>> -> memref<1x8192xf32, #tpu.memory_space<hbm>>
        %dma_wait3A_321 = tpu.memref_squeeze %dma_wait3A_320 : memref<1x8192xf32, #tpu.memory_space<hbm>> -> memref<8192xf32, #tpu.memory_space<hbm>>
        %dma_wait3A_322 = arith.constant 0 : i32
        %dma_wait3A_323 = tpu.memref_slice %arg7[%add3A_126, %dma_wait3A_322] : memref<128x8192xf32, #tpu.memory_space<hbm>> -> memref<1x8192xf32, #tpu.memory_space<hbm>>
        %dma_wait3A_324 = tpu.memref_squeeze %dma_wait3A_323 : memref<1x8192xf32, #tpu.memory_space<hbm>> -> memref<8192xf32, #tpu.memory_space<hbm>>
        tpu.wait_dma2 semaphore(%run_scoped3A : memref<!tpu.dma_semaphore, #tpu.memory_space<semaphore_mem>>) src(%arg10 : memref<8192xf32, #tpu.memory_space<vmem>>) dst(%dma_wait3A_324 : memref<8192xf32, #tpu.memory_space<hbm>>)
        tpu.yield
      }) : () -> ()
      %parallel_loop3A_259 = arith.constant 0 : i32
      %parallel_loop3A_260 = arith.constant 8192 : i32
      %parallel_loop3A_261 = arith.constant 16 : i32
      scf.for %parallel_loop3A_313 = %parallel_loop3A_259 to %parallel_loop3A_260 step %parallel_loop3A_261  : i32 {
        %parallel_loop3A_314 = vector.broadcast %parallel_loop3A_313 : i32 to vector<16xi32>
        %parallel_loop3A_315 = arith.addi %parallel_loop3A_314, %iota3A : vector<16xi32>
        %parallel_loop3A_316 = arith.index_cast %parallel_loop3A_313 : i32 to index
        %parallel_loop3A_317 = tpu.vector_load %arg8[%parallel_loop3A_316] {strides = array<i32>} : memref<8192xf32, #tpu.memory_space<vmem>>, vector<16xf32>,
        %parallel_loop3A_318 = arith.constant 1 : i32
        %parallel_loop3A_319 = vector.broadcast %parallel_loop3A_318 : i32 to vector<16xi32>
        %parallel_loop3A_320 = arith.subi %parallel_loop3A_315, %parallel_loop3A_319 : vector<16xi32>
        %parallel_loop3A_321 = arith.constant 0 : i32
        %parallel_loop3A_322 = vector.broadcast %parallel_loop3A_321 : i32 to vector<16xi32>
        %parallel_loop3A_323 = arith.maxsi %parallel_loop3A_320, %parallel_loop3A_322 : vector<16xi32>
        %parallel_loop3A_324 = tpu.vector_load_idx %arg8[%parallel_loop3A_323] : memref<8192xf32, #tpu.memory_space<vmem>>[vector<16xi32>], vector<16xf32>,
        %parallel_loop3A_325 = arith.constant 8.192000e+03 : f32
        %parallel_loop3A_326 = vector.broadcast %parallel_loop3A_325 : f32 to vector<16xf32>
        %parallel_loop3A_327 = arith.mulf %parallel_loop3A_317, %parallel_loop3A_326 : vector<16xf32>
        %parallel_loop3A_328 = arith.constant 5.000000e-01 : f32
        %parallel_loop3A_329 = vector.broadcast %parallel_loop3A_328 : f32 to vector<16xf32>
        %parallel_loop3A_330 = arith.subf %parallel_loop3A_327, %parallel_loop3A_329 : vector<16xf32>
        %parallel_loop3A_331 = arith.fptosi %parallel_loop3A_330 : vector<16xf32> to vector<16xi32>
        %parallel_loop3A_332 = arith.constant 1 : i32
        %parallel_loop3A_333 = vector.broadcast %parallel_loop3A_332 : i32 to vector<16xi32>
        %parallel_loop3A_334 = arith.addi %parallel_loop3A_331, %parallel_loop3A_333 : vector<16xi32>
        %parallel_loop3A_335 = arith.constant 0.000000e+00 : f32
        %parallel_loop3A_336 = vector.broadcast %parallel_loop3A_335 : f32 to vector<16xf32>
        %parallel_loop3A_337 = arith.cmpf olt, %parallel_loop3A_330, %parallel_loop3A_336 : vector<16xf32>
        %parallel_loop3A_338 = arith.constant 0 : i32
        %parallel_loop3A_339 = vector.broadcast %parallel_loop3A_338 : i32 to vector<16xi32>
        %parallel_loop3A_340 = arith.select %parallel_loop3A_337, %parallel_loop3A_339, %parallel_loop3A_334 : vector<16xi1>, vector<16xi32>
        %parallel_loop3A_341 = arith.constant 8192 : i32
        %parallel_loop3A_342 = vector.broadcast %parallel_loop3A_341 : i32 to vector<16xi32>
        %parallel_loop3A_343 = arith.minsi %parallel_loop3A_340, %parallel_loop3A_342 : vector<16xi32>
        %parallel_loop3A_344 = arith.constant 8191 : i32
        %parallel_loop3A_345 = vector.broadcast %parallel_loop3A_344 : i32 to vector<16xi32>
        %parallel_loop3A_346 = arith.cmpi eq, %parallel_loop3A_315, %parallel_loop3A_345 : vector<16xi32>
        %parallel_loop3A_347 = arith.constant 8192 : i32
        %parallel_loop3A_348 = vector.broadcast %parallel_loop3A_347 : i32 to vector<16xi32>
        %parallel_loop3A_349 = arith.select %parallel_loop3A_346, %parallel_loop3A_348, %parallel_loop3A_343 : vector<16xi1>, vector<16xi32>
        %parallel_loop3A_350 = arith.constant 8.192000e+03 : f32
        %parallel_loop3A_351 = vector.broadcast %parallel_loop3A_350 : f32 to vector<16xf32>
        %parallel_loop3A_352 = arith.mulf %parallel_loop3A_324, %parallel_loop3A_351 : vector<16xf32>
        %parallel_loop3A_353 = arith.constant 5.000000e-01 : f32
        %parallel_loop3A_354 = vector.broadcast %parallel_loop3A_353 : f32 to vector<16xf32>
        %parallel_loop3A_355 = arith.subf %parallel_loop3A_352, %parallel_loop3A_354 : vector<16xf32>
        %parallel_loop3A_356 = arith.fptosi %parallel_loop3A_355 : vector<16xf32> to vector<16xi32>
        %parallel_loop3A_357 = arith.constant 1 : i32
        %parallel_loop3A_358 = vector.broadcast %parallel_loop3A_357 : i32 to vector<16xi32>
        %parallel_loop3A_359 = arith.addi %parallel_loop3A_356, %parallel_loop3A_358 : vector<16xi32>
        %parallel_loop3A_360 = arith.constant 0.000000e+00 : f32
        %parallel_loop3A_361 = vector.broadcast %parallel_loop3A_360 : f32 to vector<16xf32>
        %parallel_loop3A_362 = arith.cmpf olt, %parallel_loop3A_355, %parallel_loop3A_361 : vector<16xf32>
        %parallel_loop3A_363 = arith.constant 0 : i32
        %parallel_loop3A_364 = vector.broadcast %parallel_loop3A_363 : i32 to vector<16xi32>
        %parallel_loop3A_365 = arith.select %parallel_loop3A_362, %parallel_loop3A_364, %parallel_loop3A_359 : vector<16xi1>, vector<16xi32>
        %parallel_loop3A_366 = arith.constant 8192 : i32
        %parallel_loop3A_367 = vector.broadcast %parallel_loop3A_366 : i32 to vector<16xi32>
        %parallel_loop3A_368 = arith.minsi %parallel_loop3A_365, %parallel_loop3A_367 : vector<16xi32>
        %parallel_loop3A_369 = arith.constant 0 : i32
        %parallel_loop3A_370 = vector.broadcast %parallel_loop3A_369 : i32 to vector<16xi32>
        %parallel_loop3A_371 = arith.cmpi eq, %parallel_loop3A_315, %parallel_loop3A_370 : vector<16xi32>
        %parallel_loop3A_372 = arith.constant 0 : i32
        %parallel_loop3A_373 = vector.broadcast %parallel_loop3A_372 : i32 to vector<16xi32>
        %parallel_loop3A_374 = arith.select %parallel_loop3A_371, %parallel_loop3A_373, %parallel_loop3A_368 : vector<16xi1>, vector<16xi32>
        %parallel_loop3A_375 = arith.cmpi sgt, %parallel_loop3A_349, %parallel_loop3A_374 : vector<16xi32>
        %parallel_loop3A_376 = arith.constant 8191 : i32
        %parallel_loop3A_377 = vector.broadcast %parallel_loop3A_376 : i32 to vector<16xi32>
        %parallel_loop3A_378 = arith.minsi %parallel_loop3A_374, %parallel_loop3A_377 : vector<16xi32>
        %parallel_loop3A_379 = vector.broadcast %mul3A_128 : i32 to vector<16xi32>
        %parallel_loop3A_380 = arith.addi %parallel_loop3A_379, %parallel_loop3A_315 : vector<16xi32>
        %parallel_loop3A_381 = arith.sitofp %parallel_loop3A_380 : vector<16xi32> to vector<16xf32>
        tpu.vector_store_idx %arg11[%parallel_loop3A_378], %parallel_loop3A_381 masked %parallel_loop3A_375 : memref<8192xf32, #tpu.memory_space<vmem>>[vector<16xi32>], vector<16xf32>, vector<16xi1>
      } {sc.loop_unroll_factor = 4 : i64, sc.parallel_access}
      %convert_element_type3A_262 = arith.sitofp %mul3A_128 : i32 to f32
      %add3A_263 = vector.broadcast %convert_element_type3A_262 : f32 to vector<16xf32>
      %add3A_264 = arith.addf %broadcast_in_dim3A_1, %add3A_263 : vector<16xf32>
      %parallel_loop3A_265 = arith.constant 0 : i32
      %parallel_loop3A_266 = arith.constant 8192 : i32
      %parallel_loop3A_267 = arith.constant 16 : i32
      scf.for %parallel_loop3A_313 = %parallel_loop3A_265 to %parallel_loop3A_266 step %parallel_loop3A_267  : i32 {
        %parallel_loop3A_314 = arith.constant 0 : i32
        %parallel_loop3A_315 = vector.broadcast %parallel_loop3A_314 : i32 to vector<16xi32>
        %parallel_loop3A_316 = arith.muli %iota3A, %parallel_loop3A_315 : vector<16xi32>
        %parallel_loop3A_317 = arith.constant 16 : i32
        %parallel_loop3A_318 = arith.divsi %parallel_loop3A_313, %parallel_loop3A_317 : i32
        %parallel_loop3A_319 = arith.constant 0 : i32
        %parallel_loop3A_320 = arith.cmpi sgt, %parallel_loop3A_313, %parallel_loop3A_319 : i32
        %parallel_loop3A_321 = arith.extui %parallel_loop3A_320 : i1 to i32
        %parallel_loop3A_322 = arith.constant 0 : i32
        %parallel_loop3A_323 = arith.cmpi slt, %parallel_loop3A_313, %parallel_loop3A_322 : i32
        %parallel_loop3A_324 = arith.extui %parallel_loop3A_323 : i1 to i32
        %parallel_loop3A_325 = arith.subi %parallel_loop3A_321, %parallel_loop3A_324 : i32
        %parallel_loop3A_326 = arith.constant 0 : i32
        %parallel_loop3A_327 = arith.cmpi sgt, %parallel_loop3A_317, %parallel_loop3A_326 : i32
        %parallel_loop3A_328 = arith.extui %parallel_loop3A_327 : i1 to i32
        %parallel_loop3A_329 = arith.constant 0 : i32
        %parallel_loop3A_330 = arith.cmpi slt, %parallel_loop3A_317, %parallel_loop3A_329 : i32
        %parallel_loop3A_331 = arith.extui %parallel_loop3A_330 : i1 to i32
        %parallel_loop3A_332 = arith.subi %parallel_loop3A_328, %parallel_loop3A_331 : i32
        %parallel_loop3A_333 = arith.cmpi ne, %parallel_loop3A_325, %parallel_loop3A_332 : i32
        %parallel_loop3A_334 = arith.remsi %parallel_loop3A_313, %parallel_loop3A_317 : i32
        %parallel_loop3A_335 = arith.constant 0 : i32
        %parallel_loop3A_336 = arith.cmpi ne, %parallel_loop3A_334, %parallel_loop3A_335 : i32
        %parallel_loop3A_337 = arith.andi %parallel_loop3A_333, %parallel_loop3A_336 : i1
        %parallel_loop3A_338 = arith.constant 1 : i32
        %parallel_loop3A_339 = arith.subi %parallel_loop3A_318, %parallel_loop3A_338 : i32
        %parallel_loop3A_340 = arith.select %parallel_loop3A_337, %parallel_loop3A_339, %parallel_loop3A_318 : i32
        %parallel_loop3A_341 = vector.broadcast %parallel_loop3A_340 : i32 to vector<16xi32>
        %parallel_loop3A_342 = arith.addi %parallel_loop3A_316, %parallel_loop3A_341 : vector<16xi32>
        %parallel_loop3A_343 = arith.index_cast %parallel_loop3A_313 : i32 to index
        %parallel_loop3A_344 = tpu.vector_load %arg11[%parallel_loop3A_343] {strides = array<i32>} : memref<8192xf32, #tpu.memory_space<vmem>>, vector<16xf32>,
        %parallel_loop3A_345 = arith.constant true
        %parallel_loop3A_346 = vector.broadcast %parallel_loop3A_345 : i1 to vector<16xi1>
        %parallel_loop3A_347 = tpu.scan <max>, %parallel_loop3A_344 masked %parallel_loop3A_346 : vector<16xf32>, vector<16xi1> -> vector<16xf32>
        %parallel_loop3A_348 = arith.index_cast %parallel_loop3A_313 : i32 to index
        %parallel_loop3A_349 = tpu.vector_load %arg9[%parallel_loop3A_348] {strides = array<i32>} : memref<8192xf32, #tpu.memory_space<vmem>>, vector<16xf32>,
        tpu.vector_store %arg9[%parallel_loop3A_348], %parallel_loop3A_347 {strides = array<i32>} : memref<8192xf32, #tpu.memory_space<vmem>>, vector<16xf32>,
        %parallel_loop3A_350 = arith.constant true
        %parallel_loop3A_351 = vector.broadcast %parallel_loop3A_350 : i1 to vector<16xi1>
        %parallel_loop3A_352 = tpu.scan <max>, %parallel_loop3A_347 masked %parallel_loop3A_351 : vector<16xf32>, vector<16xi1> -> vector<16xf32>
        %parallel_loop3A_353 = vector.extract %parallel_loop3A_352[15] : f32 from vector<16xf32>
        %parallel_loop3A_354 = vector.broadcast %parallel_loop3A_353 : f32 to vector<16xf32>
        %parallel_loop3A_355 = arith.addf %broadcast_in_dim3A_1, %parallel_loop3A_354 : vector<16xf32>
        %parallel_loop3A_356 = arith.constant 0 : i32
        %parallel_loop3A_357 = vector.broadcast %parallel_loop3A_356 : i32 to vector<16xi32>
        %parallel_loop3A_358 = arith.cmpi eq, %iota3A, %parallel_loop3A_357 : vector<16xi32>
        tpu.vector_store_idx %arg14[%parallel_loop3A_342], %parallel_loop3A_355 masked %parallel_loop3A_358 : memref<512xf32, #tpu.memory_space<vmem>>[vector<16xi32>], vector<16xf32>, vector<16xi1>
      } {sc.loop_unroll_factor = 4 : i64, sc.parallel_access}
      %convert_element_type3A_268 = arith.sitofp %mul3A_128 : i32 to f32
      %scan3A = arith.constant 0 : i32
      %scan3A_269 = arith.constant 32 : i32
      %scan3A_270 = arith.addi %scan3A, %scan3A_269 : i32
      %scan3A_271 = arith.constant 1 : i32
      %scan3A_272 = scf.for %scan3A_313 = %scan3A to %scan3A_270 step %scan3A_271 iter_args(%scan3A_314 = %convert_element_type3A_268) -> (f32)  : i32 {
        %mul3A_315 = arith.constant 16 : i32
        %mul3A_316 = arith.muli %scan3A_313, %mul3A_315 : i32
        %get3A_317 = arith.index_cast %mul3A_316 : i32 to index
        %get3A_318 = tpu.vector_load %arg14[%get3A_317] {strides = array<i32>} : memref<512xf32, #tpu.memory_space<vmem>>, vector<16xf32>,
        %broadcast_in_dim3A_319 = arith.constant true
        %broadcast_in_dim3A_320 = vector.broadcast %broadcast_in_dim3A_319 : i1 to vector<16xi1>
        %masked_cummax3A = tpu.scan <max>, %get3A_318 masked %broadcast_in_dim3A_320 : vector<16xf32>, vector<16xi1> -> vector<16xf32>
        %max3A = vector.broadcast %scan3A_314 : f32 to vector<16xf32>
        %max3A_321 = arith.maximumf %masked_cummax3A, %max3A : vector<16xf32>
        %swap3A = arith.index_cast %mul3A_316 : i32 to index
        %swap3A_322 = tpu.vector_load %arg14[%swap3A] {strides = array<i32>} : memref<512xf32, #tpu.memory_space<vmem>>, vector<16xf32>,
        tpu.vector_store %arg14[%swap3A], %max3A_321 {strides = array<i32>} : memref<512xf32, #tpu.memory_space<vmem>>, vector<16xf32>,
        %reduce_max3A_323 = arith.constant true
        %reduce_max3A_324 = vector.broadcast %reduce_max3A_323 : i1 to vector<16xi1>
        %reduce_max3A_325 = tpu.scan <max>, %max3A_321 masked %reduce_max3A_324 : vector<16xf32>, vector<16xi1> -> vector<16xf32>
        %reduce_max3A_326 = vector.extract %reduce_max3A_325[15] : f32 from vector<16xf32>
        scf.yield %reduce_max3A_326 : f32
      }
      %scan3A_273 = arith.constant 32 : i32
      %parallel_loop3A_274 = arith.constant 0 : i32
      %parallel_loop3A_275 = arith.constant 8192 : i32
      %parallel_loop3A_276 = arith.constant 16 : i32
      scf.for %parallel_loop3A_313 = %parallel_loop3A_274 to %parallel_loop3A_275 step %parallel_loop3A_276  : i32 {
        %parallel_loop3A_314 = arith.constant 0 : i32
        %parallel_loop3A_315 = vector.broadcast %parallel_loop3A_314 : i32 to vector<16xi32>
        %parallel_loop3A_316 = arith.muli %iota3A, %parallel_loop3A_315 : vector<16xi32>
        %parallel_loop3A_317 = arith.constant 16 : i32
        %parallel_loop3A_318 = arith.divsi %parallel_loop3A_313, %parallel_loop3A_317 : i32
        %parallel_loop3A_319 = arith.constant 0 : i32
        %parallel_loop3A_320 = arith.cmpi sgt, %parallel_loop3A_313, %parallel_loop3A_319 : i32
        %parallel_loop3A_321 = arith.extui %parallel_loop3A_320 : i1 to i32
        %parallel_loop3A_322 = arith.constant 0 : i32
        %parallel_loop3A_323 = arith.cmpi slt, %parallel_loop3A_313, %parallel_loop3A_322 : i32
        %parallel_loop3A_324 = arith.extui %parallel_loop3A_323 : i1 to i32
        %parallel_loop3A_325 = arith.subi %parallel_loop3A_321, %parallel_loop3A_324 : i32
        %parallel_loop3A_326 = arith.constant 0 : i32
        %parallel_loop3A_327 = arith.cmpi sgt, %parallel_loop3A_317, %parallel_loop3A_326 : i32
        %parallel_loop3A_328 = arith.extui %parallel_loop3A_327 : i1 to i32
        %parallel_loop3A_329 = arith.constant 0 : i32
        %parallel_loop3A_330 = arith.cmpi slt, %parallel_loop3A_317, %parallel_loop3A_329 : i32
        %parallel_loop3A_331 = arith.extui %parallel_loop3A_330 : i1 to i32
        %parallel_loop3A_332 = arith.subi %parallel_loop3A_328, %parallel_loop3A_331 : i32
        %parallel_loop3A_333 = arith.cmpi ne, %parallel_loop3A_325, %parallel_loop3A_332 : i32
        %parallel_loop3A_334 = arith.remsi %parallel_loop3A_313, %parallel_loop3A_317 : i32
        %parallel_loop3A_335 = arith.constant 0 : i32
        %parallel_loop3A_336 = arith.cmpi ne, %parallel_loop3A_334, %parallel_loop3A_335 : i32
        %parallel_loop3A_337 = arith.andi %parallel_loop3A_333, %parallel_loop3A_336 : i1
        %parallel_loop3A_338 = arith.constant 1 : i32
        %parallel_loop3A_339 = arith.subi %parallel_loop3A_318, %parallel_loop3A_338 : i32
        %parallel_loop3A_340 = arith.select %parallel_loop3A_337, %parallel_loop3A_339, %parallel_loop3A_318 : i32
        %parallel_loop3A_341 = vector.broadcast %parallel_loop3A_340 : i32 to vector<16xi32>
        %parallel_loop3A_342 = arith.addi %parallel_loop3A_316, %parallel_loop3A_341 : vector<16xi32>
        %parallel_loop3A_343 = arith.index_cast %parallel_loop3A_313 : i32 to index
        %parallel_loop3A_344 = tpu.vector_load %arg9[%parallel_loop3A_343] {strides = array<i32>} : memref<8192xf32, #tpu.memory_space<vmem>>, vector<16xf32>,
        %parallel_loop3A_345 = arith.constant 1 : i32
        %parallel_loop3A_346 = vector.broadcast %parallel_loop3A_345 : i32 to vector<16xi32>
        %parallel_loop3A_347 = arith.subi %parallel_loop3A_342, %parallel_loop3A_346 : vector<16xi32>
        %parallel_loop3A_348 = arith.constant 0 : i32
        %parallel_loop3A_349 = vector.broadcast %parallel_loop3A_348 : i32 to vector<16xi32>
        %parallel_loop3A_350 = arith.maxsi %parallel_loop3A_347, %parallel_loop3A_349 : vector<16xi32>
        %parallel_loop3A_351 = tpu.vector_load_idx %arg14[%parallel_loop3A_350] : memref<512xf32, #tpu.memory_space<vmem>>[vector<16xi32>], vector<16xf32>,
        %parallel_loop3A_352 = arith.constant 0 : i32
        %parallel_loop3A_353 = vector.broadcast %parallel_loop3A_352 : i32 to vector<16xi32>
        %parallel_loop3A_354 = arith.cmpi eq, %parallel_loop3A_342, %parallel_loop3A_353 : vector<16xi32>
        %parallel_loop3A_355 = arith.select %parallel_loop3A_354, %add3A_264, %parallel_loop3A_351 : vector<16xi1>, vector<16xf32>
        %parallel_loop3A_356 = arith.maximumf %parallel_loop3A_344, %parallel_loop3A_355 : vector<16xf32>
        %parallel_loop3A_357 = arith.fptosi %parallel_loop3A_356 : vector<16xf32> to vector<16xi32>
        %parallel_loop3A_358 = vector.broadcast %mul3A_128 : i32 to vector<16xi32>
        %parallel_loop3A_359 = arith.subi %parallel_loop3A_357, %parallel_loop3A_358 : vector<16xi32>
        %parallel_loop3A_360 = arith.index_cast %parallel_loop3A_313 : i32 to index
        %parallel_loop3A_361 = tpu.vector_load %arg12[%parallel_loop3A_360] {strides = array<i32>} : memref<8192xi32, #tpu.memory_space<vmem>>, vector<16xi32>,
        tpu.vector_store %arg12[%parallel_loop3A_360], %parallel_loop3A_359 {strides = array<i32>} : memref<8192xi32, #tpu.memory_space<vmem>>, vector<16xi32>,
      } {sc.loop_unroll_factor = 4 : i64, sc.parallel_access}
      %dma_start3A = arith.constant 0 : i32
      %dma_start3A_277 = arith.constant 0 : i32
      %dma_start3A_278 = tpu.memref_slice %arg2[%add3A_126, %dma_start3A, %dma_start3A_277] : memref<128x64x8192xf32, #tpu.memory_space<hbm>> -> memref<1x2x8192xf32, #tpu.memory_space<hbm>>
      %dma_start3A_279 = tpu.memref_squeeze %dma_start3A_278 : memref<1x2x8192xf32, #tpu.memory_space<hbm>> -> memref<2x8192xf32, #tpu.memory_space<hbm>>
      %dma_start3A_280 = arith.constant 0 : i32
      %dma_start3A_281 = arith.constant 0 : i32
      %dma_start3A_282 = tpu.memref_slice %arg2[%add3A_126, %dma_start3A_280, %dma_start3A_281] : memref<128x64x8192xf32, #tpu.memory_space<hbm>> -> memref<1x2x8192xf32, #tpu.memory_space<hbm>>
      %dma_start3A_283 = tpu.memref_squeeze %dma_start3A_282 : memref<1x2x8192xf32, #tpu.memory_space<hbm>> -> memref<2x8192xf32, #tpu.memory_space<hbm>>
      tpu.enqueue_dma source(%dma_start3A_283 : memref<2x8192xf32, #tpu.memory_space<hbm>>) target(%arg15 : memref<2x8192xf32, #tpu.memory_space<vmem>>) target_semaphore(%arg19 : memref<!tpu.dma_semaphore, #tpu.memory_space<semaphore_mem>>)
      %dma_start3A_284 = arith.constant 2 : i32
      %dma_start3A_285 = arith.constant 0 : i32
      %dma_start3A_286 = tpu.memref_slice %arg2[%add3A_126, %dma_start3A_284, %dma_start3A_285] : memref<128x64x8192xf32, #tpu.memory_space<hbm>> -> memref<1x2x8192xf32, #tpu.memory_space<hbm>>
      %dma_start3A_287 = tpu.memref_squeeze %dma_start3A_286 : memref<1x2x8192xf32, #tpu.memory_space<hbm>> -> memref<2x8192xf32, #tpu.memory_space<hbm>>
      %dma_start3A_288 = arith.constant 2 : i32
      %dma_start3A_289 = arith.constant 0 : i32
      %dma_start3A_290 = tpu.memref_slice %arg2[%add3A_126, %dma_start3A_288, %dma_start3A_289] : memref<128x64x8192xf32, #tpu.memory_space<hbm>> -> memref<1x2x8192xf32, #tpu.memory_space<hbm>>
      %dma_start3A_291 = tpu.memref_squeeze %dma_start3A_290 : memref<1x2x8192xf32, #tpu.memory_space<hbm>> -> memref<2x8192xf32, #tpu.memory_space<hbm>>
      tpu.enqueue_dma source(%dma_start3A_291 : memref<2x8192xf32, #tpu.memory_space<hbm>>) target(%arg16 : memref<2x8192xf32, #tpu.memory_space<vmem>>) target_semaphore(%arg20 : memref<!tpu.dma_semaphore, #tpu.memory_space<semaphore_mem>>)
      %scan3A_292 = arith.constant 0 : i32
      %scan3A_293 = arith.constant 0 : i32
      %scan3A_294 = arith.constant 16 : i32
      %scan3A_295 = arith.addi %scan3A_293, %scan3A_294 : i32
      %scan3A_296 = arith.constant 1 : i32
      scf.for %scan3A_313 = %scan3A_293 to %scan3A_295 step %scan3A_296  : i32 {
        %mul3A_314 = arith.constant 2 : i32
        %mul3A_315 = arith.muli %mul3A_314, %scan3A_313 : i32
        %mul3A_316 = arith.constant 2 : i32
        %mul3A_317 = arith.muli %mul3A_315, %mul3A_316 : i32
        %dma_wait3A_318 = arith.constant 0 : i32
        %dma_wait3A_319 = arith.constant 0 : i32
        %dma_wait3A_320 = tpu.memref_slice %arg2[%add3A_126, %dma_wait3A_318, %dma_wait3A_319] : memref<128x64x8192xf32, #tpu.memory_space<hbm>> -> memref<1x2x8192xf32, #tpu.memory_space<hbm>>
        %dma_wait3A_321 = tpu.memref_squeeze %dma_wait3A_320 : memref<1x2x8192xf32, #tpu.memory_space<hbm>> -> memref<2x8192xf32, #tpu.memory_space<hbm>>
        %dma_wait3A_322 = arith.constant 0 : i32
        %dma_wait3A_323 = arith.constant 0 : i32
        %dma_wait3A_324 = tpu.memref_slice %arg2[%add3A_126, %dma_wait3A_322, %dma_wait3A_323] : memref<128x64x8192xf32, #tpu.memory_space<hbm>> -> memref<1x2x8192xf32, #tpu.memory_space<hbm>>
        %dma_wait3A_325 = tpu.memref_squeeze %dma_wait3A_324 : memref<1x2x8192xf32, #tpu.memory_space<hbm>> -> memref<2x8192xf32, #tpu.memory_space<hbm>>
        tpu.wait_dma2 semaphore(%arg19 : memref<!tpu.dma_semaphore, #tpu.memory_space<semaphore_mem>>) src(%dma_wait3A_325 : memref<2x8192xf32, #tpu.memory_space<hbm>>) dst(%arg15 : memref<2x8192xf32, #tpu.memory_space<vmem>>)
        %dma_wait3A_326 = arith.constant 0 : i32
        %dma_wait3A_327 = arith.constant 0 : i32
        %dma_wait3A_328 = tpu.memref_slice %arg2[%add3A_126, %dma_wait3A_326, %dma_wait3A_327] : memref<128x64x8192xf32, #tpu.memory_space<hbm>> -> memref<1x2x8192xf32, #tpu.memory_space<hbm>>
        %dma_wait3A_329 = tpu.memref_squeeze %dma_wait3A_328 : memref<1x2x8192xf32, #tpu.memory_space<hbm>> -> memref<2x8192xf32, #tpu.memory_space<hbm>>
        %dma_wait3A_330 = arith.constant 0 : i32
        %dma_wait3A_331 = arith.constant 0 : i32
        %dma_wait3A_332 = tpu.memref_slice %arg2[%add3A_126, %dma_wait3A_330, %dma_wait3A_331] : memref<128x64x8192xf32, #tpu.memory_space<hbm>> -> memref<1x2x8192xf32, #tpu.memory_space<hbm>>
        %dma_wait3A_333 = tpu.memref_squeeze %dma_wait3A_332 : memref<1x2x8192xf32, #tpu.memory_space<hbm>> -> memref<2x8192xf32, #tpu.memory_space<hbm>>
        tpu.wait_dma2 semaphore(%arg20 : memref<!tpu.dma_semaphore, #tpu.memory_space<semaphore_mem>>) src(%dma_wait3A_333 : memref<2x8192xf32, #tpu.memory_space<hbm>>) dst(%arg16 : memref<2x8192xf32, #tpu.memory_space<vmem>>)
        %gt3A = arith.constant 0 : i32
        %gt3A_334 = arith.cmpi sgt, %scan3A_313, %gt3A : i32
        %convert_element_type3A_335 = arith.extui %gt3A_334 : i1 to i32
        %cond3A_336 = arith.constant 0 : i32
        %cond3A_337 = arith.cmpi ne, %convert_element_type3A_335, %cond3A_336 : i32
        scf.if %cond3A_337 {
          %dma_wait3A_360 = arith.constant 0 : i32
          %dma_wait3A_361 = arith.constant 0 : i32
          %dma_wait3A_362 = tpu.memref_slice %arg6[%add3A_126, %dma_wait3A_360, %dma_wait3A_361] : memref<128x64x8192xf32, #tpu.memory_space<hbm>> -> memref<1x2x8192xf32, #tpu.memory_space<hbm>>
          %dma_wait3A_363 = tpu.memref_squeeze %dma_wait3A_362 : memref<1x2x8192xf32, #tpu.memory_space<hbm>> -> memref<2x8192xf32, #tpu.memory_space<hbm>>
          %dma_wait3A_364 = arith.constant 0 : i32
          %dma_wait3A_365 = arith.constant 0 : i32
          %dma_wait3A_366 = tpu.memref_slice %arg6[%add3A_126, %dma_wait3A_364, %dma_wait3A_365] : memref<128x64x8192xf32, #tpu.memory_space<hbm>> -> memref<1x2x8192xf32, #tpu.memory_space<hbm>>
          %dma_wait3A_367 = tpu.memref_squeeze %dma_wait3A_366 : memref<1x2x8192xf32, #tpu.memory_space<hbm>> -> memref<2x8192xf32, #tpu.memory_space<hbm>>
          tpu.wait_dma2 semaphore(%arg21 : memref<!tpu.dma_semaphore, #tpu.memory_space<semaphore_mem>>) src(%arg17 : memref<2x8192xf32, #tpu.memory_space<vmem>>) dst(%dma_wait3A_367 : memref<2x8192xf32, #tpu.memory_space<hbm>>)
          %dma_wait3A_368 = arith.constant 0 : i32
          %dma_wait3A_369 = arith.constant 0 : i32
          %dma_wait3A_370 = tpu.memref_slice %arg6[%add3A_126, %dma_wait3A_368, %dma_wait3A_369] : memref<128x64x8192xf32, #tpu.memory_space<hbm>> -> memref<1x2x8192xf32, #tpu.memory_space<hbm>>
          %dma_wait3A_371 = tpu.memref_squeeze %dma_wait3A_370 : memref<1x2x8192xf32, #tpu.memory_space<hbm>> -> memref<2x8192xf32, #tpu.memory_space<hbm>>
          %dma_wait3A_372 = arith.constant 0 : i32
          %dma_wait3A_373 = arith.constant 0 : i32
          %dma_wait3A_374 = tpu.memref_slice %arg6[%add3A_126, %dma_wait3A_372, %dma_wait3A_373] : memref<128x64x8192xf32, #tpu.memory_space<hbm>> -> memref<1x2x8192xf32, #tpu.memory_space<hbm>>
          %dma_wait3A_375 = tpu.memref_squeeze %dma_wait3A_374 : memref<1x2x8192xf32, #tpu.memory_space<hbm>> -> memref<2x8192xf32, #tpu.memory_space<hbm>>
          tpu.wait_dma2 semaphore(%arg22 : memref<!tpu.dma_semaphore, #tpu.memory_space<semaphore_mem>>) src(%arg18 : memref<2x8192xf32, #tpu.memory_space<vmem>>) dst(%dma_wait3A_375 : memref<2x8192xf32, #tpu.memory_space<hbm>>)
        } else {
        }
        %parallel_loop3A_338 = arith.constant 0 : i32
        %parallel_loop3A_339 = arith.constant 8192 : i32
        %parallel_loop3A_340 = arith.constant 16 : i32
        scf.for %parallel_loop3A_360 = %parallel_loop3A_338 to %parallel_loop3A_339 step %parallel_loop3A_340  : i32 {
          %parallel_loop3A_361 = arith.index_cast %parallel_loop3A_360 : i32 to index
          %parallel_loop3A_362 = tpu.vector_load %arg12[%parallel_loop3A_361] {strides = array<i32>} : memref<8192xi32, #tpu.memory_space<vmem>>, vector<16xi32>,
          %parallel_loop3A_363 = arith.constant 0 : i32
          %parallel_loop3A_364 = vector.broadcast %parallel_loop3A_363 : i32 to vector<16xi32>
          %parallel_loop3A_365 = tpu.vector_load_idx %arg15[%parallel_loop3A_364, %parallel_loop3A_362] : memref<2x8192xf32, #tpu.memory_space<vmem>>[vector<16xi32>, vector<16xi32>], vector<16xf32>,
          %parallel_loop3A_366 = arith.constant 0 : i32
          %parallel_loop3A_367 = arith.index_cast %parallel_loop3A_366 : i32 to index
          %parallel_loop3A_368 = arith.index_cast %parallel_loop3A_360 : i32 to index
          %parallel_loop3A_369 = tpu.vector_load %arg17[%parallel_loop3A_367, %parallel_loop3A_368] {strides = array<i32>} : memref<2x8192xf32, #tpu.memory_space<vmem>>, vector<16xf32>,
          tpu.vector_store %arg17[%parallel_loop3A_367, %parallel_loop3A_368], %parallel_loop3A_365 {strides = array<i32>} : memref<2x8192xf32, #tpu.memory_space<vmem>>, vector<16xf32>,
          %parallel_loop3A_370 = tpu.vector_load_idx %arg16[%parallel_loop3A_364, %parallel_loop3A_362] : memref<2x8192xf32, #tpu.memory_space<vmem>>[vector<16xi32>, vector<16xi32>], vector<16xf32>,
          %parallel_loop3A_371 = arith.constant 0 : i32
          %parallel_loop3A_372 = arith.index_cast %parallel_loop3A_371 : i32 to index
          %parallel_loop3A_373 = arith.index_cast %parallel_loop3A_360 : i32 to index
          %parallel_loop3A_374 = tpu.vector_load %arg18[%parallel_loop3A_372, %parallel_loop3A_373] {strides = array<i32>} : memref<2x8192xf32, #tpu.memory_space<vmem>>, vector<16xf32>,
          tpu.vector_store %arg18[%parallel_loop3A_372, %parallel_loop3A_373], %parallel_loop3A_370 {strides = array<i32>} : memref<2x8192xf32, #tpu.memory_space<vmem>>, vector<16xf32>,
          %parallel_loop3A_375 = arith.constant 1 : i32
          %parallel_loop3A_376 = vector.broadcast %parallel_loop3A_375 : i32 to vector<16xi32>
          %parallel_loop3A_377 = tpu.vector_load_idx %arg15[%parallel_loop3A_376, %parallel_loop3A_362] : memref<2x8192xf32, #tpu.memory_space<vmem>>[vector<16xi32>, vector<16xi32>], vector<16xf32>,
          %parallel_loop3A_378 = arith.constant 1 : i32
          %parallel_loop3A_379 = arith.index_cast %parallel_loop3A_378 : i32 to index
          %parallel_loop3A_380 = arith.index_cast %parallel_loop3A_360 : i32 to index
          %parallel_loop3A_381 = tpu.vector_load %arg17[%parallel_loop3A_379, %parallel_loop3A_380] {strides = array<i32>} : memref<2x8192xf32, #tpu.memory_space<vmem>>, vector<16xf32>,
          tpu.vector_store %arg17[%parallel_loop3A_379, %parallel_loop3A_380], %parallel_loop3A_377 {strides = array<i32>} : memref<2x8192xf32, #tpu.memory_space<vmem>>, vector<16xf32>,
          %parallel_loop3A_382 = tpu.vector_load_idx %arg16[%parallel_loop3A_376, %parallel_loop3A_362] : memref<2x8192xf32, #tpu.memory_space<vmem>>[vector<16xi32>, vector<16xi32>], vector<16xf32>,
          %parallel_loop3A_383 = arith.constant 1 : i32
          %parallel_loop3A_384 = arith.index_cast %parallel_loop3A_383 : i32 to index
          %parallel_loop3A_385 = arith.index_cast %parallel_loop3A_360 : i32 to index
          %parallel_loop3A_386 = tpu.vector_load %arg18[%parallel_loop3A_384, %parallel_loop3A_385] {strides = array<i32>} : memref<2x8192xf32, #tpu.memory_space<vmem>>, vector<16xf32>,
          tpu.vector_store %arg18[%parallel_loop3A_384, %parallel_loop3A_385], %parallel_loop3A_382 {strides = array<i32>} : memref<2x8192xf32, #tpu.memory_space<vmem>>, vector<16xf32>,
        } {sc.loop_unroll_factor = 4 : i64, sc.parallel_access}
        %dma_start3A_341 = arith.constant 0 : i32
        %dma_start3A_342 = tpu.memref_slice %arg6[%add3A_126, %mul3A_317, %dma_start3A_341] : memref<128x64x8192xf32, #tpu.memory_space<hbm>> -> memref<1x2x8192xf32, #tpu.memory_space<hbm>>
        %dma_start3A_343 = tpu.memref_squeeze %dma_start3A_342 : memref<1x2x8192xf32, #tpu.memory_space<hbm>> -> memref<2x8192xf32, #tpu.memory_space<hbm>>
        %dma_start3A_344 = arith.constant 0 : i32
        %dma_start3A_345 = tpu.memref_slice %arg6[%add3A_126, %mul3A_317, %dma_start3A_344] : memref<128x64x8192xf32, #tpu.memory_space<hbm>> -> memref<1x2x8192xf32, #tpu.memory_space<hbm>>
        %dma_start3A_346 = tpu.memref_squeeze %dma_start3A_345 : memref<1x2x8192xf32, #tpu.memory_space<hbm>> -> memref<2x8192xf32, #tpu.memory_space<hbm>>
        tpu.enqueue_dma source(%arg17 : memref<2x8192xf32, #tpu.memory_space<vmem>>) target(%dma_start3A_346 : memref<2x8192xf32, #tpu.memory_space<hbm>>) target_semaphore(%arg21 : memref<!tpu.dma_semaphore, #tpu.memory_space<semaphore_mem>>)
        %add3A_347 = arith.constant 2 : i32
        %add3A_348 = arith.addi %mul3A_317, %add3A_347 : i32
        %dma_start3A_349 = arith.constant 0 : i32
        %dma_start3A_350 = tpu.memref_slice %arg6[%add3A_126, %add3A_348, %dma_start3A_349] : memref<128x64x8192xf32, #tpu.memory_space<hbm>> -> memref<1x2x8192xf32, #tpu.memory_space<hbm>>
        %dma_start3A_351 = tpu.memref_squeeze %dma_start3A_350 : memref<1x2x8192xf32, #tpu.memory_space<hbm>> -> memref<2x8192xf32, #tpu.memory_space<hbm>>
        %dma_start3A_352 = arith.constant 0 : i32
        %dma_start3A_353 = tpu.memref_slice %arg6[%add3A_126, %add3A_348, %dma_start3A_352] : memref<128x64x8192xf32, #tpu.memory_space<hbm>> -> memref<1x2x8192xf32, #tpu.memory_space<hbm>>
        %dma_start3A_354 = tpu.memref_squeeze %dma_start3A_353 : memref<1x2x8192xf32, #tpu.memory_space<hbm>> -> memref<2x8192xf32, #tpu.memory_space<hbm>>
        tpu.enqueue_dma source(%arg18 : memref<2x8192xf32, #tpu.memory_space<vmem>>) target(%dma_start3A_354 : memref<2x8192xf32, #tpu.memory_space<hbm>>) target_semaphore(%arg22 : memref<!tpu.dma_semaphore, #tpu.memory_space<semaphore_mem>>)
        %lt3A_355 = arith.constant 15 : i32
        %lt3A_356 = arith.cmpi slt, %scan3A_313, %lt3A_355 : i32
        %convert_element_type3A_357 = arith.extui %lt3A_356 : i1 to i32
        %cond3A_358 = arith.constant 0 : i32
        %cond3A_359 = arith.cmpi ne, %convert_element_type3A_357, %cond3A_358 : i32
        scf.if %cond3A_359 {
          %add3A_360 = arith.constant 4 : i32
          %add3A_361 = arith.addi %mul3A_317, %add3A_360 : i32
          %dma_start3A_362 = arith.constant 0 : i32
          %dma_start3A_363 = tpu.memref_slice %arg2[%add3A_126, %add3A_361, %dma_start3A_362] : memref<128x64x8192xf32, #tpu.memory_space<hbm>> -> memref<1x2x8192xf32, #tpu.memory_space<hbm>>
          %dma_start3A_364 = tpu.memref_squeeze %dma_start3A_363 : memref<1x2x8192xf32, #tpu.memory_space<hbm>> -> memref<2x8192xf32, #tpu.memory_space<hbm>>
          %dma_start3A_365 = arith.constant 0 : i32
          %dma_start3A_366 = tpu.memref_slice %arg2[%add3A_126, %add3A_361, %dma_start3A_365] : memref<128x64x8192xf32, #tpu.memory_space<hbm>> -> memref<1x2x8192xf32, #tpu.memory_space<hbm>>
          %dma_start3A_367 = tpu.memref_squeeze %dma_start3A_366 : memref<1x2x8192xf32, #tpu.memory_space<hbm>> -> memref<2x8192xf32, #tpu.memory_space<hbm>>
          tpu.enqueue_dma source(%dma_start3A_367 : memref<2x8192xf32, #tpu.memory_space<hbm>>) target(%arg15 : memref<2x8192xf32, #tpu.memory_space<vmem>>) target_semaphore(%arg19 : memref<!tpu.dma_semaphore, #tpu.memory_space<semaphore_mem>>)
          %add3A_368 = arith.constant 6 : i32
          %add3A_369 = arith.addi %mul3A_317, %add3A_368 : i32
          %dma_start3A_370 = arith.constant 0 : i32
          %dma_start3A_371 = tpu.memref_slice %arg2[%add3A_126, %add3A_369, %dma_start3A_370] : memref<128x64x8192xf32, #tpu.memory_space<hbm>> -> memref<1x2x8192xf32, #tpu.memory_space<hbm>>
          %dma_start3A_372 = tpu.memref_squeeze %dma_start3A_371 : memref<1x2x8192xf32, #tpu.memory_space<hbm>> -> memref<2x8192xf32, #tpu.memory_space<hbm>>
          %dma_start3A_373 = arith.constant 0 : i32
          %dma_start3A_374 = tpu.memref_slice %arg2[%add3A_126, %add3A_369, %dma_start3A_373] : memref<128x64x8192xf32, #tpu.memory_space<hbm>> -> memref<1x2x8192xf32, #tpu.memory_space<hbm>>
          %dma_start3A_375 = tpu.memref_squeeze %dma_start3A_374 : memref<1x2x8192xf32, #tpu.memory_space<hbm>> -> memref<2x8192xf32, #tpu.memory_space<hbm>>
          tpu.enqueue_dma source(%dma_start3A_375 : memref<2x8192xf32, #tpu.memory_space<hbm>>) target(%arg16 : memref<2x8192xf32, #tpu.memory_space<vmem>>) target_semaphore(%arg20 : memref<!tpu.dma_semaphore, #tpu.memory_space<semaphore_mem>>)
        } else {
        }
      }
      %scan3A_297 = arith.constant 16 : i32
      %dma_wait3A = arith.constant 0 : i32
      %dma_wait3A_298 = arith.constant 0 : i32
      %dma_wait3A_299 = tpu.memref_slice %arg6[%add3A_126, %dma_wait3A, %dma_wait3A_298] : memref<128x64x8192xf32, #tpu.memory_space<hbm>> -> memref<1x2x8192xf32, #tpu.memory_space<hbm>>
      %dma_wait3A_300 = tpu.memref_squeeze %dma_wait3A_299 : memref<1x2x8192xf32, #tpu.memory_space<hbm>> -> memref<2x8192xf32, #tpu.memory_space<hbm>>
      %dma_wait3A_301 = arith.constant 0 : i32
      %dma_wait3A_302 = arith.constant 0 : i32
      %dma_wait3A_303 = tpu.memref_slice %arg6[%add3A_126, %dma_wait3A_301, %dma_wait3A_302] : memref<128x64x8192xf32, #tpu.memory_space<hbm>> -> memref<1x2x8192xf32, #tpu.memory_space<hbm>>
      %dma_wait3A_304 = tpu.memref_squeeze %dma_wait3A_303 : memref<1x2x8192xf32, #tpu.memory_space<hbm>> -> memref<2x8192xf32, #tpu.memory_space<hbm>>
      tpu.wait_dma2 semaphore(%arg21 : memref<!tpu.dma_semaphore, #tpu.memory_space<semaphore_mem>>) src(%arg17 : memref<2x8192xf32, #tpu.memory_space<vmem>>) dst(%dma_wait3A_304 : memref<2x8192xf32, #tpu.memory_space<hbm>>)
      %dma_wait3A_305 = arith.constant 0 : i32
      %dma_wait3A_306 = arith.constant 0 : i32
      %dma_wait3A_307 = tpu.memref_slice %arg6[%add3A_126, %dma_wait3A_305, %dma_wait3A_306] : memref<128x64x8192xf32, #tpu.memory_space<hbm>> -> memref<1x2x8192xf32, #tpu.memory_space<hbm>>
      %dma_wait3A_308 = tpu.memref_squeeze %dma_wait3A_307 : memref<1x2x8192xf32, #tpu.memory_space<hbm>> -> memref<2x8192xf32, #tpu.memory_space<hbm>>
      %dma_wait3A_309 = arith.constant 0 : i32
      %dma_wait3A_310 = arith.constant 0 : i32
      %dma_wait3A_311 = tpu.memref_slice %arg6[%add3A_126, %dma_wait3A_309, %dma_wait3A_310] : memref<128x64x8192xf32, #tpu.memory_space<hbm>> -> memref<1x2x8192xf32, #tpu.memory_space<hbm>>
      %dma_wait3A_312 = tpu.memref_squeeze %dma_wait3A_311 : memref<1x2x8192xf32, #tpu.memory_space<hbm>> -> memref<2x8192xf32, #tpu.memory_space<hbm>>
      tpu.wait_dma2 semaphore(%arg22 : memref<!tpu.dma_semaphore, #tpu.memory_space<semaphore_mem>>) src(%arg18 : memref<2x8192xf32, #tpu.memory_space<vmem>>) dst(%dma_wait3A_312 : memref<2x8192xf32, #tpu.memory_space<hbm>>)
    } else {
    }
    %not3A_187 = arith.constant true
    %not3A_188 = arith.xori %ne3A_183, %not3A_187 : i1
    %convert_element_type3A_189 = arith.extui %not3A_188 : i1 to i32
    %cond3A_190 = arith.constant 0 : i32
    %cond3A_191 = arith.cmpi ne, %convert_element_type3A_189, %cond3A_190 : i32
    scf.if %cond3A_191 {
      "tpu.region"() ({
        %run_scoped3A = tpu.sem_alloc : memref<!tpu.dma_semaphore, #tpu.memory_space<semaphore_mem>>
        %dma_start3A_279 = arith.constant 0 : i32
        %dma_start3A_280 = tpu.memref_slice %arg4[%add3A_126, %dma_start3A_279] : memref<128x8192xf32, #tpu.memory_space<hbm>> -> memref<1x8192xf32, #tpu.memory_space<hbm>>
        %dma_start3A_281 = tpu.memref_squeeze %dma_start3A_280 : memref<1x8192xf32, #tpu.memory_space<hbm>> -> memref<8192xf32, #tpu.memory_space<hbm>>
        %dma_start3A_282 = arith.constant 0 : i32
        %dma_start3A_283 = tpu.memref_slice %arg4[%add3A_126, %dma_start3A_282] : memref<128x8192xf32, #tpu.memory_space<hbm>> -> memref<1x8192xf32, #tpu.memory_space<hbm>>
        %dma_start3A_284 = tpu.memref_squeeze %dma_start3A_283 : memref<1x8192xf32, #tpu.memory_space<hbm>> -> memref<8192xf32, #tpu.memory_space<hbm>>
        tpu.enqueue_dma source(%dma_start3A_284 : memref<8192xf32, #tpu.memory_space<hbm>>) target(%arg9 : memref<8192xf32, #tpu.memory_space<vmem>>) target_semaphore(%run_scoped3A : memref<!tpu.dma_semaphore, #tpu.memory_space<semaphore_mem>>)
        %dma_wait3A = arith.constant 0 : i32
        %dma_wait3A_285 = tpu.memref_slice %arg4[%add3A_126, %dma_wait3A] : memref<128x8192xf32, #tpu.memory_space<hbm>> -> memref<1x8192xf32, #tpu.memory_space<hbm>>
        %dma_wait3A_286 = tpu.memref_squeeze %dma_wait3A_285 : memref<1x8192xf32, #tpu.memory_space<hbm>> -> memref<8192xf32, #tpu.memory_space<hbm>>
        %dma_wait3A_287 = arith.constant 0 : i32
        %dma_wait3A_288 = tpu.memref_slice %arg4[%add3A_126, %dma_wait3A_287] : memref<128x8192xf32, #tpu.memory_space<hbm>> -> memref<1x8192xf32, #tpu.memory_space<hbm>>
        %dma_wait3A_289 = tpu.memref_squeeze %dma_wait3A_288 : memref<1x8192xf32, #tpu.memory_space<hbm>> -> memref<8192xf32, #tpu.memory_space<hbm>>
        tpu.wait_dma2 semaphore(%run_scoped3A : memref<!tpu.dma_semaphore, #tpu.memory_space<semaphore_mem>>) src(%dma_wait3A_289 : memref<8192xf32, #tpu.memory_space<hbm>>) dst(%arg9 : memref<8192xf32, #tpu.memory_space<vmem>>)
        tpu.yield
      }) : () -> ()
      "tpu.region"() ({
        %run_scoped3A = tpu.sem_alloc : memref<!tpu.dma_semaphore, #tpu.memory_space<semaphore_mem>>
        %dma_start3A_279 = arith.constant 0 : i32
        %dma_start3A_280 = tpu.memref_slice %arg7[%add3A_126, %dma_start3A_279] : memref<128x8192xf32, #tpu.memory_space<hbm>> -> memref<1x8192xf32, #tpu.memory_space<hbm>>
        %dma_start3A_281 = tpu.memref_squeeze %dma_start3A_280 : memref<1x8192xf32, #tpu.memory_space<hbm>> -> memref<8192xf32, #tpu.memory_space<hbm>>
        %dma_start3A_282 = arith.constant 0 : i32
        %dma_start3A_283 = tpu.memref_slice %arg7[%add3A_126, %dma_start3A_282] : memref<128x8192xf32, #tpu.memory_space<hbm>> -> memref<1x8192xf32, #tpu.memory_space<hbm>>
        %dma_start3A_284 = tpu.memref_squeeze %dma_start3A_283 : memref<1x8192xf32, #tpu.memory_space<hbm>> -> memref<8192xf32, #tpu.memory_space<hbm>>
        tpu.enqueue_dma source(%arg9 : memref<8192xf32, #tpu.memory_space<vmem>>) target(%dma_start3A_284 : memref<8192xf32, #tpu.memory_space<hbm>>) target_semaphore(%run_scoped3A : memref<!tpu.dma_semaphore, #tpu.memory_space<semaphore_mem>>)
        %dma_wait3A = arith.constant 0 : i32
        %dma_wait3A_285 = tpu.memref_slice %arg7[%add3A_126, %dma_wait3A] : memref<128x8192xf32, #tpu.memory_space<hbm>> -> memref<1x8192xf32, #tpu.memory_space<hbm>>
        %dma_wait3A_286 = tpu.memref_squeeze %dma_wait3A_285 : memref<1x8192xf32, #tpu.memory_space<hbm>> -> memref<8192xf32, #tpu.memory_space<hbm>>
        %dma_wait3A_287 = arith.constant 0 : i32
        %dma_wait3A_288 = tpu.memref_slice %arg7[%add3A_126, %dma_wait3A_287] : memref<128x8192xf32, #tpu.memory_space<hbm>> -> memref<1x8192xf32, #tpu.memory_space<hbm>>
        %dma_wait3A_289 = tpu.memref_squeeze %dma_wait3A_288 : memref<1x8192xf32, #tpu.memory_space<hbm>> -> memref<8192xf32, #tpu.memory_space<hbm>>
        tpu.wait_dma2 semaphore(%run_scoped3A : memref<!tpu.dma_semaphore, #tpu.memory_space<semaphore_mem>>) src(%arg9 : memref<8192xf32, #tpu.memory_space<vmem>>) dst(%dma_wait3A_289 : memref<8192xf32, #tpu.memory_space<hbm>>)
        tpu.yield
      }) : () -> ()
      %dma_start3A = arith.constant 0 : i32
      %dma_start3A_259 = arith.constant 0 : i32
      %dma_start3A_260 = tpu.memref_slice %arg2[%add3A_126, %dma_start3A, %dma_start3A_259] : memref<128x64x8192xf32, #tpu.memory_space<hbm>> -> memref<1x2x8192xf32, #tpu.memory_space<hbm>>
      %dma_start3A_261 = tpu.memref_squeeze %dma_start3A_260 : memref<1x2x8192xf32, #tpu.memory_space<hbm>> -> memref<2x8192xf32, #tpu.memory_space<hbm>>
      %dma_start3A_262 = arith.constant 0 : i32
      %dma_start3A_263 = arith.constant 0 : i32
      %dma_start3A_264 = tpu.memref_slice %arg2[%add3A_126, %dma_start3A_262, %dma_start3A_263] : memref<128x64x8192xf32, #tpu.memory_space<hbm>> -> memref<1x2x8192xf32, #tpu.memory_space<hbm>>
      %dma_start3A_265 = tpu.memref_squeeze %dma_start3A_264 : memref<1x2x8192xf32, #tpu.memory_space<hbm>> -> memref<2x8192xf32, #tpu.memory_space<hbm>>
      tpu.enqueue_dma source(%dma_start3A_265 : memref<2x8192xf32, #tpu.memory_space<hbm>>) target(%arg15 : memref<2x8192xf32, #tpu.memory_space<vmem>>) target_semaphore(%arg19 : memref<!tpu.dma_semaphore, #tpu.memory_space<semaphore_mem>>)
      %dma_start3A_266 = arith.constant 2 : i32
      %dma_start3A_267 = arith.constant 0 : i32
      %dma_start3A_268 = tpu.memref_slice %arg2[%add3A_126, %dma_start3A_266, %dma_start3A_267] : memref<128x64x8192xf32, #tpu.memory_space<hbm>> -> memref<1x2x8192xf32, #tpu.memory_space<hbm>>
      %dma_start3A_269 = tpu.memref_squeeze %dma_start3A_268 : memref<1x2x8192xf32, #tpu.memory_space<hbm>> -> memref<2x8192xf32, #tpu.memory_space<hbm>>
      %dma_start3A_270 = arith.constant 2 : i32
      %dma_start3A_271 = arith.constant 0 : i32
      %dma_start3A_272 = tpu.memref_slice %arg2[%add3A_126, %dma_start3A_270, %dma_start3A_271] : memref<128x64x8192xf32, #tpu.memory_space<hbm>> -> memref<1x2x8192xf32, #tpu.memory_space<hbm>>
      %dma_start3A_273 = tpu.memref_squeeze %dma_start3A_272 : memref<1x2x8192xf32, #tpu.memory_space<hbm>> -> memref<2x8192xf32, #tpu.memory_space<hbm>>
      tpu.enqueue_dma source(%dma_start3A_273 : memref<2x8192xf32, #tpu.memory_space<hbm>>) target(%arg16 : memref<2x8192xf32, #tpu.memory_space<vmem>>) target_semaphore(%arg20 : memref<!tpu.dma_semaphore, #tpu.memory_space<semaphore_mem>>)
      %scan3A = arith.constant 0 : i32
      %scan3A_274 = arith.constant 0 : i32
      %scan3A_275 = arith.constant 16 : i32
      %scan3A_276 = arith.addi %scan3A_274, %scan3A_275 : i32
      %scan3A_277 = arith.constant 1 : i32
      scf.for %scan3A_279 = %scan3A_274 to %scan3A_276 step %scan3A_277  : i32 {
        %mul3A_280 = arith.constant 2 : i32
        %mul3A_281 = arith.muli %mul3A_280, %scan3A_279 : i32
        %mul3A_282 = arith.constant 2 : i32
        %mul3A_283 = arith.muli %mul3A_281, %mul3A_282 : i32
        %dma_wait3A = arith.constant 0 : i32
        %dma_wait3A_284 = arith.constant 0 : i32
        %dma_wait3A_285 = tpu.memref_slice %arg2[%add3A_126, %dma_wait3A, %dma_wait3A_284] : memref<128x64x8192xf32, #tpu.memory_space<hbm>> -> memref<1x2x8192xf32, #tpu.memory_space<hbm>>
        %dma_wait3A_286 = tpu.memref_squeeze %dma_wait3A_285 : memref<1x2x8192xf32, #tpu.memory_space<hbm>> -> memref<2x8192xf32, #tpu.memory_space<hbm>>
        %dma_wait3A_287 = arith.constant 0 : i32
        %dma_wait3A_288 = arith.constant 0 : i32
        %dma_wait3A_289 = tpu.memref_slice %arg2[%add3A_126, %dma_wait3A_287, %dma_wait3A_288] : memref<128x64x8192xf32, #tpu.memory_space<hbm>> -> memref<1x2x8192xf32, #tpu.memory_space<hbm>>
        %dma_wait3A_290 = tpu.memref_squeeze %dma_wait3A_289 : memref<1x2x8192xf32, #tpu.memory_space<hbm>> -> memref<2x8192xf32, #tpu.memory_space<hbm>>
        tpu.wait_dma2 semaphore(%arg19 : memref<!tpu.dma_semaphore, #tpu.memory_space<semaphore_mem>>) src(%dma_wait3A_290 : memref<2x8192xf32, #tpu.memory_space<hbm>>) dst(%arg15 : memref<2x8192xf32, #tpu.memory_space<vmem>>)
        %dma_wait3A_291 = arith.constant 0 : i32
        %dma_wait3A_292 = arith.constant 0 : i32
        %dma_wait3A_293 = tpu.memref_slice %arg2[%add3A_126, %dma_wait3A_291, %dma_wait3A_292] : memref<128x64x8192xf32, #tpu.memory_space<hbm>> -> memref<1x2x8192xf32, #tpu.memory_space<hbm>>
        %dma_wait3A_294 = tpu.memref_squeeze %dma_wait3A_293 : memref<1x2x8192xf32, #tpu.memory_space<hbm>> -> memref<2x8192xf32, #tpu.memory_space<hbm>>
        %dma_wait3A_295 = arith.constant 0 : i32
        %dma_wait3A_296 = arith.constant 0 : i32
        %dma_wait3A_297 = tpu.memref_slice %arg2[%add3A_126, %dma_wait3A_295, %dma_wait3A_296] : memref<128x64x8192xf32, #tpu.memory_space<hbm>> -> memref<1x2x8192xf32, #tpu.memory_space<hbm>>
        %dma_wait3A_298 = tpu.memref_squeeze %dma_wait3A_297 : memref<1x2x8192xf32, #tpu.memory_space<hbm>> -> memref<2x8192xf32, #tpu.memory_space<hbm>>
        tpu.wait_dma2 semaphore(%arg20 : memref<!tpu.dma_semaphore, #tpu.memory_space<semaphore_mem>>) src(%dma_wait3A_298 : memref<2x8192xf32, #tpu.memory_space<hbm>>) dst(%arg16 : memref<2x8192xf32, #tpu.memory_space<vmem>>)
        %dma_start3A_299 = arith.constant 0 : i32
        %dma_start3A_300 = tpu.memref_slice %arg6[%add3A_126, %mul3A_283, %dma_start3A_299] : memref<128x64x8192xf32, #tpu.memory_space<hbm>> -> memref<1x2x8192xf32, #tpu.memory_space<hbm>>
        %dma_start3A_301 = tpu.memref_squeeze %dma_start3A_300 : memref<1x2x8192xf32, #tpu.memory_space<hbm>> -> memref<2x8192xf32, #tpu.memory_space<hbm>>
        %dma_start3A_302 = arith.constant 0 : i32
        %dma_start3A_303 = tpu.memref_slice %arg6[%add3A_126, %mul3A_283, %dma_start3A_302] : memref<128x64x8192xf32, #tpu.memory_space<hbm>> -> memref<1x2x8192xf32, #tpu.memory_space<hbm>>
        %dma_start3A_304 = tpu.memref_squeeze %dma_start3A_303 : memref<1x2x8192xf32, #tpu.memory_space<hbm>> -> memref<2x8192xf32, #tpu.memory_space<hbm>>
        tpu.enqueue_dma source(%arg15 : memref<2x8192xf32, #tpu.memory_space<vmem>>) target(%dma_start3A_304 : memref<2x8192xf32, #tpu.memory_space<hbm>>) target_semaphore(%arg21 : memref<!tpu.dma_semaphore, #tpu.memory_space<semaphore_mem>>)
        %add3A_305 = arith.constant 2 : i32
        %add3A_306 = arith.addi %mul3A_283, %add3A_305 : i32
        %dma_start3A_307 = arith.constant 0 : i32
        %dma_start3A_308 = tpu.memref_slice %arg6[%add3A_126, %add3A_306, %dma_start3A_307] : memref<128x64x8192xf32, #tpu.memory_space<hbm>> -> memref<1x2x8192xf32, #tpu.memory_space<hbm>>
        %dma_start3A_309 = tpu.memref_squeeze %dma_start3A_308 : memref<1x2x8192xf32, #tpu.memory_space<hbm>> -> memref<2x8192xf32, #tpu.memory_space<hbm>>
        %dma_start3A_310 = arith.constant 0 : i32
        %dma_start3A_311 = tpu.memref_slice %arg6[%add3A_126, %add3A_306, %dma_start3A_310] : memref<128x64x8192xf32, #tpu.memory_space<hbm>> -> memref<1x2x8192xf32, #tpu.memory_space<hbm>>
        %dma_start3A_312 = tpu.memref_squeeze %dma_start3A_311 : memref<1x2x8192xf32, #tpu.memory_space<hbm>> -> memref<2x8192xf32, #tpu.memory_space<hbm>>
        tpu.enqueue_dma source(%arg16 : memref<2x8192xf32, #tpu.memory_space<vmem>>) target(%dma_start3A_312 : memref<2x8192xf32, #tpu.memory_space<hbm>>) target_semaphore(%arg22 : memref<!tpu.dma_semaphore, #tpu.memory_space<semaphore_mem>>)
        %dma_wait3A_313 = arith.constant 0 : i32
        %dma_wait3A_314 = arith.constant 0 : i32
        %dma_wait3A_315 = tpu.memref_slice %arg6[%add3A_126, %dma_wait3A_313, %dma_wait3A_314] : memref<128x64x8192xf32, #tpu.memory_space<hbm>> -> memref<1x2x8192xf32, #tpu.memory_space<hbm>>
        %dma_wait3A_316 = tpu.memref_squeeze %dma_wait3A_315 : memref<1x2x8192xf32, #tpu.memory_space<hbm>> -> memref<2x8192xf32, #tpu.memory_space<hbm>>
        %dma_wait3A_317 = arith.constant 0 : i32
        %dma_wait3A_318 = arith.constant 0 : i32
        %dma_wait3A_319 = tpu.memref_slice %arg6[%add3A_126, %dma_wait3A_317, %dma_wait3A_318] : memref<128x64x8192xf32, #tpu.memory_space<hbm>> -> memref<1x2x8192xf32, #tpu.memory_space<hbm>>
        %dma_wait3A_320 = tpu.memref_squeeze %dma_wait3A_319 : memref<1x2x8192xf32, #tpu.memory_space<hbm>> -> memref<2x8192xf32, #tpu.memory_space<hbm>>
        tpu.wait_dma2 semaphore(%arg21 : memref<!tpu.dma_semaphore, #tpu.memory_space<semaphore_mem>>) src(%arg15 : memref<2x8192xf32, #tpu.memory_space<vmem>>) dst(%dma_wait3A_320 : memref<2x8192xf32, #tpu.memory_space<hbm>>)
        %dma_wait3A_321 = arith.constant 0 : i32
        %dma_wait3A_322 = arith.constant 0 : i32
        %dma_wait3A_323 = tpu.memref_slice %arg6[%add3A_126, %dma_wait3A_321, %dma_wait3A_322] : memref<128x64x8192xf32, #tpu.memory_space<hbm>> -> memref<1x2x8192xf32, #tpu.memory_space<hbm>>
        %dma_wait3A_324 = tpu.memref_squeeze %dma_wait3A_323 : memref<1x2x8192xf32, #tpu.memory_space<hbm>> -> memref<2x8192xf32, #tpu.memory_space<hbm>>
        %dma_wait3A_325 = arith.constant 0 : i32
        %dma_wait3A_326 = arith.constant 0 : i32
        %dma_wait3A_327 = tpu.memref_slice %arg6[%add3A_126, %dma_wait3A_325, %dma_wait3A_326] : memref<128x64x8192xf32, #tpu.memory_space<hbm>> -> memref<1x2x8192xf32, #tpu.memory_space<hbm>>
        %dma_wait3A_328 = tpu.memref_squeeze %dma_wait3A_327 : memref<1x2x8192xf32, #tpu.memory_space<hbm>> -> memref<2x8192xf32, #tpu.memory_space<hbm>>
        tpu.wait_dma2 semaphore(%arg22 : memref<!tpu.dma_semaphore, #tpu.memory_space<semaphore_mem>>) src(%arg16 : memref<2x8192xf32, #tpu.memory_space<vmem>>) dst(%dma_wait3A_328 : memref<2x8192xf32, #tpu.memory_space<hbm>>)
        %lt3A_329 = arith.constant 15 : i32
        %lt3A_330 = arith.cmpi slt, %scan3A_279, %lt3A_329 : i32
        %convert_element_type3A_331 = arith.extui %lt3A_330 : i1 to i32
        %cond3A_332 = arith.constant 0 : i32
        %cond3A_333 = arith.cmpi ne, %convert_element_type3A_331, %cond3A_332 : i32
        scf.if %cond3A_333 {
          %add3A_334 = arith.constant 4 : i32
          %add3A_335 = arith.addi %mul3A_283, %add3A_334 : i32
          %dma_start3A_336 = arith.constant 0 : i32
          %dma_start3A_337 = tpu.memref_slice %arg2[%add3A_126, %add3A_335, %dma_start3A_336] : memref<128x64x8192xf32, #tpu.memory_space<hbm>> -> memref<1x2x8192xf32, #tpu.memory_space<hbm>>
          %dma_start3A_338 = tpu.memref_squeeze %dma_start3A_337 : memref<1x2x8192xf32, #tpu.memory_space<hbm>> -> memref<2x8192xf32, #tpu.memory_space<hbm>>
          %dma_start3A_339 = arith.constant 0 : i32
          %dma_start3A_340 = tpu.memref_slice %arg2[%add3A_126, %add3A_335, %dma_start3A_339] : memref<128x64x8192xf32, #tpu.memory_space<hbm>> -> memref<1x2x8192xf32, #tpu.memory_space<hbm>>
          %dma_start3A_341 = tpu.memref_squeeze %dma_start3A_340 : memref<1x2x8192xf32, #tpu.memory_space<hbm>> -> memref<2x8192xf32, #tpu.memory_space<hbm>>
          tpu.enqueue_dma source(%dma_start3A_341 : memref<2x8192xf32, #tpu.memory_space<hbm>>) target(%arg15 : memref<2x8192xf32, #tpu.memory_space<vmem>>) target_semaphore(%arg19 : memref<!tpu.dma_semaphore, #tpu.memory_space<semaphore_mem>>)
          %add3A_342 = arith.constant 6 : i32
          %add3A_343 = arith.addi %mul3A_283, %add3A_342 : i32
          %dma_start3A_344 = arith.constant 0 : i32
          %dma_start3A_345 = tpu.memref_slice %arg2[%add3A_126, %add3A_343, %dma_start3A_344] : memref<128x64x8192xf32, #tpu.memory_space<hbm>> -> memref<1x2x8192xf32, #tpu.memory_space<hbm>>
          %dma_start3A_346 = tpu.memref_squeeze %dma_start3A_345 : memref<1x2x8192xf32, #tpu.memory_space<hbm>> -> memref<2x8192xf32, #tpu.memory_space<hbm>>
          %dma_start3A_347 = arith.constant 0 : i32
          %dma_start3A_348 = tpu.memref_slice %arg2[%add3A_126, %add3A_343, %dma_start3A_347] : memref<128x64x8192xf32, #tpu.memory_space<hbm>> -> memref<1x2x8192xf32, #tpu.memory_space<hbm>>
          %dma_start3A_349 = tpu.memref_squeeze %dma_start3A_348 : memref<1x2x8192xf32, #tpu.memory_space<hbm>> -> memref<2x8192xf32, #tpu.memory_space<hbm>>
          tpu.enqueue_dma source(%dma_start3A_349 : memref<2x8192xf32, #tpu.memory_space<hbm>>) target(%arg16 : memref<2x8192xf32, #tpu.memory_space<vmem>>) target_semaphore(%arg20 : memref<!tpu.dma_semaphore, #tpu.memory_space<semaphore_mem>>)
        } else {
        }
      }
      %scan3A_278 = arith.constant 16 : i32
    } else {
    }
    %add3A_192 = arith.constant 96 : i32
    %add3A_193 = arith.addi %add3A, %add3A_192 : i32
    %mul3A_194 = arith.constant 8192 : i32
    %mul3A_195 = arith.muli %add3A_193, %mul3A_194 : i32
    %jit3A_196 = arith.constant 16 : i32
    %div3A_197 = arith.divsi %add3A_193, %jit3A_196 : i32
    %sign3A_198 = arith.constant 0 : i32
    %sign3A_199 = arith.cmpi sgt, %add3A_193, %sign3A_198 : i32
    %sign3A_200 = arith.extui %sign3A_199 : i1 to i32
    %sign3A_201 = arith.constant 0 : i32
    %sign3A_202 = arith.cmpi slt, %add3A_193, %sign3A_201 : i32
    %sign3A_203 = arith.extui %sign3A_202 : i1 to i32
    %sign3A_204 = arith.subi %sign3A_200, %sign3A_203 : i32
    %sign3A_205 = arith.constant 0 : i32
    %sign3A_206 = arith.cmpi sgt, %jit3A_196, %sign3A_205 : i32
    %sign3A_207 = arith.extui %sign3A_206 : i1 to i32
    %sign3A_208 = arith.constant 0 : i32
    %sign3A_209 = arith.cmpi slt, %jit3A_196, %sign3A_208 : i32
    %sign3A_210 = arith.extui %sign3A_209 : i1 to i32
    %sign3A_211 = arith.subi %sign3A_207, %sign3A_210 : i32
    %ne3A_212 = arith.cmpi ne, %sign3A_204, %sign3A_211 : i32
    %rem3A_213 = arith.remsi %add3A_193, %jit3A_196 : i32
    %ne3A_214 = arith.constant 0 : i32
    %ne3A_215 = arith.cmpi ne, %rem3A_213, %ne3A_214 : i32
    %and3A_216 = arith.andi %ne3A_212, %ne3A_215 : i1
    %sub3A_217 = arith.constant 1 : i32
    %sub3A_218 = arith.subi %div3A_197, %sub3A_217 : i32
    %select_n3A_219 = arith.select %and3A_216, %sub3A_218, %div3A_197 : i32
    %mul3A_220 = arith.constant 16 : i32
    %mul3A_221 = arith.muli %select_n3A_219, %mul3A_220 : i32
    %get3A_222 = arith.index_cast %mul3A_221 : i32 to index
    %get3A_223 = tpu.vector_load %arg13[%get3A_222] {strides = array<i32>} : memref<128xf32, #tpu.memory_space<vmem>>, vector<16xf32>,
    %jit3A_224 = arith.constant 16 : i32
    %eq3A_225 = arith.constant 0 : i32
    %eq3A_226 = arith.cmpi eq, %jit3A_224, %eq3A_225 : i32
    %jit3A_227 = arith.constant 1 : i32
    %select_n3A_228 = arith.select %eq3A_226, %jit3A_227, %jit3A_224 : i32
    %rem3A_229 = arith.remsi %add3A_193, %select_n3A_228 : i32
    %ne3A_230 = arith.constant 0 : i32
    %ne3A_231 = arith.cmpi ne, %rem3A_229, %ne3A_230 : i32
    %lt3A_232 = arith.constant 0 : i32
    %lt3A_233 = arith.cmpi slt, %rem3A_229, %lt3A_232 : i32
    %lt3A_234 = arith.constant 0 : i32
    %lt3A_235 = arith.cmpi slt, %select_n3A_228, %lt3A_234 : i32
    %ne3A_236 = arith.xori %lt3A_233, %lt3A_235 : i1
    %and3A_237 = arith.andi %ne3A_236, %ne3A_231 : i1
    %add3A_238 = arith.addi %rem3A_229, %select_n3A_228 : i32
    %select_n3A_239 = arith.select %and3A_237, %add3A_238, %rem3A_229 : i32
    %eq3A_240 = vector.broadcast %select_n3A_239 : i32 to vector<16xi32>
    %eq3A_241 = arith.cmpi eq, %iota3A, %eq3A_240 : vector<16xi32>
    %jit3A_242 = arith.constant 0.000000e+00 : f32
    %broadcast_in_dim3A_243 = vector.broadcast %jit3A_242 : f32 to vector<16xf32>
    %select_n3A_244 = arith.select %eq3A_241, %get3A_223, %broadcast_in_dim3A_243 : vector<16xi1>, vector<16xf32>
    %reduce_max3A_245 = arith.constant true
    %reduce_max3A_246 = vector.broadcast %reduce_max3A_245 : i1 to vector<16xi1>
    %reduce_max3A_247 = tpu.scan <max>, %select_n3A_244 masked %reduce_max3A_246 : vector<16xf32>, vector<16xi1> -> vector<16xf32>
    %reduce_max3A_248 = vector.extract %reduce_max3A_247[15] : f32 from vector<16xf32>
    %ne3A_249 = arith.constant 0.000000e+00 : f32
    %ne3A_250 = arith.cmpf one, %reduce_max3A_248, %ne3A_249 : f32
    %convert_element_type3A_251 = arith.extui %ne3A_250 : i1 to i32
    %cond3A_252 = arith.constant 0 : i32
    %cond3A_253 = arith.cmpi ne, %convert_element_type3A_251, %cond3A_252 : i32
    scf.if %cond3A_253 {
      "tpu.region"() ({
        %run_scoped3A = tpu.sem_alloc : memref<!tpu.dma_semaphore, #tpu.memory_space<semaphore_mem>>
        %dma_start3A_313 = arith.constant 0 : i32
        %dma_start3A_314 = tpu.memref_slice %arg3[%add3A_193, %dma_start3A_313] : memref<128x8192xf32, #tpu.memory_space<hbm>> -> memref<1x8192xf32, #tpu.memory_space<hbm>>
        %dma_start3A_315 = tpu.memref_squeeze %dma_start3A_314 : memref<1x8192xf32, #tpu.memory_space<hbm>> -> memref<8192xf32, #tpu.memory_space<hbm>>
        %dma_start3A_316 = arith.constant 0 : i32
        %dma_start3A_317 = tpu.memref_slice %arg3[%add3A_193, %dma_start3A_316] : memref<128x8192xf32, #tpu.memory_space<hbm>> -> memref<1x8192xf32, #tpu.memory_space<hbm>>
        %dma_start3A_318 = tpu.memref_squeeze %dma_start3A_317 : memref<1x8192xf32, #tpu.memory_space<hbm>> -> memref<8192xf32, #tpu.memory_space<hbm>>
        tpu.enqueue_dma source(%dma_start3A_318 : memref<8192xf32, #tpu.memory_space<hbm>>) target(%arg8 : memref<8192xf32, #tpu.memory_space<vmem>>) target_semaphore(%run_scoped3A : memref<!tpu.dma_semaphore, #tpu.memory_space<semaphore_mem>>)
        %dma_wait3A_319 = arith.constant 0 : i32
        %dma_wait3A_320 = tpu.memref_slice %arg3[%add3A_193, %dma_wait3A_319] : memref<128x8192xf32, #tpu.memory_space<hbm>> -> memref<1x8192xf32, #tpu.memory_space<hbm>>
        %dma_wait3A_321 = tpu.memref_squeeze %dma_wait3A_320 : memref<1x8192xf32, #tpu.memory_space<hbm>> -> memref<8192xf32, #tpu.memory_space<hbm>>
        %dma_wait3A_322 = arith.constant 0 : i32
        %dma_wait3A_323 = tpu.memref_slice %arg3[%add3A_193, %dma_wait3A_322] : memref<128x8192xf32, #tpu.memory_space<hbm>> -> memref<1x8192xf32, #tpu.memory_space<hbm>>
        %dma_wait3A_324 = tpu.memref_squeeze %dma_wait3A_323 : memref<1x8192xf32, #tpu.memory_space<hbm>> -> memref<8192xf32, #tpu.memory_space<hbm>>
        tpu.wait_dma2 semaphore(%run_scoped3A : memref<!tpu.dma_semaphore, #tpu.memory_space<semaphore_mem>>) src(%dma_wait3A_324 : memref<8192xf32, #tpu.memory_space<hbm>>) dst(%arg8 : memref<8192xf32, #tpu.memory_space<vmem>>)
        tpu.yield
      }) : () -> ()
      "tpu.region"() ({
        %run_scoped3A = tpu.sem_alloc : memref<!tpu.dma_semaphore, #tpu.memory_space<semaphore_mem>>
        %dma_start3A_313 = arith.constant 0 : i32
        %dma_start3A_314 = tpu.memref_slice %arg7[%add3A_193, %dma_start3A_313] : memref<128x8192xf32, #tpu.memory_space<hbm>> -> memref<1x8192xf32, #tpu.memory_space<hbm>>
        %dma_start3A_315 = tpu.memref_squeeze %dma_start3A_314 : memref<1x8192xf32, #tpu.memory_space<hbm>> -> memref<8192xf32, #tpu.memory_space<hbm>>
        %dma_start3A_316 = arith.constant 0 : i32
        %dma_start3A_317 = tpu.memref_slice %arg7[%add3A_193, %dma_start3A_316] : memref<128x8192xf32, #tpu.memory_space<hbm>> -> memref<1x8192xf32, #tpu.memory_space<hbm>>
        %dma_start3A_318 = tpu.memref_squeeze %dma_start3A_317 : memref<1x8192xf32, #tpu.memory_space<hbm>> -> memref<8192xf32, #tpu.memory_space<hbm>>
        tpu.enqueue_dma source(%arg10 : memref<8192xf32, #tpu.memory_space<vmem>>) target(%dma_start3A_318 : memref<8192xf32, #tpu.memory_space<hbm>>) target_semaphore(%run_scoped3A : memref<!tpu.dma_semaphore, #tpu.memory_space<semaphore_mem>>)
        %dma_wait3A_319 = arith.constant 0 : i32
        %dma_wait3A_320 = tpu.memref_slice %arg7[%add3A_193, %dma_wait3A_319] : memref<128x8192xf32, #tpu.memory_space<hbm>> -> memref<1x8192xf32, #tpu.memory_space<hbm>>
        %dma_wait3A_321 = tpu.memref_squeeze %dma_wait3A_320 : memref<1x8192xf32, #tpu.memory_space<hbm>> -> memref<8192xf32, #tpu.memory_space<hbm>>
        %dma_wait3A_322 = arith.constant 0 : i32
        %dma_wait3A_323 = tpu.memref_slice %arg7[%add3A_193, %dma_wait3A_322] : memref<128x8192xf32, #tpu.memory_space<hbm>> -> memref<1x8192xf32, #tpu.memory_space<hbm>>
        %dma_wait3A_324 = tpu.memref_squeeze %dma_wait3A_323 : memref<1x8192xf32, #tpu.memory_space<hbm>> -> memref<8192xf32, #tpu.memory_space<hbm>>
        tpu.wait_dma2 semaphore(%run_scoped3A : memref<!tpu.dma_semaphore, #tpu.memory_space<semaphore_mem>>) src(%arg10 : memref<8192xf32, #tpu.memory_space<vmem>>) dst(%dma_wait3A_324 : memref<8192xf32, #tpu.memory_space<hbm>>)
        tpu.yield
      }) : () -> ()
      %parallel_loop3A_259 = arith.constant 0 : i32
      %parallel_loop3A_260 = arith.constant 8192 : i32
      %parallel_loop3A_261 = arith.constant 16 : i32
      scf.for %parallel_loop3A_313 = %parallel_loop3A_259 to %parallel_loop3A_260 step %parallel_loop3A_261  : i32 {
        %parallel_loop3A_314 = vector.broadcast %parallel_loop3A_313 : i32 to vector<16xi32>
        %parallel_loop3A_315 = arith.addi %parallel_loop3A_314, %iota3A : vector<16xi32>
        %parallel_loop3A_316 = arith.index_cast %parallel_loop3A_313 : i32 to index
        %parallel_loop3A_317 = tpu.vector_load %arg8[%parallel_loop3A_316] {strides = array<i32>} : memref<8192xf32, #tpu.memory_space<vmem>>, vector<16xf32>,
        %parallel_loop3A_318 = arith.constant 1 : i32
        %parallel_loop3A_319 = vector.broadcast %parallel_loop3A_318 : i32 to vector<16xi32>
        %parallel_loop3A_320 = arith.subi %parallel_loop3A_315, %parallel_loop3A_319 : vector<16xi32>
        %parallel_loop3A_321 = arith.constant 0 : i32
        %parallel_loop3A_322 = vector.broadcast %parallel_loop3A_321 : i32 to vector<16xi32>
        %parallel_loop3A_323 = arith.maxsi %parallel_loop3A_320, %parallel_loop3A_322 : vector<16xi32>
        %parallel_loop3A_324 = tpu.vector_load_idx %arg8[%parallel_loop3A_323] : memref<8192xf32, #tpu.memory_space<vmem>>[vector<16xi32>], vector<16xf32>,
        %parallel_loop3A_325 = arith.constant 8.192000e+03 : f32
        %parallel_loop3A_326 = vector.broadcast %parallel_loop3A_325 : f32 to vector<16xf32>
        %parallel_loop3A_327 = arith.mulf %parallel_loop3A_317, %parallel_loop3A_326 : vector<16xf32>
        %parallel_loop3A_328 = arith.constant 5.000000e-01 : f32
        %parallel_loop3A_329 = vector.broadcast %parallel_loop3A_328 : f32 to vector<16xf32>
        %parallel_loop3A_330 = arith.subf %parallel_loop3A_327, %parallel_loop3A_329 : vector<16xf32>
        %parallel_loop3A_331 = arith.fptosi %parallel_loop3A_330 : vector<16xf32> to vector<16xi32>
        %parallel_loop3A_332 = arith.constant 1 : i32
        %parallel_loop3A_333 = vector.broadcast %parallel_loop3A_332 : i32 to vector<16xi32>
        %parallel_loop3A_334 = arith.addi %parallel_loop3A_331, %parallel_loop3A_333 : vector<16xi32>
        %parallel_loop3A_335 = arith.constant 0.000000e+00 : f32
        %parallel_loop3A_336 = vector.broadcast %parallel_loop3A_335 : f32 to vector<16xf32>
        %parallel_loop3A_337 = arith.cmpf olt, %parallel_loop3A_330, %parallel_loop3A_336 : vector<16xf32>
        %parallel_loop3A_338 = arith.constant 0 : i32
        %parallel_loop3A_339 = vector.broadcast %parallel_loop3A_338 : i32 to vector<16xi32>
        %parallel_loop3A_340 = arith.select %parallel_loop3A_337, %parallel_loop3A_339, %parallel_loop3A_334 : vector<16xi1>, vector<16xi32>
        %parallel_loop3A_341 = arith.constant 8192 : i32
        %parallel_loop3A_342 = vector.broadcast %parallel_loop3A_341 : i32 to vector<16xi32>
        %parallel_loop3A_343 = arith.minsi %parallel_loop3A_340, %parallel_loop3A_342 : vector<16xi32>
        %parallel_loop3A_344 = arith.constant 8191 : i32
        %parallel_loop3A_345 = vector.broadcast %parallel_loop3A_344 : i32 to vector<16xi32>
        %parallel_loop3A_346 = arith.cmpi eq, %parallel_loop3A_315, %parallel_loop3A_345 : vector<16xi32>
        %parallel_loop3A_347 = arith.constant 8192 : i32
        %parallel_loop3A_348 = vector.broadcast %parallel_loop3A_347 : i32 to vector<16xi32>
        %parallel_loop3A_349 = arith.select %parallel_loop3A_346, %parallel_loop3A_348, %parallel_loop3A_343 : vector<16xi1>, vector<16xi32>
        %parallel_loop3A_350 = arith.constant 8.192000e+03 : f32
        %parallel_loop3A_351 = vector.broadcast %parallel_loop3A_350 : f32 to vector<16xf32>
        %parallel_loop3A_352 = arith.mulf %parallel_loop3A_324, %parallel_loop3A_351 : vector<16xf32>
        %parallel_loop3A_353 = arith.constant 5.000000e-01 : f32
        %parallel_loop3A_354 = vector.broadcast %parallel_loop3A_353 : f32 to vector<16xf32>
        %parallel_loop3A_355 = arith.subf %parallel_loop3A_352, %parallel_loop3A_354 : vector<16xf32>
        %parallel_loop3A_356 = arith.fptosi %parallel_loop3A_355 : vector<16xf32> to vector<16xi32>
        %parallel_loop3A_357 = arith.constant 1 : i32
        %parallel_loop3A_358 = vector.broadcast %parallel_loop3A_357 : i32 to vector<16xi32>
        %parallel_loop3A_359 = arith.addi %parallel_loop3A_356, %parallel_loop3A_358 : vector<16xi32>
        %parallel_loop3A_360 = arith.constant 0.000000e+00 : f32
        %parallel_loop3A_361 = vector.broadcast %parallel_loop3A_360 : f32 to vector<16xf32>
        %parallel_loop3A_362 = arith.cmpf olt, %parallel_loop3A_355, %parallel_loop3A_361 : vector<16xf32>
        %parallel_loop3A_363 = arith.constant 0 : i32
        %parallel_loop3A_364 = vector.broadcast %parallel_loop3A_363 : i32 to vector<16xi32>
        %parallel_loop3A_365 = arith.select %parallel_loop3A_362, %parallel_loop3A_364, %parallel_loop3A_359 : vector<16xi1>, vector<16xi32>
        %parallel_loop3A_366 = arith.constant 8192 : i32
        %parallel_loop3A_367 = vector.broadcast %parallel_loop3A_366 : i32 to vector<16xi32>
        %parallel_loop3A_368 = arith.minsi %parallel_loop3A_365, %parallel_loop3A_367 : vector<16xi32>
        %parallel_loop3A_369 = arith.constant 0 : i32
        %parallel_loop3A_370 = vector.broadcast %parallel_loop3A_369 : i32 to vector<16xi32>
        %parallel_loop3A_371 = arith.cmpi eq, %parallel_loop3A_315, %parallel_loop3A_370 : vector<16xi32>
        %parallel_loop3A_372 = arith.constant 0 : i32
        %parallel_loop3A_373 = vector.broadcast %parallel_loop3A_372 : i32 to vector<16xi32>
        %parallel_loop3A_374 = arith.select %parallel_loop3A_371, %parallel_loop3A_373, %parallel_loop3A_368 : vector<16xi1>, vector<16xi32>
        %parallel_loop3A_375 = arith.cmpi sgt, %parallel_loop3A_349, %parallel_loop3A_374 : vector<16xi32>
        %parallel_loop3A_376 = arith.constant 8191 : i32
        %parallel_loop3A_377 = vector.broadcast %parallel_loop3A_376 : i32 to vector<16xi32>
        %parallel_loop3A_378 = arith.minsi %parallel_loop3A_374, %parallel_loop3A_377 : vector<16xi32>
        %parallel_loop3A_379 = vector.broadcast %mul3A_195 : i32 to vector<16xi32>
        %parallel_loop3A_380 = arith.addi %parallel_loop3A_379, %parallel_loop3A_315 : vector<16xi32>
        %parallel_loop3A_381 = arith.sitofp %parallel_loop3A_380 : vector<16xi32> to vector<16xf32>
        tpu.vector_store_idx %arg11[%parallel_loop3A_378], %parallel_loop3A_381 masked %parallel_loop3A_375 : memref<8192xf32, #tpu.memory_space<vmem>>[vector<16xi32>], vector<16xf32>, vector<16xi1>
      } {sc.loop_unroll_factor = 4 : i64, sc.parallel_access}
      %convert_element_type3A_262 = arith.sitofp %mul3A_195 : i32 to f32
      %add3A_263 = vector.broadcast %convert_element_type3A_262 : f32 to vector<16xf32>
      %add3A_264 = arith.addf %broadcast_in_dim3A_1, %add3A_263 : vector<16xf32>
      %parallel_loop3A_265 = arith.constant 0 : i32
      %parallel_loop3A_266 = arith.constant 8192 : i32
      %parallel_loop3A_267 = arith.constant 16 : i32
      scf.for %parallel_loop3A_313 = %parallel_loop3A_265 to %parallel_loop3A_266 step %parallel_loop3A_267  : i32 {
        %parallel_loop3A_314 = arith.constant 0 : i32
        %parallel_loop3A_315 = vector.broadcast %parallel_loop3A_314 : i32 to vector<16xi32>
        %parallel_loop3A_316 = arith.muli %iota3A, %parallel_loop3A_315 : vector<16xi32>
        %parallel_loop3A_317 = arith.constant 16 : i32
        %parallel_loop3A_318 = arith.divsi %parallel_loop3A_313, %parallel_loop3A_317 : i32
        %parallel_loop3A_319 = arith.constant 0 : i32
        %parallel_loop3A_320 = arith.cmpi sgt, %parallel_loop3A_313, %parallel_loop3A_319 : i32
        %parallel_loop3A_321 = arith.extui %parallel_loop3A_320 : i1 to i32
        %parallel_loop3A_322 = arith.constant 0 : i32
        %parallel_loop3A_323 = arith.cmpi slt, %parallel_loop3A_313, %parallel_loop3A_322 : i32
        %parallel_loop3A_324 = arith.extui %parallel_loop3A_323 : i1 to i32
        %parallel_loop3A_325 = arith.subi %parallel_loop3A_321, %parallel_loop3A_324 : i32
        %parallel_loop3A_326 = arith.constant 0 : i32
        %parallel_loop3A_327 = arith.cmpi sgt, %parallel_loop3A_317, %parallel_loop3A_326 : i32
        %parallel_loop3A_328 = arith.extui %parallel_loop3A_327 : i1 to i32
        %parallel_loop3A_329 = arith.constant 0 : i32
        %parallel_loop3A_330 = arith.cmpi slt, %parallel_loop3A_317, %parallel_loop3A_329 : i32
        %parallel_loop3A_331 = arith.extui %parallel_loop3A_330 : i1 to i32
        %parallel_loop3A_332 = arith.subi %parallel_loop3A_328, %parallel_loop3A_331 : i32
        %parallel_loop3A_333 = arith.cmpi ne, %parallel_loop3A_325, %parallel_loop3A_332 : i32
        %parallel_loop3A_334 = arith.remsi %parallel_loop3A_313, %parallel_loop3A_317 : i32
        %parallel_loop3A_335 = arith.constant 0 : i32
        %parallel_loop3A_336 = arith.cmpi ne, %parallel_loop3A_334, %parallel_loop3A_335 : i32
        %parallel_loop3A_337 = arith.andi %parallel_loop3A_333, %parallel_loop3A_336 : i1
        %parallel_loop3A_338 = arith.constant 1 : i32
        %parallel_loop3A_339 = arith.subi %parallel_loop3A_318, %parallel_loop3A_338 : i32
        %parallel_loop3A_340 = arith.select %parallel_loop3A_337, %parallel_loop3A_339, %parallel_loop3A_318 : i32
        %parallel_loop3A_341 = vector.broadcast %parallel_loop3A_340 : i32 to vector<16xi32>
        %parallel_loop3A_342 = arith.addi %parallel_loop3A_316, %parallel_loop3A_341 : vector<16xi32>
        %parallel_loop3A_343 = arith.index_cast %parallel_loop3A_313 : i32 to index
        %parallel_loop3A_344 = tpu.vector_load %arg11[%parallel_loop3A_343] {strides = array<i32>} : memref<8192xf32, #tpu.memory_space<vmem>>, vector<16xf32>,
        %parallel_loop3A_345 = arith.constant true
        %parallel_loop3A_346 = vector.broadcast %parallel_loop3A_345 : i1 to vector<16xi1>
        %parallel_loop3A_347 = tpu.scan <max>, %parallel_loop3A_344 masked %parallel_loop3A_346 : vector<16xf32>, vector<16xi1> -> vector<16xf32>
        %parallel_loop3A_348 = arith.index_cast %parallel_loop3A_313 : i32 to index
        %parallel_loop3A_349 = tpu.vector_load %arg9[%parallel_loop3A_348] {strides = array<i32>} : memref<8192xf32, #tpu.memory_space<vmem>>, vector<16xf32>,
        tpu.vector_store %arg9[%parallel_loop3A_348], %parallel_loop3A_347 {strides = array<i32>} : memref<8192xf32, #tpu.memory_space<vmem>>, vector<16xf32>,
        %parallel_loop3A_350 = arith.constant true
        %parallel_loop3A_351 = vector.broadcast %parallel_loop3A_350 : i1 to vector<16xi1>
        %parallel_loop3A_352 = tpu.scan <max>, %parallel_loop3A_347 masked %parallel_loop3A_351 : vector<16xf32>, vector<16xi1> -> vector<16xf32>
        %parallel_loop3A_353 = vector.extract %parallel_loop3A_352[15] : f32 from vector<16xf32>
        %parallel_loop3A_354 = vector.broadcast %parallel_loop3A_353 : f32 to vector<16xf32>
        %parallel_loop3A_355 = arith.addf %broadcast_in_dim3A_1, %parallel_loop3A_354 : vector<16xf32>
        %parallel_loop3A_356 = arith.constant 0 : i32
        %parallel_loop3A_357 = vector.broadcast %parallel_loop3A_356 : i32 to vector<16xi32>
        %parallel_loop3A_358 = arith.cmpi eq, %iota3A, %parallel_loop3A_357 : vector<16xi32>
        tpu.vector_store_idx %arg14[%parallel_loop3A_342], %parallel_loop3A_355 masked %parallel_loop3A_358 : memref<512xf32, #tpu.memory_space<vmem>>[vector<16xi32>], vector<16xf32>, vector<16xi1>
      } {sc.loop_unroll_factor = 4 : i64, sc.parallel_access}
      %convert_element_type3A_268 = arith.sitofp %mul3A_195 : i32 to f32
      %scan3A = arith.constant 0 : i32
      %scan3A_269 = arith.constant 32 : i32
      %scan3A_270 = arith.addi %scan3A, %scan3A_269 : i32
      %scan3A_271 = arith.constant 1 : i32
      %scan3A_272 = scf.for %scan3A_313 = %scan3A to %scan3A_270 step %scan3A_271 iter_args(%scan3A_314 = %convert_element_type3A_268) -> (f32)  : i32 {
        %mul3A_315 = arith.constant 16 : i32
        %mul3A_316 = arith.muli %scan3A_313, %mul3A_315 : i32
        %get3A_317 = arith.index_cast %mul3A_316 : i32 to index
        %get3A_318 = tpu.vector_load %arg14[%get3A_317] {strides = array<i32>} : memref<512xf32, #tpu.memory_space<vmem>>, vector<16xf32>,
        %broadcast_in_dim3A_319 = arith.constant true
        %broadcast_in_dim3A_320 = vector.broadcast %broadcast_in_dim3A_319 : i1 to vector<16xi1>
        %masked_cummax3A = tpu.scan <max>, %get3A_318 masked %broadcast_in_dim3A_320 : vector<16xf32>, vector<16xi1> -> vector<16xf32>
        %max3A = vector.broadcast %scan3A_314 : f32 to vector<16xf32>
        %max3A_321 = arith.maximumf %masked_cummax3A, %max3A : vector<16xf32>
        %swap3A = arith.index_cast %mul3A_316 : i32 to index
        %swap3A_322 = tpu.vector_load %arg14[%swap3A] {strides = array<i32>} : memref<512xf32, #tpu.memory_space<vmem>>, vector<16xf32>,
        tpu.vector_store %arg14[%swap3A], %max3A_321 {strides = array<i32>} : memref<512xf32, #tpu.memory_space<vmem>>, vector<16xf32>,
        %reduce_max3A_323 = arith.constant true
        %reduce_max3A_324 = vector.broadcast %reduce_max3A_323 : i1 to vector<16xi1>
        %reduce_max3A_325 = tpu.scan <max>, %max3A_321 masked %reduce_max3A_324 : vector<16xf32>, vector<16xi1> -> vector<16xf32>
        %reduce_max3A_326 = vector.extract %reduce_max3A_325[15] : f32 from vector<16xf32>
        scf.yield %reduce_max3A_326 : f32
      }
      %scan3A_273 = arith.constant 32 : i32
      %parallel_loop3A_274 = arith.constant 0 : i32
      %parallel_loop3A_275 = arith.constant 8192 : i32
      %parallel_loop3A_276 = arith.constant 16 : i32
      scf.for %parallel_loop3A_313 = %parallel_loop3A_274 to %parallel_loop3A_275 step %parallel_loop3A_276  : i32 {
        %parallel_loop3A_314 = arith.constant 0 : i32
        %parallel_loop3A_315 = vector.broadcast %parallel_loop3A_314 : i32 to vector<16xi32>
        %parallel_loop3A_316 = arith.muli %iota3A, %parallel_loop3A_315 : vector<16xi32>
        %parallel_loop3A_317 = arith.constant 16 : i32
        %parallel_loop3A_318 = arith.divsi %parallel_loop3A_313, %parallel_loop3A_317 : i32
        %parallel_loop3A_319 = arith.constant 0 : i32
        %parallel_loop3A_320 = arith.cmpi sgt, %parallel_loop3A_313, %parallel_loop3A_319 : i32
        %parallel_loop3A_321 = arith.extui %parallel_loop3A_320 : i1 to i32
        %parallel_loop3A_322 = arith.constant 0 : i32
        %parallel_loop3A_323 = arith.cmpi slt, %parallel_loop3A_313, %parallel_loop3A_322 : i32
        %parallel_loop3A_324 = arith.extui %parallel_loop3A_323 : i1 to i32
        %parallel_loop3A_325 = arith.subi %parallel_loop3A_321, %parallel_loop3A_324 : i32
        %parallel_loop3A_326 = arith.constant 0 : i32
        %parallel_loop3A_327 = arith.cmpi sgt, %parallel_loop3A_317, %parallel_loop3A_326 : i32
        %parallel_loop3A_328 = arith.extui %parallel_loop3A_327 : i1 to i32
        %parallel_loop3A_329 = arith.constant 0 : i32
        %parallel_loop3A_330 = arith.cmpi slt, %parallel_loop3A_317, %parallel_loop3A_329 : i32
        %parallel_loop3A_331 = arith.extui %parallel_loop3A_330 : i1 to i32
        %parallel_loop3A_332 = arith.subi %parallel_loop3A_328, %parallel_loop3A_331 : i32
        %parallel_loop3A_333 = arith.cmpi ne, %parallel_loop3A_325, %parallel_loop3A_332 : i32
        %parallel_loop3A_334 = arith.remsi %parallel_loop3A_313, %parallel_loop3A_317 : i32
        %parallel_loop3A_335 = arith.constant 0 : i32
        %parallel_loop3A_336 = arith.cmpi ne, %parallel_loop3A_334, %parallel_loop3A_335 : i32
        %parallel_loop3A_337 = arith.andi %parallel_loop3A_333, %parallel_loop3A_336 : i1
        %parallel_loop3A_338 = arith.constant 1 : i32
        %parallel_loop3A_339 = arith.subi %parallel_loop3A_318, %parallel_loop3A_338 : i32
        %parallel_loop3A_340 = arith.select %parallel_loop3A_337, %parallel_loop3A_339, %parallel_loop3A_318 : i32
        %parallel_loop3A_341 = vector.broadcast %parallel_loop3A_340 : i32 to vector<16xi32>
        %parallel_loop3A_342 = arith.addi %parallel_loop3A_316, %parallel_loop3A_341 : vector<16xi32>
        %parallel_loop3A_343 = arith.index_cast %parallel_loop3A_313 : i32 to index
        %parallel_loop3A_344 = tpu.vector_load %arg9[%parallel_loop3A_343] {strides = array<i32>} : memref<8192xf32, #tpu.memory_space<vmem>>, vector<16xf32>,
        %parallel_loop3A_345 = arith.constant 1 : i32
        %parallel_loop3A_346 = vector.broadcast %parallel_loop3A_345 : i32 to vector<16xi32>
        %parallel_loop3A_347 = arith.subi %parallel_loop3A_342, %parallel_loop3A_346 : vector<16xi32>
        %parallel_loop3A_348 = arith.constant 0 : i32
        %parallel_loop3A_349 = vector.broadcast %parallel_loop3A_348 : i32 to vector<16xi32>
        %parallel_loop3A_350 = arith.maxsi %parallel_loop3A_347, %parallel_loop3A_349 : vector<16xi32>
        %parallel_loop3A_351 = tpu.vector_load_idx %arg14[%parallel_loop3A_350] : memref<512xf32, #tpu.memory_space<vmem>>[vector<16xi32>], vector<16xf32>,
        %parallel_loop3A_352 = arith.constant 0 : i32
        %parallel_loop3A_353 = vector.broadcast %parallel_loop3A_352 : i32 to vector<16xi32>
        %parallel_loop3A_354 = arith.cmpi eq, %parallel_loop3A_342, %parallel_loop3A_353 : vector<16xi32>
        %parallel_loop3A_355 = arith.select %parallel_loop3A_354, %add3A_264, %parallel_loop3A_351 : vector<16xi1>, vector<16xf32>
        %parallel_loop3A_356 = arith.maximumf %parallel_loop3A_344, %parallel_loop3A_355 : vector<16xf32>
        %parallel_loop3A_357 = arith.fptosi %parallel_loop3A_356 : vector<16xf32> to vector<16xi32>
        %parallel_loop3A_358 = vector.broadcast %mul3A_195 : i32 to vector<16xi32>
        %parallel_loop3A_359 = arith.subi %parallel_loop3A_357, %parallel_loop3A_358 : vector<16xi32>
        %parallel_loop3A_360 = arith.index_cast %parallel_loop3A_313 : i32 to index
        %parallel_loop3A_361 = tpu.vector_load %arg12[%parallel_loop3A_360] {strides = array<i32>} : memref<8192xi32, #tpu.memory_space<vmem>>, vector<16xi32>,
        tpu.vector_store %arg12[%parallel_loop3A_360], %parallel_loop3A_359 {strides = array<i32>} : memref<8192xi32, #tpu.memory_space<vmem>>, vector<16xi32>,
      } {sc.loop_unroll_factor = 4 : i64, sc.parallel_access}
      %dma_start3A = arith.constant 0 : i32
      %dma_start3A_277 = arith.constant 0 : i32
      %dma_start3A_278 = tpu.memref_slice %arg2[%add3A_193, %dma_start3A, %dma_start3A_277] : memref<128x64x8192xf32, #tpu.memory_space<hbm>> -> memref<1x2x8192xf32, #tpu.memory_space<hbm>>
      %dma_start3A_279 = tpu.memref_squeeze %dma_start3A_278 : memref<1x2x8192xf32, #tpu.memory_space<hbm>> -> memref<2x8192xf32, #tpu.memory_space<hbm>>
      %dma_start3A_280 = arith.constant 0 : i32
      %dma_start3A_281 = arith.constant 0 : i32
      %dma_start3A_282 = tpu.memref_slice %arg2[%add3A_193, %dma_start3A_280, %dma_start3A_281] : memref<128x64x8192xf32, #tpu.memory_space<hbm>> -> memref<1x2x8192xf32, #tpu.memory_space<hbm>>
      %dma_start3A_283 = tpu.memref_squeeze %dma_start3A_282 : memref<1x2x8192xf32, #tpu.memory_space<hbm>> -> memref<2x8192xf32, #tpu.memory_space<hbm>>
      tpu.enqueue_dma source(%dma_start3A_283 : memref<2x8192xf32, #tpu.memory_space<hbm>>) target(%arg15 : memref<2x8192xf32, #tpu.memory_space<vmem>>) target_semaphore(%arg19 : memref<!tpu.dma_semaphore, #tpu.memory_space<semaphore_mem>>)
      %dma_start3A_284 = arith.constant 2 : i32
      %dma_start3A_285 = arith.constant 0 : i32
      %dma_start3A_286 = tpu.memref_slice %arg2[%add3A_193, %dma_start3A_284, %dma_start3A_285] : memref<128x64x8192xf32, #tpu.memory_space<hbm>> -> memref<1x2x8192xf32, #tpu.memory_space<hbm>>
      %dma_start3A_287 = tpu.memref_squeeze %dma_start3A_286 : memref<1x2x8192xf32, #tpu.memory_space<hbm>> -> memref<2x8192xf32, #tpu.memory_space<hbm>>
      %dma_start3A_288 = arith.constant 2 : i32
      %dma_start3A_289 = arith.constant 0 : i32
      %dma_start3A_290 = tpu.memref_slice %arg2[%add3A_193, %dma_start3A_288, %dma_start3A_289] : memref<128x64x8192xf32, #tpu.memory_space<hbm>> -> memref<1x2x8192xf32, #tpu.memory_space<hbm>>
      %dma_start3A_291 = tpu.memref_squeeze %dma_start3A_290 : memref<1x2x8192xf32, #tpu.memory_space<hbm>> -> memref<2x8192xf32, #tpu.memory_space<hbm>>
      tpu.enqueue_dma source(%dma_start3A_291 : memref<2x8192xf32, #tpu.memory_space<hbm>>) target(%arg16 : memref<2x8192xf32, #tpu.memory_space<vmem>>) target_semaphore(%arg20 : memref<!tpu.dma_semaphore, #tpu.memory_space<semaphore_mem>>)
      %scan3A_292 = arith.constant 0 : i32
      %scan3A_293 = arith.constant 0 : i32
      %scan3A_294 = arith.constant 16 : i32
      %scan3A_295 = arith.addi %scan3A_293, %scan3A_294 : i32
      %scan3A_296 = arith.constant 1 : i32
      scf.for %scan3A_313 = %scan3A_293 to %scan3A_295 step %scan3A_296  : i32 {
        %mul3A_314 = arith.constant 2 : i32
        %mul3A_315 = arith.muli %mul3A_314, %scan3A_313 : i32
        %mul3A_316 = arith.constant 2 : i32
        %mul3A_317 = arith.muli %mul3A_315, %mul3A_316 : i32
        %dma_wait3A_318 = arith.constant 0 : i32
        %dma_wait3A_319 = arith.constant 0 : i32
        %dma_wait3A_320 = tpu.memref_slice %arg2[%add3A_193, %dma_wait3A_318, %dma_wait3A_319] : memref<128x64x8192xf32, #tpu.memory_space<hbm>> -> memref<1x2x8192xf32, #tpu.memory_space<hbm>>
        %dma_wait3A_321 = tpu.memref_squeeze %dma_wait3A_320 : memref<1x2x8192xf32, #tpu.memory_space<hbm>> -> memref<2x8192xf32, #tpu.memory_space<hbm>>
        %dma_wait3A_322 = arith.constant 0 : i32
        %dma_wait3A_323 = arith.constant 0 : i32
        %dma_wait3A_324 = tpu.memref_slice %arg2[%add3A_193, %dma_wait3A_322, %dma_wait3A_323] : memref<128x64x8192xf32, #tpu.memory_space<hbm>> -> memref<1x2x8192xf32, #tpu.memory_space<hbm>>
        %dma_wait3A_325 = tpu.memref_squeeze %dma_wait3A_324 : memref<1x2x8192xf32, #tpu.memory_space<hbm>> -> memref<2x8192xf32, #tpu.memory_space<hbm>>
        tpu.wait_dma2 semaphore(%arg19 : memref<!tpu.dma_semaphore, #tpu.memory_space<semaphore_mem>>) src(%dma_wait3A_325 : memref<2x8192xf32, #tpu.memory_space<hbm>>) dst(%arg15 : memref<2x8192xf32, #tpu.memory_space<vmem>>)
        %dma_wait3A_326 = arith.constant 0 : i32
        %dma_wait3A_327 = arith.constant 0 : i32
        %dma_wait3A_328 = tpu.memref_slice %arg2[%add3A_193, %dma_wait3A_326, %dma_wait3A_327] : memref<128x64x8192xf32, #tpu.memory_space<hbm>> -> memref<1x2x8192xf32, #tpu.memory_space<hbm>>
        %dma_wait3A_329 = tpu.memref_squeeze %dma_wait3A_328 : memref<1x2x8192xf32, #tpu.memory_space<hbm>> -> memref<2x8192xf32, #tpu.memory_space<hbm>>
        %dma_wait3A_330 = arith.constant 0 : i32
        %dma_wait3A_331 = arith.constant 0 : i32
        %dma_wait3A_332 = tpu.memref_slice %arg2[%add3A_193, %dma_wait3A_330, %dma_wait3A_331] : memref<128x64x8192xf32, #tpu.memory_space<hbm>> -> memref<1x2x8192xf32, #tpu.memory_space<hbm>>
        %dma_wait3A_333 = tpu.memref_squeeze %dma_wait3A_332 : memref<1x2x8192xf32, #tpu.memory_space<hbm>> -> memref<2x8192xf32, #tpu.memory_space<hbm>>
        tpu.wait_dma2 semaphore(%arg20 : memref<!tpu.dma_semaphore, #tpu.memory_space<semaphore_mem>>) src(%dma_wait3A_333 : memref<2x8192xf32, #tpu.memory_space<hbm>>) dst(%arg16 : memref<2x8192xf32, #tpu.memory_space<vmem>>)
        %gt3A = arith.constant 0 : i32
        %gt3A_334 = arith.cmpi sgt, %scan3A_313, %gt3A : i32
        %convert_element_type3A_335 = arith.extui %gt3A_334 : i1 to i32
        %cond3A_336 = arith.constant 0 : i32
        %cond3A_337 = arith.cmpi ne, %convert_element_type3A_335, %cond3A_336 : i32
        scf.if %cond3A_337 {
          %dma_wait3A_360 = arith.constant 0 : i32
          %dma_wait3A_361 = arith.constant 0 : i32
          %dma_wait3A_362 = tpu.memref_slice %arg6[%add3A_193, %dma_wait3A_360, %dma_wait3A_361] : memref<128x64x8192xf32, #tpu.memory_space<hbm>> -> memref<1x2x8192xf32, #tpu.memory_space<hbm>>
          %dma_wait3A_363 = tpu.memref_squeeze %dma_wait3A_362 : memref<1x2x8192xf32, #tpu.memory_space<hbm>> -> memref<2x8192xf32, #tpu.memory_space<hbm>>
          %dma_wait3A_364 = arith.constant 0 : i32
          %dma_wait3A_365 = arith.constant 0 : i32
          %dma_wait3A_366 = tpu.memref_slice %arg6[%add3A_193, %dma_wait3A_364, %dma_wait3A_365] : memref<128x64x8192xf32, #tpu.memory_space<hbm>> -> memref<1x2x8192xf32, #tpu.memory_space<hbm>>
          %dma_wait3A_367 = tpu.memref_squeeze %dma_wait3A_366 : memref<1x2x8192xf32, #tpu.memory_space<hbm>> -> memref<2x8192xf32, #tpu.memory_space<hbm>>
          tpu.wait_dma2 semaphore(%arg21 : memref<!tpu.dma_semaphore, #tpu.memory_space<semaphore_mem>>) src(%arg17 : memref<2x8192xf32, #tpu.memory_space<vmem>>) dst(%dma_wait3A_367 : memref<2x8192xf32, #tpu.memory_space<hbm>>)
          %dma_wait3A_368 = arith.constant 0 : i32
          %dma_wait3A_369 = arith.constant 0 : i32
          %dma_wait3A_370 = tpu.memref_slice %arg6[%add3A_193, %dma_wait3A_368, %dma_wait3A_369] : memref<128x64x8192xf32, #tpu.memory_space<hbm>> -> memref<1x2x8192xf32, #tpu.memory_space<hbm>>
          %dma_wait3A_371 = tpu.memref_squeeze %dma_wait3A_370 : memref<1x2x8192xf32, #tpu.memory_space<hbm>> -> memref<2x8192xf32, #tpu.memory_space<hbm>>
          %dma_wait3A_372 = arith.constant 0 : i32
          %dma_wait3A_373 = arith.constant 0 : i32
          %dma_wait3A_374 = tpu.memref_slice %arg6[%add3A_193, %dma_wait3A_372, %dma_wait3A_373] : memref<128x64x8192xf32, #tpu.memory_space<hbm>> -> memref<1x2x8192xf32, #tpu.memory_space<hbm>>
          %dma_wait3A_375 = tpu.memref_squeeze %dma_wait3A_374 : memref<1x2x8192xf32, #tpu.memory_space<hbm>> -> memref<2x8192xf32, #tpu.memory_space<hbm>>
          tpu.wait_dma2 semaphore(%arg22 : memref<!tpu.dma_semaphore, #tpu.memory_space<semaphore_mem>>) src(%arg18 : memref<2x8192xf32, #tpu.memory_space<vmem>>) dst(%dma_wait3A_375 : memref<2x8192xf32, #tpu.memory_space<hbm>>)
        } else {
        }
        %parallel_loop3A_338 = arith.constant 0 : i32
        %parallel_loop3A_339 = arith.constant 8192 : i32
        %parallel_loop3A_340 = arith.constant 16 : i32
        scf.for %parallel_loop3A_360 = %parallel_loop3A_338 to %parallel_loop3A_339 step %parallel_loop3A_340  : i32 {
          %parallel_loop3A_361 = arith.index_cast %parallel_loop3A_360 : i32 to index
          %parallel_loop3A_362 = tpu.vector_load %arg12[%parallel_loop3A_361] {strides = array<i32>} : memref<8192xi32, #tpu.memory_space<vmem>>, vector<16xi32>,
          %parallel_loop3A_363 = arith.constant 0 : i32
          %parallel_loop3A_364 = vector.broadcast %parallel_loop3A_363 : i32 to vector<16xi32>
          %parallel_loop3A_365 = tpu.vector_load_idx %arg15[%parallel_loop3A_364, %parallel_loop3A_362] : memref<2x8192xf32, #tpu.memory_space<vmem>>[vector<16xi32>, vector<16xi32>], vector<16xf32>,
          %parallel_loop3A_366 = arith.constant 0 : i32
          %parallel_loop3A_367 = arith.index_cast %parallel_loop3A_366 : i32 to index
          %parallel_loop3A_368 = arith.index_cast %parallel_loop3A_360 : i32 to index
          %parallel_loop3A_369 = tpu.vector_load %arg17[%parallel_loop3A_367, %parallel_loop3A_368] {strides = array<i32>} : memref<2x8192xf32, #tpu.memory_space<vmem>>, vector<16xf32>,
          tpu.vector_store %arg17[%parallel_loop3A_367, %parallel_loop3A_368], %parallel_loop3A_365 {strides = array<i32>} : memref<2x8192xf32, #tpu.memory_space<vmem>>, vector<16xf32>,
          %parallel_loop3A_370 = tpu.vector_load_idx %arg16[%parallel_loop3A_364, %parallel_loop3A_362] : memref<2x8192xf32, #tpu.memory_space<vmem>>[vector<16xi32>, vector<16xi32>], vector<16xf32>,
          %parallel_loop3A_371 = arith.constant 0 : i32
          %parallel_loop3A_372 = arith.index_cast %parallel_loop3A_371 : i32 to index
          %parallel_loop3A_373 = arith.index_cast %parallel_loop3A_360 : i32 to index
          %parallel_loop3A_374 = tpu.vector_load %arg18[%parallel_loop3A_372, %parallel_loop3A_373] {strides = array<i32>} : memref<2x8192xf32, #tpu.memory_space<vmem>>, vector<16xf32>,
          tpu.vector_store %arg18[%parallel_loop3A_372, %parallel_loop3A_373], %parallel_loop3A_370 {strides = array<i32>} : memref<2x8192xf32, #tpu.memory_space<vmem>>, vector<16xf32>,
          %parallel_loop3A_375 = arith.constant 1 : i32
          %parallel_loop3A_376 = vector.broadcast %parallel_loop3A_375 : i32 to vector<16xi32>
          %parallel_loop3A_377 = tpu.vector_load_idx %arg15[%parallel_loop3A_376, %parallel_loop3A_362] : memref<2x8192xf32, #tpu.memory_space<vmem>>[vector<16xi32>, vector<16xi32>], vector<16xf32>,
          %parallel_loop3A_378 = arith.constant 1 : i32
          %parallel_loop3A_379 = arith.index_cast %parallel_loop3A_378 : i32 to index
          %parallel_loop3A_380 = arith.index_cast %parallel_loop3A_360 : i32 to index
          %parallel_loop3A_381 = tpu.vector_load %arg17[%parallel_loop3A_379, %parallel_loop3A_380] {strides = array<i32>} : memref<2x8192xf32, #tpu.memory_space<vmem>>, vector<16xf32>,
          tpu.vector_store %arg17[%parallel_loop3A_379, %parallel_loop3A_380], %parallel_loop3A_377 {strides = array<i32>} : memref<2x8192xf32, #tpu.memory_space<vmem>>, vector<16xf32>,
          %parallel_loop3A_382 = tpu.vector_load_idx %arg16[%parallel_loop3A_376, %parallel_loop3A_362] : memref<2x8192xf32, #tpu.memory_space<vmem>>[vector<16xi32>, vector<16xi32>], vector<16xf32>,
          %parallel_loop3A_383 = arith.constant 1 : i32
          %parallel_loop3A_384 = arith.index_cast %parallel_loop3A_383 : i32 to index
          %parallel_loop3A_385 = arith.index_cast %parallel_loop3A_360 : i32 to index
          %parallel_loop3A_386 = tpu.vector_load %arg18[%parallel_loop3A_384, %parallel_loop3A_385] {strides = array<i32>} : memref<2x8192xf32, #tpu.memory_space<vmem>>, vector<16xf32>,
          tpu.vector_store %arg18[%parallel_loop3A_384, %parallel_loop3A_385], %parallel_loop3A_382 {strides = array<i32>} : memref<2x8192xf32, #tpu.memory_space<vmem>>, vector<16xf32>,
        } {sc.loop_unroll_factor = 4 : i64, sc.parallel_access}
        %dma_start3A_341 = arith.constant 0 : i32
        %dma_start3A_342 = tpu.memref_slice %arg6[%add3A_193, %mul3A_317, %dma_start3A_341] : memref<128x64x8192xf32, #tpu.memory_space<hbm>> -> memref<1x2x8192xf32, #tpu.memory_space<hbm>>
        %dma_start3A_343 = tpu.memref_squeeze %dma_start3A_342 : memref<1x2x8192xf32, #tpu.memory_space<hbm>> -> memref<2x8192xf32, #tpu.memory_space<hbm>>
        %dma_start3A_344 = arith.constant 0 : i32
        %dma_start3A_345 = tpu.memref_slice %arg6[%add3A_193, %mul3A_317, %dma_start3A_344] : memref<128x64x8192xf32, #tpu.memory_space<hbm>> -> memref<1x2x8192xf32, #tpu.memory_space<hbm>>
        %dma_start3A_346 = tpu.memref_squeeze %dma_start3A_345 : memref<1x2x8192xf32, #tpu.memory_space<hbm>> -> memref<2x8192xf32, #tpu.memory_space<hbm>>
        tpu.enqueue_dma source(%arg17 : memref<2x8192xf32, #tpu.memory_space<vmem>>) target(%dma_start3A_346 : memref<2x8192xf32, #tpu.memory_space<hbm>>) target_semaphore(%arg21 : memref<!tpu.dma_semaphore, #tpu.memory_space<semaphore_mem>>)
        %add3A_347 = arith.constant 2 : i32
        %add3A_348 = arith.addi %mul3A_317, %add3A_347 : i32
        %dma_start3A_349 = arith.constant 0 : i32
        %dma_start3A_350 = tpu.memref_slice %arg6[%add3A_193, %add3A_348, %dma_start3A_349] : memref<128x64x8192xf32, #tpu.memory_space<hbm>> -> memref<1x2x8192xf32, #tpu.memory_space<hbm>>
        %dma_start3A_351 = tpu.memref_squeeze %dma_start3A_350 : memref<1x2x8192xf32, #tpu.memory_space<hbm>> -> memref<2x8192xf32, #tpu.memory_space<hbm>>
        %dma_start3A_352 = arith.constant 0 : i32
        %dma_start3A_353 = tpu.memref_slice %arg6[%add3A_193, %add3A_348, %dma_start3A_352] : memref<128x64x8192xf32, #tpu.memory_space<hbm>> -> memref<1x2x8192xf32, #tpu.memory_space<hbm>>
        %dma_start3A_354 = tpu.memref_squeeze %dma_start3A_353 : memref<1x2x8192xf32, #tpu.memory_space<hbm>> -> memref<2x8192xf32, #tpu.memory_space<hbm>>
        tpu.enqueue_dma source(%arg18 : memref<2x8192xf32, #tpu.memory_space<vmem>>) target(%dma_start3A_354 : memref<2x8192xf32, #tpu.memory_space<hbm>>) target_semaphore(%arg22 : memref<!tpu.dma_semaphore, #tpu.memory_space<semaphore_mem>>)
        %lt3A_355 = arith.constant 15 : i32
        %lt3A_356 = arith.cmpi slt, %scan3A_313, %lt3A_355 : i32
        %convert_element_type3A_357 = arith.extui %lt3A_356 : i1 to i32
        %cond3A_358 = arith.constant 0 : i32
        %cond3A_359 = arith.cmpi ne, %convert_element_type3A_357, %cond3A_358 : i32
        scf.if %cond3A_359 {
          %add3A_360 = arith.constant 4 : i32
          %add3A_361 = arith.addi %mul3A_317, %add3A_360 : i32
          %dma_start3A_362 = arith.constant 0 : i32
          %dma_start3A_363 = tpu.memref_slice %arg2[%add3A_193, %add3A_361, %dma_start3A_362] : memref<128x64x8192xf32, #tpu.memory_space<hbm>> -> memref<1x2x8192xf32, #tpu.memory_space<hbm>>
          %dma_start3A_364 = tpu.memref_squeeze %dma_start3A_363 : memref<1x2x8192xf32, #tpu.memory_space<hbm>> -> memref<2x8192xf32, #tpu.memory_space<hbm>>
          %dma_start3A_365 = arith.constant 0 : i32
          %dma_start3A_366 = tpu.memref_slice %arg2[%add3A_193, %add3A_361, %dma_start3A_365] : memref<128x64x8192xf32, #tpu.memory_space<hbm>> -> memref<1x2x8192xf32, #tpu.memory_space<hbm>>
          %dma_start3A_367 = tpu.memref_squeeze %dma_start3A_366 : memref<1x2x8192xf32, #tpu.memory_space<hbm>> -> memref<2x8192xf32, #tpu.memory_space<hbm>>
          tpu.enqueue_dma source(%dma_start3A_367 : memref<2x8192xf32, #tpu.memory_space<hbm>>) target(%arg15 : memref<2x8192xf32, #tpu.memory_space<vmem>>) target_semaphore(%arg19 : memref<!tpu.dma_semaphore, #tpu.memory_space<semaphore_mem>>)
          %add3A_368 = arith.constant 6 : i32
          %add3A_369 = arith.addi %mul3A_317, %add3A_368 : i32
          %dma_start3A_370 = arith.constant 0 : i32
          %dma_start3A_371 = tpu.memref_slice %arg2[%add3A_193, %add3A_369, %dma_start3A_370] : memref<128x64x8192xf32, #tpu.memory_space<hbm>> -> memref<1x2x8192xf32, #tpu.memory_space<hbm>>
          %dma_start3A_372 = tpu.memref_squeeze %dma_start3A_371 : memref<1x2x8192xf32, #tpu.memory_space<hbm>> -> memref<2x8192xf32, #tpu.memory_space<hbm>>
          %dma_start3A_373 = arith.constant 0 : i32
          %dma_start3A_374 = tpu.memref_slice %arg2[%add3A_193, %add3A_369, %dma_start3A_373] : memref<128x64x8192xf32, #tpu.memory_space<hbm>> -> memref<1x2x8192xf32, #tpu.memory_space<hbm>>
          %dma_start3A_375 = tpu.memref_squeeze %dma_start3A_374 : memref<1x2x8192xf32, #tpu.memory_space<hbm>> -> memref<2x8192xf32, #tpu.memory_space<hbm>>
          tpu.enqueue_dma source(%dma_start3A_375 : memref<2x8192xf32, #tpu.memory_space<hbm>>) target(%arg16 : memref<2x8192xf32, #tpu.memory_space<vmem>>) target_semaphore(%arg20 : memref<!tpu.dma_semaphore, #tpu.memory_space<semaphore_mem>>)
        } else {
        }
      }
      %scan3A_297 = arith.constant 16 : i32
      %dma_wait3A = arith.constant 0 : i32
      %dma_wait3A_298 = arith.constant 0 : i32
      %dma_wait3A_299 = tpu.memref_slice %arg6[%add3A_193, %dma_wait3A, %dma_wait3A_298] : memref<128x64x8192xf32, #tpu.memory_space<hbm>> -> memref<1x2x8192xf32, #tpu.memory_space<hbm>>
      %dma_wait3A_300 = tpu.memref_squeeze %dma_wait3A_299 : memref<1x2x8192xf32, #tpu.memory_space<hbm>> -> memref<2x8192xf32, #tpu.memory_space<hbm>>
      %dma_wait3A_301 = arith.constant 0 : i32
      %dma_wait3A_302 = arith.constant 0 : i32
      %dma_wait3A_303 = tpu.memref_slice %arg6[%add3A_193, %dma_wait3A_301, %dma_wait3A_302] : memref<128x64x8192xf32, #tpu.memory_space<hbm>> -> memref<1x2x8192xf32, #tpu.memory_space<hbm>>
      %dma_wait3A_304 = tpu.memref_squeeze %dma_wait3A_303 : memref<1x2x8192xf32, #tpu.memory_space<hbm>> -> memref<2x8192xf32, #tpu.memory_space<hbm>>
      tpu.wait_dma2 semaphore(%arg21 : memref<!tpu.dma_semaphore, #tpu.memory_space<semaphore_mem>>) src(%arg17 : memref<2x8192xf32, #tpu.memory_space<vmem>>) dst(%dma_wait3A_304 : memref<2x8192xf32, #tpu.memory_space<hbm>>)
      %dma_wait3A_305 = arith.constant 0 : i32
      %dma_wait3A_306 = arith.constant 0 : i32
      %dma_wait3A_307 = tpu.memref_slice %arg6[%add3A_193, %dma_wait3A_305, %dma_wait3A_306] : memref<128x64x8192xf32, #tpu.memory_space<hbm>> -> memref<1x2x8192xf32, #tpu.memory_space<hbm>>
      %dma_wait3A_308 = tpu.memref_squeeze %dma_wait3A_307 : memref<1x2x8192xf32, #tpu.memory_space<hbm>> -> memref<2x8192xf32, #tpu.memory_space<hbm>>
      %dma_wait3A_309 = arith.constant 0 : i32
      %dma_wait3A_310 = arith.constant 0 : i32
      %dma_wait3A_311 = tpu.memref_slice %arg6[%add3A_193, %dma_wait3A_309, %dma_wait3A_310] : memref<128x64x8192xf32, #tpu.memory_space<hbm>> -> memref<1x2x8192xf32, #tpu.memory_space<hbm>>
      %dma_wait3A_312 = tpu.memref_squeeze %dma_wait3A_311 : memref<1x2x8192xf32, #tpu.memory_space<hbm>> -> memref<2x8192xf32, #tpu.memory_space<hbm>>
      tpu.wait_dma2 semaphore(%arg22 : memref<!tpu.dma_semaphore, #tpu.memory_space<semaphore_mem>>) src(%arg18 : memref<2x8192xf32, #tpu.memory_space<vmem>>) dst(%dma_wait3A_312 : memref<2x8192xf32, #tpu.memory_space<hbm>>)
    } else {
    }
    %not3A_254 = arith.constant true
    %not3A_255 = arith.xori %ne3A_250, %not3A_254 : i1
    %convert_element_type3A_256 = arith.extui %not3A_255 : i1 to i32
    %cond3A_257 = arith.constant 0 : i32
    %cond3A_258 = arith.cmpi ne, %convert_element_type3A_256, %cond3A_257 : i32
    scf.if %cond3A_258 {
      "tpu.region"() ({
        %run_scoped3A = tpu.sem_alloc : memref<!tpu.dma_semaphore, #tpu.memory_space<semaphore_mem>>
        %dma_start3A_279 = arith.constant 0 : i32
        %dma_start3A_280 = tpu.memref_slice %arg4[%add3A_193, %dma_start3A_279] : memref<128x8192xf32, #tpu.memory_space<hbm>> -> memref<1x8192xf32, #tpu.memory_space<hbm>>
        %dma_start3A_281 = tpu.memref_squeeze %dma_start3A_280 : memref<1x8192xf32, #tpu.memory_space<hbm>> -> memref<8192xf32, #tpu.memory_space<hbm>>
        %dma_start3A_282 = arith.constant 0 : i32
        %dma_start3A_283 = tpu.memref_slice %arg4[%add3A_193, %dma_start3A_282] : memref<128x8192xf32, #tpu.memory_space<hbm>> -> memref<1x8192xf32, #tpu.memory_space<hbm>>
        %dma_start3A_284 = tpu.memref_squeeze %dma_start3A_283 : memref<1x8192xf32, #tpu.memory_space<hbm>> -> memref<8192xf32, #tpu.memory_space<hbm>>
        tpu.enqueue_dma source(%dma_start3A_284 : memref<8192xf32, #tpu.memory_space<hbm>>) target(%arg9 : memref<8192xf32, #tpu.memory_space<vmem>>) target_semaphore(%run_scoped3A : memref<!tpu.dma_semaphore, #tpu.memory_space<semaphore_mem>>)
        %dma_wait3A = arith.constant 0 : i32
        %dma_wait3A_285 = tpu.memref_slice %arg4[%add3A_193, %dma_wait3A] : memref<128x8192xf32, #tpu.memory_space<hbm>> -> memref<1x8192xf32, #tpu.memory_space<hbm>>
        %dma_wait3A_286 = tpu.memref_squeeze %dma_wait3A_285 : memref<1x8192xf32, #tpu.memory_space<hbm>> -> memref<8192xf32, #tpu.memory_space<hbm>>
        %dma_wait3A_287 = arith.constant 0 : i32
        %dma_wait3A_288 = tpu.memref_slice %arg4[%add3A_193, %dma_wait3A_287] : memref<128x8192xf32, #tpu.memory_space<hbm>> -> memref<1x8192xf32, #tpu.memory_space<hbm>>
        %dma_wait3A_289 = tpu.memref_squeeze %dma_wait3A_288 : memref<1x8192xf32, #tpu.memory_space<hbm>> -> memref<8192xf32, #tpu.memory_space<hbm>>
        tpu.wait_dma2 semaphore(%run_scoped3A : memref<!tpu.dma_semaphore, #tpu.memory_space<semaphore_mem>>) src(%dma_wait3A_289 : memref<8192xf32, #tpu.memory_space<hbm>>) dst(%arg9 : memref<8192xf32, #tpu.memory_space<vmem>>)
        tpu.yield
      }) : () -> ()
      "tpu.region"() ({
        %run_scoped3A = tpu.sem_alloc : memref<!tpu.dma_semaphore, #tpu.memory_space<semaphore_mem>>
        %dma_start3A_279 = arith.constant 0 : i32
        %dma_start3A_280 = tpu.memref_slice %arg7[%add3A_193, %dma_start3A_279] : memref<128x8192xf32, #tpu.memory_space<hbm>> -> memref<1x8192xf32, #tpu.memory_space<hbm>>
        %dma_start3A_281 = tpu.memref_squeeze %dma_start3A_280 : memref<1x8192xf32, #tpu.memory_space<hbm>> -> memref<8192xf32, #tpu.memory_space<hbm>>
        %dma_start3A_282 = arith.constant 0 : i32
        %dma_start3A_283 = tpu.memref_slice %arg7[%add3A_193, %dma_start3A_282] : memref<128x8192xf32, #tpu.memory_space<hbm>> -> memref<1x8192xf32, #tpu.memory_space<hbm>>
        %dma_start3A_284 = tpu.memref_squeeze %dma_start3A_283 : memref<1x8192xf32, #tpu.memory_space<hbm>> -> memref<8192xf32, #tpu.memory_space<hbm>>
        tpu.enqueue_dma source(%arg9 : memref<8192xf32, #tpu.memory_space<vmem>>) target(%dma_start3A_284 : memref<8192xf32, #tpu.memory_space<hbm>>) target_semaphore(%run_scoped3A : memref<!tpu.dma_semaphore, #tpu.memory_space<semaphore_mem>>)
        %dma_wait3A = arith.constant 0 : i32
        %dma_wait3A_285 = tpu.memref_slice %arg7[%add3A_193, %dma_wait3A] : memref<128x8192xf32, #tpu.memory_space<hbm>> -> memref<1x8192xf32, #tpu.memory_space<hbm>>
        %dma_wait3A_286 = tpu.memref_squeeze %dma_wait3A_285 : memref<1x8192xf32, #tpu.memory_space<hbm>> -> memref<8192xf32, #tpu.memory_space<hbm>>
        %dma_wait3A_287 = arith.constant 0 : i32
        %dma_wait3A_288 = tpu.memref_slice %arg7[%add3A_193, %dma_wait3A_287] : memref<128x8192xf32, #tpu.memory_space<hbm>> -> memref<1x8192xf32, #tpu.memory_space<hbm>>
        %dma_wait3A_289 = tpu.memref_squeeze %dma_wait3A_288 : memref<1x8192xf32, #tpu.memory_space<hbm>> -> memref<8192xf32, #tpu.memory_space<hbm>>
        tpu.wait_dma2 semaphore(%run_scoped3A : memref<!tpu.dma_semaphore, #tpu.memory_space<semaphore_mem>>) src(%arg9 : memref<8192xf32, #tpu.memory_space<vmem>>) dst(%dma_wait3A_289 : memref<8192xf32, #tpu.memory_space<hbm>>)
        tpu.yield
      }) : () -> ()
      %dma_start3A = arith.constant 0 : i32
      %dma_start3A_259 = arith.constant 0 : i32
      %dma_start3A_260 = tpu.memref_slice %arg2[%add3A_193, %dma_start3A, %dma_start3A_259] : memref<128x64x8192xf32, #tpu.memory_space<hbm>> -> memref<1x2x8192xf32, #tpu.memory_space<hbm>>
      %dma_start3A_261 = tpu.memref_squeeze %dma_start3A_260 : memref<1x2x8192xf32, #tpu.memory_space<hbm>> -> memref<2x8192xf32, #tpu.memory_space<hbm>>
      %dma_start3A_262 = arith.constant 0 : i32
      %dma_start3A_263 = arith.constant 0 : i32
      %dma_start3A_264 = tpu.memref_slice %arg2[%add3A_193, %dma_start3A_262, %dma_start3A_263] : memref<128x64x8192xf32, #tpu.memory_space<hbm>> -> memref<1x2x8192xf32, #tpu.memory_space<hbm>>
      %dma_start3A_265 = tpu.memref_squeeze %dma_start3A_264 : memref<1x2x8192xf32, #tpu.memory_space<hbm>> -> memref<2x8192xf32, #tpu.memory_space<hbm>>
      tpu.enqueue_dma source(%dma_start3A_265 : memref<2x8192xf32, #tpu.memory_space<hbm>>) target(%arg15 : memref<2x8192xf32, #tpu.memory_space<vmem>>) target_semaphore(%arg19 : memref<!tpu.dma_semaphore, #tpu.memory_space<semaphore_mem>>)
      %dma_start3A_266 = arith.constant 2 : i32
      %dma_start3A_267 = arith.constant 0 : i32
      %dma_start3A_268 = tpu.memref_slice %arg2[%add3A_193, %dma_start3A_266, %dma_start3A_267] : memref<128x64x8192xf32, #tpu.memory_space<hbm>> -> memref<1x2x8192xf32, #tpu.memory_space<hbm>>
      %dma_start3A_269 = tpu.memref_squeeze %dma_start3A_268 : memref<1x2x8192xf32, #tpu.memory_space<hbm>> -> memref<2x8192xf32, #tpu.memory_space<hbm>>
      %dma_start3A_270 = arith.constant 2 : i32
      %dma_start3A_271 = arith.constant 0 : i32
      %dma_start3A_272 = tpu.memref_slice %arg2[%add3A_193, %dma_start3A_270, %dma_start3A_271] : memref<128x64x8192xf32, #tpu.memory_space<hbm>> -> memref<1x2x8192xf32, #tpu.memory_space<hbm>>
      %dma_start3A_273 = tpu.memref_squeeze %dma_start3A_272 : memref<1x2x8192xf32, #tpu.memory_space<hbm>> -> memref<2x8192xf32, #tpu.memory_space<hbm>>
      tpu.enqueue_dma source(%dma_start3A_273 : memref<2x8192xf32, #tpu.memory_space<hbm>>) target(%arg16 : memref<2x8192xf32, #tpu.memory_space<vmem>>) target_semaphore(%arg20 : memref<!tpu.dma_semaphore, #tpu.memory_space<semaphore_mem>>)
      %scan3A = arith.constant 0 : i32
      %scan3A_274 = arith.constant 0 : i32
      %scan3A_275 = arith.constant 16 : i32
      %scan3A_276 = arith.addi %scan3A_274, %scan3A_275 : i32
      %scan3A_277 = arith.constant 1 : i32
      scf.for %scan3A_279 = %scan3A_274 to %scan3A_276 step %scan3A_277  : i32 {
        %mul3A_280 = arith.constant 2 : i32
        %mul3A_281 = arith.muli %mul3A_280, %scan3A_279 : i32
        %mul3A_282 = arith.constant 2 : i32
        %mul3A_283 = arith.muli %mul3A_281, %mul3A_282 : i32
        %dma_wait3A = arith.constant 0 : i32
        %dma_wait3A_284 = arith.constant 0 : i32
        %dma_wait3A_285 = tpu.memref_slice %arg2[%add3A_193, %dma_wait3A, %dma_wait3A_284] : memref<128x64x8192xf32, #tpu.memory_space<hbm>> -> memref<1x2x8192xf32, #tpu.memory_space<hbm>>
        %dma_wait3A_286 = tpu.memref_squeeze %dma_wait3A_285 : memref<1x2x8192xf32, #tpu.memory_space<hbm>> -> memref<2x8192xf32, #tpu.memory_space<hbm>>
        %dma_wait3A_287 = arith.constant 0 : i32
        %dma_wait3A_288 = arith.constant 0 : i32
        %dma_wait3A_289 = tpu.memref_slice %arg2[%add3A_193, %dma_wait3A_287, %dma_wait3A_288] : memref<128x64x8192xf32, #tpu.memory_space<hbm>> -> memref<1x2x8192xf32, #tpu.memory_space<hbm>>
        %dma_wait3A_290 = tpu.memref_squeeze %dma_wait3A_289 : memref<1x2x8192xf32, #tpu.memory_space<hbm>> -> memref<2x8192xf32, #tpu.memory_space<hbm>>
        tpu.wait_dma2 semaphore(%arg19 : memref<!tpu.dma_semaphore, #tpu.memory_space<semaphore_mem>>) src(%dma_wait3A_290 : memref<2x8192xf32, #tpu.memory_space<hbm>>) dst(%arg15 : memref<2x8192xf32, #tpu.memory_space<vmem>>)
        %dma_wait3A_291 = arith.constant 0 : i32
        %dma_wait3A_292 = arith.constant 0 : i32
        %dma_wait3A_293 = tpu.memref_slice %arg2[%add3A_193, %dma_wait3A_291, %dma_wait3A_292] : memref<128x64x8192xf32, #tpu.memory_space<hbm>> -> memref<1x2x8192xf32, #tpu.memory_space<hbm>>
        %dma_wait3A_294 = tpu.memref_squeeze %dma_wait3A_293 : memref<1x2x8192xf32, #tpu.memory_space<hbm>> -> memref<2x8192xf32, #tpu.memory_space<hbm>>
        %dma_wait3A_295 = arith.constant 0 : i32
        %dma_wait3A_296 = arith.constant 0 : i32
        %dma_wait3A_297 = tpu.memref_slice %arg2[%add3A_193, %dma_wait3A_295, %dma_wait3A_296] : memref<128x64x8192xf32, #tpu.memory_space<hbm>> -> memref<1x2x8192xf32, #tpu.memory_space<hbm>>
        %dma_wait3A_298 = tpu.memref_squeeze %dma_wait3A_297 : memref<1x2x8192xf32, #tpu.memory_space<hbm>> -> memref<2x8192xf32, #tpu.memory_space<hbm>>
        tpu.wait_dma2 semaphore(%arg20 : memref<!tpu.dma_semaphore, #tpu.memory_space<semaphore_mem>>) src(%dma_wait3A_298 : memref<2x8192xf32, #tpu.memory_space<hbm>>) dst(%arg16 : memref<2x8192xf32, #tpu.memory_space<vmem>>)
        %dma_start3A_299 = arith.constant 0 : i32
        %dma_start3A_300 = tpu.memref_slice %arg6[%add3A_193, %mul3A_283, %dma_start3A_299] : memref<128x64x8192xf32, #tpu.memory_space<hbm>> -> memref<1x2x8192xf32, #tpu.memory_space<hbm>>
        %dma_start3A_301 = tpu.memref_squeeze %dma_start3A_300 : memref<1x2x8192xf32, #tpu.memory_space<hbm>> -> memref<2x8192xf32, #tpu.memory_space<hbm>>
        %dma_start3A_302 = arith.constant 0 : i32
        %dma_start3A_303 = tpu.memref_slice %arg6[%add3A_193, %mul3A_283, %dma_start3A_302] : memref<128x64x8192xf32, #tpu.memory_space<hbm>> -> memref<1x2x8192xf32, #tpu.memory_space<hbm>>
        %dma_start3A_304 = tpu.memref_squeeze %dma_start3A_303 : memref<1x2x8192xf32, #tpu.memory_space<hbm>> -> memref<2x8192xf32, #tpu.memory_space<hbm>>
        tpu.enqueue_dma source(%arg15 : memref<2x8192xf32, #tpu.memory_space<vmem>>) target(%dma_start3A_304 : memref<2x8192xf32, #tpu.memory_space<hbm>>) target_semaphore(%arg21 : memref<!tpu.dma_semaphore, #tpu.memory_space<semaphore_mem>>)
        %add3A_305 = arith.constant 2 : i32
        %add3A_306 = arith.addi %mul3A_283, %add3A_305 : i32
        %dma_start3A_307 = arith.constant 0 : i32
        %dma_start3A_308 = tpu.memref_slice %arg6[%add3A_193, %add3A_306, %dma_start3A_307] : memref<128x64x8192xf32, #tpu.memory_space<hbm>> -> memref<1x2x8192xf32, #tpu.memory_space<hbm>>
        %dma_start3A_309 = tpu.memref_squeeze %dma_start3A_308 : memref<1x2x8192xf32, #tpu.memory_space<hbm>> -> memref<2x8192xf32, #tpu.memory_space<hbm>>
        %dma_start3A_310 = arith.constant 0 : i32
        %dma_start3A_311 = tpu.memref_slice %arg6[%add3A_193, %add3A_306, %dma_start3A_310] : memref<128x64x8192xf32, #tpu.memory_space<hbm>> -> memref<1x2x8192xf32, #tpu.memory_space<hbm>>
        %dma_start3A_312 = tpu.memref_squeeze %dma_start3A_311 : memref<1x2x8192xf32, #tpu.memory_space<hbm>> -> memref<2x8192xf32, #tpu.memory_space<hbm>>
        tpu.enqueue_dma source(%arg16 : memref<2x8192xf32, #tpu.memory_space<vmem>>) target(%dma_start3A_312 : memref<2x8192xf32, #tpu.memory_space<hbm>>) target_semaphore(%arg22 : memref<!tpu.dma_semaphore, #tpu.memory_space<semaphore_mem>>)
        %dma_wait3A_313 = arith.constant 0 : i32
        %dma_wait3A_314 = arith.constant 0 : i32
        %dma_wait3A_315 = tpu.memref_slice %arg6[%add3A_193, %dma_wait3A_313, %dma_wait3A_314] : memref<128x64x8192xf32, #tpu.memory_space<hbm>> -> memref<1x2x8192xf32, #tpu.memory_space<hbm>>
        %dma_wait3A_316 = tpu.memref_squeeze %dma_wait3A_315 : memref<1x2x8192xf32, #tpu.memory_space<hbm>> -> memref<2x8192xf32, #tpu.memory_space<hbm>>
        %dma_wait3A_317 = arith.constant 0 : i32
        %dma_wait3A_318 = arith.constant 0 : i32
        %dma_wait3A_319 = tpu.memref_slice %arg6[%add3A_193, %dma_wait3A_317, %dma_wait3A_318] : memref<128x64x8192xf32, #tpu.memory_space<hbm>> -> memref<1x2x8192xf32, #tpu.memory_space<hbm>>
        %dma_wait3A_320 = tpu.memref_squeeze %dma_wait3A_319 : memref<1x2x8192xf32, #tpu.memory_space<hbm>> -> memref<2x8192xf32, #tpu.memory_space<hbm>>
        tpu.wait_dma2 semaphore(%arg21 : memref<!tpu.dma_semaphore, #tpu.memory_space<semaphore_mem>>) src(%arg15 : memref<2x8192xf32, #tpu.memory_space<vmem>>) dst(%dma_wait3A_320 : memref<2x8192xf32, #tpu.memory_space<hbm>>)
        %dma_wait3A_321 = arith.constant 0 : i32
        %dma_wait3A_322 = arith.constant 0 : i32
        %dma_wait3A_323 = tpu.memref_slice %arg6[%add3A_193, %dma_wait3A_321, %dma_wait3A_322] : memref<128x64x8192xf32, #tpu.memory_space<hbm>> -> memref<1x2x8192xf32, #tpu.memory_space<hbm>>
        %dma_wait3A_324 = tpu.memref_squeeze %dma_wait3A_323 : memref<1x2x8192xf32, #tpu.memory_space<hbm>> -> memref<2x8192xf32, #tpu.memory_space<hbm>>
        %dma_wait3A_325 = arith.constant 0 : i32
        %dma_wait3A_326 = arith.constant 0 : i32
        %dma_wait3A_327 = tpu.memref_slice %arg6[%add3A_193, %dma_wait3A_325, %dma_wait3A_326] : memref<128x64x8192xf32, #tpu.memory_space<hbm>> -> memref<1x2x8192xf32, #tpu.memory_space<hbm>>
        %dma_wait3A_328 = tpu.memref_squeeze %dma_wait3A_327 : memref<1x2x8192xf32, #tpu.memory_space<hbm>> -> memref<2x8192xf32, #tpu.memory_space<hbm>>
        tpu.wait_dma2 semaphore(%arg22 : memref<!tpu.dma_semaphore, #tpu.memory_space<semaphore_mem>>) src(%arg16 : memref<2x8192xf32, #tpu.memory_space<vmem>>) dst(%dma_wait3A_328 : memref<2x8192xf32, #tpu.memory_space<hbm>>)
        %lt3A_329 = arith.constant 15 : i32
        %lt3A_330 = arith.cmpi slt, %scan3A_279, %lt3A_329 : i32
        %convert_element_type3A_331 = arith.extui %lt3A_330 : i1 to i32
        %cond3A_332 = arith.constant 0 : i32
        %cond3A_333 = arith.cmpi ne, %convert_element_type3A_331, %cond3A_332 : i32
        scf.if %cond3A_333 {
          %add3A_334 = arith.constant 4 : i32
          %add3A_335 = arith.addi %mul3A_283, %add3A_334 : i32
          %dma_start3A_336 = arith.constant 0 : i32
          %dma_start3A_337 = tpu.memref_slice %arg2[%add3A_193, %add3A_335, %dma_start3A_336] : memref<128x64x8192xf32, #tpu.memory_space<hbm>> -> memref<1x2x8192xf32, #tpu.memory_space<hbm>>
          %dma_start3A_338 = tpu.memref_squeeze %dma_start3A_337 : memref<1x2x8192xf32, #tpu.memory_space<hbm>> -> memref<2x8192xf32, #tpu.memory_space<hbm>>
          %dma_start3A_339 = arith.constant 0 : i32
          %dma_start3A_340 = tpu.memref_slice %arg2[%add3A_193, %add3A_335, %dma_start3A_339] : memref<128x64x8192xf32, #tpu.memory_space<hbm>> -> memref<1x2x8192xf32, #tpu.memory_space<hbm>>
          %dma_start3A_341 = tpu.memref_squeeze %dma_start3A_340 : memref<1x2x8192xf32, #tpu.memory_space<hbm>> -> memref<2x8192xf32, #tpu.memory_space<hbm>>
          tpu.enqueue_dma source(%dma_start3A_341 : memref<2x8192xf32, #tpu.memory_space<hbm>>) target(%arg15 : memref<2x8192xf32, #tpu.memory_space<vmem>>) target_semaphore(%arg19 : memref<!tpu.dma_semaphore, #tpu.memory_space<semaphore_mem>>)
          %add3A_342 = arith.constant 6 : i32
          %add3A_343 = arith.addi %mul3A_283, %add3A_342 : i32
          %dma_start3A_344 = arith.constant 0 : i32
          %dma_start3A_345 = tpu.memref_slice %arg2[%add3A_193, %add3A_343, %dma_start3A_344] : memref<128x64x8192xf32, #tpu.memory_space<hbm>> -> memref<1x2x8192xf32, #tpu.memory_space<hbm>>
          %dma_start3A_346 = tpu.memref_squeeze %dma_start3A_345 : memref<1x2x8192xf32, #tpu.memory_space<hbm>> -> memref<2x8192xf32, #tpu.memory_space<hbm>>
          %dma_start3A_347 = arith.constant 0 : i32
          %dma_start3A_348 = tpu.memref_slice %arg2[%add3A_193, %add3A_343, %dma_start3A_347] : memref<128x64x8192xf32, #tpu.memory_space<hbm>> -> memref<1x2x8192xf32, #tpu.memory_space<hbm>>
          %dma_start3A_349 = tpu.memref_squeeze %dma_start3A_348 : memref<1x2x8192xf32, #tpu.memory_space<hbm>> -> memref<2x8192xf32, #tpu.memory_space<hbm>>
          tpu.enqueue_dma source(%dma_start3A_349 : memref<2x8192xf32, #tpu.memory_space<hbm>>) target(%arg16 : memref<2x8192xf32, #tpu.memory_space<vmem>>) target_semaphore(%arg20 : memref<!tpu.dma_semaphore, #tpu.memory_space<semaphore_mem>>)
        } else {
        }
      }
      %scan3A_278 = arith.constant 16 : i32
    } else {
    }
    return
  }
}

</mosaic_0001>

<sc_bundles>
// kernel: kernel.3.cloned.1.call-start
scs
__scs_entry_jumppad:
0x0: {  	(pc) =	sbr.rel $0x88, $3  }
0x1: {  	(tag) =	ssettag $0x0;
	lr =	simm.s32 $0x1  }
0x2: {  	[smem:$0x3F9F] =	sst lr;
	_ =	strace $0xD0000000  }
0x3: {  	_ = 	snop  }
0x4: {  	_ = 	snop  }
0x5: {  	_ = 	snop  }
0x6: {  	_ = 	snop  }
0x7: {  	_ = 	snop  }
__scs_overlays_trampoline_lowered:
0x8: {  	[smem:$0x3FAE] =	sst s0  }
0x9: {  	[smem:$0x3FAF] =	sst s1  }
0xa: {  	[smem:$0x3FB0] =	sst s2  }
0xb: {  	[smem:$0x3FB1] =	sst s3  }
0xc: {  	[smem:$0x3FB2] =	sst s4  }
0xd: {  	[smem:$0x3FB3] =	sst s5  }
0xe: {  	[smem:$0x3FB4] =	sst s6  }
0xf: {  	[smem:$0x3FB5] =	sst s7  }
0x10: {  	[smem:$0x3FB6] =	sst s8  }
0x11: {  	[smem:$0x3FB7] =	sst s9;
	s0 =	simm.s32 @!p0 $0x0  }
0x12: {  	s1 =	sld [smem:$0x3F9D];
	s0 =	simm.s32 @p0 $0x1  }
0x13: {  	[smem:$0x3FB8] =	sst s0;
	s0 =	simm.s32 @!p1 $0x0  }
0x14: {  	s2 =	sld [smem:$0x3F9C];
	s0 =	simm.s32 @p1 $0x1  }
0x15: {  	[smem:$0x3FB9] =	sst s0;
	s0 =	simm.s32 @!p2 $0x0  }
0x16: {  	s3 =	sld [smem:$0x3FDB];
	s0 =	simm.s32 @p2 $0x1  }
0x17: {  	s4 =	simm.s32 $0x1BF5;
	[smem:$0x3FBB] =	sst s0  }
0x18: {  	s0 =	sld [smem:$0x3F9E];
	_ =	swait.ge [sflag:s4], $0x0  }
0x19: {  	s7 =	sld [smem:$0x3F9F]  }
0x1a: {  	s8 =	sadd.s32 $0xFFFFE003, lr  }
0x1b: {  	s9 =	sadd.s32 $0xFFFFFEF7, lr;
	s5 =	simm.s32 $0xFFFFFFFF;
	p2 =	slt.u32 s8, $0xFFFFF086  }
0x1c: {  	p1 =	slt.u32 s9, $0xF7A;
	s5 =	simm.s32 @!p2 $0x0  }
0x1d: {  	s5 =	simm.s32 @p1 $0x1;
	p0 =	seq.s32 s7, s2  }
0x1e: {  	s7 =	smul.u32 @!p0 $0xF7A, s2;
	p2 =	seq.s32 @!p0 s5, $0x0  }
0x1f: {  	s9 =	smul.u32 $0xF7A, s1;
	s8 =	simm.s32 @!p0 $0x1BF5;
	p2 =	por !p2, p0  }
0x20: {  	[sflag:s8] =	ssyncset.s32 @!p0 $0xFFFFF086;
	s6 =	sadd.s32 @!p0 s3, s7;
	s7 =	simm.s32 @!p0 $0x108  }
0x21: {  	s3 =	sadd.s32 s3, s9;
	s6 =	sadd.s32 @!p0 $0x88, s6;
	s7 =	simm.s32 @p2 $0x1082  }
0x22: {  	[simem:s7], [sflag:s8] =	dma.local @!p0 [hbm:s6], $0xF7A  }
0x23: {  	s9 =	sor.u32 $0xD0000000, s2;
	s6 =	simm.s32 $0x108;
	_ =	swait.ge @!p0 [sflag:s8], $0x0  }
0x24: {  	s3 =	sadd.s32 $0x88, s3;
	s6 =	simm.s32 @!p1 $0x1082;
	[sflag:s4] =	ssyncset.s32 $0xFFFFF086  }
0x25: {  	[simem:s6], [sflag:s4] =	dma.local [hbm:s3], $0xF7A  }
0x26: {  	[smem:$0x3F9F] =	sst s1;
	(tag) =	ssettag s2;
	_ =	strace s9  }
0x27: {  	s1 =	sld [smem:$0x3FAF]  }
0x28: {  	s2 =	sld [smem:$0x3FB0]  }
0x29: {  	s4 =	sld [smem:$0x3FB2]  }
0x2a: {  	p0 =	seq.s32 s5, $0x0;
	s5 =	sld [smem:$0x3FB3]  }
0x2b: {  	s6 =	sld [smem:$0x3FB4]  }
0x2c: {  	s7 =	sld [smem:$0x3FB5]  }
0x2d: {  	s3 =	simm.s32 $0x108;
	s8 =	sld [smem:$0x3FB6]  }
0x2e: {  	s3 =	simm.s32 @!p0 $0x1082;
	s9 =	sld [smem:$0x3FB7]  }
0x2f: {  	lr =	sadd.s32 s0, s3;
	s0 =	sld [smem:$0x3FAE]  }
0x30: {  	s3 =	sld [smem:$0x3FB1]  }
0x31: {  	[smem:$0x3FBA] =	sst s10  }
0x32: {  	s10 =	sld [smem:$0x3FB8];
	_ =	sdelay $0x3  }
0x33: {  	p0 =	seq.s32 s10, $0x1;
	s10 =	sld [smem:$0x3FBA];
	_ =	sdelay $0x3  }
0x34: {  	[smem:$0x3FBA] =	sst s10  }
0x35: {  	s10 =	sld [smem:$0x3FB9];
	_ =	sdelay $0x3  }
0x36: {  	p1 =	seq.s32 s10, $0x1;
	s10 =	sld [smem:$0x3FBA];
	_ =	sdelay $0x3  }
0x37: {  	[smem:$0x3FBA] =	sst s10  }
0x38: {  	s10 =	sld [smem:$0x3FBB]  }
0x39: {  	_ = 	snop;
	(pc) =	sbr.ind lr, $3  }
0x3a: {  	_ = 	snop  }
0x3b: {  	_ = 	snop  }
0x3c: {  	p2 =	seq.s32 s10, $0x1;
	s10 =	sld [smem:$0x3FBA]  }
0x3d: {  	_ =	shalt  }
0x3e: {  	_ =	shalt  }
0x3f: {  	_ =	shalt  }
0x40: {  	_ =	shalt  }
0x41: {  	_ =	shalt  }
0x42: {  	_ =	shalt  }
0x43: {  	_ =	shalt  }
0x44: {  	_ =	shalt  }
0x45: {  	_ =	shalt  }
0x46: {  	_ =	shalt  }
0x47: {  	_ =	shalt  }
0x48: {  	_ =	shalt  }
0x49: {  	_ =	shalt  }
0x4a: {  	_ =	shalt  }
0x4b: {  	_ =	shalt  }
0x4c: {  	_ =	shalt  }
0x4d: {  	_ =	shalt  }
0x4e: {  	_ =	shalt  }
0x4f: {  	_ =	shalt  }
0x50: {  	_ =	shalt  }
0x51: {  	_ =	shalt  }
0x52: {  	_ =	shalt  }
0x53: {  	_ =	shalt  }
0x54: {  	_ =	shalt  }
0x55: {  	_ =	shalt  }
0x56: {  	_ =	shalt  }
0x57: {  	_ =	shalt  }
0x58: {  	_ =	shalt  }
0x59: {  	_ =	shalt  }
0x5a: {  	_ =	shalt  }
0x5b: {  	_ =	shalt  }
0x5c: {  	_ =	shalt  }
0x5d: {  	_ =	shalt  }
0x5e: {  	_ =	shalt  }
0x5f: {  	_ =	shalt  }
0x60: {  	_ =	shalt  }
0x61: {  	_ =	shalt  }
0x62: {  	_ =	shalt  }
0x63: {  	_ =	shalt  }
0x64: {  	_ =	shalt  }
0x65: {  	_ =	shalt  }
0x66: {  	_ =	shalt  }
0x67: {  	_ =	shalt  }
0x68: {  	_ =	shalt  }
0x69: {  	_ =	shalt  }
0x6a: {  	_ =	shalt  }
0x6b: {  	_ =	shalt  }
0x6c: {  	_ =	shalt  }
0x6d: {  	_ =	shalt  }
0x6e: {  	_ =	shalt  }
0x6f: {  	_ =	shalt  }
0x70: {  	_ =	shalt  }
0x71: {  	_ =	shalt  }
0x72: {  	_ =	shalt  }
0x73: {  	_ =	shalt  }
0x74: {  	_ =	shalt  }
0x75: {  	_ =	shalt  }
0x76: {  	_ =	shalt  }
0x77: {  	_ =	shalt  }
0x78: {  	_ =	shalt  }
0x79: {  	_ =	shalt  }
0x7a: {  	_ =	shalt  }
0x7b: {  	_ =	shalt  }
0x7c: {  	_ =	shalt  }
0x7d: {  	_ =	shalt  }
0x7e: {  	_ =	shalt  }
0x7f: {  	_ =	shalt  }
0x80: {  	_ =	shalt  }
0x81: {  	_ =	shalt  }
0x82: {  	_ =	shalt  }
0x83: {  	_ =	shalt  }
0x84: {  	_ =	shalt  }
0x85: {  	_ =	shalt  }
0x86: {  	_ =	shalt  }
0x87: {  	_ =	shalt  }
.Lfunc_end0:
.L_simem_size_0:
called_computation_lowered:
.L_overlay_start_0:
0x88: {  	s2 =	sld [smem:$0x3FD9]  }
0x89: {  	s3 =	sld [smem:$0x3FFE];
	_ =	sdelay $0x1  }
0x8a: {  	s1 =	srdreg.scid  }
0x8b: {  	s0 =	sand.u32 $0x1, s1  }
0x8c: {  	s14 =	sshll.u32 s0, $0xA;
	s2 =	sadd.s32 s3, s2  }
0x8d: {  	s2 =	sadd.s32 s2, s14  }
0x8e: {  	[smem:$0x3FC6] =	sst s2  }
0x8f: {  	_ = 	snop  }
0x90: {  	s2 =	sld [smem:$0x3FD0];
	_ =	sdelay $0x1  }
0x91: {  	s15 =	sld [smem:$0x3FC9]  }
0x92: {  	s5 =	simm.s32 $0xA;
	s6 =	simm.s32 $0x10;
	s4 =	sld [smem:$0x3FC8]  }
0x93: {  	[smem:s6], [sflag:s5] =	dma.local [hbm:s2], $0x1  }
0x94: {  	_ =	swait.eq [sflag:s5], $0x1  }
0x95: {  	[sflag:s5] =	ssyncset.done $0x0  }
0x96: {  	s16 =	sld [smem:$0x10];
	[sflag:s5] =	ssyncadd.s32 $0xFFFFFFFF  }
0x97: {  	s17 =	sld [smem:$0x11];
	(tm) =	ssettm $0x1  }
0x98: {  	s18 =	sld [smem:$0x3FFB];
	_ =	sdelay $0x3  }
0x99: {  	_ =	strace s18  }
0x9a: {  	s6 =	sld [smem:$0x3FFC];
	_ =	sdelay $0x3  }
0x9b: {  	_ =	strace s6  }
0x9c: {  	s6 =	sld [smem:$0x3FFD];
	_ =	sdelay $0x3  }
0x9d: {  	_ =	strace s6  }
0x9e: {  	_ =	strace $0x8FFFFFFF  }
0x9f: {  	s19 =	sld [smem:$0x3FDB];
	_ =	sdelay $0x1  }
0xa0: {  	s7 =	simm.s32 $_scs_section_size  }
0xa1: {  	s8 =	simm.s32 $_size__tile_overlayer_lowered;
	s9 =	simm.s32 $_tile_overlayer_lowered  }
0xa2: {  	s22 =	simm.s32 $0x1BFF;
	s21 =	sshll.u32 s9, $0x1;
	s6 =	sadd.s32 s7, s19  }
0xa3: {  	s10 =	simm.s32 $0x0;
	s20 =	sshll.u32 s8, $0x1;
	s8 =	sadd.s32 s21, s6  }
0xa4: {  	[timem:s10], [sflag:s22] =	dma.local [hbm:s8], s20  }
0xa5: {  	_ =	swait.ge [sflag:s22], s20  }
0xa6: {  	s7 =	ssub.s32 $0x0, s20;
	[sflag:s22] =	ssyncset.done $0x0  }
0xa7: {  	[sflag:s22] =	ssyncadd.s32 s7;
	_ =	sdelay $0x1  }
0xa8: {  	s23 =	simm.s32 $0x1B8B  }
0xa9: {  	_ =	swait.ge [sflag:s23], $0x1  }
0xaa: {  	[sflag:s23] =	ssyncset.done $0x0  }
0xab: {  	s25 =	simm.s32 $0x1B8E;
	s24 =	sld [smem:$0x3FFE];
	[sflag:s23] =	ssyncadd.s32 $0xFFFFFFFF  }
0xac: {  	s26 =	simm.s32 $execute0_lowered;
	[smem:$0x3FD2] =	sst s25  }
0xad: {  	s8 =	sshll.u32 s26, $0x1;
	_ =	strace $0x80000046;
	[dreg:$0x1] =	wrdreg $0xFFFFFFFF  }
0xae: {  	s28 =	simm.s32 $_size_execute0_lowered;
	s6 =	sadd.s32 s6, s8;
	[dreg:$0x0] =	wrdreg $0x0  }
0xaf: {  	s8 =	sshll.u32 s28, $0x1;
	[dreg:$0x2] =	wrdreg s6  }
0xb0: {  	[dreg:$0x3] =	wrdreg s8  }
0xb1: {  	[dreg:$0x4] =	wrdreg $0xC0  }
0xb2: {  	_ =	task [dreg:s10], $0x5FFFF  }
0xb3: {  	[dreg:$0x1] =	wrdreg $0xFFFFFFFF  }
0xb4: {  	[dreg:$0x0] =	wrdreg $0x60  }
0xb5: {  	[dreg:$0x2] =	wrdreg s15  }
0xb6: {  	[dreg:$0x3] =	wrdreg s24  }
0xb7: {  	[dreg:$0x4] =	wrdreg s4  }
0xb8: {  	[dreg:$0x5] =	wrdreg s16  }
0xb9: {  	[dreg:$0x6] =	wrdreg s17  }
0xba: {  	[dreg:$0x7] =	wrdreg $0x9  }
0xbb: {  	_ =	task.clear_ibuf [dreg:s10], $0x8FFFF;
	_ =	strace $0x90000046  }
0xbc: {  	s29 =	simm.s32 $0x9;
	_ =	strace $0x80000048  }
0xbd: {  	_ =	swait.ge [sflag:s29], $0x1  }
0xbe: {  	[sflag:s29] =	ssyncadd.s32 $0xFFFFFFFF  }
0xbf: {  	_ =	strace $0x90000048  }
0xc0: {  	_ =	sfence  }
0xc1: {  	s30 =	sld [smem:$0x0];
	_ =	sdelay $0x2  }
0xc2: {  	s31 =	sshll.u32 s1, $0xD;
	s1 =	sshrl.u32 s1, $0x2  }
0xc3: {  	s3 =	sand.u32 $0x4000, s31;
	s1 =	sadd.s32 s1, s30  }
0xc4: {  	s0 =	sor.u32 s3, s0;
	s1 =	sshll.u32 s1, $0x11  }
0xc5: {  	s0 =	sor.u32 s1, s0  }
0xc6: {  	s0 =	sadd.s32 $0x8F2B, s0  }
0xc7: {  	[sflag:s0] =	ssyncadd.remote.s32 $0x1  }
0xc8: {  	_ =	sfence.sel $0xFFFF  }
0xc9: {  	[dreg:$0x0] =	wrdreg $0xFFFFFFFF;
	(pc) =	sbr.abs _section_cstart, $3  }
0xca: {  	[dreg:$0x1] =	wrdreg $0xFFFFFFFF  }
0xcb: {  	_ =	task.clear_ibuf [dreg:s10], $0x2FFFF;
	_ =	strace $0x9FFFFFFF  }
0xcc: {  	(tm) =	ssettm $0x7FFFFFFF  }
0xcd: {  	_ =	shalt  }
tec
execute0_lowered:
.L_overlay_start_1:
0x0: {  	(tag) =	ssettag $0x1  }
0x1: {  	s17 =	rddreg [dreg:$0x0]  }
0x2: {  	s4 =	rddreg [dreg:$0x1]  }
0x3: {  	s0 =	srdreg.scid;
	s6 =	rddreg [dreg:$0x2]  }
0x4: {  	s1 =	stileid.u32;
	s7 =	rddreg [dreg:$0x4];
	s3 =	simm.s32 $0x0  }
0x5: {  	s2 =	sand.u32 $0x1, s0;
	s21 =	sshll.u32 s1, $0x1;
	[smem:$0x7FF] =	sst s3  }
0x6: {  	s10 =	sadd.s32 $0x200, s4;
	s8 =	sor.u32 s2, s21;
	s2 =	ssub.s32 $0x2, s2  }
0x7: {  	s0 =	sshll.u32 s8, $0xD;
	s9 =	sshll.u32 s8, $0x7;
	s5 =	sshrl.u32 s2, $0x1  }
0x8: {  	s11 =	sor.u32 $0x20, s8;
	s13 =	sor.u32 $0x40, s8;
	s22 =	sor.u32 s9, s0  }
0x9: {  	s15 =	sor.u32 $0x60, s8;
	s20 =	sshll.u32 s8, $0x13;
	s4 =	sand.u32 $0x30380, s22  }
0xa: {  	s12 =	ssub.s32 s2, s5;
	s2 =	sshll.u32 s11, $0xD;
	s4 =	sshrl.u32 s4, $0x3  }
0xb: {  	s5 =	sshll.u32 s13, $0xD;
	s25 =	sor.u32 s9, s2;
	s23 =	sadd.s32 s10, s4  }
0xc: {  	s26 =	sand.u32 $0x70380, s25;
	s24 =	sadd.s32 s7, s4;
	[dreg:$0x6] =	wrdreg s23  }
0xd: {  	s4 =	sadd.s32 s6, s4;
	s14 =	sshrl.u32 s26, $0x3;
	[dreg:$0x7] =	wrdreg s24  }
0xe: {  	s16 =	sor.u32 s9, s5;
	[dreg:$0x8] =	wrdreg s4;
	s4 =	sadd.s32 s10, s14  }
0xf: {  	s16 =	sand.u32 $0xB0380, s16;
	s18 =	sadd.s32 s7, s14;
	[dreg:$0x9] =	wrdreg s4  }
0x10: {  	s29 =	sshrl.u32 s16, $0x3;
	s14 =	sadd.s32 s6, s14;
	[dreg:$0xa] =	wrdreg s18  }
0x11: {  	s16 =	sadd.s32 s10, s29;
	s4 =	sshll.u32 s15, $0xD;
	[dreg:$0xb] =	wrdreg s14  }
0x12: {  	s30 =	sadd.s32 s7, s29;
	[dreg:$0xc] =	wrdreg s16;
	s9 =	sor.u32 s9, s4  }
0x13: {  	s21 =	sshll.u32 s11, $0x2;
	[dreg:$0xd] =	wrdreg s30;
	s9 =	sand.u32 $0xF0380, s9  }
0x14: {  	s14 =	sadd.s32 s6, s29;
	s18 =	rddreg [dreg:$0x3];
	s9 =	sshrl.u32 s9, $0x3  }
0x15: {  	s22 =	sshll.u32 s13, $0x2;
	[dreg:$0xe] =	wrdreg s14;
	s10 =	sadd.s32 s10, s9  }
0x16: {  	s25 =	sshll.u32 s15, $0x2;
	s7 =	sadd.s32 s7, s9;
	[dreg:$0xf] =	wrdreg s10  }
0x17: {  	s26 =	sadd.s32 $0x20, s17;
	s19 =	sadd.s32 s6, s9;
	[dreg:$0x10] =	wrdreg s7  }
0x18: {  	s23 =	sshll.u32 s11, $0x13;
	s24 =	sshll.u32 s13, $0x13;
	[dreg:$0x11] =	wrdreg s19  }
0x19: {  	s13 =	sshll.u32 s13, $0x10;
	_ =	strace $0x80000047;
	[dreg:$0x12] =	wrdreg s20  }
0x1a: {  	s29 =	sshll.u32 s15, $0x13;
	s15 =	sshll.u32 s15, $0x10;
	[dreg:$0x13] =	wrdreg s23  }
0x1b: {  	s9 =	sand.u32 $0xC0, s21;
	s21 =	sadd.s32 s13, s26;
	[dreg:$0x14] =	wrdreg s24  }
0x1c: {  	s7 =	sand.u32 $0xF, s8;
	s8 =	sshll.u32 s8, $0x10;
	[dreg:$0x15] =	wrdreg s29  }
0x1d: {  	s10 =	sand.u32 $0x140, s22;
	s22 =	sadd.s32 s15, s26;
	[dreg:$0x19] =	wrdreg s21  }
0x1e: {  	s30 =	sadd.s32 s17, s8;
	[dreg:$0x1a] =	wrdreg s22  }
0x1f: {  	s11 =	sshll.u32 s11, $0x10;
	s19 =	sadd.s32 s8, s26;
	[dreg:$0x16] =	wrdreg s30  }
0x20: {  	s20 =	sadd.s32 s11, s26;
	[dreg:$0x17] =	wrdreg s19  }
0x21: {  	s16 =	sshll.u32 s1, $0x3;
	s23 =	smax.u32 s12, $0x1;
	[dreg:$0x18] =	wrdreg s20  }
0x22: {  	s6 =	sand.u32 $0x40, s16;
	s26 =	sadd.s32 s17, s11;
	[dreg:$0x1b] =	wrdreg s23  }
0x23: {  	s29 =	sadd.s32 s11, s18;
	s11 =	sadd.s32 s17, s13;
	[dreg:$0x1e] =	wrdreg s26  }
0x24: {  	s12 =	sadd.s32 s13, s18;
	s13 =	sadd.s32 s17, s15;
	[smem:$0x7F0] =	sst s11  }
0x25: {  	s21 =	sshrl.u32 s6, $0x2;
	[smem:$0x7F1] =	sst s13  }
0x26: {  	s8 =	sadd.s32 s8, s18;
	s22 =	sshrl.u32 s9, $0x2;
	[smem:$0x7F6] =	sst s21  }
0x27: {  	s24 =	sadd.s32 $0xE040, s8;
	[smem:$0x7F7] =	sst s22  }
0x28: {  	s14 =	sand.u32 $0x1C0, s25;
	s25 =	sadd.s32 $0xE060, s8;
	[dreg:$0x1c] =	wrdreg s24  }
0x29: {  	s30 =	sadd.s32 $0xE040, s29;
	[dreg:$0x1d] =	wrdreg s25  }
0x2a: {  	s28 =	simm.s32 $0x6000;
	s8 =	sadd.s32 $0xE060, s29;
	[dreg:$0x1f] =	wrdreg s30  }
0x2b: {  	s31 =	simm.s32 $0xA080;
	s16 =	sadd.s32 $0xE040, s12;
	[smem:$0x7EF] =	sst s8  }
0x2c: {  	s15 =	sadd.s32 s15, s18;
	s17 =	sadd.s32 $0xE060, s12;
	[smem:$0x7F2] =	sst s16  }
0x2d: {  	v0 =	vlaneseq.u32;
	s1 =	simm.s32 $0x0;
	s19 =	sadd.s32 $0xE040, s15;
	[smem:$0x7F3] =	sst s17  }
0x2e: {  	v16 =	vmul.u32 $0xFFFFFFFF, v0;
	s20 =	sadd.s32 $0xE060, s15;
	s23 =	sshrl.u32 s10, $0x2;
	[smem:$0x7F4] =	sst s19  }
0x2f: {  	s26 =	sshrl.u32 s14, $0x2;
	s29 =	scvt.s32.f32 s5;
	[smem:$0x7F5] =	sst s20  }
0x30: {  	v13 =	vimm.f32 $0.0e+00;
	v14 =	vimm.f32 $1.220703130e-04;
	v16 =	vadd.s32 $0x1FFF, v16;
	s14 =	simm.s32 $0x400;
	[smem:$0x7F8] =	sst s23;
	s24 =	scvt.s32.f32 s0  }
.Ltmp0:
0x31: {  	v1 =	vmov s0;
	v2 =	vor.u32 s0, v0;
	v3 =	vmov s2;
	s12 =	simm.s32 $0xA280;
	[smem:$0x7F9] =	sst s26;
	(pc) =	sbr.rel .LBB2_1-.Ltmp0, $4  }
0x32: {  	v4 =	vor.u32 s2, v0;
	v5 =	vmov s5;
	v6 =	vor.u32 s5, v0;
	s22 =	simm.s32 $0x1;
	s25 =	scvt.s32.f32 s2;
	[smem:$0x7FC] =	sst s29  }
0x33: {  	v7 =	vmov s4;
	v8 =	vor.u32 s4, v0;
	v15 =	vmov s7;
	s30 =	scvt.s32.f32 s4;
	s8 =	simm.s32 $0x100;
	[smem:$0x7FA] =	sst s24  }
0x34: {  	vm0 =	veq.s32 v15, v0;
	v15 =	vadd.s32 $0xFFFFFFFF, v0;
	s16 =	simm.s32 $0xE280;
	s23 =	simm.s32 $0x2;
	v11 =	vmov s29;
	[smem:$0x7FB] =	sst s25  }
0x35: {  	v9 =	vmov s24;
	v10 =	vmov s25;
	s24 =	simm.s32 $0x3;
	s25 =	simm.s32 $0x4;
	[smem:$0x7FD] =	sst s30;
	v12 =	vmov s30  }
.LBB2_83:
0x36: {  	_ =	swait.ge [sflag:s24], $0x4000  }
0x37: {  	[sflag:s24] =	ssyncset.done $0x0  }
0x38: {  	[sflag:s24] =	ssyncadd.s32 $0xFFFFC000  }
0x39: {  	_ =	swait.ge [sflag:s25], $0x4000  }
0x3a: {  	s1 =	sld [smem:$0x7EE];
	_ =	sdelay $0x2  }
0x3b: {  	s0 =	rddreg [dreg:$0x1b];
	s1 =	sadd.s32 $0x1, s1  }
0x3c: {  	p0 =	sne.s32 s1, s0  }
.Ltmp1:
0x3d: {  	_ = 	snop;
	(pc) =	sbr.rel @!p0 .LBB2_84-.Ltmp1, $3  }
0x3e: {  	_ =	sdelay $0x1  }
0x3f: {  	[sflag:s25] =	ssyncset.done $0x0  }
0x40: {  	[sflag:s25] =	ssyncadd.s32 $0xFFFFC000  }
.LBB2_1:
0x41: {  	[smem:$0x7EE] =	sst s1  }
0x42: {  	s0 =	rddreg [dreg:$0x1];
	s29 =	simm.s32 $0xA000;
	s30 =	simm.s32 $0x5  }
0x43: {  	[tilespmem:s29], [sflag:$0x5] =	stream.linear.gather [hbm4b:s0+s3], $0x80, $0x38;
	[tilespmem:$0x1A280] =	vst v63  }
0x44: {  	_ =	swait.ge [sflag:s30], $0x80  }
0x45: {  	[sflag:s30] =	ssyncset.done $0x0  }
0x46: {  	s2 =	simm.s32 $0x6020;
	[sflag:s30] =	ssyncadd.s32 $0xFFFFFF80  }
0x47: {  	[tilespmem:s2+$0xFFFFFFF0] =	vst v13  }
0x48: {  	[tilespmem:s2+$0x0] =	vst v13  }
0x49: {  	[tilespmem:s2+$0x10] =	vst v13  }
0x4a: {  	s0 =	simm.s32 $0x4020;
	[tilespmem:s2+$0xFFFFFFE0] =	vst v13  }
0x4b: {  	[tilespmem:s0+$0xFFFFFFF0] =	vst v14  }
0x4c: {  	[tilespmem:s0+$0x0] =	vst v14  }
0x4d: {  	[tilespmem:s0+$0x10] =	vst v14  }
0x4e: {  	s4 =	simm.s32 $0x6060;
	s2 =	simm.s32 $0x0;
	[tilespmem:s0+$0xFFFFFFE0] =	vst v14  }
.LBB2_2:
0x4f: {  	[tilespmem:s4+$0xFFFFFFF0] =	vst v13;
	s0 =	sadd.s32 $0x40, s0  }
0x50: {  	s2 =	sadd.s32 $0x40, s2;
	[tilespmem:s0+$0xFFFFFFF0] =	vst v14  }
0x51: {  	p0 =	slt.u32 s2, $0x1FC0;
	[tilespmem:s4+$0x0] =	vst v13  }
.Ltmp2:
0x52: {  	[tilespmem:s0+$0x0] =	vst v14;
	(pc) =	sbr.rel @p0 .LBB2_2-.Ltmp2, $4  }
0x53: {  	[tilespmem:s4+$0x10] =	vst v13  }
0x54: {  	[tilespmem:s0+$0x10] =	vst v14  }
0x55: {  	[tilespmem:s4+$0xFFFFFFE0] =	vst v13  }
0x56: {  	s4 =	sadd.s32 $0x40, s4;
	[tilespmem:s0+$0xFFFFFFE0] =	vst v14  }
0x57: {  	s0 =	sld [smem:$0x7F6];
	_ =	sdelay $0x2  }
0x58: {  	v17 =	vld [tilespmem:s0+$0xA000];
	_ =	sdelay $0x4  }
0x59: {  	v17 =	vnsel vm0, $0x0, v17  }
0x5a: {  	(xrf0) =	vmax.scan.msk.f32 $0xffff, v17;
	_ =	sdelay $0x5  }
0x5b: {  	v17, _, _ =	vpop (xrf0)  }
0x5c: {  	(v2sf) =	vpush v17, $0xF;
	_ =	sdelay $0xe  }
0x5d: {  	s30 =	spop (v2sf)  }
0x5e: {  	p0 =	slt.f32 s30, $0.0e+00;
	p1 =	sgt.f32 s30, $0.0e+00  }
0x5f: {  	_ = 	snop  }
0x60: {  	p0 =	por p1, p0  }
0x61: {  	p0 =	por !p0, !p0  }
.Ltmp3:
0x62: {  	_ = 	snop;
	(pc) =	sbr.rel @p0 .LBB2_20-.Ltmp3, $1  }
0x63: {  	_ =	sdelay $0x3  }
0x64: {  	s0 =	simm.s32 $0x0  }
0x65: {  	s1 =	rddreg [dreg:$0x6];
	s4 =	simm.s32 $0x80;
	s2 =	simm.s32 $0x5  }
0x66: {  	[tilespmem:s0], [sflag:$0x5] =	stream.strided.gather [hbm4b:s1+s4], $0x2000, s14, s4, $0x38;
	[tilespmem:$0x1A280] =	vst v63  }
0x67: {  	_ =	swait.ge [sflag:s2], $0x2000  }
0x68: {  	s5 =	simm.s32 $0x4000;
	[sflag:s2] =	ssyncset.done $0x0  }
0x69: {  	s6 =	simm.s32 $0x30;
	s21 =	rddreg [dreg:$0x7];
	[sflag:s2] =	ssyncadd.s32 $0xFFFFE000  }
0x6a: {  	[hbm4b:s21+s4] =	stream.strided.scatter [tilespmem:s5], [sflag:$0x5], $0x2000, s14, s4, $0x38;
	[tilespmem:$0x1A280] =	vst v63  }
0x6b: {  	s30 =	simm.s32 $0x20;
	v21 =	vadd.s32 s6, v15;
	_ =	swait.ge [sflag:s2], $0x2000  }
0x6c: {  	s29 =	simm.s32 $0x10;
	v20 =	vadd.s32 s30, v15;
	vm3 =	vgt.s32 v21, $0x0;
	[sflag:s2] =	ssyncset.done $0x0  }
0x6d: {  	s26 =	simm.s32 $0x20;
	v17 =	vadd.s32 s29, v15;
	vm2 =	vgt.s32 v20, $0x0;
	v21 =	vnsel vm3, $0x0, v21;
	[sflag:s2] =	ssyncadd.s32 $0xFFFFE000  }
0x6e: {  	vm1 =	vgt.s32 v17, $0x0;
	v20 =	vnsel vm2, $0x0, v20;
	v18 =	vld [tilespmem:s26+$0x0]  }
0x6f: {  	v24 =	vnsel vm1, $0x0, v17;
	v19 =	vld [tilespmem:s26+$0xFFFFFFE0]  }
0x70: {  	v22 =	vld [tilespmem:s26+$0x10]  }
0x71: {  	v23 =	vld [tilespmem:s26+$0xFFFFFFF0]  }
0x72: {  	v21 =	vld.idx.msk [tilespmem:v21+s3+$0x0], $0xffff  }
0x73: {  	v20 =	vld.idx.msk [tilespmem:v20+s3+$0x0], $0xffff  }
0x74: {  	v25 =	vmov s6;
	v26 =	vor.u32 s6, v2;
	v27 =	vor.u32 s0, v2;
	v24 =	vld.idx.msk [tilespmem:v24+s3+$0x0], $0xffff  }
0x75: {  	v17 =	vor.u32 s29, v2;
	vm2 =	veq.s32 v25, v16;
	v25 =	vmov s0  }
0x76: {  	vm3 =	veq.s32 v25, v0;
	v28 =	vmul.f32 $8.192000000e+03, v18;
	v19 =	vmul.f32 $8.192000000e+03, v19  }
0x77: {  	v18 =	vcvt.s32.f32 v27;
	v27 =	vadd.s32 s0, v15;
	v22 =	vmul.f32 $8.192000000e+03, v22  }
0x78: {  	v23 =	vmul.f32 $8.192000000e+03, v23;
	v20 =	vmul.f32 $8.192000000e+03, v20;
	v28 =	vadd.f32 $-5.000000000e-01, v28  }
0x79: {  	v21 =	vmul.f32 $8.192000000e+03, v21;
	v24 =	vmul.f32 $8.192000000e+03, v24;
	vm1 =	vgt.s32 v27, $0x0  }
0x7a: {  	v19 =	vadd.f32 $-5.000000000e-01, v19;
	v27 =	vnsel vm1, $0x0, v27;
	v29 =	vtrunc.f32 v28  }
0x7b: {  	v22 =	vadd.f32 $-5.000000000e-01, v22;
	v23 =	vadd.f32 $-5.000000000e-01, v23;
	v25 =	vcvt.f32.s32 v29  }
0x7c: {  	v20 =	vadd.f32 $-5.000000000e-01, v20;
	v21 =	vadd.f32 $-5.000000000e-01, v21;
	v61 =	vtrunc.f32 v19  }
0x7d: {  	vm5 =	vlt.f32 v19, $0.0e+00;
	v19 =	vtrunc.f32 v22;
	v25 =	vadd.s32 $0x1, v25  }
0x7e: {  	vm1 =	vlt.f32 v23, $0.0e+00;
	vm7 =	vlt.f32 v22, $0.0e+00;
	vm6 =	vlt.s32 v25, $0x2000  }
0x7f: {  	v22 =	vtrunc.f32 v23;
	v19 =	vcvt.f32.s32 v19;
	v23 =	vnsel vm6, $0x2000, v25;
	v25 =	vld.idx.msk [tilespmem:v27+s3+$0x0], $0xffff  }
0x80: {  	vm4 =	vlt.f32 v28, $0.0e+00;
	v63 =	vtrunc.f32 v21;
	v22 =	vcvt.f32.s32 v22  }
0x81: {  	vm10 =	vlt.f32 v21, $0.0e+00;
	v29 =	vcvt.f32.s32 v61;
	v19 =	vadd.s32 $0x1, v19  }
0x82: {  	v62 =	vadd.s32 $0x1, v22;
	v22 =	vadd.f32 $-5.000000000e-01, v24;
	v24 =	vtrunc.f32 v20  }
0x83: {  	v24 =	vcvt.f32.s32 v24;
	v27 =	vadd.s32 $0x1, v29;
	v29 =	vcvt.f32.s32 v63  }
0x84: {  	vm6 =	vlt.s32 v19, $0x2000;
	v30 =	vtrunc.f32 v22;
	v25 =	vmul.f32 $8.192000000e+03, v25  }
0x85: {  	vm9 =	vlt.f32 v22, $0.0e+00;
	vm8 =	vlt.s32 v27, $0x2000;
	v19 =	vnsel vm6, $0x2000, v19  }
0x86: {  	vm6 =	vlt.f32 v20, $0.0e+00;
	v23 =	vsel vm4, $0x0, v23;
	v20 =	vadd.f32 $-5.000000000e-01, v25  }
0x87: {  	v19 =	vsel vm7, $0x0, v19;
	vm7 =	vlt.s32 v62, $0x2000;
	v21 =	vnsel vm8, $0x2000, v27  }
0x88: {  	v19 =	vsel vm2, $0x2000, v19;
	v25 =	vadd.s32 $0x1, v29;
	v22 =	vtrunc.f32 v20  }
0x89: {  	v27 =	vnsel vm7, $0x2000, v62;
	vm11 =	vlt.s32 v25, $0x2000;
	v22 =	vcvt.f32.s32 v22  }
0x8a: {  	v25 =	vnsel vm11, $0x2000, v25;
	vm14 =	vlt.f32 v20, $0.0e+00;
	v20 =	vsel vm5, $0x0, v21  }
0x8b: {  	v21 =	vadd.s32 $0x1, v24;
	v24 =	vsel vm10, $0x0, v25;
	v22 =	vadd.s32 $0x1, v22  }
0x8c: {  	vm2 =	vmor vm3, vm14;
	v25 =	vcvt.f32.s32 v30;
	vm3 =	vlt.s32 v22, $0x2000  }
0x8d: {  	vm5 =	vlt.s32 v21, $0x2000;
	vm15 =	vlt.s32 v24, $0x1FFF;
	v22 =	vnsel vm3, $0x2000, v22  }
0x8e: {  	v21 =	vnsel vm5, $0x2000, v21;
	v25 =	vadd.s32 $0x1, v25;
	v22 =	vsel vm2, $0x0, v22  }
0x8f: {  	v21 =	vsel vm6, $0x0, v21;
	vm2 =	vgt.s32 v20, v22;
	vm3 =	vlt.s32 v22, $0x1FFF  }
0x90: {  	vm4 =	vlt.s32 v25, $0x2000;
	vm5 =	vlt.s32 v21, $0x1FFF;
	v22 =	vnsel vm3, $0x1FFF, v22  }
0x91: {  	v20 =	vnsel vm4, $0x2000, v25;
	vm4 =	vgt.s32 v19, v24;
	v19 =	vcvt.s32.f32 v26  }
0x92: {  	v25 =	vsel vm9, $0x0, v20;
	vm3 =	vgt.s32 v23, v21;
	v23 =	vsel vm1, $0x0, v27  }
0x93: {  	v20 =	vnsel vm15, $0x1FFF, v24;
	vm1 =	vgt.s32 v23, v25;
	vm6 =	vlt.s32 v25, $0x1FFF  }
0x94: {  	s4 =	simm.s32 $0x60;
	s2 =	simm.s32 $0x40;
	s0 =	simm.s32 $0x2020;
	v21 =	vnsel vm5, $0x1FFF, v21;
	v24 =	vor.u32 s30, v2;
	v23 =	vnsel vm6, $0x1FFF, v25  }
.LBB2_5:
0x95: {  	s6 =	sadd.s32 $0x10, s2;
	s5 =	sadd.s32 $0x20, s2;
	v25 =	vld [tilespmem:s4+$0x0];
	s7 =	sadd.s32 $0x30, s2;
	[tilespmem:v22+s28+$0x0] =	vst.idx.msk vm2, v18;
	v18 =	vcvt.s32.f32 v17;
	v22 =	vcvt.s32.f32 v24  }
0x96: {  	p0 =	slt.u32 s2, $0x1FC0;
	s9 =	smov.u32 s2;
	s2 =	sadd.s32 $0x40, s2;
	v24 =	vld [tilespmem:s4+$0xFFFFFFE0];
	v17 =	vadd.s32 s6, v15;
	v26 =	vadd.s32 s5, v15;
	v27 =	vadd.s32 s7, v15  }
0x97: {  	vm2 =	vgt.s32 v17, $0x0;
	vm5 =	vgt.s32 v26, $0x0;
	v28 =	vld [tilespmem:s4+$0x10];
	vm6 =	vgt.s32 v27, $0x0  }
0x98: {  	v29 =	vld [tilespmem:s4+$0xFFFFFFF0];
	v30 =	vnsel vm2, $0x0, v17;
	v26 =	vnsel vm5, $0x0, v26;
	v27 =	vnsel vm6, $0x0, v27;
	[tilespmem:v20+s28+$0x0] =	vst.idx.msk vm4, v19  }
0x99: {  	v17 =	vor.u32 s6, v2;
	v20 =	vmov s7;
	v19 =	vor.u32 s7, v2;
	[tilespmem:v23+s28+$0x0] =	vst.idx.msk vm1, v18  }
0x9a: {  	v18 =	vor.u32 s9, v2;
	vm2 =	veq.s32 v20, v16;
	v23 =	vmul.f32 $8.192000000e+03, v25;
	[tilespmem:v21+s28+$0x0] =	vst.idx.msk vm3, v22  }
0x9b: {  	v20 =	vmov s9;
	v18 =	vcvt.s32.f32 v18;
	v21 =	vmul.f32 $8.192000000e+03, v24  }
0x9c: {  	v22 =	vadd.s32 s9, v15;
	v23 =	vadd.f32 $-5.000000000e-01, v23;
	v24 =	vmul.f32 $8.192000000e+03, v28  }
0x9d: {  	vm1 =	vgt.s32 v22, $0x0;
	v21 =	vadd.f32 $-5.000000000e-01, v21;
	v25 =	vmul.f32 $8.192000000e+03, v29;
	v27 =	vld.idx.msk [tilespmem:v27+s3+$0x0], $0xffff  }
0x9e: {  	v22 =	vnsel vm1, $0x0, v22;
	v26 =	vld.idx.msk [tilespmem:v26+s3+$0x0], $0xffff;
	v28 =	vtrunc.f32 v23;
	v24 =	vadd.f32 $-5.000000000e-01, v24  }
0x9f: {  	vm3 =	veq.s32 v20, v0;
	v20 =	vld.idx.msk [tilespmem:v30+s3+$0x0], $0xffff;
	v25 =	vadd.f32 $-5.000000000e-01, v25;
	v28 =	vcvt.f32.s32 v28  }
0xa0: {  	v29 =	vtrunc.f32 v21;
	vm4 =	vlt.f32 v21, $0.0e+00;
	v21 =	vtrunc.f32 v24  }
0xa1: {  	v29 =	vcvt.f32.s32 v29;
	vm1 =	vlt.f32 v25, $0.0e+00;
	v28 =	vadd.s32 $0x1, v28  }
0xa2: {  	vm7 =	vlt.f32 v24, $0.0e+00;
	v21 =	vcvt.f32.s32 v21;
	vm6 =	vlt.s32 v28, $0x2000  }
0xa3: {  	vm5 =	vlt.f32 v23, $0.0e+00;
	v24 =	vtrunc.f32 v25;
	v22 =	vld.idx.msk [tilespmem:v22+s3+$0x0], $0xffff;
	v23 =	vnsel vm6, $0x2000, v28  }
0xa4: {  	v25 =	vmul.f32 $8.192000000e+03, v26;
	v21 =	vadd.s32 $0x1, v21;
	v26 =	vmul.f32 $8.192000000e+03, v27  }
0xa5: {  	v24 =	vcvt.f32.s32 v24;
	v27 =	vadd.s32 $0x1, v29;
	v20 =	vmul.f32 $8.192000000e+03, v20  }
0xa6: {  	vm6 =	vlt.s32 v21, $0x2000;
	v25 =	vadd.f32 $-5.000000000e-01, v25;
	v26 =	vadd.f32 $-5.000000000e-01, v26  }
0xa7: {  	vm9 =	vlt.s32 v27, $0x2000;
	v24 =	vadd.s32 $0x1, v24;
	v20 =	vadd.f32 $-5.000000000e-01, v20  }
0xa8: {  	v21 =	vnsel vm6, $0x2000, v21;
	v28 =	vtrunc.f32 v25;
	v29 =	vtrunc.f32 v26  }
0xa9: {  	v21 =	vsel vm7, $0x0, v21;
	v22 =	vmul.f32 $8.192000000e+03, v22;
	v29 =	vcvt.f32.s32 v29  }
0xaa: {  	vm8 =	vlt.f32 v25, $0.0e+00;
	v30 =	vtrunc.f32 v20;
	v28 =	vcvt.f32.s32 v28  }
0xab: {  	vm6 =	vlt.s32 v24, $0x2000;
	v22 =	vadd.f32 $-5.000000000e-01, v22;
	v25 =	vadd.s32 $0x1, v29  }
0xac: {  	vm10 =	vlt.f32 v26, $0.0e+00;
	vm7 =	vlt.f32 v20, $0.0e+00;
	vm11 =	vlt.s32 v25, $0x2000  }
0xad: {  	v20 =	vnsel vm9, $0x2000, v27;
	v26 =	vtrunc.f32 v22;
	v25 =	vnsel vm11, $0x2000, v25  }
0xae: {  	v21 =	vsel vm2, $0x2000, v21;
	vm9 =	vlt.f32 v22, $0.0e+00;
	v26 =	vcvt.f32.s32 v26  }
0xaf: {  	v20 =	vsel vm4, $0x0, v20;
	v22 =	vadd.s32 $0x1, v28;
	v25 =	vsel vm10, $0x0, v25  }
0xb0: {  	v27 =	vcvt.f32.s32 v30;
	vm2 =	vmor vm3, vm9;
	v26 =	vadd.s32 $0x1, v26  }
0xb1: {  	vm4 =	vlt.s32 v22, $0x2000;
	vm9 =	vlt.s32 v25, $0x1FFF;
	vm3 =	vlt.s32 v26, $0x2000  }
0xb2: {  	v23 =	vsel vm5, $0x0, v23;
	v22 =	vnsel vm4, $0x2000, v22;
	v26 =	vnsel vm3, $0x2000, v26  }
0xb3: {  	v27 =	vadd.s32 $0x1, v27;
	v28 =	vsel vm8, $0x0, v22;
	v26 =	vsel vm2, $0x0, v26  }
0xb4: {  	vm4 =	vlt.s32 v27, $0x2000;
	vm2 =	vgt.s32 v20, v26;
	vm3 =	vlt.s32 v26, $0x1FFF  }
.Ltmp4:
0xb5: {  	v24 =	vnsel vm6, $0x2000, v24;
	v20 =	vnsel vm4, $0x2000, v27;
	v22 =	vnsel vm3, $0x1FFF, v26;
	(pc) =	sbr.rel @p0 .LBB2_5-.Ltmp4, $4  }
0xb6: {  	v26 =	vsel vm7, $0x0, v20;
	vm3 =	vgt.s32 v23, v28;
	v20 =	vnsel vm9, $0x1FFF, v25  }
0xb7: {  	vm5 =	vlt.s32 v28, $0x1FFF;
	vm4 =	vgt.s32 v21, v25;
	v23 =	vsel vm1, $0x0, v24  }
0xb8: {  	s6 =	simm.s32 $0x6020;
	v21 =	vnsel vm5, $0x1FFF, v28;
	vm1 =	vgt.s32 v23, v26;
	vm6 =	vlt.s32 v26, $0x1FFF  }
0xb9: {  	s4 =	sadd.s32 $0x40, s4;
	v19 =	vcvt.s32.f32 v19;
	v24 =	vor.u32 s5, v2;
	s5 =	simm.s32 $0x3;
	v23 =	vnsel vm6, $0x1FFF, v26  }
0xba: {  	_ =	sdelay $0x4  }
0xbb: {  	[tilespmem:v22+s28+$0x0] =	vst.idx.msk vm2, v18;
	v17 =	vcvt.s32.f32 v17  }
0xbc: {  	v18 =	vcvt.s32.f32 v24;
	[tilespmem:v20+s28+$0x0] =	vst.idx.msk vm4, v19  }
0xbd: {  	[tilespmem:v23+s28+$0x0] =	vst.idx.msk vm1, v17  }
0xbe: {  	[tilespmem:v21+s28+$0x0] =	vst.idx.msk vm3, v18  }
0xbf: {  	v17 =	vld [tilespmem:s6+$0x10];
	_ =	sdelay $0x1  }
0xc0: {  	v18 =	vld [tilespmem:s6+$0xFFFFFFE0]  }
0xc1: {  	v19 =	vld [tilespmem:s6+$0xFFFFFFF0];
	_ =	sdelay $0x1  }
0xc2: {  	(xrf0) =	vmax.scan.msk.f32 $0xffff, v17  }
0xc3: {  	v17 =	vld [tilespmem:s6+$0x0]  }
0xc4: {  	(xrf0) =	vmax.scan.msk.f32 $0xffff, v18  }
0xc5: {  	(xrf0) =	vmax.scan.msk.f32 $0xffff, v19;
	_ =	sdelay $0x1  }
0xc6: {  	s2 =	simm.s32 $0x6060  }
0xc7: {  	v18 =	vld [tilespmem:s2+$0x10];
	(xrf0) =	vmax.scan.msk.f32 $0xffff, v17;
	v19, _, _ =	vpop (xrf0)  }
0xc8: {  	v17 =	vld [tilespmem:s2+$0xFFFFFFE0];
	(xrf0) =	vmax.scan.msk.f32 $0xffff, v19  }
0xc9: {  	v20 =	vld [tilespmem:s2+$0xFFFFFFF0];
	v24, _, _ =	vpop (xrf0)  }
0xca: {  	(xrf0) =	vmax.scan.msk.f32 $0xffff, v24;
	v26, _, _ =	vpop (xrf0)  }
0xcb: {  	v21 =	vld [tilespmem:s2+$0x0];
	(xrf0) =	vmax.scan.msk.f32 $0xffff, v26  }
0xcc: {  	(xrf0) =	vmax.scan.msk.f32 $0xffff, v18  }
0xcd: {  	(xrf0) =	vmax.scan.msk.f32 $0xffff, v17;
	v27, _, _ =	vpop (xrf0)  }
0xce: {  	(xrf0) =	vmax.scan.msk.f32 $0xffff, v20;
	v17, _, _ =	vpop (xrf0)  }
0xcf: {  	v17 =	vadd.f32 $0.0e+00, v17  }
0xd0: {  	s26 =	simm.s32 $0x60A0;
	(xrf0) =	vmax.scan.msk.f32 $0xffff, v21;
	v21, _, _ =	vpop (xrf0)  }
0xd1: {  	s4 =	simm.s32 $0x0;
	v23 =	vld [tilespmem:s26+$0x10];
	v18 =	vmov s5;
	(xrf0) =	vmax.scan.msk.f32 $0xffff, v27;
	v22, _, _ =	vpop (xrf0)  }
0xd2: {  	s29 =	simm.s32 $0x1;
	v25 =	vmov s4;
	v28 =	vld [tilespmem:s26+$0xFFFFFFE0];
	v20, _, _ =	vpop (xrf0)  }
0xd3: {  	s30 =	simm.s32 $0x2;
	v29 =	vmov s29;
	v31 =	vld [tilespmem:s26+$0xFFFFFFF0];
	[tilespmem:s0+$0x10] =	vst v19;
	v30 =	vbroadcast v17, $0xF;
	v17, _, _ =	vpop (xrf0);
	(xrf0) =	vmax.scan.msk.f32 $0xffff, v20  }
0xd4: {  	v32 =	vmov s30;
	v25 =	vand.u32 $0xFFFFFFFC, v25;
	v33 =	vld [tilespmem:s26+$0x0];
	[tilespmem:s0+$0xFFFFFFE0] =	vst v24;
	(xrf0) =	vmax.scan.msk.f32 $0xffff, v17;
	v19, _, _ =	vpop (xrf0)  }
0xd5: {  	v29 =	vand.u32 $0xFFFFFFFD, v29;
	v25 =	vbroadcast v25, $0x0;
	[tilespmem:s0+$0xFFFFFFF0] =	vst v26;
	(xrf0) =	vmax.scan.msk.f32 $0xffff, v19  }
0xd6: {  	s2 =	simm.s32 $0x7;
	v26 =	vbroadcast v29, $0x0;
	v21 =	vadd.f32 $0.0e+00, v21;
	[tilespmem:v18+s31+$0x0] =	vst.idx.msk $0x1, v30;
	v18, _, _ =	vpop (xrf0);
	(xrf0) =	vmax.scan.msk.f32 $0xffff, v23  }
0xd7: {  	[tilespmem:s0+$0x0] =	vst v27;
	v27 =	vmov s2;
	v34 =	vadd.f32 $0.0e+00, v22;
	v30, _, _ =	vpop (xrf0);
	(xrf0) =	vmax.scan.msk.f32 $0xffff, v28  }
0xd8: {  	s7 =	simm.s32 $0x4;
	v22 =	vbroadcast v21, $0xF;
	v21 =	vand.u32 $0xFFFFFFFE, v32;
	v28 =	vadd.f32 $0.0e+00, v30;
	(xrf0) =	vmax.scan.msk.f32 $0xffff, v31  }
0xd9: {  	s9 =	simm.s32 $0x5;
	v21 =	vbroadcast v21, $0x0;
	v23 =	vbroadcast v34, $0xF;
	v31 =	vmov s7;
	(xrf0) =	vmax.scan.msk.f32 $0xffff, v33;
	v29, _, _ =	vpop (xrf0)  }
0xda: {  	s4 =	simm.s32 $0x80;
	s6 =	simm.s32 $0x6;
	s5 =	simm.s32 $0x60E0;
	v24 =	vbroadcast v28, $0xF;
	v28 =	vmov s9;
	v29 =	vadd.f32 $0.0e+00, v29;
	v30, _, _ =	vpop (xrf0);
	(xrf0) =	vmax.scan.msk.f32 $0xffff, v18  }
.LBB2_7:
0xdb: {  	v32 =	vld [tilespmem:s5+$0x10];
	s4 =	sadd.s32 $0x40, s4;
	v30 =	vadd.f32 $0.0e+00, v30;
	v31 =	vand.u32 $0xFFFFFFFC, v31;
	v33 =	vmov s6;
	v34, _, _ =	vpop (xrf0);
	[tilespmem:v25+s31+$0x0] =	vst.idx.msk $0x1, v22  }
0xdc: {  	v28 =	vand.u32 $0xFFFFFFFD, v28;
	s0 =	sadd.s32 $0x40, s0;
	v35 =	vld [tilespmem:s5+$0xFFFFFFE0];
	p0 =	slt.u32 s4, $0x1FC0;
	v36, _, _ =	vpop (xrf0);
	v34 =	vadd.f32 $0.0e+00, v34;
	v29 =	vbroadcast v29, $0xF;
	[tilespmem:v26+s31+$0x0] =	vst.idx.msk $0x1, v23  }
0xdd: {  	v37 =	vld [tilespmem:s5+$0xFFFFFFF0];
	v38, _, _ =	vpop (xrf0);
	(xrf0) =	vmax.scan.msk.f32 $0xffff, v36;
	v22 =	vbroadcast v30, $0xF;
	v30 =	vand.u32 $0xFFFFFFFE, v33;
	[tilespmem:s0+$0x10] =	vst v20  }
0xde: {  	v25 =	vbroadcast v31, $0x0;
	v33 =	vld [tilespmem:s5+$0x0];
	(xrf0) =	vmax.scan.msk.f32 $0xffff, v38;
	v39, _, _ =	vpop (xrf0);
	v23 =	vbroadcast v34, $0xF;
	[tilespmem:v27+s31+$0x0] =	vst.idx.msk $0x1, v29  }
0xdf: {  	v26 =	vbroadcast v28, $0x0;
	v28 =	vbroadcast v30, $0x0;
	(xrf0) =	vmax.scan.msk.f32 $0xffff, v39;
	v27, _, _ =	vpop (xrf0);
	[tilespmem:s0+$0xFFFFFFF0] =	vst v19  }
.Ltmp5:
0xe0: {  	v20 =	vmov v36;
	v19 =	vmov v39;
	(xrf0) =	vmax.scan.msk.f32 $0xffff, v32;
	v29, _, _ =	vpop (xrf0);
	[tilespmem:v21+s31+$0x0] =	vst.idx.msk $0x1, v24;
	(pc) =	sbr.rel @p0 .LBB2_7-.Ltmp5, $4  }
0xe1: {  	v21 =	vmovc v28;
	(xrf0) =	vmax.scan.msk.f32 $0xffff, v35;
	[tilespmem:s0+$0xFFFFFFE0] =	vst v17;
	v24 =	vadd.f32 $0.0e+00, v29;
	v17 =	vmov v38  }
0xe2: {  	s2 =	sadd.s32 $0x4, s2;
	(xrf0) =	vmax.scan.msk.f32 $0xffff, v37;
	[tilespmem:s0+$0x0] =	vst v18;
	v18 =	vmov v27  }
0xe3: {  	s7 =	sadd.s32 $0xFFFFFFFD, s2;
	s9 =	sadd.s32 $0xFFFFFFFE, s2;
	s6 =	sadd.s32 $0xFFFFFFFF, s2;
	v27 =	vmov s2;
	(xrf0) =	vmax.scan.msk.f32 $0xffff, v33;
	v29, _, _ =	vpop (xrf0);
	v24 =	vbroadcast v24, $0xF  }
0xe4: {  	v31 =	vmov s7;
	s5 =	sadd.s32 $0x40, s5;
	v28 =	vmov s9;
	v29 =	vadd.f32 $0.0e+00, v29;
	v30, _, _ =	vpop (xrf0);
	(xrf0) =	vmax.scan.msk.f32 $0xffff, v18  }
0xe5: {  	_ =	sdelay $0x1  }
0xe6: {  	v32, _, _ =	vpop (xrf0)  }
0xe7: {  	v33, _, _ =	vpop (xrf0)  }
0xe8: {  	[tilespmem:v25+s31+$0x0] =	vst.idx.msk $0x1, v22;
	(xrf0) =	vmax.scan.msk.f32 $0xffff, v33  }
0xe9: {  	v42 =	vand.u32 $0xFFFFFFFC, v31;
	[tilespmem:v26+s31+$0x0] =	vst.idx.msk $0x1, v23  }
0xea: {  	s0 =	sadd.s32 $0x40, s0;
	[tilespmem:v21+s31+$0x0] =	vst.idx.msk $0x1, v24;
	v46 =	vbroadcast v42, $0x0;
	v45, _, _ =	vpop (xrf0)  }
0xeb: {  	[tilespmem:s0+$0x10] =	vst v20;
	v48, _, _ =	vpop (xrf0)  }
0xec: {  	v44 =	vand.u32 $0xFFFFFFFD, v28;
	v47 =	vadd.f32 $0.0e+00, v30;
	v49 =	vmov s6;
	[tilespmem:s0+$0xFFFFFFF0] =	vst v19;
	v51, _, _ =	vpop (xrf0)  }
0xed: {  	s2 =	sadd.s32 $0x4, s2;
	v43 =	vbroadcast v29, $0xF;
	v23 =	vbroadcast v44, $0x0;
	[tilespmem:s0+$0xFFFFFFE0] =	vst v17;
	(xrf0) =	vmax.scan.msk.f32 $0xffff, v45;
	v53, _, _ =	vpop (xrf0)  }
0xee: {  	v17 =	vmov s2;
	[tilespmem:s0+$0x0] =	vst v18;
	s0 =	sadd.s32 $0x40, s0;
	v19 =	vbroadcast v47, $0xF;
	(xrf0) =	vmax.scan.msk.f32 $0xffff, v48;
	v55, _, _ =	vpop (xrf0)  }
0xef: {  	v52 =	vand.u32 $0xFFFFFFFE, v49;
	s4 =	sadd.s32 $0xFFFFFFFD, s2;
	s5 =	sadd.s32 $0xFFFFFFFE, s2;
	[tilespmem:s0+$0x10] =	vst v33;
	(xrf0) =	vmax.scan.msk.f32 $0xffff, v51;
	v18 =	vadd.f32 $0.0e+00, v55  }
0xf0: {  	v22 =	vbroadcast v52, $0x0;
	v57 =	vmov s4;
	[tilespmem:v46+s31+$0x0] =	vst.idx.msk $0x1, v19;
	v19 =	vmov s5  }
0xf1: {  	s2 =	sadd.s32 $0xFFFFFFFF, s2;
	[tilespmem:v27+s31+$0x0] =	vst.idx.msk $0x1, v43;
	v58 =	vand.u32 $0xFFFFFFFC, v57;
	v19 =	vand.u32 $0xFFFFFFFD, v19;
	v18 =	vbroadcast v18, $0xF  }
0xf2: {  	v50 =	vadd.f32 $0.0e+00, v32;
	v59 =	vmov s2;
	[tilespmem:s0+$0xFFFFFFE0] =	vst v45;
	v20 =	vbroadcast v58, $0x0  }
0xf3: {  	v21 =	vand.u32 $0xFFFFFFFE, v59;
	v56 =	vadd.f32 $0.0e+00, v53;
	v61, _, _ =	vpop (xrf0);
	[tilespmem:v17+s31+$0x0] =	vst.idx.msk $0x1, v18;
	v17 =	vbroadcast v19, $0x0  }
0xf4: {  	v54 =	vbroadcast v50, $0xF;
	[tilespmem:s0+$0xFFFFFFF0] =	vst v48;
	v21 =	vbroadcast v21, $0x0;
	v18 =	vadd.f32 $0.0e+00, v61;
	v19, _, _ =	vpop (xrf0)  }
0xf5: {  	p1 =	por $0x1, $0x1;
	[tilespmem:s0+$0x0] =	vst v51;
	v60 =	vbroadcast v56, $0xF;
	v19 =	vadd.f32 $0.0e+00, v19;
	v62, _, _ =	vpop (xrf0)  }
.Ltmp6:
0xf6: {  	[tilespmem:v23+s31+$0x0] =	vst.idx.msk $0x1, v54;
	v18 =	vbroadcast v18, $0xF;
	v63 =	vadd.f32 $0.0e+00, v62;
	(pc) =	sbr.rel @!p1 .LBB2_13-.Ltmp6, $4  }
0xf7: {  	[tilespmem:v22+s31+$0x0] =	vst.idx.msk $0x1, v60;
	v19 =	vbroadcast v19, $0xF  }
0xf8: {  	v22 =	vbroadcast v63, $0xF;
	[tilespmem:v20+s31+$0x0] =	vst.idx.msk $0x1, v18  }
0xf9: {  	[tilespmem:v17+s31+$0x0] =	vst.idx.msk $0x1, v19  }
0xfa: {  	p0 =	por $0x0, $0x0;
	s2 =	simm.s32 $0x0;
	s0 =	simm.s32 $0x40;
	[tilespmem:v21+s31+$0x0] =	vst.idx.msk $0x1, v22  }
0xfb: {  	s2 =	simm.s32 $0x0  }
0xfc: {  	v17 =	vld [tilespmem:s2+$0xA080];
	_ =	sdelay $0x4  }
0xfd: {  	(xrf0) =	vmax.scan.msk.f32 $0xffff, v17;
	_ =	sdelay $0x3  }
0xfe: {  	s1 =	sld [smem:$0x7FA];
	_ =	sdelay $0x1  }
0xff: {  	p1 =	por $0x1, $0x1;
	v17, _, _ =	vpop (xrf0)  }
.Ltmp7:
0x100: {  	v17 =	vmax.f32 v17, s1;
	(pc) =	sbr.rel @!p1 .LBB2_10-.Ltmp7, $2  }
0x101: {  	(xrf0) =	vmax.scan.msk.f32 $0xffff, v17;
	_ =	sdelay $0x2  }
0x102: {  	p0 =	por $0x1, $0x1;
	[tilespmem:s2+$0xA080] =	vst v17;
	s2 =	simm.s32 $0x80  }
.LBB2_11:
0x103: {  	p1 =	sne.s32 s2, $0x7C0;
	_ =	sdelay $0x1  }
0x104: {  	v17, _, _ =	vpop (xrf0)  }
0x105: {  	(v2sf) =	vpush v17, $0xF;
	_ =	sdelay $0x2  }
0x106: {  	s4 =	sshra.s32 s0, $0x2;
	s0 =	smov.u32 s2  }
0x107: {  	v17 =	vld [tilespmem:s4+$0xA080];
	_ =	sdelay $0x4  }
0x108: {  	(xrf0) =	vmax.scan.msk.f32 $0xffff, v17;
	_ =	sdelay $0x5  }
0x109: {  	v17, _, _ =	vpop (xrf0);
	s5 =	spop (v2sf)  }
.Ltmp8:
0x10a: {  	v17 =	vmax.f32 v17, s5;
	(pc) =	sbr.rel @p1 .LBB2_11-.Ltmp8, $2  }
0x10b: {  	[tilespmem:s4+$0xA080] =	vst v17;
	(xrf0) =	vmax.scan.msk.f32 $0xffff, v17;
	_ =	sdelay $0x2  }
0x10c: {  	s2 =	sadd.s32 $0x40, s2  }
0x10d: {  	s2 =	smov.u32 s0  }
.LBB2_13:
0x10e: {  	_ = 	snop  }
0x10f: {  	v17, _, _ =	vpop @p0 (xrf0)  }
0x110: {  	(v2sf) =	vpush @p0 v17, $0xF;
	_ =	sdelay $0x3  }
0x111: {  	s0 =	sshra.s32 s2, $0x2  }
0x112: {  	v17 =	vld [tilespmem:s0+$0xA080];
	_ =	sdelay $0x4  }
0x113: {  	(xrf0) =	vmax.scan.msk.f32 $0xffff, v17  }
0x114: {  	s7 =	simm.s32 $0x1  }
0x115: {  	v17 =	vmov s7  }
0x116: {  	s4 =	sld [smem:$0x7FA];
	s9 =	simm.s32 $0x3;
	s10 =	simm.s32 $0x2;
	vm1 =	vgt.s32 v17, $0x1  }
0x117: {  	s11 =	simm.s32 $0x0;
	v19 =	vmov s9;
	v20 =	vmov s10;
	v17 =	vnsel vm1, $0x1, v17  }
0x118: {  	v21 =	vmov s11;
	vm1 =	vgt.s32 v19, $0x1;
	v17 =	vadd.s32 $0x7FFFFFFF, v17;
	s2 =	spop @p0 (v2sf)  }
0x119: {  	vm2 =	vgt.s32 v20, $0x1;
	v19 =	vnsel vm1, $0x1, v19;
	v17 =	vand.u32 $0x7FFFFFFE, v17;
	v18, _, _ =	vpop (xrf0);
	s4 =	smov.u32 @p0 s2  }
0x11a: {  	vm1 =	vgt.s32 v21, $0x1;
	v17 =	vbroadcast v17, $0x0;
	v18 =	vmax.f32 v18, s4  }
0x11b: {  	v20 =	vnsel vm2, $0x1, v20;
	v22 =	vnsel vm1, $0x1, v21;
	(xrf0) =	vmax.scan.msk.f32 $0xffff, v18  }
0x11c: {  	v20 =	vadd.s32 $0xFFFFFFFF, v20;
	v22 =	vadd.s32 $0xFFFFFFFF, v22  }
0x11d: {  	v20 =	vbroadcast v20, $0x0  }
0x11e: {  	v19 =	vadd.s32 $0x7FFFFFFF, v19  }
0x11f: {  	s17 =	simm.s32 $0x5;
	s5 =	simm.s32 $0x6;
	v19 =	vand.u32 $0x7FFFFFFE, v19;
	[tilespmem:s0+$0xA080] =	vst v18  }
0x120: {  	s18 =	simm.s32 $0x4;
	s29 =	simm.s32 $0x8;
	v23 =	vmov s17;
	v24 =	vmov s5;
	v19 =	vbroadcast v19, $0x0;
	v17 =	vld.idx.msk [tilespmem:v17+s31+$0x0], $0xffff  }
0x121: {  	s13 =	simm.s32 $0x2020;
	s15 =	simm.s32 $0x7;
	v25 =	vmov s18;
	v29 =	vmov s29;
	vm3 =	vgt.s32 v23, $0x1;
	v22 =	vld.idx.msk [tilespmem:v22+s31+$0x0], $0xffff;
	v18, _, _ =	vpop (xrf0)  }
0x122: {  	vm1 =	veq.s32 v21, $0x0;
	v21 =	vmov s15;
	(v2sf) =	vpush v18, $0xF;
	v18 =	vld [tilespmem:s13+$0xFFFFFFF0]  }
0x123: {  	vm4 =	vgt.s32 v24, $0x1;
	v23 =	vnsel vm3, $0x1, v23;
	vm2 =	vgt.s32 v21, $0x1;
	v20 =	vld.idx.msk [tilespmem:v20+s31+$0x0], $0xffff  }
0x124: {  	v24 =	vnsel vm4, $0x1, v24;
	v21 =	vnsel vm2, $0x1, v21;
	vm2 =	vgt.s32 v25, $0x1;
	v26 =	vld [tilespmem:s13+$0xFFFFFFE0]  }
0x125: {  	v23 =	vadd.s32 $0x7FFFFFFF, v23;
	v24 =	vadd.s32 $0xFFFFFFFF, v24;
	v28 =	vnsel vm2, $0x1, v25;
	v27 =	vld [tilespmem:s13+$0x0]  }
0x126: {  	v23 =	vand.u32 $0x7FFFFFFE, v23;
	v24 =	vbroadcast v24, $0x0;
	v28 =	vadd.s32 $0xFFFFFFFF, v28;
	v19 =	vld.idx.msk [tilespmem:v19+s31+$0x0], $0xffff  }
0x127: {  	v21 =	vadd.s32 $0x7FFFFFFF, v21;
	v17 =	vmax.f32 v18, v17;
	v18 =	vbroadcast v23, $0x0;
	v23 =	vld [tilespmem:s13+$0x10]  }
0x128: {  	vm1 =	vmmov vm1;
	vm2 =	veq.s32 v25, $0x0;
	v21 =	vand.u32 $0x7FFFFFFE, v21  }
0x129: {  	s20 =	simm.s32 $0x2060;
	s26 =	simm.s32 $0xA;
	vm2 =	vmmov vm2;
	v21 =	vbroadcast v21, $0x0;
	v22 =	vsel vm1, v9, v22  }
0x12a: {  	v25 =	vld [tilespmem:s20+$0xFFFFFFF0];
	v20 =	vmax.f32 v27, v20;
	v27 =	vmov s26;
	v22 =	vmax.f32 v26, v22  }
0x12b: {  	v28 =	vld.idx.msk [tilespmem:v28+s31+$0x0], $0xffff;
	v20 =	vtrunc.f32 v20;
	vm15 =	vgt.s32 v27, $0x1;
	v22 =	vtrunc.f32 v22  }
0x12c: {  	v30 =	vld [tilespmem:s20+$0xFFFFFFE0];
	v26 =	vcvt.f32.s32 v22;
	v17 =	vtrunc.f32 v17;
	v19 =	vmax.f32 v23, v19  }
0x12d: {  	s21 =	simm.s32 $0x9;
	v27 =	vnsel vm15, $0x1, v27;
	v17 =	vcvt.f32.s32 v17;
	v18 =	vld.idx.msk [tilespmem:v18+s31+$0x0], $0xffff;
	v19 =	vtrunc.f32 v19  }
0x12e: {  	v27 =	vadd.s32 $0xFFFFFFFF, v27;
	v22 =	vcvt.f32.s32 v19;
	v19 =	vmov s21  }
0x12f: {  	s19 =	simm.s32 $0xB;
	s2 =	simm.s32 $0x8020;
	v17 =	vsub.s32 v17, v1;
	v23 =	vcvt.f32.s32 v20;
	vm1 =	vgt.s32 v19, $0x1  }
0x130: {  	v24 =	vld.idx.msk [tilespmem:v24+s31+$0x0], $0xffff;
	v20 =	vmov s19;
	[tilespmem:s2+$0xFFFFFFF0] =	vst v17;
	v17 =	vsel vm2, v9, v28;
	v19 =	vnsel vm1, $0x1, v19  }
0x131: {  	v63 =	vld [tilespmem:s20+$0x10];
	vm3 =	vgt.s32 v20, $0x1;
	v17 =	vmax.f32 v30, v17;
	v19 =	vadd.s32 $0x7FFFFFFF, v19  }
0x132: {  	v20 =	vnsel vm3, $0x1, v20;
	v19 =	vand.u32 $0x7FFFFFFE, v19;
	v18 =	vmax.f32 v25, v18;
	v25 =	vld [tilespmem:s20+$0x0]  }
0x133: {  	v21 =	vld.idx.msk [tilespmem:v21+s31+$0x0], $0xffff;
	v23 =	vsub.s32 v23, v1;
	v20 =	vadd.s32 $0x7FFFFFFF, v20;
	v31 =	vbroadcast v19, $0x0  }
0x134: {  	vm1 =	vgt.s32 v29, $0x1;
	v32 =	vand.u32 $0x7FFFFFFE, v20;
	v18 =	vtrunc.f32 v18  }
0x135: {  	v19 =	vnsel vm1, $0x1, v29;
	vm1 =	veq.s32 v29, $0x0;
	v33 =	vcvt.f32.s32 v18  }
0x136: {  	v18 =	vbroadcast v27, $0x0;
	v20 =	vadd.s32 $0xFFFFFFFF, v19;
	v19 =	vbroadcast v32, $0x0  }
0x137: {  	s0 =	simm.s32 $0x8060;
	[tilespmem:s2+$0x0] =	vst v23;
	v27 =	vsub.s32 v33, v1;
	v24 =	vmax.f32 v25, v24;
	v25 =	vsub.s32 v22, v1  }
0x138: {  	s6 =	simm.s32 $0xF;
	[tilespmem:s0+$0xFFFFFFF0] =	vst v27;
	v22 =	vtrunc.f32 v17;
	v17 =	vtrunc.f32 v24;
	v24 =	vmax.f32 v63, v21  }
0x139: {  	s5 =	simm.s32 $0x80;
	s4 =	simm.s32 $0x20A0;
	s30 =	spop (v2sf);
	[tilespmem:s2+$0x10] =	vst v25;
	v21 =	vld.idx.msk [tilespmem:v31+s31+$0x0], $0xffff;
	v17 =	vcvt.f32.s32 v17;
	v23 =	vtrunc.f32 v24;
	v24 =	vsub.s32 v26, v1  }
.LBB2_14:
0x13a: {  	s7 =	sadd.s32 $0xFFFFFFFE, s6;
	v25 =	vmov s6  }
0x13b: {  	s9 =	sadd.s32 $0xFFFFFFFF, s6;
	s5 =	sadd.s32 $0x40, s5;
	v26 =	vld [tilespmem:s4+$0xFFFFFFF0];
	v27 =	vcvt.f32.s32 v22;
	v22 =	vcvt.f32.s32 v23;
	[tilespmem:s2+$0xFFFFFFE0] =	vst v24;
	vm2 =	vmmov vm1;
	s2 =	smov.u32 s0  }
0x13c: {  	s10 =	sadd.s32 $0xFFFFFFFD, s6;
	v23 =	vmov s7;
	v24 =	vmov s9;
	vm1 =	vgt.s32 v25, $0x1;
	p0 =	slt.u32 s5, $0x1FC0;
	v28 =	vld.idx.msk [tilespmem:v20+s31+$0x0], $0xffff  }
0x13d: {  	vm3 =	vgt.s32 v23, $0x1;
	vm4 =	vgt.s32 v24, $0x1;
	v20 =	vnsel vm1, $0x1, v25;
	v25 =	vld.idx.msk [tilespmem:v18+s31+$0x0], $0xffff  }
0x13e: {  	v29 =	vmov s10;
	v18 =	vnsel vm3, $0x1, v23;
	v23 =	vnsel vm4, $0x1, v24;
	v24 =	vld.idx.msk [tilespmem:v19+s31+$0x0], $0xffff  }
0x13f: {  	vm1 =	vgt.s32 v29, $0x1;
	v19 =	vadd.s32 $0x7FFFFFFF, v20;
	v18 =	vadd.s32 $0x7FFFFFFF, v18;
	v30 =	vld [tilespmem:s4+$0xFFFFFFE0]  }
0x140: {  	v20 =	vadd.s32 $0xFFFFFFFF, v23;
	v18 =	vand.u32 $0x7FFFFFFE, v18;
	v21 =	vmax.f32 v26, v21;
	v23 =	vld [tilespmem:s4+$0x0]  }
0x141: {  	v19 =	vand.u32 $0x7FFFFFFE, v19;
	v26 =	vbroadcast v18, $0x0;
	v21 =	vtrunc.f32 v21;
	v31 =	vld [tilespmem:s4+$0x10]  }
0x142: {  	v32 =	vnsel vm1, $0x1, v29;
	v18 =	vbroadcast v20, $0x0;
	v21 =	vcvt.f32.s32 v21  }
.Ltmp9:
0x143: {  	vm1 =	veq.s32 v29, $0x0;
	v19 =	vbroadcast v19, $0x0;
	v20 =	vadd.s32 $0xFFFFFFFF, v32;
	(pc) =	sbr.rel @p0 .LBB2_14-.Ltmp9, $4  }
0x144: {  	s0 =	sadd.s32 $0x40, s0;
	v17 =	vsub.s32 v17, v1;
	v28 =	vsel vm2, v9, v28;
	v21 =	vsub.s32 v21, v1  }
0x145: {  	v28 =	vmax.f32 v30, v28;
	[tilespmem:s0+$0xFFFFFFF0] =	vst v21;
	v21 =	vmax.f32 v23, v25;
	v25 =	vsub.s32 v22, v1  }
0x146: {  	v22 =	vtrunc.f32 v28;
	v23 =	vtrunc.f32 v21;
	v24 =	vmax.f32 v31, v24;
	[tilespmem:s2+$0x0] =	vst v17  }
0x147: {  	s6 =	sadd.s32 $0x4, s6;
	s4 =	sadd.s32 $0x40, s4;
	v21 =	vld.idx.msk [tilespmem:v26+s31+$0x0], $0xffff;
	v17 =	vcvt.f32.s32 v23;
	v23 =	vtrunc.f32 v24;
	v24 =	vsub.s32 v27, v1;
	[tilespmem:s2+$0x10] =	vst v25  }
0x148: {  	_ =	sdelay $0x2  }
0x149: {  	v25 =	vld [tilespmem:s4+$0xFFFFFFF0]  }
0x14a: {  	v20 =	vld.idx.msk [tilespmem:v20+s31+$0x0], $0xffff  }
0x14b: {  	v18 =	vld.idx.msk [tilespmem:v18+s31+$0x0], $0xffff  }
0x14c: {  	v19 =	vld.idx.msk [tilespmem:v19+s31+$0x0], $0xffff  }
0x14d: {  	v27 =	vld [tilespmem:s4+$0x0]  }
0x14e: {  	v61 =	vld [tilespmem:s4+$0x10]  }
0x14f: {  	v26 =	vld [tilespmem:s4+$0xFFFFFFE0];
	v22 =	vcvt.f32.s32 v22;
	v23 =	vcvt.f32.s32 v23  }
0x150: {  	vm1 =	vmmov vm1;
	v17 =	vsub.s32 v17, v1  }
0x151: {  	v62 =	vsub.s32 v23, v1;
	v63 =	vsub.s32 v22, v1;
	v21 =	vmax.f32 v25, v21  }
0x152: {  	[tilespmem:s2+$0xFFFFFFE0] =	vst v24;
	v20 =	vsel vm1, v9, v20;
	v18 =	vmax.f32 v27, v18;
	v21 =	vtrunc.f32 v21  }
0x153: {  	[tilespmem:s0+$0x0] =	vst v17;
	v19 =	vmax.f32 v61, v19;
	v18 =	vtrunc.f32 v18;
	v21 =	vcvt.f32.s32 v21  }
0x154: {  	[tilespmem:s0+$0x10] =	vst v62;
	v20 =	vmax.f32 v26, v20;
	v17 =	vcvt.f32.s32 v18;
	v18 =	vtrunc.f32 v19  }
0x155: {  	s29 =	sadd.s32 $0x40, s0;
	[tilespmem:s0+$0xFFFFFFE0] =	vst v63;
	v19 =	vtrunc.f32 v20;
	v18 =	vcvt.f32.s32 v18;
	v21 =	vsub.s32 v21, v1  }
0x156: {  	v19 =	vcvt.f32.s32 v19;
	v17 =	vsub.s32 v17, v1;
	[tilespmem:s29+$0xFFFFFFF0] =	vst v21  }
0x157: {  	v18 =	vsub.s32 v18, v1;
	[tilespmem:s29+$0x0] =	vst v17  }
0x158: {  	v17 =	vsub.s32 v19, v1;
	[tilespmem:s29+$0x10] =	vst v18  }
0x159: {  	[tilespmem:s29+$0xFFFFFFE0] =	vst v17  }
0x15a: {  	s0 =	rddreg [dreg:$0x16]  }
0x15b: {  	[tilespmem:s12], [sflag:$0x1] =	stream.strided.gather [hbm4b:s0+s8], $0x4000, s14, s8, $0x38;
	[tilespmem:$0x1A280] =	vst v63  }
0x15c: {  	s13 =	simm.s32 $0x0;
	s30 =	rddreg [dreg:$0x17]  }
0x15d: {  	[tilespmem:s16], [sflag:$0x2] =	stream.strided.gather [hbm4b:s30+s8], $0x4000, s14, s8, $0x38;
	[tilespmem:$0x1A280] =	vst v63  }
.LBB2_16:
0x15e: {  	_ =	swait.ge [sflag:s22], $0x4000  }
0x15f: {  	[sflag:s22] =	ssyncset.done $0x0  }
0x160: {  	[sflag:s22] =	ssyncadd.s32 $0xFFFFC000  }
0x161: {  	_ =	swait.ge [sflag:s23], $0x4000  }
0x162: {  	p0 =	seq.s32 s13, $0x0;
	[sflag:s23] =	ssyncset.done $0x0  }
0x163: {  	s0 =	simm.s32 @!p0 $0x3;
	[sflag:s23] =	ssyncadd.s32 $0xFFFFC000  }
0x164: {  	_ =	swait.ge @!p0 [sflag:s0], $0x4000  }
0x165: {  	[sflag:s0] =	ssyncset.done @!p0 $0x0  }
0x166: {  	s2 =	simm.s32 $0x0;
	[sflag:s0] =	ssyncadd.s32 @!p0 $0xFFFFC000;
	s0 =	simm.s32 @!p0 $0x4  }
0x167: {  	s4 =	sand.u32 $0x40, s2;
	s2 =	sand.u32 $0x1F80, s2;
	_ =	swait.ge @!p0 [sflag:s0], $0x4000  }
0x168: {  	s2 =	sor.u32 $0x8000, s2;
	s5 =	sor.u32 $0x30, s4;
	[sflag:s0] =	ssyncset.done @!p0 $0x0  }
0x169: {  	s15 =	sor.u32 s5, s2;
	[sflag:s0] =	ssyncadd.s32 @!p0 $0xFFFFC000  }
0x16a: {  	s6 =	simm.s32 $0x8000;
	v17 =	vld [tilespmem:s15+$0x0]  }
0x16b: {  	s9 =	sor.u32 $0x10, s4;
	v18 =	vld [tilespmem:s6+$0x0]  }
0x16c: {  	s10 =	sor.u32 $0x20, s4;
	s17 =	sor.u32 s9, s2  }
0x16d: {  	s2 =	sor.u32 s10, s2;
	v19 =	vld [tilespmem:s17+$0x0]  }
0x16e: {  	v20 =	vld [tilespmem:s2+$0x0]  }
0x16f: {  	v21 =	vshll.u32 v17, $0x1  }
0x170: {  	v22 =	vshll.u32 v18, $0x1;
	v17 =	vand.u32 $0x7F, v17;
	v21 =	vand.u32 $0xFFFFFF00, v21  }
0x171: {  	v18 =	vand.u32 $0x7F, v18;
	v22 =	vand.u32 $0xFFFFFF00, v22;
	v17 =	vor.u32 v17, v21  }
0x172: {  	v18 =	vor.u32 v18, v22;
	v21 =	vshll.u32 v19, $0x1  }
0x173: {  	v22 =	vshll.u32 v20, $0x1;
	v19 =	vand.u32 $0x7F, v19;
	v21 =	vand.u32 $0xFFFFFF00, v21  }
0x174: {  	v20 =	vand.u32 $0x7F, v20;
	v22 =	vand.u32 $0xFFFFFF00, v22;
	v19 =	vor.u32 v19, v21  }
0x175: {  	v20 =	vor.u32 v20, v22  }
0x176: {  	s18 =	simm.s32 $0x8040;
	v21 =	vld.idx.msk [tilespmem:v17+s12+$0x0], $0xffff  }
0x177: {  	s19 =	simm.s32 $0x40;
	v22 =	vld [tilespmem:s18+$0x0]  }
0x178: {  	s1 =	simm.s32 $0x0;
	s0 =	sand.u32 $0x1F80, s19;
	s6 =	sand.u32 $0x40, s19;
	v23 =	vld.idx.msk [tilespmem:v18+s12+$0x0], $0xffff  }
0x179: {  	s11 =	sand.u32 $0x3F00, s1;
	s15 =	sor.u32 $0x8000, s0;
	s20 =	sor.u32 $0x30, s6;
	v24 =	vld.idx.msk [tilespmem:v19+s12+$0x0], $0xffff  }
0x17a: {  	s5 =	sor.u32 s5, s11;
	s7 =	sor.u32 s20, s15;
	v25 =	vld.idx.msk [tilespmem:v20+s12+$0x0], $0xffff  }
0x17b: {  	s0 =	sor.u32 $0x10, s6;
	[tilespmem:s5+$0x12280] =	vst v21;
	v21 =	vld [tilespmem:s7+$0x0]  }
0x17c: {  	s17 =	sor.u32 s0, s15;
	s7 =	sor.u32 $0x20, s6;
	v26 =	vld.idx.msk [tilespmem:v17+s16+$0x0], $0xffff  }
0x17d: {  	s9 =	sor.u32 s9, s11;
	v27 =	vld [tilespmem:s17+$0x0];
	v28 =	vor.u32 $0x80, v17;
	s15 =	sor.u32 s7, s15;
	v17 =	vshll.u32 v22, $0x1  }
0x17e: {  	s10 =	sor.u32 s10, s11;
	v22 =	vand.u32 $0x7F, v22;
	[tilespmem:s9+$0x12280] =	vst v24;
	v24 =	vld [tilespmem:s15+$0x0];
	v17 =	vand.u32 $0xFFFFFF00, v17  }
0x17f: {  	s4 =	sor.u32 s4, s11;
	[tilespmem:s10+$0x12280] =	vst v25;
	v25 =	vld.idx.msk [tilespmem:v19+s16+$0x0], $0xffff;
	v17 =	vor.u32 v22, v17  }
0x180: {  	s21 =	simm.s32 $0x8080;
	[tilespmem:s4+$0x12280] =	vst v23;
	v19 =	vor.u32 $0x80, v19;
	v22 =	vld.idx.msk [tilespmem:v20+s16+$0x0], $0xffff;
	v23 =	vshll.u32 v21, $0x1  }
0x181: {  	p0 =	por $0x0, $0x0;
	v31 =	vld [tilespmem:s21+$0x0];
	v20 =	vor.u32 $0x80, v20;
	v21 =	vand.u32 $0x7F, v21;
	[tilespmem:s5+$0x16280] =	vst v26;
	v23 =	vand.u32 $0xFFFFFF00, v23;
	s5 =	simm.s32 $0x1  }
0x182: {  	v26 =	vshll.u32 v27, $0x1;
	v30 =	vld.idx.msk [tilespmem:v28+s12+$0x0], $0xffff;
	v21 =	vor.u32 v21, v23;
	s5 =	simm.s32 @!p0 $0x0  }
0x183: {  	v29 =	vld.idx.msk [tilespmem:v18+s16+$0x0], $0xffff;
	v27 =	vand.u32 $0x7F, v27;
	v23 =	vand.u32 $0xFFFFFF00, v26;
	s5 =	sshll.u32 s5, $0x6  }
0x184: {  	v26 =	vshll.u32 v24, $0x1;
	v32 =	vld.idx.msk [tilespmem:v17+s12+$0x0], $0xffff;
	v33 =	vor.u32 v27, v23;
	[tilespmem:s9+$0x16280] =	vst v25;
	s11 =	sadd.s32 $0x0, s5  }
0x185: {  	v34 =	vor.u32 $0x80, v18;
	v24 =	vand.u32 $0x7F, v24;
	v26 =	vand.u32 $0xFFFFFF00, v26;
	[tilespmem:s10+$0x16280] =	vst v22;
	v23 =	vld.idx.msk [tilespmem:v19+s12+$0x0], $0xffff;
	s5 =	sadd.s32 $0x30, s11  }
0x186: {  	v24 =	vor.u32 v24, v26;
	v18 =	vld.idx.msk [tilespmem:v20+s12+$0x0], $0xffff;
	s9 =	sor.u32 $0x80, s5  }
0x187: {  	v22 =	vld.idx.msk [tilespmem:v21+s12+$0x0], $0xffff;
	[tilespmem:s9+$0x12280] =	vst v30  }
0x188: {  	s17 =	simm.s32 $0x80;
	v25 =	vld.idx.msk [tilespmem:v28+s16+$0x0], $0xffff  }
0x189: {  	s1 =	sand.u32 $0x3F00, s17;
	[tilespmem:s4+$0x16280] =	vst v29;
	s26 =	sadd.s32 $0x10, s11;
	v26 =	vld.idx.msk [tilespmem:v33+s12+$0x0], $0xffff  }
0x18a: {  	s30 =	sadd.s32 $0x20, s11;
	s15 =	sor.u32 $0x80, s26;
	s5 =	simm.s32 $0x80;
	v28 =	vld.idx.msk [tilespmem:v34+s12+$0x0], $0xffff  }
0x18b: {  	s18 =	sor.u32 $0x80, s30;
	s26 =	sand.u32 $0x40, s5;
	s19 =	sand.u32 $0x1F80, s5;
	v27 =	vld.idx.msk [tilespmem:v24+s12+$0x0], $0xffff;
	[tilespmem:s15+$0x12280] =	vst v23  }
0x18c: {  	s6 =	sor.u32 s6, s1;
	s19 =	sor.u32 $0x8000, s19;
	s29 =	sor.u32 $0x30, s26;
	[tilespmem:s18+$0x12280] =	vst v18;
	v29 =	vld.idx.msk [tilespmem:v19+s16+$0x0], $0xffff  }
0x18d: {  	s30 =	sor.u32 s20, s1;
	[tilespmem:s6+$0x12280] =	vst v32;
	s20 =	sor.u32 s29, s19;
	v35 =	vld.idx.msk [tilespmem:v20+s16+$0x0], $0xffff  }
0x18e: {  	s2 =	sor.u32 $0x10, s26;
	v36 =	vld [tilespmem:s20+$0x0];
	[tilespmem:s30+$0x12280] =	vst v22  }
0x18f: {  	s10 =	sor.u32 $0x80, s11;
	s21 =	sor.u32 s2, s19;
	v30 =	vld.idx.msk [tilespmem:v21+s16+$0x0], $0xffff;
	[tilespmem:s9+$0x16280] =	vst v25  }
0x190: {  	s4 =	sor.u32 $0x20, s26;
	v23 =	vld [tilespmem:s21+$0x0];
	v20 =	vor.u32 $0x80, v21;
	s9 =	sor.u32 s0, s1;
	[tilespmem:s10+$0x12280] =	vst v28  }
0x191: {  	s7 =	sor.u32 s7, s1;
	s20 =	sor.u32 s4, s19;
	v28 =	vld.idx.msk [tilespmem:v17+s16+$0x0], $0xffff;
	[tilespmem:s9+$0x12280] =	vst v26  }
0x192: {  	v18 =	vshll.u32 v31, $0x1;
	v26 =	vld [tilespmem:s20+$0x0];
	[tilespmem:s7+$0x12280] =	vst v27  }
0x193: {  	v22 =	vand.u32 $0xFFFFFF00, v18;
	v21 =	vand.u32 $0x7F, v31;
	v27 =	vld.idx.msk [tilespmem:v33+s16+$0x0], $0xffff;
	[tilespmem:s15+$0x16280] =	vst v29  }
0x194: {  	v22 =	vor.u32 v21, v22;
	v25 =	vld.idx.msk [tilespmem:v24+s16+$0x0], $0xffff;
	[tilespmem:s30+$0x16280] =	vst v30  }
0x195: {  	v19 =	vor.u32 $0x80, v33;
	v18 =	vor.u32 $0x80, v24;
	v21 =	vshll.u32 v36, $0x1;
	s30 =	sshll.u32 s13, $0x2;
	v24 =	vld.idx.msk [tilespmem:v20+s12+$0x0], $0xffff;
	[smem:$0x7EC] =	sst s13  }
0x196: {  	p0 =	por !p0, !p0;
	v63 =	vand.u32 $0x7F, v36;
	s15 =	simm.s32 $0x1;
	v21 =	vand.u32 $0xFFFFFF00, v21;
	v30 =	vshll.u32 v23, $0x1;
	[smem:$0x7ED] =	sst s30  }
0x197: {  	s11 =	simm.s32 $0x80C0;
	s15 =	simm.s32 @!p0 $0x0;
	v21 =	vor.u32 v63, v21;
	v30 =	vand.u32 $0xFFFFFF00, v30;
	v31 =	vshll.u32 v26, $0x1;
	v29 =	vld.idx.msk [tilespmem:v34+s16+$0x0], $0xffff;
	[tilespmem:s18+$0x16280] =	vst v35  }
.LBB2_17:
0x198: {  	v32 =	vld [tilespmem:s11+$0x0];
	v23 =	vand.u32 $0x7F, v23;
	v26 =	vand.u32 $0x7F, v26;
	v31 =	vand.u32 $0xFFFFFF00, v31;
	s0 =	sshll.u32 s15, $0x6  }
0x199: {  	v33 =	vld.idx.msk [tilespmem:v22+s12+$0x0], $0xffff;
	v30 =	vor.u32 v23, v30;
	v31 =	vor.u32 v26, v31;
	s18 =	sadd.s32 s0, s17;
	[tilespmem:s9+$0x16280] =	vst v27  }
0x19a: {  	v23 =	vor.u32 $0x80, v30;
	v26 =	vor.u32 $0x80, v31;
	v27 =	vld.idx.msk [tilespmem:v19+s12+$0x0], $0xffff;
	s0 =	sadd.s32 $0x10, s18;
	[tilespmem:s7+$0x16280] =	vst v25;
	s7 =	sadd.s32 $0x20, s18;
	s9 =	sadd.s32 $0x30, s18  }
0x19b: {  	v34 =	vor.u32 $0x80, v17;
	v17 =	vmov v22;
	[tilespmem:s6+$0x16280] =	vst v28;
	s15 =	sor.u32 $0x80, s0;
	v25 =	vld.idx.msk [tilespmem:v18+s12+$0x0], $0xffff;
	s0 =	sor.u32 $0x80, s7;
	s6 =	sor.u32 $0x80, s9  }
0x19c: {  	s7 =	sor.u32 $0x80, s18;
	v22 =	vld.idx.msk [tilespmem:v21+s12+$0x0], $0xffff;
	[tilespmem:s6+$0x12280] =	vst v24  }
0x19d: {  	v20 =	vld.idx.msk [tilespmem:v20+s16+$0x0], $0xffff;
	[tilespmem:s10+$0x16280] =	vst v29;
	s10 =	smov.u32 s7  }
0x19e: {  	v24 =	vld.idx.msk [tilespmem:v30+s12+$0x0], $0xffff  }
0x19f: {  	s17 =	sadd.s32 $0x80, s17;
	v28 =	vld.idx.msk [tilespmem:v31+s12+$0x0], $0xffff  }
0x1a0: {  	s5 =	sadd.s32 $0x40, s5;
	s18 =	sand.u32 $0x3F00, s17;
	v29 =	vld.idx.msk [tilespmem:v34+s12+$0x0], $0xffff;
	[tilespmem:s15+$0x12280] =	vst v27  }
0x1a1: {  	s19 =	sand.u32 $0x40, s5;
	s20 =	sor.u32 s29, s18;
	s7 =	sand.u32 $0x1F80, s5;
	v35 =	vld.idx.msk [tilespmem:v19+s16+$0x0], $0xffff;
	[tilespmem:s0+$0x12280] =	vst v25;
	v19 =	vmov v23  }
0x1a2: {  	s21 =	sor.u32 $0x10, s19;
	s29 =	sor.u32 $0x30, s19;
	s7 =	sor.u32 $0x8000, s7;
	[tilespmem:s20+$0x12280] =	vst v22;
	v36 =	vld.idx.msk [tilespmem:v18+s16+$0x0], $0xffff;
	v18 =	vmov v26  }
0x1a3: {  	s1 =	sor.u32 $0x20, s19;
	s30 =	sor.u32 s21, s7;
	s9 =	sor.u32 s29, s7;
	v37 =	vld.idx.msk [tilespmem:v21+s16+$0x0], $0xffff;
	[tilespmem:s6+$0x16280] =	vst v20  }
0x1a4: {  	s13 =	sor.u32 s1, s7;
	s7 =	sor.u32 s4, s18;
	v38 =	vld [tilespmem:s9+$0x0];
	s9 =	sor.u32 s2, s18  }
0x1a5: {  	p1 =	slt.u32 s5, $0x1FC0;
	s6 =	sor.u32 s26, s18;
	v20 =	vor.u32 $0x80, v21;
	s26 =	smov.u32 s19;
	v23 =	vld [tilespmem:s30+$0x0];
	[tilespmem:s9+$0x12280] =	vst v24  }
0x1a6: {  	s4 =	smov.u32 s1;
	v21 =	vshll.u32 v32, $0x1;
	s2 =	smov.u32 s21;
	v26 =	vld [tilespmem:s13+$0x0];
	[tilespmem:s7+$0x12280] =	vst v28  }
.Ltmp10:
0x1a7: {  	v22 =	vand.u32 $0x7F, v32;
	v21 =	vand.u32 $0xFFFFFF00, v21;
	[tilespmem:s6+$0x12280] =	vst v33;
	v27 =	vld.idx.msk [tilespmem:v30+s16+$0x0], $0xffff;
	(pc) =	sbr.rel @p1 .LBB2_17-.Ltmp10, $4  }
0x1a8: {  	v22 =	vor.u32 v22, v21;
	v25 =	vld.idx.msk [tilespmem:v31+s16+$0x0], $0xffff;
	[tilespmem:s10+$0x12280] =	vst v29  }
0x1a9: {  	v21 =	vshll.u32 v38, $0x1;
	v28 =	vld.idx.msk [tilespmem:v17+s16+$0x0], $0xffff;
	[tilespmem:s20+$0x16280] =	vst v37  }
0x1aa: {  	p0 =	por !p0, !p0;
	v32 =	vand.u32 $0x7F, v38;
	v29 =	vshll.u32 v23, $0x1;
	v21 =	vand.u32 $0xFFFFFF00, v21;
	v24 =	vld.idx.msk [tilespmem:v20+s12+$0x0], $0xffff;
	[tilespmem:s15+$0x16280] =	vst v35;
	s15 =	simm.s32 $0x1  }
0x1ab: {  	s11 =	sadd.s32 $0x40, s11;
	v30 =	vand.u32 $0xFFFFFF00, v29;
	v31 =	vshll.u32 v26, $0x1;
	v21 =	vor.u32 v32, v21;
	s15 =	simm.s32 @!p0 $0x0;
	v29 =	vld.idx.msk [tilespmem:v34+s16+$0x0], $0xffff;
	[tilespmem:s0+$0x16280] =	vst v36  }
0x1ac: {  	_ =	sdelay $0x1  }
0x1ad: {  	v23 =	vand.u32 $0x7F, v23  }
0x1ae: {  	v26 =	vand.u32 $0x7F, v26;
	v31 =	vand.u32 $0xFFFFFF00, v31;
	s0 =	sshll.u32 s15, $0x6;
	[tilespmem:s9+$0x16280] =	vst v27;
	v23 =	vor.u32 v23, v30  }
0x1af: {  	v26 =	vor.u32 v26, v31;
	s0 =	sadd.s32 s0, s17;
	v27 =	vld.idx.msk [tilespmem:v19+s12+$0x0], $0xffff  }
0x1b0: {  	v48 =	vld.idx.msk [tilespmem:v21+s12+$0x0], $0xffff;
	[tilespmem:s7+$0x16280] =	vst v25;
	s1 =	sadd.s32 $0x30, s0  }
0x1b1: {  	v51 =	vld.idx.msk [tilespmem:v22+s12+$0x0], $0xffff;
	v17 =	vor.u32 $0x80, v17;
	[tilespmem:s6+$0x16280] =	vst v28;
	s1 =	sor.u32 $0x80, s1  }
0x1b2: {  	s30 =	sadd.s32 $0x80, s17;
	s5 =	sadd.s32 $0x10, s0;
	v52 =	vld.idx.msk [tilespmem:v18+s12+$0x0], $0xffff;
	[tilespmem:s1+$0x12280] =	vst v24  }
0x1b3: {  	s5 =	sor.u32 $0x80, s5;
	[tilespmem:s10+$0x16280] =	vst v29;
	s10 =	sand.u32 $0x3F00, s30;
	v49 =	vld.idx.msk [tilespmem:v23+s12+$0x0], $0xffff  }
0x1b4: {  	s11 =	sor.u32 s29, s10;
	v50 =	vld.idx.msk [tilespmem:v26+s12+$0x0], $0xffff;
	[tilespmem:s5+$0x12280] =	vst v27  }
0x1b5: {  	s13 =	sadd.s32 $0x20, s0;
	v20 =	vld.idx.msk [tilespmem:v20+s16+$0x0], $0xffff;
	s7 =	sor.u32 s26, s10;
	[tilespmem:s11+$0x12280] =	vst v48  }
0x1b6: {  	s2 =	sor.u32 s2, s10;
	s4 =	sor.u32 s4, s10;
	s10 =	sor.u32 $0x80, s13;
	v57 =	vld.idx.msk [tilespmem:v17+s12+$0x0], $0xffff;
	[tilespmem:s7+$0x12280] =	vst v51  }
0x1b7: {  	v25 =	vld.idx.msk [tilespmem:v21+s16+$0x0], $0xffff;
	[tilespmem:s10+$0x12280] =	vst v52  }
0x1b8: {  	v53 =	vor.u32 $0x80, v21;
	v56 =	vld.idx.msk [tilespmem:v22+s16+$0x0], $0xffff;
	[tilespmem:s2+$0x12280] =	vst v49  }
0x1b9: {  	v58 =	vor.u32 $0x80, v22;
	[tilespmem:s4+$0x12280] =	vst v50;
	v54 =	vld.idx.msk [tilespmem:v23+s16+$0x0], $0xffff  }
0x1ba: {  	s0 =	sor.u32 $0x80, s0;
	[tilespmem:s1+$0x16280] =	vst v20;
	v23 =	vor.u32 $0x80, v23;
	v55 =	vld.idx.msk [tilespmem:v26+s16+$0x0], $0xffff  }
0x1bb: {  	v19 =	vld.idx.msk [tilespmem:v19+s16+$0x0], $0xffff;
	[tilespmem:s0+$0x12280] =	vst v57;
	v26 =	vor.u32 $0x80, v26  }
0x1bc: {  	p0 =	por !p0, !p0;
	v18 =	vld.idx.msk [tilespmem:v18+s16+$0x0], $0xffff;
	s1 =	simm.s32 $0x1;
	[tilespmem:s11+$0x16280] =	vst v25  }
0x1bd: {  	s1 =	simm.s32 @!p0 $0x0;
	[tilespmem:s7+$0x16280] =	vst v56;
	v59 =	vld.idx.msk [tilespmem:v53+s12+$0x0], $0xffff  }
0x1be: {  	s1 =	sshll.u32 s1, $0x6;
	v61 =	vld.idx.msk [tilespmem:v58+s12+$0x0], $0xffff;
	[tilespmem:s2+$0x16280] =	vst v54  }
0x1bf: {  	s1 =	sadd.s32 s1, s30;
	[tilespmem:s4+$0x16280] =	vst v55;
	v24 =	vld.idx.msk [tilespmem:v23+s12+$0x0], $0xffff  }
0x1c0: {  	[tilespmem:s5+$0x16280] =	vst v19;
	s15 =	sadd.s32 $0x30, s1;
	v60 =	vld.idx.msk [tilespmem:v26+s12+$0x0], $0xffff  }
0x1c1: {  	[tilespmem:s10+$0x16280] =	vst v18;
	s2 =	sor.u32 $0x80, s15  }
0x1c2: {  	s17 =	sadd.s32 $0x10, s1;
	s18 =	sadd.s32 $0x20, s1;
	s1 =	sor.u32 $0x80, s1;
	[tilespmem:s2+$0x12280] =	vst v59  }
0x1c3: {  	v17 =	vld.idx.msk [tilespmem:v17+s16+$0x0], $0xffff;
	s4 =	sor.u32 $0x80, s17;
	[tilespmem:s1+$0x12280] =	vst v61  }
0x1c4: {  	s5 =	sor.u32 $0x80, s18;
	v19 =	vld.idx.msk [tilespmem:v53+s16+$0x0], $0xffff;
	[tilespmem:s4+$0x12280] =	vst v24  }
0x1c5: {  	[tilespmem:s5+$0x12280] =	vst v60;
	v62 =	vld.idx.msk [tilespmem:v23+s16+$0x0], $0xffff  }
0x1c6: {  	s13 =	sld [smem:$0x7EC];
	_ =	sdelay $0x1  }
0x1c7: {  	v63 =	vld.idx.msk [tilespmem:v26+s16+$0x0], $0xffff;
	[tilespmem:s0+$0x16280] =	vst v17  }
0x1c8: {  	v18 =	vld.idx.msk [tilespmem:v58+s16+$0x0], $0xffff;
	[tilespmem:s2+$0x16280] =	vst v19;
	s19 =	sshll.u32 s13, $0x9;
	s20 =	sshll.u32 s13, $0xF  }
0x1c9: {  	s21 =	sand.u32 $0x200, s19;
	s26 =	sand.u32 $0x70000, s20;
	[tilespmem:s4+$0x16280] =	vst v62  }
0x1ca: {  	s0 =	sor.u32 s26, s21;
	s2 =	rddreg [dreg:$0x12]  }
0x1cb: {  	p0 =	seq.s32 s13, $0xF;
	s0 =	sor.u32 s2, s0  }
.Ltmp11:
0x1cc: {  	s18 =	rddreg [dreg:$0x3];
	[tilespmem:s5+$0x16280] =	vst v63;
	s0 =	sshrl.u32 s0, $0x3;
	(pc) =	sbr.rel @p0 .LBB2_23-.Ltmp11, $4  }
0x1cd: {  	s29 =	simm.s32 $0x12280;
	[tilespmem:s1+$0x16280] =	vst v18;
	s0 =	sadd.s32 s18, s0  }
0x1ce: {  	[hbm4b:s0+s8] =	stream.strided.scatter [tilespmem:s29], [sflag:$0x3], $0x4000, s14, s8, $0x38;
	[tilespmem:$0x1A280] =	vst v63  }
0x1cf: {  	s7 =	rddreg [dreg:$0x0];
	s30 =	simm.s32 $0x16280;
	s0 =	sadd.s32 $0x20, s0  }
0x1d0: {  	[hbm4b:s0+s8] =	stream.strided.scatter [tilespmem:s30], [sflag:$0x4], $0x4000, s14, s8, $0x38;
	[tilespmem:$0x1A280] =	vst v63  }
0x1d1: {  	s4 =	sld [smem:$0x7ED];
	_ =	sdelay $0x2  }
0x1d2: {  	s0 =	sadd.s32 $0x4, s4  }
0x1d3: {  	s1 =	sshll.u32 s0, $0xD  }
0x1d4: {  	s0 =	sshll.u32 s0, $0x7;
	s1 =	sand.u32 $0xF0000, s1  }
0x1d5: {  	s0 =	sand.u32 $0x200, s0;
	s1 =	sadd.s32 s2, s1  }
0x1d6: {  	s0 =	sor.u32 s0, s1  }
0x1d7: {  	s29 =	sadd.s32 $0x6, s4;
	s0 =	sshrl.u32 s0, $0x3  }
0x1d8: {  	s30 =	sshll.u32 s29, $0xD;
	s0 =	sadd.s32 s7, s0  }
0x1d9: {  	[tilespmem:s12], [sflag:$0x1] =	stream.strided.gather [hbm4b:s0+s8], $0x4000, s14, s8, $0x38;
	[tilespmem:$0x1A280] =	vst v63  }
0x1da: {  	s1 =	sand.u32 $0xF0000, s30;
	s0 =	sshll.u32 s29, $0x7  }
.Ltmp12:
0x1db: {  	s1 =	sadd.s32 s2, s1;
	s0 =	sand.u32 $0x300, s0;
	(pc) =	sbr.rel .LBB2_16-.Ltmp12, $4  }
0x1dc: {  	s0 =	sor.u32 s0, s1  }
0x1dd: {  	s0 =	sshrl.u32 s0, $0x3  }
0x1de: {  	s13 =	sadd.s32 $0x1, s13;
	s0 =	sadd.s32 s7, s0  }
0x1df: {  	[tilespmem:s16], [sflag:$0x2] =	stream.strided.gather [hbm4b:s0+s8], $0x4000, s14, s8, $0x38;
	[tilespmem:$0x1A280] =	vst v63  }
.LBB2_20:
0x1e0: {  	s0 =	rddreg [dreg:$0x8]  }
0x1e1: {  	s2 =	simm.s32 $0x80;
	s4 =	simm.s32 $0x2000;
	s1 =	simm.s32 $0x5  }
0x1e2: {  	[tilespmem:s4], [sflag:$0x5] =	stream.strided.gather [hbm4b:s0+s2], $0x2000, s14, s2, $0x38;
	[tilespmem:$0x1A280] =	vst v63  }
0x1e3: {  	_ =	swait.ge [sflag:s1], $0x2000  }
0x1e4: {  	[sflag:s1] =	ssyncset.done $0x0  }
0x1e5: {  	s13 =	rddreg [dreg:$0x7];
	[sflag:s1] =	ssyncadd.s32 $0xFFFFE000  }
0x1e6: {  	[hbm4b:s13+s2] =	stream.strided.scatter [tilespmem:s4], [sflag:$0x5], $0x2000, s14, s2, $0x38;
	[tilespmem:$0x1A280] =	vst v63  }
0x1e7: {  	_ =	swait.ge [sflag:s1], $0x2000  }
0x1e8: {  	[sflag:s1] =	ssyncset.done $0x0  }
0x1e9: {  	s15 =	rddreg [dreg:$0x16];
	[sflag:s1] =	ssyncadd.s32 $0xFFFFE000  }
0x1ea: {  	[tilespmem:s12], [sflag:$0x1] =	stream.strided.gather [hbm4b:s15+s8], $0x4000, s14, s8, $0x38;
	[tilespmem:$0x1A280] =	vst v63  }
0x1eb: {  	s17 =	rddreg [dreg:$0x17]  }
0x1ec: {  	[tilespmem:s16], [sflag:$0x2] =	stream.strided.gather [hbm4b:s17+s8], $0x4000, s14, s8, $0x38;
	[tilespmem:$0x1A280] =	vst v63  }
0x1ed: {  	s19 =	simm.s32 $0x0;
	s20 =	simm.s32 $0x0;
	_ =	swait.ge [sflag:s22], $0x4000  }
0x1ee: {  	s0 =	sand.u32 $0x70000, s19;
	s1 =	sand.u32 $0x200, s20;
	[sflag:s22] =	ssyncset.done $0x0  }
0x1ef: {  	s0 =	sor.u32 s0, s1;
	s9 =	rddreg [dreg:$0x12];
	[sflag:s22] =	ssyncadd.s32 $0xFFFFC000  }
0x1f0: {  	s0 =	sor.u32 s9, s0;
	_ =	swait.ge [sflag:s23], $0x4000  }
0x1f1: {  	s0 =	sshrl.u32 s0, $0x3;
	[sflag:s23] =	ssyncset.done $0x0  }
0x1f2: {  	s0 =	sadd.s32 s18, s0;
	[sflag:s23] =	ssyncadd.s32 $0xFFFFC000  }
0x1f3: {  	[hbm4b:s0+s8] =	stream.strided.scatter [tilespmem:s12], [sflag:$0x3], $0x4000, s14, s8, $0x38;
	[tilespmem:$0x1A280] =	vst v63  }
0x1f4: {  	s0 =	sadd.s32 $0x20, s0  }
0x1f5: {  	[hbm4b:s0+s8] =	stream.strided.scatter [tilespmem:s16], [sflag:$0x4], $0x4000, s14, s8, $0x38;
	[tilespmem:$0x1A280] =	vst v63  }
0x1f6: {  	s21 =	simm.s32 $0x300;
	s26 =	simm.s32 $0x200;
	_ =	swait.ge [sflag:s24], $0x4000  }
0x1f7: {  	s5 =	simm.s32 $0xC000;
	s0 =	simm.s32 $0x8000;
	[sflag:s24] =	ssyncset.done $0x0  }
0x1f8: {  	s30 =	sand.u32 $0xF0000, s5;
	s29 =	sand.u32 $0xF0000, s0;
	[sflag:s24] =	ssyncadd.s32 $0xFFFFC000  }
0x1f9: {  	s2 =	sand.u32 $0x200, s26;
	s4 =	sadd.s32 s9, s29;
	_ =	swait.ge [sflag:s25], $0x4000  }
0x1fa: {  	s1 =	sand.u32 $0x300, s21;
	s2 =	sor.u32 s2, s4;
	[sflag:s25] =	ssyncset.done $0x0  }
0x1fb: {  	s4 =	sadd.s32 s9, s30;
	s2 =	sshrl.u32 s2, $0x3;
	s7 =	rddreg [dreg:$0x0]  }
0x1fc: {  	s1 =	sor.u32 s1, s4;
	[sflag:s25] =	ssyncadd.s32 $0xFFFFC000;
	s2 =	sadd.s32 s7, s2  }
0x1fd: {  	[tilespmem:s12], [sflag:$0x1] =	stream.strided.gather [hbm4b:s2+s8], $0x4000, s14, s8, $0x38;
	[tilespmem:$0x1A280] =	vst v63  }
0x1fe: {  	s4 =	sshrl.u32 s1, $0x3;
	s2 =	simm.s32 $0x500  }
.LBB2_21:
0x1ff: {  	s1 =	sadd.s32 $0xFFFFFD00, s2  }
0x200: {  	s4 =	sadd.s32 s7, s4;
	s5 =	smov.u32 s2;
	s6 =	sadd.s32 $0x200, s2  }
0x201: {  	[tilespmem:s16], [sflag:$0x2] =	stream.strided.gather [hbm4b:s4+s8], $0x4000, s14, s8, $0x38;
	[tilespmem:$0x1A280] =	vst v63  }
0x202: {  	s1 =	sand.u32 $0x200, s1;
	s4 =	sand.u32 $0x70000, s0;
	_ =	swait.ge [sflag:s22], $0x4000  }
0x203: {  	p0 =	sne.s32 s2, $0x1F00;
	s1 =	sor.u32 s4, s1;
	[sflag:s22] =	ssyncset.done $0x0  }
0x204: {  	s1 =	sor.u32 s9, s1;
	[sflag:s22] =	ssyncadd.s32 $0xFFFFC000  }
0x205: {  	s1 =	sshrl.u32 s1, $0x3;
	_ =	swait.ge [sflag:s23], $0x4000  }
0x206: {  	s1 =	sadd.s32 s18, s1;
	[sflag:s23] =	ssyncset.done $0x0  }
0x207: {  	s2 =	sadd.s32 $0xFFFFFF00, s5;
	s4 =	sand.u32 $0x300, s5;
	[sflag:s23] =	ssyncadd.s32 $0xFFFFC000  }
0x208: {  	[hbm4b:s1+s8] =	stream.strided.scatter [tilespmem:s12], [sflag:$0x3], $0x4000, s14, s8, $0x38;
	[tilespmem:$0x1A280] =	vst v63  }
0x209: {  	s5 =	sadd.s32 $0xC000, s0;
	s0 =	sadd.s32 $0x8000, s0;
	s1 =	sadd.s32 $0x20, s1  }
0x20a: {  	[hbm4b:s1+s8] =	stream.strided.scatter [tilespmem:s16], [sflag:$0x4], $0x4000, s14, s8, $0x38;
	[tilespmem:$0x1A280] =	vst v63  }
0x20b: {  	s5 =	sand.u32 $0xF0000, s5;
	s1 =	sand.u32 $0xF0000, s0;
	_ =	swait.ge [sflag:s24], $0x4000  }
0x20c: {  	s2 =	sand.u32 $0x200, s2;
	s1 =	sadd.s32 s9, s1;
	[sflag:s24] =	ssyncset.done $0x0  }
.Ltmp13:
0x20d: {  	s1 =	sor.u32 s2, s1;
	[sflag:s24] =	ssyncadd.s32 $0xFFFFC000;
	(pc) =	sbr.rel @p0 .LBB2_21-.Ltmp13, $4  }
0x20e: {  	s2 =	sadd.s32 s9, s5;
	s1 =	sshrl.u32 s1, $0x3;
	_ =	swait.ge [sflag:s25], $0x4000  }
0x20f: {  	s2 =	sor.u32 s4, s2;
	s1 =	sadd.s32 s7, s1;
	[sflag:s25] =	ssyncset.done $0x0  }
0x210: {  	s4 =	sshrl.u32 s2, $0x3;
	s2 =	smov.u32 s6;
	[sflag:s25] =	ssyncadd.s32 $0xFFFFC000  }
0x211: {  	[tilespmem:s12], [sflag:$0x1] =	stream.strided.gather [hbm4b:s1+s8], $0x4000, s14, s8, $0x38;
	[tilespmem:$0x1A280] =	vst v63  }
0x212: {  	s0 =	sadd.s32 s7, s4  }
0x213: {  	[tilespmem:s16], [sflag:$0x2] =	stream.strided.gather [hbm4b:s0+s8], $0x4000, s14, s8, $0x38;
	[tilespmem:$0x1A280] =	vst v63  }
0x214: {  	_ =	swait.ge [sflag:s22], $0x4000  }
0x215: {  	[sflag:s22] =	ssyncset.done $0x0  }
0x216: {  	[sflag:s22] =	ssyncadd.s32 $0xFFFFC000  }
0x217: {  	_ =	swait.ge [sflag:s23], $0x4000  }
0x218: {  	[sflag:s23] =	ssyncset.done $0x0  }
0x219: {  	s29 =	rddreg [dreg:$0x1c];
	[sflag:s23] =	ssyncadd.s32 $0xFFFFC000  }
0x21a: {  	[hbm4b:s29+s8] =	stream.strided.scatter [tilespmem:s12], [sflag:$0x3], $0x4000, s14, s8, $0x38;
	[tilespmem:$0x1A280] =	vst v63  }
0x21b: {  	s30 =	rddreg [dreg:$0x1d]  }
0x21c: {  	[hbm4b:s30+s8] =	stream.strided.scatter [tilespmem:s16], [sflag:$0x4], $0x4000, s14, s8, $0x38;
	[tilespmem:$0x1A280] =	vst v63  }
.LBB2_23:
0x21d: {  	_ =	swait.ge [sflag:s24], $0x4000  }
0x21e: {  	[sflag:s24] =	ssyncset.done $0x0  }
0x21f: {  	[sflag:s24] =	ssyncadd.s32 $0xFFFFC000  }
0x220: {  	_ =	swait.ge [sflag:s25], $0x4000  }
0x221: {  	s0 =	sld [smem:$0x7F7]  }
0x222: {  	[sflag:s25] =	ssyncset.done $0x0  }
0x223: {  	[sflag:s25] =	ssyncadd.s32 $0xFFFFC000  }
0x224: {  	v17 =	vld [tilespmem:s0+$0xA000];
	_ =	sdelay $0x4  }
0x225: {  	v17 =	vnsel vm0, $0x0, v17  }
0x226: {  	(xrf0) =	vmax.scan.msk.f32 $0xffff, v17;
	_ =	sdelay $0x5  }
0x227: {  	v17, _, _ =	vpop (xrf0)  }
0x228: {  	(v2sf) =	vpush v17, $0xF;
	_ =	sdelay $0xe  }
0x229: {  	s30 =	spop (v2sf)  }
0x22a: {  	p0 =	slt.f32 s30, $0.0e+00;
	p1 =	sgt.f32 s30, $0.0e+00  }
0x22b: {  	_ = 	snop  }
0x22c: {  	p0 =	por p1, p0  }
0x22d: {  	p0 =	por !p0, !p0  }
.Ltmp14:
0x22e: {  	_ = 	snop;
	(pc) =	sbr.rel @p0 .LBB2_40-.Ltmp14, $1  }
0x22f: {  	_ =	sdelay $0x3  }
0x230: {  	s0 =	simm.s32 $0x0  }
0x231: {  	s1 =	rddreg [dreg:$0x9];
	s4 =	simm.s32 $0x80;
	s2 =	simm.s32 $0x5  }
0x232: {  	[tilespmem:s0], [sflag:$0x5] =	stream.strided.gather [hbm4b:s1+s4], $0x2000, s14, s4, $0x38;
	[tilespmem:$0x1A280] =	vst v63  }
0x233: {  	_ =	swait.ge [sflag:s2], $0x2000  }
0x234: {  	s5 =	simm.s32 $0x4000;
	[sflag:s2] =	ssyncset.done $0x0  }
0x235: {  	s30 =	simm.s32 $0x30;
	s20 =	rddreg [dreg:$0xa];
	[sflag:s2] =	ssyncadd.s32 $0xFFFFE000  }
0x236: {  	[hbm4b:s20+s4] =	stream.strided.scatter [tilespmem:s5], [sflag:$0x5], $0x2000, s14, s4, $0x38;
	[tilespmem:$0x1A280] =	vst v63  }
0x237: {  	s29 =	simm.s32 $0x20;
	v21 =	vadd.s32 s30, v15;
	_ =	swait.ge [sflag:s2], $0x2000  }
0x238: {  	s26 =	simm.s32 $0x10;
	v20 =	vadd.s32 s29, v15;
	vm3 =	vgt.s32 v21, $0x0;
	[sflag:s2] =	ssyncset.done $0x0  }
0x239: {  	s21 =	simm.s32 $0x20;
	v17 =	vadd.s32 s26, v15;
	vm2 =	vgt.s32 v20, $0x0;
	v21 =	vnsel vm3, $0x0, v21;
	[sflag:s2] =	ssyncadd.s32 $0xFFFFE000  }
0x23a: {  	vm1 =	vgt.s32 v17, $0x0;
	v20 =	vnsel vm2, $0x0, v20;
	v18 =	vld [tilespmem:s21+$0x0]  }
0x23b: {  	v24 =	vnsel vm1, $0x0, v17;
	v19 =	vld [tilespmem:s21+$0xFFFFFFE0]  }
0x23c: {  	v22 =	vld [tilespmem:s21+$0x10]  }
0x23d: {  	v23 =	vld [tilespmem:s21+$0xFFFFFFF0]  }
0x23e: {  	v21 =	vld.idx.msk [tilespmem:v21+s3+$0x0], $0xffff  }
0x23f: {  	v20 =	vld.idx.msk [tilespmem:v20+s3+$0x0], $0xffff  }
0x240: {  	v25 =	vmov s30;
	v26 =	vor.u32 s30, v4;
	v27 =	vor.u32 s0, v4;
	v24 =	vld.idx.msk [tilespmem:v24+s3+$0x0], $0xffff  }
0x241: {  	v17 =	vor.u32 s26, v4;
	vm2 =	veq.s32 v25, v16;
	v25 =	vmov s0  }
0x242: {  	vm3 =	veq.s32 v25, v0;
	v28 =	vmul.f32 $8.192000000e+03, v18;
	v19 =	vmul.f32 $8.192000000e+03, v19  }
0x243: {  	v18 =	vcvt.s32.f32 v27;
	v27 =	vadd.s32 s0, v15;
	v22 =	vmul.f32 $8.192000000e+03, v22  }
0x244: {  	v23 =	vmul.f32 $8.192000000e+03, v23;
	v20 =	vmul.f32 $8.192000000e+03, v20;
	v28 =	vadd.f32 $-5.000000000e-01, v28  }
0x245: {  	v21 =	vmul.f32 $8.192000000e+03, v21;
	v24 =	vmul.f32 $8.192000000e+03, v24;
	vm1 =	vgt.s32 v27, $0x0  }
0x246: {  	v19 =	vadd.f32 $-5.000000000e-01, v19;
	v27 =	vnsel vm1, $0x0, v27;
	v29 =	vtrunc.f32 v28  }
0x247: {  	v22 =	vadd.f32 $-5.000000000e-01, v22;
	v23 =	vadd.f32 $-5.000000000e-01, v23;
	v25 =	vcvt.f32.s32 v29  }
0x248: {  	v20 =	vadd.f32 $-5.000000000e-01, v20;
	v21 =	vadd.f32 $-5.000000000e-01, v21;
	v61 =	vtrunc.f32 v19  }
0x249: {  	vm5 =	vlt.f32 v19, $0.0e+00;
	v19 =	vtrunc.f32 v22;
	v25 =	vadd.s32 $0x1, v25  }
0x24a: {  	vm1 =	vlt.f32 v23, $0.0e+00;
	vm7 =	vlt.f32 v22, $0.0e+00;
	vm6 =	vlt.s32 v25, $0x2000  }
0x24b: {  	v22 =	vtrunc.f32 v23;
	v19 =	vcvt.f32.s32 v19;
	v23 =	vnsel vm6, $0x2000, v25;
	v25 =	vld.idx.msk [tilespmem:v27+s3+$0x0], $0xffff  }
0x24c: {  	vm4 =	vlt.f32 v28, $0.0e+00;
	v63 =	vtrunc.f32 v21;
	v22 =	vcvt.f32.s32 v22  }
0x24d: {  	vm10 =	vlt.f32 v21, $0.0e+00;
	v29 =	vcvt.f32.s32 v61;
	v19 =	vadd.s32 $0x1, v19  }
0x24e: {  	v62 =	vadd.s32 $0x1, v22;
	v22 =	vadd.f32 $-5.000000000e-01, v24;
	v24 =	vtrunc.f32 v20  }
0x24f: {  	v24 =	vcvt.f32.s32 v24;
	v27 =	vadd.s32 $0x1, v29;
	v29 =	vcvt.f32.s32 v63  }
0x250: {  	vm6 =	vlt.s32 v19, $0x2000;
	v30 =	vtrunc.f32 v22;
	v25 =	vmul.f32 $8.192000000e+03, v25  }
0x251: {  	vm9 =	vlt.f32 v22, $0.0e+00;
	vm8 =	vlt.s32 v27, $0x2000;
	v19 =	vnsel vm6, $0x2000, v19  }
0x252: {  	vm6 =	vlt.f32 v20, $0.0e+00;
	v23 =	vsel vm4, $0x0, v23;
	v20 =	vadd.f32 $-5.000000000e-01, v25  }
0x253: {  	v19 =	vsel vm7, $0x0, v19;
	vm7 =	vlt.s32 v62, $0x2000;
	v21 =	vnsel vm8, $0x2000, v27  }
0x254: {  	v19 =	vsel vm2, $0x2000, v19;
	v25 =	vadd.s32 $0x1, v29;
	v22 =	vtrunc.f32 v20  }
0x255: {  	v27 =	vnsel vm7, $0x2000, v62;
	vm11 =	vlt.s32 v25, $0x2000;
	v22 =	vcvt.f32.s32 v22  }
0x256: {  	v25 =	vnsel vm11, $0x2000, v25;
	vm14 =	vlt.f32 v20, $0.0e+00;
	v20 =	vsel vm5, $0x0, v21  }
0x257: {  	v21 =	vadd.s32 $0x1, v24;
	v24 =	vsel vm10, $0x0, v25;
	v22 =	vadd.s32 $0x1, v22  }
0x258: {  	vm2 =	vmor vm3, vm14;
	v25 =	vcvt.f32.s32 v30;
	vm3 =	vlt.s32 v22, $0x2000  }
0x259: {  	vm5 =	vlt.s32 v21, $0x2000;
	vm15 =	vlt.s32 v24, $0x1FFF;
	v22 =	vnsel vm3, $0x2000, v22  }
0x25a: {  	v21 =	vnsel vm5, $0x2000, v21;
	v25 =	vadd.s32 $0x1, v25;
	v22 =	vsel vm2, $0x0, v22  }
0x25b: {  	v21 =	vsel vm6, $0x0, v21;
	vm2 =	vgt.s32 v20, v22;
	vm3 =	vlt.s32 v22, $0x1FFF  }
0x25c: {  	vm4 =	vlt.s32 v25, $0x2000;
	vm5 =	vlt.s32 v21, $0x1FFF;
	v22 =	vnsel vm3, $0x1FFF, v22  }
0x25d: {  	v20 =	vnsel vm4, $0x2000, v25;
	vm4 =	vgt.s32 v19, v24;
	v19 =	vcvt.s32.f32 v26  }
0x25e: {  	v25 =	vsel vm9, $0x0, v20;
	vm3 =	vgt.s32 v23, v21;
	v23 =	vsel vm1, $0x0, v27  }
0x25f: {  	v20 =	vnsel vm15, $0x1FFF, v24;
	vm1 =	vgt.s32 v23, v25;
	vm6 =	vlt.s32 v25, $0x1FFF  }
0x260: {  	s4 =	simm.s32 $0x60;
	s2 =	simm.s32 $0x40;
	s0 =	simm.s32 $0x2020;
	v21 =	vnsel vm5, $0x1FFF, v21;
	v24 =	vor.u32 s29, v4;
	v23 =	vnsel vm6, $0x1FFF, v25  }
.LBB2_25:
0x261: {  	s1 =	sadd.s32 $0x10, s2;
	s5 =	sadd.s32 $0x20, s2;
	v25 =	vld [tilespmem:s4+$0x0];
	s6 =	sadd.s32 $0x30, s2;
	[tilespmem:v22+s28+$0x0] =	vst.idx.msk vm2, v18;
	v18 =	vcvt.s32.f32 v17;
	v22 =	vcvt.s32.f32 v24  }
0x262: {  	p0 =	slt.u32 s2, $0x1FC0;
	s7 =	smov.u32 s2;
	s2 =	sadd.s32 $0x40, s2;
	v24 =	vld [tilespmem:s4+$0xFFFFFFE0];
	v17 =	vadd.s32 s1, v15;
	v26 =	vadd.s32 s5, v15;
	v27 =	vadd.s32 s6, v15  }
0x263: {  	vm2 =	vgt.s32 v17, $0x0;
	vm5 =	vgt.s32 v26, $0x0;
	v28 =	vld [tilespmem:s4+$0x10];
	vm6 =	vgt.s32 v27, $0x0  }
0x264: {  	v29 =	vld [tilespmem:s4+$0xFFFFFFF0];
	v30 =	vnsel vm2, $0x0, v17;
	v26 =	vnsel vm5, $0x0, v26;
	v27 =	vnsel vm6, $0x0, v27;
	[tilespmem:v20+s28+$0x0] =	vst.idx.msk vm4, v19  }
0x265: {  	v17 =	vor.u32 s1, v4;
	v20 =	vmov s6;
	v19 =	vor.u32 s6, v4;
	[tilespmem:v23+s28+$0x0] =	vst.idx.msk vm1, v18  }
0x266: {  	v18 =	vor.u32 s7, v4;
	vm2 =	veq.s32 v20, v16;
	v23 =	vmul.f32 $8.192000000e+03, v25;
	[tilespmem:v21+s28+$0x0] =	vst.idx.msk vm3, v22  }
0x267: {  	v20 =	vmov s7;
	v18 =	vcvt.s32.f32 v18;
	v21 =	vmul.f32 $8.192000000e+03, v24  }
0x268: {  	v22 =	vadd.s32 s7, v15;
	v23 =	vadd.f32 $-5.000000000e-01, v23;
	v24 =	vmul.f32 $8.192000000e+03, v28  }
0x269: {  	vm1 =	vgt.s32 v22, $0x0;
	v21 =	vadd.f32 $-5.000000000e-01, v21;
	v25 =	vmul.f32 $8.192000000e+03, v29;
	v27 =	vld.idx.msk [tilespmem:v27+s3+$0x0], $0xffff  }
0x26a: {  	v22 =	vnsel vm1, $0x0, v22;
	v26 =	vld.idx.msk [tilespmem:v26+s3+$0x0], $0xffff;
	v28 =	vtrunc.f32 v23;
	v24 =	vadd.f32 $-5.000000000e-01, v24  }
0x26b: {  	vm3 =	veq.s32 v20, v0;
	v20 =	vld.idx.msk [tilespmem:v30+s3+$0x0], $0xffff;
	v25 =	vadd.f32 $-5.000000000e-01, v25;
	v28 =	vcvt.f32.s32 v28  }
0x26c: {  	v29 =	vtrunc.f32 v21;
	vm4 =	vlt.f32 v21, $0.0e+00;
	v21 =	vtrunc.f32 v24  }
0x26d: {  	v29 =	vcvt.f32.s32 v29;
	vm1 =	vlt.f32 v25, $0.0e+00;
	v28 =	vadd.s32 $0x1, v28  }
0x26e: {  	vm7 =	vlt.f32 v24, $0.0e+00;
	v21 =	vcvt.f32.s32 v21;
	vm6 =	vlt.s32 v28, $0x2000  }
0x26f: {  	vm5 =	vlt.f32 v23, $0.0e+00;
	v24 =	vtrunc.f32 v25;
	v22 =	vld.idx.msk [tilespmem:v22+s3+$0x0], $0xffff;
	v23 =	vnsel vm6, $0x2000, v28  }
0x270: {  	v25 =	vmul.f32 $8.192000000e+03, v26;
	v21 =	vadd.s32 $0x1, v21;
	v26 =	vmul.f32 $8.192000000e+03, v27  }
0x271: {  	v24 =	vcvt.f32.s32 v24;
	v27 =	vadd.s32 $0x1, v29;
	v20 =	vmul.f32 $8.192000000e+03, v20  }
0x272: {  	vm6 =	vlt.s32 v21, $0x2000;
	v25 =	vadd.f32 $-5.000000000e-01, v25;
	v26 =	vadd.f32 $-5.000000000e-01, v26  }
0x273: {  	vm9 =	vlt.s32 v27, $0x2000;
	v24 =	vadd.s32 $0x1, v24;
	v20 =	vadd.f32 $-5.000000000e-01, v20  }
0x274: {  	v21 =	vnsel vm6, $0x2000, v21;
	v28 =	vtrunc.f32 v25;
	v29 =	vtrunc.f32 v26  }
0x275: {  	v21 =	vsel vm7, $0x0, v21;
	v22 =	vmul.f32 $8.192000000e+03, v22;
	v29 =	vcvt.f32.s32 v29  }
0x276: {  	vm8 =	vlt.f32 v25, $0.0e+00;
	v30 =	vtrunc.f32 v20;
	v28 =	vcvt.f32.s32 v28  }
0x277: {  	vm6 =	vlt.s32 v24, $0x2000;
	v22 =	vadd.f32 $-5.000000000e-01, v22;
	v25 =	vadd.s32 $0x1, v29  }
0x278: {  	vm10 =	vlt.f32 v26, $0.0e+00;
	vm7 =	vlt.f32 v20, $0.0e+00;
	vm11 =	vlt.s32 v25, $0x2000  }
0x279: {  	v20 =	vnsel vm9, $0x2000, v27;
	v26 =	vtrunc.f32 v22;
	v25 =	vnsel vm11, $0x2000, v25  }
0x27a: {  	v21 =	vsel vm2, $0x2000, v21;
	vm9 =	vlt.f32 v22, $0.0e+00;
	v26 =	vcvt.f32.s32 v26  }
0x27b: {  	v20 =	vsel vm4, $0x0, v20;
	v22 =	vadd.s32 $0x1, v28;
	v25 =	vsel vm10, $0x0, v25  }
0x27c: {  	v27 =	vcvt.f32.s32 v30;
	vm2 =	vmor vm3, vm9;
	v26 =	vadd.s32 $0x1, v26  }
0x27d: {  	vm4 =	vlt.s32 v22, $0x2000;
	vm9 =	vlt.s32 v25, $0x1FFF;
	vm3 =	vlt.s32 v26, $0x2000  }
0x27e: {  	v23 =	vsel vm5, $0x0, v23;
	v22 =	vnsel vm4, $0x2000, v22;
	v26 =	vnsel vm3, $0x2000, v26  }
0x27f: {  	v27 =	vadd.s32 $0x1, v27;
	v28 =	vsel vm8, $0x0, v22;
	v26 =	vsel vm2, $0x0, v26  }
0x280: {  	vm4 =	vlt.s32 v27, $0x2000;
	vm2 =	vgt.s32 v20, v26;
	vm3 =	vlt.s32 v26, $0x1FFF  }
.Ltmp15:
0x281: {  	v24 =	vnsel vm6, $0x2000, v24;
	v20 =	vnsel vm4, $0x2000, v27;
	v22 =	vnsel vm3, $0x1FFF, v26;
	(pc) =	sbr.rel @p0 .LBB2_25-.Ltmp15, $4  }
0x282: {  	v26 =	vsel vm7, $0x0, v20;
	vm3 =	vgt.s32 v23, v28;
	v20 =	vnsel vm9, $0x1FFF, v25  }
0x283: {  	vm5 =	vlt.s32 v28, $0x1FFF;
	vm4 =	vgt.s32 v21, v25;
	v23 =	vsel vm1, $0x0, v24  }
0x284: {  	s6 =	simm.s32 $0x6020;
	v21 =	vnsel vm5, $0x1FFF, v28;
	vm1 =	vgt.s32 v23, v26;
	vm6 =	vlt.s32 v26, $0x1FFF  }
0x285: {  	s4 =	sadd.s32 $0x40, s4;
	v19 =	vcvt.s32.f32 v19;
	v24 =	vor.u32 s5, v4;
	s5 =	simm.s32 $0x3;
	v23 =	vnsel vm6, $0x1FFF, v26  }
0x286: {  	_ =	sdelay $0x4  }
0x287: {  	[tilespmem:v22+s28+$0x0] =	vst.idx.msk vm2, v18;
	v17 =	vcvt.s32.f32 v17  }
0x288: {  	v18 =	vcvt.s32.f32 v24;
	[tilespmem:v20+s28+$0x0] =	vst.idx.msk vm4, v19  }
0x289: {  	[tilespmem:v23+s28+$0x0] =	vst.idx.msk vm1, v17  }
0x28a: {  	[tilespmem:v21+s28+$0x0] =	vst.idx.msk vm3, v18  }
0x28b: {  	v17 =	vld [tilespmem:s6+$0x10];
	_ =	sdelay $0x1  }
0x28c: {  	v18 =	vld [tilespmem:s6+$0xFFFFFFE0]  }
0x28d: {  	v19 =	vld [tilespmem:s6+$0xFFFFFFF0];
	_ =	sdelay $0x1  }
0x28e: {  	(xrf0) =	vmax.scan.msk.f32 $0xffff, v17  }
0x28f: {  	v17 =	vld [tilespmem:s6+$0x0]  }
0x290: {  	(xrf0) =	vmax.scan.msk.f32 $0xffff, v18  }
0x291: {  	(xrf0) =	vmax.scan.msk.f32 $0xffff, v19;
	_ =	sdelay $0x1  }
0x292: {  	s1 =	simm.s32 $0x6060  }
0x293: {  	v18 =	vld [tilespmem:s1+$0x10];
	(xrf0) =	vmax.scan.msk.f32 $0xffff, v17;
	v19, _, _ =	vpop (xrf0)  }
0x294: {  	v17 =	vld [tilespmem:s1+$0xFFFFFFE0];
	(xrf0) =	vmax.scan.msk.f32 $0xffff, v19  }
0x295: {  	v20 =	vld [tilespmem:s1+$0xFFFFFFF0];
	v24, _, _ =	vpop (xrf0)  }
0x296: {  	(xrf0) =	vmax.scan.msk.f32 $0xffff, v24;
	v26, _, _ =	vpop (xrf0)  }
0x297: {  	v21 =	vld [tilespmem:s1+$0x0];
	(xrf0) =	vmax.scan.msk.f32 $0xffff, v26  }
0x298: {  	(xrf0) =	vmax.scan.msk.f32 $0xffff, v18  }
0x299: {  	(xrf0) =	vmax.scan.msk.f32 $0xffff, v17;
	v27, _, _ =	vpop (xrf0)  }
0x29a: {  	(xrf0) =	vmax.scan.msk.f32 $0xffff, v20;
	v17, _, _ =	vpop (xrf0)  }
0x29b: {  	v17 =	vadd.f32 $0.0e+00, v17  }
0x29c: {  	s26 =	simm.s32 $0x60A0;
	(xrf0) =	vmax.scan.msk.f32 $0xffff, v21;
	v21, _, _ =	vpop (xrf0)  }
0x29d: {  	s2 =	simm.s32 $0x0;
	v23 =	vld [tilespmem:s26+$0x10];
	v18 =	vmov s5;
	(xrf0) =	vmax.scan.msk.f32 $0xffff, v27;
	v22, _, _ =	vpop (xrf0)  }
0x29e: {  	s4 =	simm.s32 $0x1;
	v25 =	vmov s2;
	v28 =	vld [tilespmem:s26+$0xFFFFFFE0];
	v20, _, _ =	vpop (xrf0)  }
0x29f: {  	s29 =	simm.s32 $0x2;
	v29 =	vmov s4;
	v31 =	vld [tilespmem:s26+$0xFFFFFFF0];
	[tilespmem:s0+$0x10] =	vst v19;
	v30 =	vbroadcast v17, $0xF;
	v17, _, _ =	vpop (xrf0);
	(xrf0) =	vmax.scan.msk.f32 $0xffff, v20  }
0x2a0: {  	v32 =	vmov s29;
	v25 =	vand.u32 $0xFFFFFFFC, v25;
	v33 =	vld [tilespmem:s26+$0x0];
	[tilespmem:s0+$0xFFFFFFE0] =	vst v24;
	(xrf0) =	vmax.scan.msk.f32 $0xffff, v17;
	v19, _, _ =	vpop (xrf0)  }
0x2a1: {  	v29 =	vand.u32 $0xFFFFFFFD, v29;
	v25 =	vbroadcast v25, $0x0;
	[tilespmem:s0+$0xFFFFFFF0] =	vst v26;
	(xrf0) =	vmax.scan.msk.f32 $0xffff, v19  }
0x2a2: {  	s2 =	simm.s32 $0x7;
	v26 =	vbroadcast v29, $0x0;
	v21 =	vadd.f32 $0.0e+00, v21;
	[tilespmem:v18+s31+$0x0] =	vst.idx.msk $0x1, v30;
	v18, _, _ =	vpop (xrf0);
	(xrf0) =	vmax.scan.msk.f32 $0xffff, v23  }
0x2a3: {  	[tilespmem:s0+$0x0] =	vst v27;
	v27 =	vmov s2;
	v34 =	vadd.f32 $0.0e+00, v22;
	v30, _, _ =	vpop (xrf0);
	(xrf0) =	vmax.scan.msk.f32 $0xffff, v28  }
0x2a4: {  	s30 =	simm.s32 $0x4;
	v22 =	vbroadcast v21, $0xF;
	v21 =	vand.u32 $0xFFFFFFFE, v32;
	v28 =	vadd.f32 $0.0e+00, v30;
	(xrf0) =	vmax.scan.msk.f32 $0xffff, v31  }
0x2a5: {  	s7 =	simm.s32 $0x5;
	v21 =	vbroadcast v21, $0x0;
	v23 =	vbroadcast v34, $0xF;
	v31 =	vmov s30;
	(xrf0) =	vmax.scan.msk.f32 $0xffff, v33;
	v29, _, _ =	vpop (xrf0)  }
0x2a6: {  	s4 =	simm.s32 $0x80;
	s6 =	simm.s32 $0x6;
	s5 =	simm.s32 $0x60E0;
	v24 =	vbroadcast v28, $0xF;
	v28 =	vmov s7;
	v29 =	vadd.f32 $0.0e+00, v29;
	v30, _, _ =	vpop (xrf0);
	(xrf0) =	vmax.scan.msk.f32 $0xffff, v18  }
.LBB2_27:
0x2a7: {  	v32 =	vld [tilespmem:s5+$0x10];
	s4 =	sadd.s32 $0x40, s4;
	v30 =	vadd.f32 $0.0e+00, v30;
	v31 =	vand.u32 $0xFFFFFFFC, v31;
	v33 =	vmov s6;
	v34, _, _ =	vpop (xrf0);
	[tilespmem:v25+s31+$0x0] =	vst.idx.msk $0x1, v22  }
0x2a8: {  	v28 =	vand.u32 $0xFFFFFFFD, v28;
	s0 =	sadd.s32 $0x40, s0;
	v35 =	vld [tilespmem:s5+$0xFFFFFFE0];
	p0 =	slt.u32 s4, $0x1FC0;
	v36, _, _ =	vpop (xrf0);
	v34 =	vadd.f32 $0.0e+00, v34;
	v29 =	vbroadcast v29, $0xF;
	[tilespmem:v26+s31+$0x0] =	vst.idx.msk $0x1, v23  }
0x2a9: {  	v37 =	vld [tilespmem:s5+$0xFFFFFFF0];
	v38, _, _ =	vpop (xrf0);
	(xrf0) =	vmax.scan.msk.f32 $0xffff, v36;
	v22 =	vbroadcast v30, $0xF;
	v30 =	vand.u32 $0xFFFFFFFE, v33;
	[tilespmem:s0+$0x10] =	vst v20  }
0x2aa: {  	v25 =	vbroadcast v31, $0x0;
	v33 =	vld [tilespmem:s5+$0x0];
	(xrf0) =	vmax.scan.msk.f32 $0xffff, v38;
	v39, _, _ =	vpop (xrf0);
	v23 =	vbroadcast v34, $0xF;
	[tilespmem:v27+s31+$0x0] =	vst.idx.msk $0x1, v29  }
0x2ab: {  	v26 =	vbroadcast v28, $0x0;
	v28 =	vbroadcast v30, $0x0;
	(xrf0) =	vmax.scan.msk.f32 $0xffff, v39;
	v27, _, _ =	vpop (xrf0);
	[tilespmem:s0+$0xFFFFFFF0] =	vst v19  }
.Ltmp16:
0x2ac: {  	v20 =	vmov v36;
	v19 =	vmov v39;
	(xrf0) =	vmax.scan.msk.f32 $0xffff, v32;
	v29, _, _ =	vpop (xrf0);
	[tilespmem:v21+s31+$0x0] =	vst.idx.msk $0x1, v24;
	(pc) =	sbr.rel @p0 .LBB2_27-.Ltmp16, $4  }
0x2ad: {  	v21 =	vmovc v28;
	(xrf0) =	vmax.scan.msk.f32 $0xffff, v35;
	[tilespmem:s0+$0xFFFFFFE0] =	vst v17;
	v24 =	vadd.f32 $0.0e+00, v29;
	v17 =	vmov v38  }
0x2ae: {  	s2 =	sadd.s32 $0x4, s2;
	(xrf0) =	vmax.scan.msk.f32 $0xffff, v37;
	[tilespmem:s0+$0x0] =	vst v18;
	v18 =	vmov v27  }
0x2af: {  	s1 =	sadd.s32 $0xFFFFFFFD, s2;
	s7 =	sadd.s32 $0xFFFFFFFE, s2;
	s6 =	sadd.s32 $0xFFFFFFFF, s2;
	v27 =	vmov s2;
	(xrf0) =	vmax.scan.msk.f32 $0xffff, v33;
	v29, _, _ =	vpop (xrf0);
	v24 =	vbroadcast v24, $0xF  }
0x2b0: {  	v31 =	vmov s1;
	s5 =	sadd.s32 $0x40, s5;
	v28 =	vmov s7;
	v29 =	vadd.f32 $0.0e+00, v29;
	v30, _, _ =	vpop (xrf0);
	(xrf0) =	vmax.scan.msk.f32 $0xffff, v18  }
0x2b1: {  	_ =	sdelay $0x1  }
0x2b2: {  	v32, _, _ =	vpop (xrf0)  }
0x2b3: {  	v33, _, _ =	vpop (xrf0)  }
0x2b4: {  	[tilespmem:v25+s31+$0x0] =	vst.idx.msk $0x1, v22;
	(xrf0) =	vmax.scan.msk.f32 $0xffff, v33  }
0x2b5: {  	v42 =	vand.u32 $0xFFFFFFFC, v31;
	[tilespmem:v26+s31+$0x0] =	vst.idx.msk $0x1, v23  }
0x2b6: {  	s0 =	sadd.s32 $0x40, s0;
	[tilespmem:v21+s31+$0x0] =	vst.idx.msk $0x1, v24;
	v46 =	vbroadcast v42, $0x0;
	v45, _, _ =	vpop (xrf0)  }
0x2b7: {  	[tilespmem:s0+$0x10] =	vst v20;
	v48, _, _ =	vpop (xrf0)  }
0x2b8: {  	v44 =	vand.u32 $0xFFFFFFFD, v28;
	v47 =	vadd.f32 $0.0e+00, v30;
	v49 =	vmov s6;
	[tilespmem:s0+$0xFFFFFFF0] =	vst v19;
	v51, _, _ =	vpop (xrf0)  }
0x2b9: {  	s1 =	sadd.s32 $0x4, s2;
	v43 =	vbroadcast v29, $0xF;
	v23 =	vbroadcast v44, $0x0;
	[tilespmem:s0+$0xFFFFFFE0] =	vst v17;
	(xrf0) =	vmax.scan.msk.f32 $0xffff, v45;
	v53, _, _ =	vpop (xrf0)  }
0x2ba: {  	v17 =	vmov s1;
	[tilespmem:s0+$0x0] =	vst v18;
	s0 =	sadd.s32 $0x40, s0;
	v19 =	vbroadcast v47, $0xF;
	(xrf0) =	vmax.scan.msk.f32 $0xffff, v48;
	v55, _, _ =	vpop (xrf0)  }
0x2bb: {  	v52 =	vand.u32 $0xFFFFFFFE, v49;
	s2 =	sadd.s32 $0xFFFFFFFD, s1;
	s4 =	sadd.s32 $0xFFFFFFFE, s1;
	[tilespmem:s0+$0x10] =	vst v33;
	(xrf0) =	vmax.scan.msk.f32 $0xffff, v51;
	v18 =	vadd.f32 $0.0e+00, v55  }
0x2bc: {  	v22 =	vbroadcast v52, $0x0;
	v57 =	vmov s2;
	[tilespmem:v46+s31+$0x0] =	vst.idx.msk $0x1, v19;
	v19 =	vmov s4  }
0x2bd: {  	s1 =	sadd.s32 $0xFFFFFFFF, s1;
	[tilespmem:v27+s31+$0x0] =	vst.idx.msk $0x1, v43;
	v58 =	vand.u32 $0xFFFFFFFC, v57;
	v19 =	vand.u32 $0xFFFFFFFD, v19;
	v18 =	vbroadcast v18, $0xF  }
0x2be: {  	v50 =	vadd.f32 $0.0e+00, v32;
	v59 =	vmov s1;
	[tilespmem:s0+$0xFFFFFFE0] =	vst v45;
	v20 =	vbroadcast v58, $0x0  }
0x2bf: {  	v21 =	vand.u32 $0xFFFFFFFE, v59;
	v56 =	vadd.f32 $0.0e+00, v53;
	v61, _, _ =	vpop (xrf0);
	[tilespmem:v17+s31+$0x0] =	vst.idx.msk $0x1, v18;
	v17 =	vbroadcast v19, $0x0  }
0x2c0: {  	v54 =	vbroadcast v50, $0xF;
	[tilespmem:s0+$0xFFFFFFF0] =	vst v48;
	v21 =	vbroadcast v21, $0x0;
	v18 =	vadd.f32 $0.0e+00, v61;
	v19, _, _ =	vpop (xrf0)  }
0x2c1: {  	p1 =	por $0x1, $0x1;
	[tilespmem:s0+$0x0] =	vst v51;
	v60 =	vbroadcast v56, $0xF;
	v19 =	vadd.f32 $0.0e+00, v19;
	v62, _, _ =	vpop (xrf0)  }
.Ltmp17:
0x2c2: {  	[tilespmem:v23+s31+$0x0] =	vst.idx.msk $0x1, v54;
	v18 =	vbroadcast v18, $0xF;
	v63 =	vadd.f32 $0.0e+00, v62;
	(pc) =	sbr.rel @!p1 .LBB2_33-.Ltmp17, $4  }
0x2c3: {  	[tilespmem:v22+s31+$0x0] =	vst.idx.msk $0x1, v60;
	v19 =	vbroadcast v19, $0xF  }
0x2c4: {  	v22 =	vbroadcast v63, $0xF;
	[tilespmem:v20+s31+$0x0] =	vst.idx.msk $0x1, v18  }
0x2c5: {  	[tilespmem:v17+s31+$0x0] =	vst.idx.msk $0x1, v19  }
0x2c6: {  	p0 =	por $0x0, $0x0;
	s2 =	simm.s32 $0x0;
	s0 =	simm.s32 $0x40;
	[tilespmem:v21+s31+$0x0] =	vst.idx.msk $0x1, v22  }
0x2c7: {  	s1 =	simm.s32 $0x0  }
0x2c8: {  	v17 =	vld [tilespmem:s1+$0xA080];
	_ =	sdelay $0x4  }
0x2c9: {  	(xrf0) =	vmax.scan.msk.f32 $0xffff, v17;
	_ =	sdelay $0x3  }
0x2ca: {  	s2 =	sld [smem:$0x7FB];
	_ =	sdelay $0x1  }
0x2cb: {  	p1 =	por $0x1, $0x1;
	v17, _, _ =	vpop (xrf0)  }
.Ltmp18:
0x2cc: {  	v17 =	vmax.f32 v17, s2;
	(pc) =	sbr.rel @!p1 .LBB2_30-.Ltmp18, $2  }
0x2cd: {  	(xrf0) =	vmax.scan.msk.f32 $0xffff, v17;
	_ =	sdelay $0x2  }
0x2ce: {  	p0 =	por $0x1, $0x1;
	s2 =	simm.s32 $0x80;
	[tilespmem:s1+$0xA080] =	vst v17  }
.LBB2_31:
0x2cf: {  	p1 =	sne.s32 s2, $0x7C0;
	_ =	sdelay $0x1  }
0x2d0: {  	v17, _, _ =	vpop (xrf0)  }
0x2d1: {  	(v2sf) =	vpush v17, $0xF;
	_ =	sdelay $0x2  }
0x2d2: {  	s1 =	sshra.s32 s0, $0x2;
	s0 =	smov.u32 s2  }
0x2d3: {  	v17 =	vld [tilespmem:s1+$0xA080];
	_ =	sdelay $0x4  }
0x2d4: {  	(xrf0) =	vmax.scan.msk.f32 $0xffff, v17;
	_ =	sdelay $0x5  }
0x2d5: {  	v17, _, _ =	vpop (xrf0);
	s4 =	spop (v2sf)  }
.Ltmp19:
0x2d6: {  	v17 =	vmax.f32 v17, s4;
	(pc) =	sbr.rel @p1 .LBB2_31-.Ltmp19, $2  }
0x2d7: {  	[tilespmem:s1+$0xA080] =	vst v17;
	(xrf0) =	vmax.scan.msk.f32 $0xffff, v17;
	_ =	sdelay $0x2  }
0x2d8: {  	s2 =	sadd.s32 $0x40, s2  }
0x2d9: {  	s2 =	smov.u32 s0  }
.LBB2_33:
0x2da: {  	_ = 	snop  }
0x2db: {  	v17, _, _ =	vpop @p0 (xrf0)  }
0x2dc: {  	(v2sf) =	vpush @p0 v17, $0xF;
	_ =	sdelay $0x3  }
0x2dd: {  	s0 =	sshra.s32 s2, $0x2  }
0x2de: {  	v17 =	vld [tilespmem:s0+$0xA080];
	_ =	sdelay $0x4  }
0x2df: {  	(xrf0) =	vmax.scan.msk.f32 $0xffff, v17  }
0x2e0: {  	s1 =	simm.s32 $0x1  }
0x2e1: {  	v17 =	vmov s1  }
0x2e2: {  	s2 =	sld [smem:$0x7FB];
	s9 =	simm.s32 $0x3;
	s10 =	simm.s32 $0x2;
	vm1 =	vgt.s32 v17, $0x1  }
0x2e3: {  	s11 =	simm.s32 $0x0;
	v19 =	vmov s9;
	v20 =	vmov s10;
	v17 =	vnsel vm1, $0x1, v17  }
0x2e4: {  	v21 =	vmov s11;
	vm1 =	vgt.s32 v19, $0x1;
	v17 =	vadd.s32 $0x7FFFFFFF, v17;
	s1 =	spop @p0 (v2sf)  }
0x2e5: {  	vm2 =	vgt.s32 v20, $0x1;
	v19 =	vnsel vm1, $0x1, v19;
	v17 =	vand.u32 $0x7FFFFFFE, v17;
	v18, _, _ =	vpop (xrf0);
	s2 =	smov.u32 @p0 s1  }
0x2e6: {  	vm1 =	vgt.s32 v21, $0x1;
	v17 =	vbroadcast v17, $0x0;
	v18 =	vmax.f32 v18, s2  }
0x2e7: {  	v20 =	vnsel vm2, $0x1, v20;
	v22 =	vnsel vm1, $0x1, v21;
	(xrf0) =	vmax.scan.msk.f32 $0xffff, v18  }
0x2e8: {  	v20 =	vadd.s32 $0xFFFFFFFF, v20;
	v22 =	vadd.s32 $0xFFFFFFFF, v22  }
0x2e9: {  	v20 =	vbroadcast v20, $0x0  }
0x2ea: {  	v19 =	vadd.s32 $0x7FFFFFFF, v19  }
0x2eb: {  	s17 =	simm.s32 $0x5;
	s4 =	simm.s32 $0x6;
	v19 =	vand.u32 $0x7FFFFFFE, v19;
	[tilespmem:s0+$0xA080] =	vst v18  }
0x2ec: {  	s18 =	simm.s32 $0x4;
	s29 =	simm.s32 $0x8;
	v23 =	vmov s17;
	v24 =	vmov s4;
	v19 =	vbroadcast v19, $0x0;
	v17 =	vld.idx.msk [tilespmem:v17+s31+$0x0], $0xffff  }
0x2ed: {  	s13 =	simm.s32 $0x2020;
	s15 =	simm.s32 $0x7;
	v25 =	vmov s18;
	v29 =	vmov s29;
	vm3 =	vgt.s32 v23, $0x1;
	v22 =	vld.idx.msk [tilespmem:v22+s31+$0x0], $0xffff;
	v18, _, _ =	vpop (xrf0)  }
0x2ee: {  	vm1 =	veq.s32 v21, $0x0;
	v21 =	vmov s15;
	(v2sf) =	vpush v18, $0xF;
	v18 =	vld [tilespmem:s13+$0xFFFFFFF0]  }
0x2ef: {  	vm4 =	vgt.s32 v24, $0x1;
	v23 =	vnsel vm3, $0x1, v23;
	vm2 =	vgt.s32 v21, $0x1;
	v20 =	vld.idx.msk [tilespmem:v20+s31+$0x0], $0xffff  }
0x2f0: {  	v24 =	vnsel vm4, $0x1, v24;
	v21 =	vnsel vm2, $0x1, v21;
	vm2 =	vgt.s32 v25, $0x1;
	v26 =	vld [tilespmem:s13+$0xFFFFFFE0]  }
0x2f1: {  	v23 =	vadd.s32 $0x7FFFFFFF, v23;
	v24 =	vadd.s32 $0xFFFFFFFF, v24;
	v28 =	vnsel vm2, $0x1, v25;
	v27 =	vld [tilespmem:s13+$0x0]  }
0x2f2: {  	v23 =	vand.u32 $0x7FFFFFFE, v23;
	v24 =	vbroadcast v24, $0x0;
	v28 =	vadd.s32 $0xFFFFFFFF, v28;
	v19 =	vld.idx.msk [tilespmem:v19+s31+$0x0], $0xffff  }
0x2f3: {  	v21 =	vadd.s32 $0x7FFFFFFF, v21;
	v17 =	vmax.f32 v18, v17;
	v18 =	vbroadcast v23, $0x0;
	v23 =	vld [tilespmem:s13+$0x10]  }
0x2f4: {  	vm1 =	vmmov vm1;
	vm2 =	veq.s32 v25, $0x0;
	v21 =	vand.u32 $0x7FFFFFFE, v21  }
0x2f5: {  	s20 =	simm.s32 $0x2060;
	s26 =	simm.s32 $0xA;
	vm2 =	vmmov vm2;
	v21 =	vbroadcast v21, $0x0;
	v22 =	vsel vm1, v10, v22  }
0x2f6: {  	v25 =	vld [tilespmem:s20+$0xFFFFFFF0];
	v20 =	vmax.f32 v27, v20;
	v27 =	vmov s26;
	v22 =	vmax.f32 v26, v22  }
0x2f7: {  	v28 =	vld.idx.msk [tilespmem:v28+s31+$0x0], $0xffff;
	v20 =	vtrunc.f32 v20;
	vm15 =	vgt.s32 v27, $0x1;
	v22 =	vtrunc.f32 v22  }
0x2f8: {  	v30 =	vld [tilespmem:s20+$0xFFFFFFE0];
	v26 =	vcvt.f32.s32 v22;
	v17 =	vtrunc.f32 v17;
	v19 =	vmax.f32 v23, v19  }
0x2f9: {  	s21 =	simm.s32 $0x9;
	v27 =	vnsel vm15, $0x1, v27;
	v17 =	vcvt.f32.s32 v17;
	v18 =	vld.idx.msk [tilespmem:v18+s31+$0x0], $0xffff;
	v19 =	vtrunc.f32 v19  }
0x2fa: {  	v27 =	vadd.s32 $0xFFFFFFFF, v27;
	v22 =	vcvt.f32.s32 v19;
	v19 =	vmov s21  }
0x2fb: {  	s19 =	simm.s32 $0xB;
	s2 =	simm.s32 $0x8020;
	v17 =	vsub.s32 v17, v3;
	v23 =	vcvt.f32.s32 v20;
	vm1 =	vgt.s32 v19, $0x1  }
0x2fc: {  	v24 =	vld.idx.msk [tilespmem:v24+s31+$0x0], $0xffff;
	v20 =	vmov s19;
	[tilespmem:s2+$0xFFFFFFF0] =	vst v17;
	v17 =	vsel vm2, v10, v28;
	v19 =	vnsel vm1, $0x1, v19  }
0x2fd: {  	v63 =	vld [tilespmem:s20+$0x10];
	vm3 =	vgt.s32 v20, $0x1;
	v17 =	vmax.f32 v30, v17;
	v19 =	vadd.s32 $0x7FFFFFFF, v19  }
0x2fe: {  	v20 =	vnsel vm3, $0x1, v20;
	v19 =	vand.u32 $0x7FFFFFFE, v19;
	v18 =	vmax.f32 v25, v18;
	v25 =	vld [tilespmem:s20+$0x0]  }
0x2ff: {  	v21 =	vld.idx.msk [tilespmem:v21+s31+$0x0], $0xffff;
	v23 =	vsub.s32 v23, v3;
	v20 =	vadd.s32 $0x7FFFFFFF, v20;
	v31 =	vbroadcast v19, $0x0  }
0x300: {  	vm1 =	vgt.s32 v29, $0x1;
	v32 =	vand.u32 $0x7FFFFFFE, v20;
	v18 =	vtrunc.f32 v18  }
0x301: {  	v19 =	vnsel vm1, $0x1, v29;
	vm1 =	veq.s32 v29, $0x0;
	v33 =	vcvt.f32.s32 v18  }
0x302: {  	v18 =	vbroadcast v27, $0x0;
	v20 =	vadd.s32 $0xFFFFFFFF, v19;
	v19 =	vbroadcast v32, $0x0  }
0x303: {  	s0 =	simm.s32 $0x8060;
	[tilespmem:s2+$0x0] =	vst v23;
	v27 =	vsub.s32 v33, v3;
	v24 =	vmax.f32 v25, v24;
	v25 =	vsub.s32 v22, v3  }
0x304: {  	s5 =	simm.s32 $0x80;
	[tilespmem:s0+$0xFFFFFFF0] =	vst v27;
	v22 =	vtrunc.f32 v17;
	v17 =	vtrunc.f32 v24;
	v24 =	vmax.f32 v63, v21  }
0x305: {  	s6 =	simm.s32 $0xF;
	s4 =	simm.s32 $0x20A0;
	s30 =	spop (v2sf);
	[tilespmem:s2+$0x10] =	vst v25;
	v21 =	vld.idx.msk [tilespmem:v31+s31+$0x0], $0xffff;
	v17 =	vcvt.f32.s32 v17;
	v23 =	vtrunc.f32 v24;
	v24 =	vsub.s32 v26, v3  }
.LBB2_34:
0x306: {  	s1 =	sadd.s32 $0xFFFFFFFE, s6;
	v25 =	vmov s6  }
0x307: {  	s7 =	sadd.s32 $0xFFFFFFFF, s6;
	s5 =	sadd.s32 $0x40, s5;
	v26 =	vld [tilespmem:s4+$0xFFFFFFF0];
	v27 =	vcvt.f32.s32 v22;
	v22 =	vcvt.f32.s32 v23;
	[tilespmem:s2+$0xFFFFFFE0] =	vst v24;
	vm2 =	vmmov vm1;
	s2 =	smov.u32 s0  }
0x308: {  	s9 =	sadd.s32 $0xFFFFFFFD, s6;
	v23 =	vmov s1;
	v24 =	vmov s7;
	vm1 =	vgt.s32 v25, $0x1;
	p0 =	slt.u32 s5, $0x1FC0;
	v28 =	vld.idx.msk [tilespmem:v20+s31+$0x0], $0xffff  }
0x309: {  	vm3 =	vgt.s32 v23, $0x1;
	vm4 =	vgt.s32 v24, $0x1;
	v20 =	vnsel vm1, $0x1, v25;
	v25 =	vld.idx.msk [tilespmem:v18+s31+$0x0], $0xffff  }
0x30a: {  	v29 =	vmov s9;
	v18 =	vnsel vm3, $0x1, v23;
	v23 =	vnsel vm4, $0x1, v24;
	v24 =	vld.idx.msk [tilespmem:v19+s31+$0x0], $0xffff  }
0x30b: {  	vm1 =	vgt.s32 v29, $0x1;
	v19 =	vadd.s32 $0x7FFFFFFF, v20;
	v18 =	vadd.s32 $0x7FFFFFFF, v18;
	v30 =	vld [tilespmem:s4+$0xFFFFFFE0]  }
0x30c: {  	v20 =	vadd.s32 $0xFFFFFFFF, v23;
	v18 =	vand.u32 $0x7FFFFFFE, v18;
	v21 =	vmax.f32 v26, v21;
	v23 =	vld [tilespmem:s4+$0x0]  }
0x30d: {  	v19 =	vand.u32 $0x7FFFFFFE, v19;
	v26 =	vbroadcast v18, $0x0;
	v21 =	vtrunc.f32 v21;
	v31 =	vld [tilespmem:s4+$0x10]  }
0x30e: {  	v32 =	vnsel vm1, $0x1, v29;
	v18 =	vbroadcast v20, $0x0;
	v21 =	vcvt.f32.s32 v21  }
.Ltmp20:
0x30f: {  	vm1 =	veq.s32 v29, $0x0;
	v19 =	vbroadcast v19, $0x0;
	v20 =	vadd.s32 $0xFFFFFFFF, v32;
	(pc) =	sbr.rel @p0 .LBB2_34-.Ltmp20, $4  }
0x310: {  	s0 =	sadd.s32 $0x40, s0;
	v17 =	vsub.s32 v17, v3;
	v28 =	vsel vm2, v10, v28;
	v21 =	vsub.s32 v21, v3  }
0x311: {  	v28 =	vmax.f32 v30, v28;
	[tilespmem:s0+$0xFFFFFFF0] =	vst v21;
	v21 =	vmax.f32 v23, v25;
	v25 =	vsub.s32 v22, v3  }
0x312: {  	v22 =	vtrunc.f32 v28;
	v23 =	vtrunc.f32 v21;
	v24 =	vmax.f32 v31, v24;
	[tilespmem:s2+$0x0] =	vst v17  }
0x313: {  	s6 =	sadd.s32 $0x4, s6;
	s4 =	sadd.s32 $0x40, s4;
	v21 =	vld.idx.msk [tilespmem:v26+s31+$0x0], $0xffff;
	v17 =	vcvt.f32.s32 v23;
	v23 =	vtrunc.f32 v24;
	v24 =	vsub.s32 v27, v3;
	[tilespmem:s2+$0x10] =	vst v25  }
0x314: {  	_ =	sdelay $0x2  }
0x315: {  	v25 =	vld [tilespmem:s4+$0xFFFFFFF0]  }
0x316: {  	v20 =	vld.idx.msk [tilespmem:v20+s31+$0x0], $0xffff  }
0x317: {  	v18 =	vld.idx.msk [tilespmem:v18+s31+$0x0], $0xffff  }
0x318: {  	v19 =	vld.idx.msk [tilespmem:v19+s31+$0x0], $0xffff  }
0x319: {  	v27 =	vld [tilespmem:s4+$0x0]  }
0x31a: {  	v61 =	vld [tilespmem:s4+$0x10]  }
0x31b: {  	v26 =	vld [tilespmem:s4+$0xFFFFFFE0];
	v22 =	vcvt.f32.s32 v22;
	v23 =	vcvt.f32.s32 v23  }
0x31c: {  	vm1 =	vmmov vm1;
	v17 =	vsub.s32 v17, v3  }
0x31d: {  	v62 =	vsub.s32 v23, v3;
	v63 =	vsub.s32 v22, v3;
	v21 =	vmax.f32 v25, v21  }
0x31e: {  	[tilespmem:s2+$0xFFFFFFE0] =	vst v24;
	v20 =	vsel vm1, v10, v20;
	v18 =	vmax.f32 v27, v18;
	v21 =	vtrunc.f32 v21  }
0x31f: {  	[tilespmem:s0+$0x0] =	vst v17;
	v19 =	vmax.f32 v61, v19;
	v18 =	vtrunc.f32 v18;
	v21 =	vcvt.f32.s32 v21  }
0x320: {  	[tilespmem:s0+$0x10] =	vst v62;
	v20 =	vmax.f32 v26, v20;
	v17 =	vcvt.f32.s32 v18;
	v18 =	vtrunc.f32 v19  }
0x321: {  	s1 =	sadd.s32 $0x40, s0;
	[tilespmem:s0+$0xFFFFFFE0] =	vst v63;
	v19 =	vtrunc.f32 v20;
	v18 =	vcvt.f32.s32 v18;
	v21 =	vsub.s32 v21, v3  }
0x322: {  	v19 =	vcvt.f32.s32 v19;
	v17 =	vsub.s32 v17, v3;
	[tilespmem:s1+$0xFFFFFFF0] =	vst v21  }
0x323: {  	v18 =	vsub.s32 v18, v3;
	[tilespmem:s1+$0x0] =	vst v17  }
0x324: {  	v17 =	vsub.s32 v19, v3;
	[tilespmem:s1+$0x10] =	vst v18  }
0x325: {  	[tilespmem:s1+$0xFFFFFFE0] =	vst v17  }
0x326: {  	s0 =	rddreg [dreg:$0x1e]  }
0x327: {  	[tilespmem:s12], [sflag:$0x1] =	stream.strided.gather [hbm4b:s0+s8], $0x4000, s14, s8, $0x38;
	[tilespmem:$0x1A280] =	vst v63  }
0x328: {  	s13 =	simm.s32 $0x0;
	s30 =	rddreg [dreg:$0x18]  }
0x329: {  	[tilespmem:s16], [sflag:$0x2] =	stream.strided.gather [hbm4b:s30+s8], $0x4000, s14, s8, $0x38;
	[tilespmem:$0x1A280] =	vst v63  }
.LBB2_36:
0x32a: {  	_ =	swait.ge [sflag:s22], $0x4000  }
0x32b: {  	[sflag:s22] =	ssyncset.done $0x0  }
0x32c: {  	[sflag:s22] =	ssyncadd.s32 $0xFFFFC000  }
0x32d: {  	_ =	swait.ge [sflag:s23], $0x4000  }
0x32e: {  	p0 =	seq.s32 s13, $0x0;
	[sflag:s23] =	ssyncset.done $0x0  }
0x32f: {  	s0 =	simm.s32 @!p0 $0x3;
	[sflag:s23] =	ssyncadd.s32 $0xFFFFC000  }
0x330: {  	_ =	swait.ge @!p0 [sflag:s0], $0x4000  }
0x331: {  	[sflag:s0] =	ssyncset.done @!p0 $0x0  }
0x332: {  	s1 =	simm.s32 $0x0;
	[sflag:s0] =	ssyncadd.s32 @!p0 $0xFFFFC000;
	s0 =	simm.s32 @!p0 $0x4  }
0x333: {  	s4 =	sand.u32 $0x40, s1;
	s1 =	sand.u32 $0x1F80, s1;
	_ =	swait.ge @!p0 [sflag:s0], $0x4000  }
0x334: {  	s1 =	sor.u32 $0x8000, s1;
	s5 =	sor.u32 $0x30, s4;
	[sflag:s0] =	ssyncset.done @!p0 $0x0  }
0x335: {  	s11 =	sor.u32 s5, s1;
	[sflag:s0] =	ssyncadd.s32 @!p0 $0xFFFFC000  }
0x336: {  	s2 =	simm.s32 $0x8000;
	v17 =	vld [tilespmem:s11+$0x0]  }
0x337: {  	s9 =	sor.u32 $0x10, s4;
	v18 =	vld [tilespmem:s2+$0x0]  }
0x338: {  	s10 =	sor.u32 $0x20, s4;
	s15 =	sor.u32 s9, s1  }
0x339: {  	s1 =	sor.u32 s10, s1;
	v19 =	vld [tilespmem:s15+$0x0]  }
0x33a: {  	v20 =	vld [tilespmem:s1+$0x0]  }
0x33b: {  	v21 =	vshll.u32 v17, $0x1  }
0x33c: {  	v22 =	vshll.u32 v18, $0x1;
	v17 =	vand.u32 $0x7F, v17;
	v21 =	vand.u32 $0xFFFFFF00, v21  }
0x33d: {  	s18 =	simm.s32 $0x40;
	v18 =	vand.u32 $0x7F, v18;
	v22 =	vand.u32 $0xFFFFFF00, v22;
	v17 =	vor.u32 v17, v21  }
0x33e: {  	s6 =	sand.u32 $0x40, s18;
	s0 =	sand.u32 $0x1F80, s18;
	v18 =	vor.u32 v18, v22;
	v21 =	vshll.u32 v19, $0x1  }
0x33f: {  	s11 =	sor.u32 $0x8000, s0;
	s0 =	sor.u32 $0x10, s6;
	v22 =	vshll.u32 v20, $0x1;
	v19 =	vand.u32 $0x7F, v19;
	v21 =	vand.u32 $0xFFFFFF00, v21  }
0x340: {  	s15 =	sor.u32 s0, s11;
	v20 =	vand.u32 $0x7F, v20;
	v22 =	vand.u32 $0xFFFFFF00, v22;
	v19 =	vor.u32 v19, v21  }
0x341: {  	v27 =	vld [tilespmem:s15+$0x0];
	v20 =	vor.u32 v20, v22  }
0x342: {  	v21 =	vld.idx.msk [tilespmem:v17+s12+$0x0], $0xffff  }
0x343: {  	s17 =	simm.s32 $0x8040;
	v23 =	vld.idx.msk [tilespmem:v18+s12+$0x0], $0xffff  }
0x344: {  	s19 =	simm.s32 $0x0;
	v22 =	vld [tilespmem:s17+$0x0]  }
0x345: {  	s20 =	sor.u32 $0x30, s6;
	s1 =	sand.u32 $0x3F00, s19;
	v24 =	vld.idx.msk [tilespmem:v19+s12+$0x0], $0xffff  }
0x346: {  	s5 =	sor.u32 s5, s1;
	s7 =	sor.u32 s20, s11;
	v25 =	vld.idx.msk [tilespmem:v20+s12+$0x0], $0xffff  }
0x347: {  	s9 =	sor.u32 s9, s1;
	s10 =	sor.u32 s10, s1;
	s1 =	sor.u32 s4, s1;
	[tilespmem:s5+$0x12280] =	vst v21;
	v21 =	vld [tilespmem:s7+$0x0]  }
0x348: {  	s7 =	sor.u32 $0x20, s6;
	[tilespmem:s1+$0x12280] =	vst v23;
	v26 =	vld.idx.msk [tilespmem:v17+s16+$0x0], $0xffff  }
0x349: {  	v28 =	vor.u32 $0x80, v17;
	s11 =	sor.u32 s7, s11;
	v17 =	vshll.u32 v22, $0x1;
	v29 =	vld.idx.msk [tilespmem:v18+s16+$0x0], $0xffff  }
0x34a: {  	p0 =	por $0x0, $0x0;
	s4 =	simm.s32 $0x1;
	v22 =	vand.u32 $0x7F, v22;
	[tilespmem:s9+$0x12280] =	vst v24;
	v24 =	vld [tilespmem:s11+$0x0];
	v17 =	vand.u32 $0xFFFFFF00, v17  }
0x34b: {  	s4 =	simm.s32 @!p0 $0x0;
	[tilespmem:s10+$0x12280] =	vst v25;
	v25 =	vld.idx.msk [tilespmem:v19+s16+$0x0], $0xffff;
	v17 =	vor.u32 v22, v17  }
0x34c: {  	s4 =	sshll.u32 s4, $0x6;
	v19 =	vor.u32 $0x80, v19;
	v22 =	vld.idx.msk [tilespmem:v20+s16+$0x0], $0xffff  }
0x34d: {  	s30 =	simm.s32 $0x8080;
	s11 =	sadd.s32 $0x0, s4;
	v20 =	vor.u32 $0x80, v20;
	v23 =	vshll.u32 v21, $0x1  }
0x34e: {  	v31 =	vld [tilespmem:s30+$0x0];
	v21 =	vand.u32 $0x7F, v21;
	[tilespmem:s5+$0x16280] =	vst v26;
	v23 =	vand.u32 $0xFFFFFF00, v23;
	s5 =	sadd.s32 $0x10, s11  }
0x34f: {  	v26 =	vshll.u32 v27, $0x1;
	[tilespmem:s1+$0x16280] =	vst v29;
	v30 =	vld.idx.msk [tilespmem:v28+s12+$0x0], $0xffff;
	v21 =	vor.u32 v21, v23;
	s1 =	sor.u32 $0x80, s5;
	s5 =	simm.s32 $0x80  }
0x350: {  	s17 =	simm.s32 $0x80;
	v27 =	vand.u32 $0x7F, v27;
	v23 =	vand.u32 $0xFFFFFF00, v26;
	v32 =	vld.idx.msk [tilespmem:v17+s12+$0x0], $0xffff;
	[tilespmem:s9+$0x16280] =	vst v25;
	s26 =	sand.u32 $0x40, s5;
	s21 =	sand.u32 $0x1F80, s5  }
0x351: {  	s15 =	sand.u32 $0x3F00, s17;
	v26 =	vshll.u32 v24, $0x1;
	v33 =	vor.u32 v27, v23;
	[tilespmem:s10+$0x16280] =	vst v22;
	v23 =	vld.idx.msk [tilespmem:v19+s12+$0x0], $0xffff;
	s19 =	sor.u32 $0x8000, s21;
	s29 =	sor.u32 $0x30, s26  }
0x352: {  	v34 =	vor.u32 $0x80, v18;
	s30 =	sor.u32 s20, s15;
	s4 =	sadd.s32 $0x30, s11;
	v24 =	vand.u32 $0x7F, v24;
	v26 =	vand.u32 $0xFFFFFF00, v26;
	v18 =	vld.idx.msk [tilespmem:v20+s12+$0x0], $0xffff;
	s20 =	sor.u32 s29, s19  }
0x353: {  	s9 =	sor.u32 $0x80, s4;
	v24 =	vor.u32 v24, v26;
	v36 =	vld [tilespmem:s20+$0x0]  }
0x354: {  	v22 =	vld.idx.msk [tilespmem:v21+s12+$0x0], $0xffff;
	[tilespmem:s9+$0x12280] =	vst v30  }
0x355: {  	v25 =	vld.idx.msk [tilespmem:v28+s16+$0x0], $0xffff  }
0x356: {  	s6 =	sor.u32 s6, s15;
	v26 =	vld.idx.msk [tilespmem:v33+s12+$0x0], $0xffff  }
0x357: {  	s10 =	sadd.s32 $0x20, s11;
	s2 =	sor.u32 $0x10, s26;
	v28 =	vld.idx.msk [tilespmem:v34+s12+$0x0], $0xffff;
	[tilespmem:s6+$0x12280] =	vst v32  }
0x358: {  	s18 =	sor.u32 $0x80, s10;
	s21 =	sor.u32 s2, s19;
	v27 =	vld.idx.msk [tilespmem:v24+s12+$0x0], $0xffff;
	[tilespmem:s1+$0x12280] =	vst v23  }
0x359: {  	[tilespmem:s18+$0x12280] =	vst v18;
	v23 =	vld [tilespmem:s21+$0x0]  }
0x35a: {  	v29 =	vld.idx.msk [tilespmem:v19+s16+$0x0], $0xffff;
	[tilespmem:s30+$0x12280] =	vst v22  }
0x35b: {  	s10 =	sor.u32 $0x80, s11;
	v30 =	vld.idx.msk [tilespmem:v21+s16+$0x0], $0xffff;
	[tilespmem:s9+$0x16280] =	vst v25  }
0x35c: {  	s4 =	sor.u32 $0x20, s26;
	v35 =	vld.idx.msk [tilespmem:v20+s16+$0x0], $0xffff;
	v20 =	vor.u32 $0x80, v21;
	s9 =	sor.u32 s0, s15;
	[tilespmem:s10+$0x12280] =	vst v28  }
0x35d: {  	s7 =	sor.u32 s7, s15;
	s20 =	sor.u32 s4, s19;
	v28 =	vld.idx.msk [tilespmem:v17+s16+$0x0], $0xffff;
	[tilespmem:s9+$0x12280] =	vst v26  }
0x35e: {  	v18 =	vshll.u32 v31, $0x1;
	v26 =	vld [tilespmem:s20+$0x0];
	[tilespmem:s7+$0x12280] =	vst v27  }
0x35f: {  	v22 =	vand.u32 $0xFFFFFF00, v18;
	v21 =	vand.u32 $0x7F, v31;
	v27 =	vld.idx.msk [tilespmem:v33+s16+$0x0], $0xffff;
	[tilespmem:s1+$0x16280] =	vst v29  }
0x360: {  	v22 =	vor.u32 v21, v22;
	v25 =	vld.idx.msk [tilespmem:v24+s16+$0x0], $0xffff;
	[tilespmem:s30+$0x16280] =	vst v30  }
0x361: {  	v19 =	vor.u32 $0x80, v33;
	v18 =	vor.u32 $0x80, v24;
	v21 =	vshll.u32 v36, $0x1;
	s30 =	sshll.u32 s13, $0x2;
	v24 =	vld.idx.msk [tilespmem:v20+s12+$0x0], $0xffff;
	[smem:$0x7EA] =	sst s13  }
0x362: {  	p0 =	por !p0, !p0;
	v63 =	vand.u32 $0x7F, v36;
	s15 =	simm.s32 $0x1;
	v21 =	vand.u32 $0xFFFFFF00, v21;
	v30 =	vshll.u32 v23, $0x1;
	[smem:$0x7EB] =	sst s30  }
0x363: {  	s11 =	simm.s32 $0x80C0;
	s15 =	simm.s32 @!p0 $0x0;
	v21 =	vor.u32 v63, v21;
	v30 =	vand.u32 $0xFFFFFF00, v30;
	v31 =	vshll.u32 v26, $0x1;
	v29 =	vld.idx.msk [tilespmem:v34+s16+$0x0], $0xffff;
	[tilespmem:s18+$0x16280] =	vst v35  }
.LBB2_37:
0x364: {  	v32 =	vld [tilespmem:s11+$0x0];
	v23 =	vand.u32 $0x7F, v23;
	v26 =	vand.u32 $0x7F, v26;
	v31 =	vand.u32 $0xFFFFFF00, v31;
	s0 =	sshll.u32 s15, $0x6  }
0x365: {  	v33 =	vld.idx.msk [tilespmem:v22+s12+$0x0], $0xffff;
	v30 =	vor.u32 v23, v30;
	v31 =	vor.u32 v26, v31;
	s1 =	sadd.s32 s0, s17;
	[tilespmem:s9+$0x16280] =	vst v27  }
0x366: {  	v23 =	vor.u32 $0x80, v30;
	v26 =	vor.u32 $0x80, v31;
	v27 =	vld.idx.msk [tilespmem:v19+s12+$0x0], $0xffff;
	s0 =	sadd.s32 $0x10, s1;
	[tilespmem:s7+$0x16280] =	vst v25;
	s7 =	sadd.s32 $0x20, s1;
	s9 =	sadd.s32 $0x30, s1  }
0x367: {  	v34 =	vor.u32 $0x80, v17;
	v17 =	vmov v22;
	[tilespmem:s6+$0x16280] =	vst v28;
	s15 =	sor.u32 $0x80, s0;
	v25 =	vld.idx.msk [tilespmem:v18+s12+$0x0], $0xffff;
	s0 =	sor.u32 $0x80, s7;
	s6 =	sor.u32 $0x80, s9  }
0x368: {  	s1 =	sor.u32 $0x80, s1;
	v22 =	vld.idx.msk [tilespmem:v21+s12+$0x0], $0xffff;
	[tilespmem:s6+$0x12280] =	vst v24  }
0x369: {  	v20 =	vld.idx.msk [tilespmem:v20+s16+$0x0], $0xffff;
	[tilespmem:s10+$0x16280] =	vst v29;
	s10 =	smov.u32 s1  }
0x36a: {  	v24 =	vld.idx.msk [tilespmem:v30+s12+$0x0], $0xffff  }
0x36b: {  	s17 =	sadd.s32 $0x80, s17;
	v28 =	vld.idx.msk [tilespmem:v31+s12+$0x0], $0xffff  }
0x36c: {  	s5 =	sadd.s32 $0x40, s5;
	s1 =	sand.u32 $0x3F00, s17;
	v29 =	vld.idx.msk [tilespmem:v34+s12+$0x0], $0xffff;
	[tilespmem:s15+$0x12280] =	vst v27  }
0x36d: {  	s18 =	sand.u32 $0x40, s5;
	s7 =	sand.u32 $0x1F80, s5;
	s19 =	sor.u32 s29, s1;
	v35 =	vld.idx.msk [tilespmem:v19+s16+$0x0], $0xffff;
	[tilespmem:s0+$0x12280] =	vst v25;
	v19 =	vmov v23  }
0x36e: {  	s20 =	sor.u32 $0x10, s18;
	s7 =	sor.u32 $0x8000, s7;
	s29 =	sor.u32 $0x30, s18;
	[tilespmem:s19+$0x12280] =	vst v22;
	v36 =	vld.idx.msk [tilespmem:v18+s16+$0x0], $0xffff;
	v18 =	vmov v26  }
0x36f: {  	s30 =	sor.u32 $0x20, s18;
	s21 =	sor.u32 s20, s7;
	s9 =	sor.u32 s29, s7;
	v37 =	vld.idx.msk [tilespmem:v21+s16+$0x0], $0xffff;
	[tilespmem:s6+$0x16280] =	vst v20  }
0x370: {  	s13 =	sor.u32 s30, s7;
	s7 =	sor.u32 s4, s1;
	v38 =	vld [tilespmem:s9+$0x0];
	s9 =	sor.u32 s2, s1  }
0x371: {  	p1 =	slt.u32 s5, $0x1FC0;
	s6 =	sor.u32 s26, s1;
	v20 =	vor.u32 $0x80, v21;
	s26 =	smov.u32 s18;
	v23 =	vld [tilespmem:s21+$0x0];
	[tilespmem:s9+$0x12280] =	vst v24  }
0x372: {  	s4 =	smov.u32 s30;
	v21 =	vshll.u32 v32, $0x1;
	s2 =	smov.u32 s20;
	v26 =	vld [tilespmem:s13+$0x0];
	[tilespmem:s7+$0x12280] =	vst v28  }
.Ltmp21:
0x373: {  	v22 =	vand.u32 $0x7F, v32;
	v21 =	vand.u32 $0xFFFFFF00, v21;
	[tilespmem:s6+$0x12280] =	vst v33;
	v27 =	vld.idx.msk [tilespmem:v30+s16+$0x0], $0xffff;
	(pc) =	sbr.rel @p1 .LBB2_37-.Ltmp21, $4  }
0x374: {  	v22 =	vor.u32 v22, v21;
	v25 =	vld.idx.msk [tilespmem:v31+s16+$0x0], $0xffff;
	[tilespmem:s10+$0x12280] =	vst v29  }
0x375: {  	v21 =	vshll.u32 v38, $0x1;
	v28 =	vld.idx.msk [tilespmem:v17+s16+$0x0], $0xffff;
	[tilespmem:s19+$0x16280] =	vst v37  }
0x376: {  	p0 =	por !p0, !p0;
	v32 =	vand.u32 $0x7F, v38;
	v29 =	vshll.u32 v23, $0x1;
	v21 =	vand.u32 $0xFFFFFF00, v21;
	v24 =	vld.idx.msk [tilespmem:v20+s12+$0x0], $0xffff;
	[tilespmem:s15+$0x16280] =	vst v35;
	s15 =	simm.s32 $0x1  }
0x377: {  	s11 =	sadd.s32 $0x40, s11;
	v30 =	vand.u32 $0xFFFFFF00, v29;
	v31 =	vshll.u32 v26, $0x1;
	v21 =	vor.u32 v32, v21;
	s15 =	simm.s32 @!p0 $0x0;
	v29 =	vld.idx.msk [tilespmem:v34+s16+$0x0], $0xffff;
	[tilespmem:s0+$0x16280] =	vst v36  }
0x378: {  	_ =	sdelay $0x1  }
0x379: {  	v23 =	vand.u32 $0x7F, v23  }
0x37a: {  	v26 =	vand.u32 $0x7F, v26;
	v31 =	vand.u32 $0xFFFFFF00, v31;
	s0 =	sshll.u32 s15, $0x6;
	[tilespmem:s9+$0x16280] =	vst v27;
	v23 =	vor.u32 v23, v30  }
0x37b: {  	v26 =	vor.u32 v26, v31;
	s0 =	sadd.s32 s0, s17;
	v27 =	vld.idx.msk [tilespmem:v19+s12+$0x0], $0xffff  }
0x37c: {  	v48 =	vld.idx.msk [tilespmem:v21+s12+$0x0], $0xffff;
	[tilespmem:s7+$0x16280] =	vst v25;
	s1 =	sadd.s32 $0x30, s0  }
0x37d: {  	v51 =	vld.idx.msk [tilespmem:v22+s12+$0x0], $0xffff;
	v17 =	vor.u32 $0x80, v17;
	[tilespmem:s6+$0x16280] =	vst v28;
	s1 =	sor.u32 $0x80, s1  }
0x37e: {  	s30 =	sadd.s32 $0x80, s17;
	s5 =	sadd.s32 $0x10, s0;
	v52 =	vld.idx.msk [tilespmem:v18+s12+$0x0], $0xffff;
	[tilespmem:s1+$0x12280] =	vst v24  }
0x37f: {  	s5 =	sor.u32 $0x80, s5;
	[tilespmem:s10+$0x16280] =	vst v29;
	s10 =	sand.u32 $0x3F00, s30;
	v49 =	vld.idx.msk [tilespmem:v23+s12+$0x0], $0xffff  }
0x380: {  	s11 =	sor.u32 s29, s10;
	v50 =	vld.idx.msk [tilespmem:v26+s12+$0x0], $0xffff;
	[tilespmem:s5+$0x12280] =	vst v27  }
0x381: {  	s13 =	sadd.s32 $0x20, s0;
	v20 =	vld.idx.msk [tilespmem:v20+s16+$0x0], $0xffff;
	s7 =	sor.u32 s26, s10;
	[tilespmem:s11+$0x12280] =	vst v48  }
0x382: {  	s2 =	sor.u32 s2, s10;
	s4 =	sor.u32 s4, s10;
	s10 =	sor.u32 $0x80, s13;
	v57 =	vld.idx.msk [tilespmem:v17+s12+$0x0], $0xffff;
	[tilespmem:s7+$0x12280] =	vst v51  }
0x383: {  	v25 =	vld.idx.msk [tilespmem:v21+s16+$0x0], $0xffff;
	[tilespmem:s10+$0x12280] =	vst v52  }
0x384: {  	v53 =	vor.u32 $0x80, v21;
	v56 =	vld.idx.msk [tilespmem:v22+s16+$0x0], $0xffff;
	[tilespmem:s2+$0x12280] =	vst v49  }
0x385: {  	v58 =	vor.u32 $0x80, v22;
	[tilespmem:s4+$0x12280] =	vst v50;
	v54 =	vld.idx.msk [tilespmem:v23+s16+$0x0], $0xffff  }
0x386: {  	s0 =	sor.u32 $0x80, s0;
	[tilespmem:s1+$0x16280] =	vst v20;
	v23 =	vor.u32 $0x80, v23;
	v55 =	vld.idx.msk [tilespmem:v26+s16+$0x0], $0xffff  }
0x387: {  	v19 =	vld.idx.msk [tilespmem:v19+s16+$0x0], $0xffff;
	[tilespmem:s0+$0x12280] =	vst v57;
	v26 =	vor.u32 $0x80, v26  }
0x388: {  	p0 =	por !p0, !p0;
	v18 =	vld.idx.msk [tilespmem:v18+s16+$0x0], $0xffff;
	s1 =	simm.s32 $0x1;
	[tilespmem:s11+$0x16280] =	vst v25  }
0x389: {  	s1 =	simm.s32 @!p0 $0x0;
	[tilespmem:s7+$0x16280] =	vst v56;
	v59 =	vld.idx.msk [tilespmem:v53+s12+$0x0], $0xffff  }
0x38a: {  	s1 =	sshll.u32 s1, $0x6;
	v61 =	vld.idx.msk [tilespmem:v58+s12+$0x0], $0xffff;
	[tilespmem:s2+$0x16280] =	vst v54  }
0x38b: {  	s1 =	sadd.s32 s1, s30;
	[tilespmem:s4+$0x16280] =	vst v55;
	v24 =	vld.idx.msk [tilespmem:v23+s12+$0x0], $0xffff  }
0x38c: {  	[tilespmem:s5+$0x16280] =	vst v19;
	s15 =	sadd.s32 $0x30, s1;
	v60 =	vld.idx.msk [tilespmem:v26+s12+$0x0], $0xffff  }
0x38d: {  	[tilespmem:s10+$0x16280] =	vst v18;
	s2 =	sor.u32 $0x80, s15  }
0x38e: {  	s17 =	sadd.s32 $0x10, s1;
	s18 =	sadd.s32 $0x20, s1;
	s1 =	sor.u32 $0x80, s1;
	[tilespmem:s2+$0x12280] =	vst v59  }
0x38f: {  	v17 =	vld.idx.msk [tilespmem:v17+s16+$0x0], $0xffff;
	s4 =	sor.u32 $0x80, s17;
	[tilespmem:s1+$0x12280] =	vst v61  }
0x390: {  	s5 =	sor.u32 $0x80, s18;
	v19 =	vld.idx.msk [tilespmem:v53+s16+$0x0], $0xffff;
	[tilespmem:s4+$0x12280] =	vst v24  }
0x391: {  	[tilespmem:s5+$0x12280] =	vst v60;
	v62 =	vld.idx.msk [tilespmem:v23+s16+$0x0], $0xffff  }
0x392: {  	s13 =	sld [smem:$0x7EA];
	_ =	sdelay $0x1  }
0x393: {  	v63 =	vld.idx.msk [tilespmem:v26+s16+$0x0], $0xffff;
	[tilespmem:s0+$0x16280] =	vst v17  }
0x394: {  	v18 =	vld.idx.msk [tilespmem:v58+s16+$0x0], $0xffff;
	[tilespmem:s2+$0x16280] =	vst v19;
	s19 =	sshll.u32 s13, $0x9;
	s20 =	sshll.u32 s13, $0xF  }
0x395: {  	s21 =	sand.u32 $0x200, s19;
	s26 =	sand.u32 $0x70000, s20;
	[tilespmem:s4+$0x16280] =	vst v62  }
0x396: {  	s0 =	sor.u32 s26, s21;
	s2 =	rddreg [dreg:$0x13]  }
0x397: {  	p0 =	seq.s32 s13, $0xF;
	s0 =	sor.u32 s2, s0  }
.Ltmp22:
0x398: {  	s18 =	rddreg [dreg:$0x3];
	[tilespmem:s5+$0x16280] =	vst v63;
	s0 =	sshrl.u32 s0, $0x3;
	(pc) =	sbr.rel @p0 .LBB2_43-.Ltmp22, $4  }
0x399: {  	s29 =	simm.s32 $0x12280;
	[tilespmem:s1+$0x16280] =	vst v18;
	s0 =	sadd.s32 s18, s0  }
0x39a: {  	[hbm4b:s0+s8] =	stream.strided.scatter [tilespmem:s29], [sflag:$0x3], $0x4000, s14, s8, $0x38;
	[tilespmem:$0x1A280] =	vst v63  }
0x39b: {  	s7 =	rddreg [dreg:$0x0];
	s30 =	simm.s32 $0x16280;
	s0 =	sadd.s32 $0x20, s0  }
0x39c: {  	[hbm4b:s0+s8] =	stream.strided.scatter [tilespmem:s30], [sflag:$0x4], $0x4000, s14, s8, $0x38;
	[tilespmem:$0x1A280] =	vst v63  }
0x39d: {  	s4 =	sld [smem:$0x7EB];
	_ =	sdelay $0x2  }
0x39e: {  	s0 =	sadd.s32 $0x4, s4  }
0x39f: {  	s1 =	sshll.u32 s0, $0xD  }
0x3a0: {  	s0 =	sshll.u32 s0, $0x7;
	s1 =	sand.u32 $0xF0000, s1  }
0x3a1: {  	s0 =	sand.u32 $0x200, s0;
	s1 =	sadd.s32 s2, s1  }
0x3a2: {  	s0 =	sor.u32 s0, s1  }
0x3a3: {  	s29 =	sadd.s32 $0x6, s4;
	s0 =	sshrl.u32 s0, $0x3  }
0x3a4: {  	s30 =	sshll.u32 s29, $0xD;
	s0 =	sadd.s32 s7, s0  }
0x3a5: {  	[tilespmem:s12], [sflag:$0x1] =	stream.strided.gather [hbm4b:s0+s8], $0x4000, s14, s8, $0x38;
	[tilespmem:$0x1A280] =	vst v63  }
0x3a6: {  	s1 =	sand.u32 $0xF0000, s30;
	s0 =	sshll.u32 s29, $0x7  }
.Ltmp23:
0x3a7: {  	s1 =	sadd.s32 s2, s1;
	s0 =	sand.u32 $0x300, s0;
	(pc) =	sbr.rel .LBB2_36-.Ltmp23, $4  }
0x3a8: {  	s0 =	sor.u32 s0, s1  }
0x3a9: {  	s0 =	sshrl.u32 s0, $0x3  }
0x3aa: {  	s13 =	sadd.s32 $0x1, s13;
	s0 =	sadd.s32 s7, s0  }
0x3ab: {  	[tilespmem:s16], [sflag:$0x2] =	stream.strided.gather [hbm4b:s0+s8], $0x4000, s14, s8, $0x38;
	[tilespmem:$0x1A280] =	vst v63  }
.LBB2_40:
0x3ac: {  	s0 =	rddreg [dreg:$0xb]  }
0x3ad: {  	s2 =	simm.s32 $0x80;
	s4 =	simm.s32 $0x2000;
	s1 =	simm.s32 $0x5  }
0x3ae: {  	[tilespmem:s4], [sflag:$0x5] =	stream.strided.gather [hbm4b:s0+s2], $0x2000, s14, s2, $0x38;
	[tilespmem:$0x1A280] =	vst v63  }
0x3af: {  	_ =	swait.ge [sflag:s1], $0x2000  }
0x3b0: {  	[sflag:s1] =	ssyncset.done $0x0  }
0x3b1: {  	s13 =	rddreg [dreg:$0xa];
	[sflag:s1] =	ssyncadd.s32 $0xFFFFE000  }
0x3b2: {  	[hbm4b:s13+s2] =	stream.strided.scatter [tilespmem:s4], [sflag:$0x5], $0x2000, s14, s2, $0x38;
	[tilespmem:$0x1A280] =	vst v63  }
0x3b3: {  	_ =	swait.ge [sflag:s1], $0x2000  }
0x3b4: {  	[sflag:s1] =	ssyncset.done $0x0  }
0x3b5: {  	s15 =	rddreg [dreg:$0x1e];
	[sflag:s1] =	ssyncadd.s32 $0xFFFFE000  }
0x3b6: {  	[tilespmem:s12], [sflag:$0x1] =	stream.strided.gather [hbm4b:s15+s8], $0x4000, s14, s8, $0x38;
	[tilespmem:$0x1A280] =	vst v63  }
0x3b7: {  	s17 =	rddreg [dreg:$0x18]  }
0x3b8: {  	[tilespmem:s16], [sflag:$0x2] =	stream.strided.gather [hbm4b:s17+s8], $0x4000, s14, s8, $0x38;
	[tilespmem:$0x1A280] =	vst v63  }
0x3b9: {  	s19 =	simm.s32 $0x0;
	s20 =	simm.s32 $0x0;
	_ =	swait.ge [sflag:s22], $0x4000  }
0x3ba: {  	s0 =	sand.u32 $0x70000, s19;
	s1 =	sand.u32 $0x200, s20;
	[sflag:s22] =	ssyncset.done $0x0  }
0x3bb: {  	s0 =	sor.u32 s0, s1;
	s9 =	rddreg [dreg:$0x13];
	[sflag:s22] =	ssyncadd.s32 $0xFFFFC000  }
0x3bc: {  	s0 =	sor.u32 s9, s0;
	_ =	swait.ge [sflag:s23], $0x4000  }
0x3bd: {  	s0 =	sshrl.u32 s0, $0x3;
	[sflag:s23] =	ssyncset.done $0x0  }
0x3be: {  	s0 =	sadd.s32 s18, s0;
	[sflag:s23] =	ssyncadd.s32 $0xFFFFC000  }
0x3bf: {  	[hbm4b:s0+s8] =	stream.strided.scatter [tilespmem:s12], [sflag:$0x3], $0x4000, s14, s8, $0x38;
	[tilespmem:$0x1A280] =	vst v63  }
0x3c0: {  	s21 =	simm.s32 $0x300;
	s26 =	simm.s32 $0x200;
	s0 =	sadd.s32 $0x20, s0  }
0x3c1: {  	[hbm4b:s0+s8] =	stream.strided.scatter [tilespmem:s16], [sflag:$0x4], $0x4000, s14, s8, $0x38;
	[tilespmem:$0x1A280] =	vst v63  }
0x3c2: {  	s5 =	simm.s32 $0xC000;
	s0 =	simm.s32 $0x8000;
	_ =	swait.ge [sflag:s24], $0x4000  }
0x3c3: {  	s30 =	sand.u32 $0xF0000, s5;
	s29 =	sand.u32 $0xF0000, s0;
	[sflag:s24] =	ssyncset.done $0x0  }
0x3c4: {  	s2 =	sand.u32 $0x200, s26;
	s4 =	sadd.s32 s9, s29;
	[sflag:s24] =	ssyncadd.s32 $0xFFFFC000  }
0x3c5: {  	s1 =	sand.u32 $0x300, s21;
	s2 =	sor.u32 s2, s4;
	_ =	swait.ge [sflag:s25], $0x4000  }
0x3c6: {  	s4 =	sadd.s32 s9, s30;
	s2 =	sshrl.u32 s2, $0x3;
	[sflag:s25] =	ssyncset.done $0x0  }
0x3c7: {  	s1 =	sor.u32 s1, s4;
	s2 =	sadd.s32 s7, s2;
	[sflag:s25] =	ssyncadd.s32 $0xFFFFC000  }
0x3c8: {  	[tilespmem:s12], [sflag:$0x1] =	stream.strided.gather [hbm4b:s2+s8], $0x4000, s14, s8, $0x38;
	[tilespmem:$0x1A280] =	vst v63  }
0x3c9: {  	s4 =	sshrl.u32 s1, $0x3;
	s2 =	simm.s32 $0x500  }
.LBB2_41:
0x3ca: {  	s1 =	sadd.s32 $0xFFFFFD00, s2  }
0x3cb: {  	s4 =	sadd.s32 s7, s4;
	s5 =	smov.u32 s2;
	s6 =	sadd.s32 $0x200, s2  }
0x3cc: {  	[tilespmem:s16], [sflag:$0x2] =	stream.strided.gather [hbm4b:s4+s8], $0x4000, s14, s8, $0x38;
	[tilespmem:$0x1A280] =	vst v63  }
0x3cd: {  	s1 =	sand.u32 $0x200, s1;
	s4 =	sand.u32 $0x70000, s0;
	_ =	swait.ge [sflag:s22], $0x4000  }
0x3ce: {  	p0 =	sne.s32 s2, $0x1F00;
	s1 =	sor.u32 s4, s1;
	[sflag:s22] =	ssyncset.done $0x0  }
0x3cf: {  	s1 =	sor.u32 s9, s1;
	[sflag:s22] =	ssyncadd.s32 $0xFFFFC000  }
0x3d0: {  	s1 =	sshrl.u32 s1, $0x3;
	_ =	swait.ge [sflag:s23], $0x4000  }
0x3d1: {  	s1 =	sadd.s32 s18, s1;
	[sflag:s23] =	ssyncset.done $0x0  }
0x3d2: {  	s2 =	sadd.s32 $0xFFFFFF00, s5;
	s4 =	sand.u32 $0x300, s5;
	[sflag:s23] =	ssyncadd.s32 $0xFFFFC000  }
0x3d3: {  	[hbm4b:s1+s8] =	stream.strided.scatter [tilespmem:s12], [sflag:$0x3], $0x4000, s14, s8, $0x38;
	[tilespmem:$0x1A280] =	vst v63  }
0x3d4: {  	s5 =	sadd.s32 $0xC000, s0;
	s0 =	sadd.s32 $0x8000, s0;
	s1 =	sadd.s32 $0x20, s1  }
0x3d5: {  	[hbm4b:s1+s8] =	stream.strided.scatter [tilespmem:s16], [sflag:$0x4], $0x4000, s14, s8, $0x38;
	[tilespmem:$0x1A280] =	vst v63  }
0x3d6: {  	s5 =	sand.u32 $0xF0000, s5;
	s1 =	sand.u32 $0xF0000, s0;
	_ =	swait.ge [sflag:s24], $0x4000  }
0x3d7: {  	s2 =	sand.u32 $0x200, s2;
	s1 =	sadd.s32 s9, s1;
	[sflag:s24] =	ssyncset.done $0x0  }
.Ltmp24:
0x3d8: {  	s1 =	sor.u32 s2, s1;
	[sflag:s24] =	ssyncadd.s32 $0xFFFFC000;
	(pc) =	sbr.rel @p0 .LBB2_41-.Ltmp24, $4  }
0x3d9: {  	s2 =	sadd.s32 s9, s5;
	s1 =	sshrl.u32 s1, $0x3;
	_ =	swait.ge [sflag:s25], $0x4000  }
0x3da: {  	s2 =	sor.u32 s4, s2;
	s1 =	sadd.s32 s7, s1;
	[sflag:s25] =	ssyncset.done $0x0  }
0x3db: {  	s4 =	sshrl.u32 s2, $0x3;
	s2 =	smov.u32 s6;
	[sflag:s25] =	ssyncadd.s32 $0xFFFFC000  }
0x3dc: {  	[tilespmem:s12], [sflag:$0x1] =	stream.strided.gather [hbm4b:s1+s8], $0x4000, s14, s8, $0x38;
	[tilespmem:$0x1A280] =	vst v63  }
0x3dd: {  	s0 =	sadd.s32 s7, s4  }
0x3de: {  	[tilespmem:s16], [sflag:$0x2] =	stream.strided.gather [hbm4b:s0+s8], $0x4000, s14, s8, $0x38;
	[tilespmem:$0x1A280] =	vst v63  }
0x3df: {  	_ =	swait.ge [sflag:s22], $0x4000  }
0x3e0: {  	[sflag:s22] =	ssyncset.done $0x0  }
0x3e1: {  	[sflag:s22] =	ssyncadd.s32 $0xFFFFC000  }
0x3e2: {  	_ =	swait.ge [sflag:s23], $0x4000  }
0x3e3: {  	[sflag:s23] =	ssyncset.done $0x0;
	s29 =	rddreg [dreg:$0x1f]  }
0x3e4: {  	s30 =	sld [smem:$0x7EF];
	[sflag:s23] =	ssyncadd.s32 $0xFFFFC000  }
0x3e5: {  	[hbm4b:s29+s8] =	stream.strided.scatter [tilespmem:s12], [sflag:$0x3], $0x4000, s14, s8, $0x38;
	[tilespmem:$0x1A280] =	vst v63  }
0x3e6: {  	_ = 	snop  }
0x3e7: {  	[hbm4b:s30+s8] =	stream.strided.scatter [tilespmem:s16], [sflag:$0x4], $0x4000, s14, s8, $0x38;
	[tilespmem:$0x1A280] =	vst v63  }
.LBB2_43:
0x3e8: {  	_ =	swait.ge [sflag:s24], $0x4000  }
0x3e9: {  	[sflag:s24] =	ssyncset.done $0x0  }
0x3ea: {  	[sflag:s24] =	ssyncadd.s32 $0xFFFFC000  }
0x3eb: {  	_ =	swait.ge [sflag:s25], $0x4000  }
0x3ec: {  	s0 =	sld [smem:$0x7F8]  }
0x3ed: {  	[sflag:s25] =	ssyncset.done $0x0  }
0x3ee: {  	[sflag:s25] =	ssyncadd.s32 $0xFFFFC000  }
0x3ef: {  	v17 =	vld [tilespmem:s0+$0xA000];
	_ =	sdelay $0x4  }
0x3f0: {  	v17 =	vnsel vm0, $0x0, v17  }
0x3f1: {  	(xrf0) =	vmax.scan.msk.f32 $0xffff, v17;
	_ =	sdelay $0x5  }
0x3f2: {  	v17, _, _ =	vpop (xrf0)  }
0x3f3: {  	(v2sf) =	vpush v17, $0xF;
	_ =	sdelay $0xe  }
0x3f4: {  	s30 =	spop (v2sf)  }
0x3f5: {  	p0 =	slt.f32 s30, $0.0e+00;
	p1 =	sgt.f32 s30, $0.0e+00  }
0x3f6: {  	_ = 	snop  }
0x3f7: {  	p0 =	por p1, p0  }
0x3f8: {  	p0 =	por !p0, !p0  }
.Ltmp25:
0x3f9: {  	_ = 	snop;
	(pc) =	sbr.rel @p0 .LBB2_60-.Ltmp25, $1  }
0x3fa: {  	_ =	sdelay $0x3  }
0x3fb: {  	s0 =	simm.s32 $0x0  }
0x3fc: {  	s1 =	rddreg [dreg:$0xc];
	s4 =	simm.s32 $0x80;
	s2 =	simm.s32 $0x5  }
0x3fd: {  	[tilespmem:s0], [sflag:$0x5] =	stream.strided.gather [hbm4b:s1+s4], $0x2000, s14, s4, $0x38;
	[tilespmem:$0x1A280] =	vst v63  }
0x3fe: {  	_ =	swait.ge [sflag:s2], $0x2000  }
0x3ff: {  	s5 =	simm.s32 $0x4000;
	[sflag:s2] =	ssyncset.done $0x0  }
0x400: {  	s30 =	simm.s32 $0x30;
	s20 =	rddreg [dreg:$0xd];
	[sflag:s2] =	ssyncadd.s32 $0xFFFFE000  }
0x401: {  	[hbm4b:s20+s4] =	stream.strided.scatter [tilespmem:s5], [sflag:$0x5], $0x2000, s14, s4, $0x38;
	[tilespmem:$0x1A280] =	vst v63  }
0x402: {  	s29 =	simm.s32 $0x20;
	v21 =	vadd.s32 s30, v15;
	_ =	swait.ge [sflag:s2], $0x2000  }
0x403: {  	s26 =	simm.s32 $0x10;
	v20 =	vadd.s32 s29, v15;
	vm3 =	vgt.s32 v21, $0x0;
	[sflag:s2] =	ssyncset.done $0x0  }
0x404: {  	s21 =	simm.s32 $0x20;
	v17 =	vadd.s32 s26, v15;
	vm2 =	vgt.s32 v20, $0x0;
	v21 =	vnsel vm3, $0x0, v21;
	[sflag:s2] =	ssyncadd.s32 $0xFFFFE000  }
0x405: {  	vm1 =	vgt.s32 v17, $0x0;
	v20 =	vnsel vm2, $0x0, v20;
	v18 =	vld [tilespmem:s21+$0x0]  }
0x406: {  	v24 =	vnsel vm1, $0x0, v17;
	v19 =	vld [tilespmem:s21+$0xFFFFFFE0]  }
0x407: {  	v22 =	vld [tilespmem:s21+$0x10]  }
0x408: {  	v23 =	vld [tilespmem:s21+$0xFFFFFFF0]  }
0x409: {  	v21 =	vld.idx.msk [tilespmem:v21+s3+$0x0], $0xffff  }
0x40a: {  	v20 =	vld.idx.msk [tilespmem:v20+s3+$0x0], $0xffff  }
0x40b: {  	v25 =	vmov s30;
	v26 =	vor.u32 s30, v6;
	v27 =	vor.u32 s0, v6;
	v24 =	vld.idx.msk [tilespmem:v24+s3+$0x0], $0xffff  }
0x40c: {  	v17 =	vor.u32 s26, v6;
	vm2 =	veq.s32 v25, v16;
	v25 =	vmov s0  }
0x40d: {  	vm3 =	veq.s32 v25, v0;
	v28 =	vmul.f32 $8.192000000e+03, v18;
	v19 =	vmul.f32 $8.192000000e+03, v19  }
0x40e: {  	v18 =	vcvt.s32.f32 v27;
	v27 =	vadd.s32 s0, v15;
	v22 =	vmul.f32 $8.192000000e+03, v22  }
0x40f: {  	v23 =	vmul.f32 $8.192000000e+03, v23;
	v20 =	vmul.f32 $8.192000000e+03, v20;
	v28 =	vadd.f32 $-5.000000000e-01, v28  }
0x410: {  	v21 =	vmul.f32 $8.192000000e+03, v21;
	v24 =	vmul.f32 $8.192000000e+03, v24;
	vm1 =	vgt.s32 v27, $0x0  }
0x411: {  	v19 =	vadd.f32 $-5.000000000e-01, v19;
	v27 =	vnsel vm1, $0x0, v27;
	v29 =	vtrunc.f32 v28  }
0x412: {  	v22 =	vadd.f32 $-5.000000000e-01, v22;
	v23 =	vadd.f32 $-5.000000000e-01, v23;
	v25 =	vcvt.f32.s32 v29  }
0x413: {  	v20 =	vadd.f32 $-5.000000000e-01, v20;
	v21 =	vadd.f32 $-5.000000000e-01, v21;
	v61 =	vtrunc.f32 v19  }
0x414: {  	vm5 =	vlt.f32 v19, $0.0e+00;
	v19 =	vtrunc.f32 v22;
	v25 =	vadd.s32 $0x1, v25  }
0x415: {  	vm1 =	vlt.f32 v23, $0.0e+00;
	vm7 =	vlt.f32 v22, $0.0e+00;
	vm6 =	vlt.s32 v25, $0x2000  }
0x416: {  	v22 =	vtrunc.f32 v23;
	v19 =	vcvt.f32.s32 v19;
	v23 =	vnsel vm6, $0x2000, v25;
	v25 =	vld.idx.msk [tilespmem:v27+s3+$0x0], $0xffff  }
0x417: {  	vm4 =	vlt.f32 v28, $0.0e+00;
	v63 =	vtrunc.f32 v21;
	v22 =	vcvt.f32.s32 v22  }
0x418: {  	vm10 =	vlt.f32 v21, $0.0e+00;
	v29 =	vcvt.f32.s32 v61;
	v19 =	vadd.s32 $0x1, v19  }
0x419: {  	v62 =	vadd.s32 $0x1, v22;
	v22 =	vadd.f32 $-5.000000000e-01, v24;
	v24 =	vtrunc.f32 v20  }
0x41a: {  	v24 =	vcvt.f32.s32 v24;
	v27 =	vadd.s32 $0x1, v29;
	v29 =	vcvt.f32.s32 v63  }
0x41b: {  	vm6 =	vlt.s32 v19, $0x2000;
	v30 =	vtrunc.f32 v22;
	v25 =	vmul.f32 $8.192000000e+03, v25  }
0x41c: {  	vm9 =	vlt.f32 v22, $0.0e+00;
	vm8 =	vlt.s32 v27, $0x2000;
	v19 =	vnsel vm6, $0x2000, v19  }
0x41d: {  	vm6 =	vlt.f32 v20, $0.0e+00;
	v23 =	vsel vm4, $0x0, v23;
	v20 =	vadd.f32 $-5.000000000e-01, v25  }
0x41e: {  	v19 =	vsel vm7, $0x0, v19;
	vm7 =	vlt.s32 v62, $0x2000;
	v21 =	vnsel vm8, $0x2000, v27  }
0x41f: {  	v19 =	vsel vm2, $0x2000, v19;
	v25 =	vadd.s32 $0x1, v29;
	v22 =	vtrunc.f32 v20  }
0x420: {  	v27 =	vnsel vm7, $0x2000, v62;
	vm11 =	vlt.s32 v25, $0x2000;
	v22 =	vcvt.f32.s32 v22  }
0x421: {  	v25 =	vnsel vm11, $0x2000, v25;
	vm14 =	vlt.f32 v20, $0.0e+00;
	v20 =	vsel vm5, $0x0, v21  }
0x422: {  	v21 =	vadd.s32 $0x1, v24;
	v24 =	vsel vm10, $0x0, v25;
	v22 =	vadd.s32 $0x1, v22  }
0x423: {  	vm2 =	vmor vm3, vm14;
	v25 =	vcvt.f32.s32 v30;
	vm3 =	vlt.s32 v22, $0x2000  }
0x424: {  	vm5 =	vlt.s32 v21, $0x2000;
	vm15 =	vlt.s32 v24, $0x1FFF;
	v22 =	vnsel vm3, $0x2000, v22  }
0x425: {  	v21 =	vnsel vm5, $0x2000, v21;
	v25 =	vadd.s32 $0x1, v25;
	v22 =	vsel vm2, $0x0, v22  }
0x426: {  	v21 =	vsel vm6, $0x0, v21;
	vm2 =	vgt.s32 v20, v22;
	vm3 =	vlt.s32 v22, $0x1FFF  }
0x427: {  	vm4 =	vlt.s32 v25, $0x2000;
	vm5 =	vlt.s32 v21, $0x1FFF;
	v22 =	vnsel vm3, $0x1FFF, v22  }
0x428: {  	v20 =	vnsel vm4, $0x2000, v25;
	vm4 =	vgt.s32 v19, v24;
	v19 =	vcvt.s32.f32 v26  }
0x429: {  	v25 =	vsel vm9, $0x0, v20;
	vm3 =	vgt.s32 v23, v21;
	v23 =	vsel vm1, $0x0, v27  }
0x42a: {  	v20 =	vnsel vm15, $0x1FFF, v24;
	vm1 =	vgt.s32 v23, v25;
	vm6 =	vlt.s32 v25, $0x1FFF  }
0x42b: {  	s4 =	simm.s32 $0x60;
	s2 =	simm.s32 $0x40;
	s0 =	simm.s32 $0x2020;
	v21 =	vnsel vm5, $0x1FFF, v21;
	v24 =	vor.u32 s29, v6;
	v23 =	vnsel vm6, $0x1FFF, v25  }
.LBB2_45:
0x42c: {  	s1 =	sadd.s32 $0x10, s2;
	s5 =	sadd.s32 $0x20, s2;
	v25 =	vld [tilespmem:s4+$0x0];
	s6 =	sadd.s32 $0x30, s2;
	[tilespmem:v22+s28+$0x0] =	vst.idx.msk vm2, v18;
	v18 =	vcvt.s32.f32 v17;
	v22 =	vcvt.s32.f32 v24  }
0x42d: {  	p0 =	slt.u32 s2, $0x1FC0;
	s7 =	smov.u32 s2;
	s2 =	sadd.s32 $0x40, s2;
	v24 =	vld [tilespmem:s4+$0xFFFFFFE0];
	v17 =	vadd.s32 s1, v15;
	v26 =	vadd.s32 s5, v15;
	v27 =	vadd.s32 s6, v15  }
0x42e: {  	vm2 =	vgt.s32 v17, $0x0;
	vm5 =	vgt.s32 v26, $0x0;
	v28 =	vld [tilespmem:s4+$0x10];
	vm6 =	vgt.s32 v27, $0x0  }
0x42f: {  	v29 =	vld [tilespmem:s4+$0xFFFFFFF0];
	v30 =	vnsel vm2, $0x0, v17;
	v26 =	vnsel vm5, $0x0, v26;
	v27 =	vnsel vm6, $0x0, v27;
	[tilespmem:v20+s28+$0x0] =	vst.idx.msk vm4, v19  }
0x430: {  	v17 =	vor.u32 s1, v6;
	v20 =	vmov s6;
	v19 =	vor.u32 s6, v6;
	[tilespmem:v23+s28+$0x0] =	vst.idx.msk vm1, v18  }
0x431: {  	v18 =	vor.u32 s7, v6;
	vm2 =	veq.s32 v20, v16;
	v23 =	vmul.f32 $8.192000000e+03, v25;
	[tilespmem:v21+s28+$0x0] =	vst.idx.msk vm3, v22  }
0x432: {  	v20 =	vmov s7;
	v18 =	vcvt.s32.f32 v18;
	v21 =	vmul.f32 $8.192000000e+03, v24  }
0x433: {  	v22 =	vadd.s32 s7, v15;
	v23 =	vadd.f32 $-5.000000000e-01, v23;
	v24 =	vmul.f32 $8.192000000e+03, v28  }
0x434: {  	vm1 =	vgt.s32 v22, $0x0;
	v21 =	vadd.f32 $-5.000000000e-01, v21;
	v25 =	vmul.f32 $8.192000000e+03, v29;
	v27 =	vld.idx.msk [tilespmem:v27+s3+$0x0], $0xffff  }
0x435: {  	v22 =	vnsel vm1, $0x0, v22;
	v26 =	vld.idx.msk [tilespmem:v26+s3+$0x0], $0xffff;
	v28 =	vtrunc.f32 v23;
	v24 =	vadd.f32 $-5.000000000e-01, v24  }
0x436: {  	vm3 =	veq.s32 v20, v0;
	v20 =	vld.idx.msk [tilespmem:v30+s3+$0x0], $0xffff;
	v25 =	vadd.f32 $-5.000000000e-01, v25;
	v28 =	vcvt.f32.s32 v28  }
0x437: {  	v29 =	vtrunc.f32 v21;
	vm4 =	vlt.f32 v21, $0.0e+00;
	v21 =	vtrunc.f32 v24  }
0x438: {  	v29 =	vcvt.f32.s32 v29;
	vm1 =	vlt.f32 v25, $0.0e+00;
	v28 =	vadd.s32 $0x1, v28  }
0x439: {  	vm7 =	vlt.f32 v24, $0.0e+00;
	v21 =	vcvt.f32.s32 v21;
	vm6 =	vlt.s32 v28, $0x2000  }
0x43a: {  	vm5 =	vlt.f32 v23, $0.0e+00;
	v24 =	vtrunc.f32 v25;
	v22 =	vld.idx.msk [tilespmem:v22+s3+$0x0], $0xffff;
	v23 =	vnsel vm6, $0x2000, v28  }
0x43b: {  	v25 =	vmul.f32 $8.192000000e+03, v26;
	v21 =	vadd.s32 $0x1, v21;
	v26 =	vmul.f32 $8.192000000e+03, v27  }
0x43c: {  	v24 =	vcvt.f32.s32 v24;
	v27 =	vadd.s32 $0x1, v29;
	v20 =	vmul.f32 $8.192000000e+03, v20  }
0x43d: {  	vm6 =	vlt.s32 v21, $0x2000;
	v25 =	vadd.f32 $-5.000000000e-01, v25;
	v26 =	vadd.f32 $-5.000000000e-01, v26  }
0x43e: {  	vm9 =	vlt.s32 v27, $0x2000;
	v24 =	vadd.s32 $0x1, v24;
	v20 =	vadd.f32 $-5.000000000e-01, v20  }
0x43f: {  	v21 =	vnsel vm6, $0x2000, v21;
	v28 =	vtrunc.f32 v25;
	v29 =	vtrunc.f32 v26  }
0x440: {  	v21 =	vsel vm7, $0x0, v21;
	v22 =	vmul.f32 $8.192000000e+03, v22;
	v29 =	vcvt.f32.s32 v29  }
0x441: {  	vm8 =	vlt.f32 v25, $0.0e+00;
	v30 =	vtrunc.f32 v20;
	v28 =	vcvt.f32.s32 v28  }
0x442: {  	vm6 =	vlt.s32 v24, $0x2000;
	v22 =	vadd.f32 $-5.000000000e-01, v22;
	v25 =	vadd.s32 $0x1, v29  }
0x443: {  	vm10 =	vlt.f32 v26, $0.0e+00;
	vm7 =	vlt.f32 v20, $0.0e+00;
	vm11 =	vlt.s32 v25, $0x2000  }
0x444: {  	v20 =	vnsel vm9, $0x2000, v27;
	v26 =	vtrunc.f32 v22;
	v25 =	vnsel vm11, $0x2000, v25  }
0x445: {  	v21 =	vsel vm2, $0x2000, v21;
	vm9 =	vlt.f32 v22, $0.0e+00;
	v26 =	vcvt.f32.s32 v26  }
0x446: {  	v20 =	vsel vm4, $0x0, v20;
	v22 =	vadd.s32 $0x1, v28;
	v25 =	vsel vm10, $0x0, v25  }
0x447: {  	v27 =	vcvt.f32.s32 v30;
	vm2 =	vmor vm3, vm9;
	v26 =	vadd.s32 $0x1, v26  }
0x448: {  	vm4 =	vlt.s32 v22, $0x2000;
	vm9 =	vlt.s32 v25, $0x1FFF;
	vm3 =	vlt.s32 v26, $0x2000  }
0x449: {  	v23 =	vsel vm5, $0x0, v23;
	v22 =	vnsel vm4, $0x2000, v22;
	v26 =	vnsel vm3, $0x2000, v26  }
0x44a: {  	v27 =	vadd.s32 $0x1, v27;
	v28 =	vsel vm8, $0x0, v22;
	v26 =	vsel vm2, $0x0, v26  }
0x44b: {  	vm4 =	vlt.s32 v27, $0x2000;
	vm2 =	vgt.s32 v20, v26;
	vm3 =	vlt.s32 v26, $0x1FFF  }
.Ltmp26:
0x44c: {  	v24 =	vnsel vm6, $0x2000, v24;
	v20 =	vnsel vm4, $0x2000, v27;
	v22 =	vnsel vm3, $0x1FFF, v26;
	(pc) =	sbr.rel @p0 .LBB2_45-.Ltmp26, $4  }
0x44d: {  	v26 =	vsel vm7, $0x0, v20;
	vm3 =	vgt.s32 v23, v28;
	v20 =	vnsel vm9, $0x1FFF, v25  }
0x44e: {  	vm5 =	vlt.s32 v28, $0x1FFF;
	vm4 =	vgt.s32 v21, v25;
	v23 =	vsel vm1, $0x0, v24  }
0x44f: {  	s6 =	simm.s32 $0x6020;
	v21 =	vnsel vm5, $0x1FFF, v28;
	vm1 =	vgt.s32 v23, v26;
	vm6 =	vlt.s32 v26, $0x1FFF  }
0x450: {  	s4 =	sadd.s32 $0x40, s4;
	v19 =	vcvt.s32.f32 v19;
	v24 =	vor.u32 s5, v6;
	s5 =	simm.s32 $0x3;
	v23 =	vnsel vm6, $0x1FFF, v26  }
0x451: {  	_ =	sdelay $0x4  }
0x452: {  	[tilespmem:v22+s28+$0x0] =	vst.idx.msk vm2, v18;
	v17 =	vcvt.s32.f32 v17  }
0x453: {  	v18 =	vcvt.s32.f32 v24;
	[tilespmem:v20+s28+$0x0] =	vst.idx.msk vm4, v19  }
0x454: {  	[tilespmem:v23+s28+$0x0] =	vst.idx.msk vm1, v17  }
0x455: {  	[tilespmem:v21+s28+$0x0] =	vst.idx.msk vm3, v18  }
0x456: {  	v17 =	vld [tilespmem:s6+$0x10];
	_ =	sdelay $0x1  }
0x457: {  	v18 =	vld [tilespmem:s6+$0xFFFFFFE0]  }
0x458: {  	v19 =	vld [tilespmem:s6+$0xFFFFFFF0];
	_ =	sdelay $0x1  }
0x459: {  	(xrf0) =	vmax.scan.msk.f32 $0xffff, v17  }
0x45a: {  	v17 =	vld [tilespmem:s6+$0x0]  }
0x45b: {  	(xrf0) =	vmax.scan.msk.f32 $0xffff, v18  }
0x45c: {  	(xrf0) =	vmax.scan.msk.f32 $0xffff, v19;
	_ =	sdelay $0x1  }
0x45d: {  	s1 =	simm.s32 $0x6060  }
0x45e: {  	v18 =	vld [tilespmem:s1+$0x10];
	(xrf0) =	vmax.scan.msk.f32 $0xffff, v17;
	v19, _, _ =	vpop (xrf0)  }
0x45f: {  	v17 =	vld [tilespmem:s1+$0xFFFFFFE0];
	(xrf0) =	vmax.scan.msk.f32 $0xffff, v19  }
0x460: {  	v20 =	vld [tilespmem:s1+$0xFFFFFFF0];
	v24, _, _ =	vpop (xrf0)  }
0x461: {  	(xrf0) =	vmax.scan.msk.f32 $0xffff, v24;
	v26, _, _ =	vpop (xrf0)  }
0x462: {  	v21 =	vld [tilespmem:s1+$0x0];
	(xrf0) =	vmax.scan.msk.f32 $0xffff, v26  }
0x463: {  	(xrf0) =	vmax.scan.msk.f32 $0xffff, v18  }
0x464: {  	(xrf0) =	vmax.scan.msk.f32 $0xffff, v17;
	v27, _, _ =	vpop (xrf0)  }
0x465: {  	(xrf0) =	vmax.scan.msk.f32 $0xffff, v20;
	v17, _, _ =	vpop (xrf0)  }
0x466: {  	v17 =	vadd.f32 $0.0e+00, v17  }
0x467: {  	s26 =	simm.s32 $0x60A0;
	(xrf0) =	vmax.scan.msk.f32 $0xffff, v21;
	v21, _, _ =	vpop (xrf0)  }
0x468: {  	s2 =	simm.s32 $0x0;
	v23 =	vld [tilespmem:s26+$0x10];
	v18 =	vmov s5;
	(xrf0) =	vmax.scan.msk.f32 $0xffff, v27;
	v22, _, _ =	vpop (xrf0)  }
0x469: {  	s4 =	simm.s32 $0x1;
	v25 =	vmov s2;
	v28 =	vld [tilespmem:s26+$0xFFFFFFE0];
	v20, _, _ =	vpop (xrf0)  }
0x46a: {  	s29 =	simm.s32 $0x2;
	v29 =	vmov s4;
	v31 =	vld [tilespmem:s26+$0xFFFFFFF0];
	[tilespmem:s0+$0x10] =	vst v19;
	v30 =	vbroadcast v17, $0xF;
	v17, _, _ =	vpop (xrf0);
	(xrf0) =	vmax.scan.msk.f32 $0xffff, v20  }
0x46b: {  	v32 =	vmov s29;
	v25 =	vand.u32 $0xFFFFFFFC, v25;
	v33 =	vld [tilespmem:s26+$0x0];
	[tilespmem:s0+$0xFFFFFFE0] =	vst v24;
	(xrf0) =	vmax.scan.msk.f32 $0xffff, v17;
	v19, _, _ =	vpop (xrf0)  }
0x46c: {  	v29 =	vand.u32 $0xFFFFFFFD, v29;
	v25 =	vbroadcast v25, $0x0;
	[tilespmem:s0+$0xFFFFFFF0] =	vst v26;
	(xrf0) =	vmax.scan.msk.f32 $0xffff, v19  }
0x46d: {  	s2 =	simm.s32 $0x7;
	v26 =	vbroadcast v29, $0x0;
	v21 =	vadd.f32 $0.0e+00, v21;
	[tilespmem:v18+s31+$0x0] =	vst.idx.msk $0x1, v30;
	v18, _, _ =	vpop (xrf0);
	(xrf0) =	vmax.scan.msk.f32 $0xffff, v23  }
0x46e: {  	[tilespmem:s0+$0x0] =	vst v27;
	v27 =	vmov s2;
	v34 =	vadd.f32 $0.0e+00, v22;
	v30, _, _ =	vpop (xrf0);
	(xrf0) =	vmax.scan.msk.f32 $0xffff, v28  }
0x46f: {  	s30 =	simm.s32 $0x4;
	v22 =	vbroadcast v21, $0xF;
	v21 =	vand.u32 $0xFFFFFFFE, v32;
	v28 =	vadd.f32 $0.0e+00, v30;
	(xrf0) =	vmax.scan.msk.f32 $0xffff, v31  }
0x470: {  	s7 =	simm.s32 $0x5;
	v21 =	vbroadcast v21, $0x0;
	v23 =	vbroadcast v34, $0xF;
	v31 =	vmov s30;
	(xrf0) =	vmax.scan.msk.f32 $0xffff, v33;
	v29, _, _ =	vpop (xrf0)  }
0x471: {  	s4 =	simm.s32 $0x80;
	s6 =	simm.s32 $0x6;
	s5 =	simm.s32 $0x60E0;
	v24 =	vbroadcast v28, $0xF;
	v28 =	vmov s7;
	v29 =	vadd.f32 $0.0e+00, v29;
	v30, _, _ =	vpop (xrf0);
	(xrf0) =	vmax.scan.msk.f32 $0xffff, v18  }
.LBB2_47:
0x472: {  	v32 =	vld [tilespmem:s5+$0x10];
	s4 =	sadd.s32 $0x40, s4;
	v30 =	vadd.f32 $0.0e+00, v30;
	v31 =	vand.u32 $0xFFFFFFFC, v31;
	v33 =	vmov s6;
	v34, _, _ =	vpop (xrf0);
	[tilespmem:v25+s31+$0x0] =	vst.idx.msk $0x1, v22  }
0x473: {  	v28 =	vand.u32 $0xFFFFFFFD, v28;
	s0 =	sadd.s32 $0x40, s0;
	v35 =	vld [tilespmem:s5+$0xFFFFFFE0];
	p0 =	slt.u32 s4, $0x1FC0;
	v36, _, _ =	vpop (xrf0);
	v34 =	vadd.f32 $0.0e+00, v34;
	v29 =	vbroadcast v29, $0xF;
	[tilespmem:v26+s31+$0x0] =	vst.idx.msk $0x1, v23  }
0x474: {  	v37 =	vld [tilespmem:s5+$0xFFFFFFF0];
	v38, _, _ =	vpop (xrf0);
	(xrf0) =	vmax.scan.msk.f32 $0xffff, v36;
	v22 =	vbroadcast v30, $0xF;
	v30 =	vand.u32 $0xFFFFFFFE, v33;
	[tilespmem:s0+$0x10] =	vst v20  }
0x475: {  	v25 =	vbroadcast v31, $0x0;
	v33 =	vld [tilespmem:s5+$0x0];
	(xrf0) =	vmax.scan.msk.f32 $0xffff, v38;
	v39, _, _ =	vpop (xrf0);
	v23 =	vbroadcast v34, $0xF;
	[tilespmem:v27+s31+$0x0] =	vst.idx.msk $0x1, v29  }
0x476: {  	v26 =	vbroadcast v28, $0x0;
	v28 =	vbroadcast v30, $0x0;
	(xrf0) =	vmax.scan.msk.f32 $0xffff, v39;
	v27, _, _ =	vpop (xrf0);
	[tilespmem:s0+$0xFFFFFFF0] =	vst v19  }
.Ltmp27:
0x477: {  	v20 =	vmov v36;
	v19 =	vmov v39;
	(xrf0) =	vmax.scan.msk.f32 $0xffff, v32;
	v29, _, _ =	vpop (xrf0);
	[tilespmem:v21+s31+$0x0] =	vst.idx.msk $0x1, v24;
	(pc) =	sbr.rel @p0 .LBB2_47-.Ltmp27, $4  }
0x478: {  	v21 =	vmovc v28;
	(xrf0) =	vmax.scan.msk.f32 $0xffff, v35;
	[tilespmem:s0+$0xFFFFFFE0] =	vst v17;
	v24 =	vadd.f32 $0.0e+00, v29;
	v17 =	vmov v38  }
0x479: {  	s2 =	sadd.s32 $0x4, s2;
	(xrf0) =	vmax.scan.msk.f32 $0xffff, v37;
	[tilespmem:s0+$0x0] =	vst v18;
	v18 =	vmov v27  }
0x47a: {  	s1 =	sadd.s32 $0xFFFFFFFD, s2;
	s7 =	sadd.s32 $0xFFFFFFFE, s2;
	s6 =	sadd.s32 $0xFFFFFFFF, s2;
	v27 =	vmov s2;
	(xrf0) =	vmax.scan.msk.f32 $0xffff, v33;
	v29, _, _ =	vpop (xrf0);
	v24 =	vbroadcast v24, $0xF  }
0x47b: {  	v31 =	vmov s1;
	s5 =	sadd.s32 $0x40, s5;
	v28 =	vmov s7;
	v29 =	vadd.f32 $0.0e+00, v29;
	v30, _, _ =	vpop (xrf0);
	(xrf0) =	vmax.scan.msk.f32 $0xffff, v18  }
0x47c: {  	_ =	sdelay $0x1  }
0x47d: {  	v32, _, _ =	vpop (xrf0)  }
0x47e: {  	v33, _, _ =	vpop (xrf0)  }
0x47f: {  	[tilespmem:v25+s31+$0x0] =	vst.idx.msk $0x1, v22;
	(xrf0) =	vmax.scan.msk.f32 $0xffff, v33  }
0x480: {  	v42 =	vand.u32 $0xFFFFFFFC, v31;
	[tilespmem:v26+s31+$0x0] =	vst.idx.msk $0x1, v23  }
0x481: {  	s0 =	sadd.s32 $0x40, s0;
	[tilespmem:v21+s31+$0x0] =	vst.idx.msk $0x1, v24;
	v46 =	vbroadcast v42, $0x0;
	v45, _, _ =	vpop (xrf0)  }
0x482: {  	[tilespmem:s0+$0x10] =	vst v20;
	v48, _, _ =	vpop (xrf0)  }
0x483: {  	v44 =	vand.u32 $0xFFFFFFFD, v28;
	v47 =	vadd.f32 $0.0e+00, v30;
	v49 =	vmov s6;
	[tilespmem:s0+$0xFFFFFFF0] =	vst v19;
	v51, _, _ =	vpop (xrf0)  }
0x484: {  	s1 =	sadd.s32 $0x4, s2;
	v43 =	vbroadcast v29, $0xF;
	v23 =	vbroadcast v44, $0x0;
	[tilespmem:s0+$0xFFFFFFE0] =	vst v17;
	(xrf0) =	vmax.scan.msk.f32 $0xffff, v45;
	v53, _, _ =	vpop (xrf0)  }
0x485: {  	v17 =	vmov s1;
	[tilespmem:s0+$0x0] =	vst v18;
	s0 =	sadd.s32 $0x40, s0;
	v19 =	vbroadcast v47, $0xF;
	(xrf0) =	vmax.scan.msk.f32 $0xffff, v48;
	v55, _, _ =	vpop (xrf0)  }
0x486: {  	v52 =	vand.u32 $0xFFFFFFFE, v49;
	s2 =	sadd.s32 $0xFFFFFFFD, s1;
	s4 =	sadd.s32 $0xFFFFFFFE, s1;
	[tilespmem:s0+$0x10] =	vst v33;
	(xrf0) =	vmax.scan.msk.f32 $0xffff, v51;
	v18 =	vadd.f32 $0.0e+00, v55  }
0x487: {  	v22 =	vbroadcast v52, $0x0;
	v57 =	vmov s2;
	[tilespmem:v46+s31+$0x0] =	vst.idx.msk $0x1, v19;
	v19 =	vmov s4  }
0x488: {  	s1 =	sadd.s32 $0xFFFFFFFF, s1;
	[tilespmem:v27+s31+$0x0] =	vst.idx.msk $0x1, v43;
	v58 =	vand.u32 $0xFFFFFFFC, v57;
	v19 =	vand.u32 $0xFFFFFFFD, v19;
	v18 =	vbroadcast v18, $0xF  }
0x489: {  	v50 =	vadd.f32 $0.0e+00, v32;
	v59 =	vmov s1;
	[tilespmem:s0+$0xFFFFFFE0] =	vst v45;
	v20 =	vbroadcast v58, $0x0  }
0x48a: {  	v21 =	vand.u32 $0xFFFFFFFE, v59;
	v56 =	vadd.f32 $0.0e+00, v53;
	v61, _, _ =	vpop (xrf0);
	[tilespmem:v17+s31+$0x0] =	vst.idx.msk $0x1, v18;
	v17 =	vbroadcast v19, $0x0  }
0x48b: {  	v54 =	vbroadcast v50, $0xF;
	[tilespmem:s0+$0xFFFFFFF0] =	vst v48;
	v21 =	vbroadcast v21, $0x0;
	v18 =	vadd.f32 $0.0e+00, v61;
	v19, _, _ =	vpop (xrf0)  }
0x48c: {  	p1 =	por $0x1, $0x1;
	[tilespmem:s0+$0x0] =	vst v51;
	v60 =	vbroadcast v56, $0xF;
	v19 =	vadd.f32 $0.0e+00, v19;
	v62, _, _ =	vpop (xrf0)  }
.Ltmp28:
0x48d: {  	[tilespmem:v23+s31+$0x0] =	vst.idx.msk $0x1, v54;
	v18 =	vbroadcast v18, $0xF;
	v63 =	vadd.f32 $0.0e+00, v62;
	(pc) =	sbr.rel @!p1 .LBB2_53-.Ltmp28, $4  }
0x48e: {  	[tilespmem:v22+s31+$0x0] =	vst.idx.msk $0x1, v60;
	v19 =	vbroadcast v19, $0xF  }
0x48f: {  	v22 =	vbroadcast v63, $0xF;
	[tilespmem:v20+s31+$0x0] =	vst.idx.msk $0x1, v18  }
0x490: {  	[tilespmem:v17+s31+$0x0] =	vst.idx.msk $0x1, v19  }
0x491: {  	p0 =	por $0x0, $0x0;
	s2 =	simm.s32 $0x0;
	s0 =	simm.s32 $0x40;
	[tilespmem:v21+s31+$0x0] =	vst.idx.msk $0x1, v22  }
0x492: {  	s1 =	simm.s32 $0x0  }
0x493: {  	v17 =	vld [tilespmem:s1+$0xA080];
	_ =	sdelay $0x4  }
0x494: {  	(xrf0) =	vmax.scan.msk.f32 $0xffff, v17;
	_ =	sdelay $0x3  }
0x495: {  	s2 =	sld [smem:$0x7FC];
	_ =	sdelay $0x1  }
0x496: {  	p1 =	por $0x1, $0x1;
	v17, _, _ =	vpop (xrf0)  }
.Ltmp29:
0x497: {  	v17 =	vmax.f32 v17, s2;
	(pc) =	sbr.rel @!p1 .LBB2_50-.Ltmp29, $2  }
0x498: {  	(xrf0) =	vmax.scan.msk.f32 $0xffff, v17;
	_ =	sdelay $0x2  }
0x499: {  	p0 =	por $0x1, $0x1;
	s2 =	simm.s32 $0x80;
	[tilespmem:s1+$0xA080] =	vst v17  }
.LBB2_51:
0x49a: {  	p1 =	sne.s32 s2, $0x7C0;
	_ =	sdelay $0x1  }
0x49b: {  	v17, _, _ =	vpop (xrf0)  }
0x49c: {  	(v2sf) =	vpush v17, $0xF;
	_ =	sdelay $0x2  }
0x49d: {  	s1 =	sshra.s32 s0, $0x2;
	s0 =	smov.u32 s2  }
0x49e: {  	v17 =	vld [tilespmem:s1+$0xA080];
	_ =	sdelay $0x4  }
0x49f: {  	(xrf0) =	vmax.scan.msk.f32 $0xffff, v17;
	_ =	sdelay $0x5  }
0x4a0: {  	v17, _, _ =	vpop (xrf0);
	s4 =	spop (v2sf)  }
.Ltmp30:
0x4a1: {  	v17 =	vmax.f32 v17, s4;
	(pc) =	sbr.rel @p1 .LBB2_51-.Ltmp30, $2  }
0x4a2: {  	[tilespmem:s1+$0xA080] =	vst v17;
	(xrf0) =	vmax.scan.msk.f32 $0xffff, v17;
	_ =	sdelay $0x2  }
0x4a3: {  	s2 =	sadd.s32 $0x40, s2  }
0x4a4: {  	s2 =	smov.u32 s0  }
.LBB2_53:
0x4a5: {  	_ = 	snop  }
0x4a6: {  	v17, _, _ =	vpop @p0 (xrf0)  }
0x4a7: {  	(v2sf) =	vpush @p0 v17, $0xF;
	_ =	sdelay $0x3  }
0x4a8: {  	s0 =	sshra.s32 s2, $0x2  }
0x4a9: {  	v17 =	vld [tilespmem:s0+$0xA080];
	_ =	sdelay $0x4  }
0x4aa: {  	(xrf0) =	vmax.scan.msk.f32 $0xffff, v17  }
0x4ab: {  	s1 =	simm.s32 $0x1  }
0x4ac: {  	v17 =	vmov s1  }
0x4ad: {  	s2 =	sld [smem:$0x7FC];
	s9 =	simm.s32 $0x3;
	s10 =	simm.s32 $0x2;
	vm1 =	vgt.s32 v17, $0x1  }
0x4ae: {  	s11 =	simm.s32 $0x0;
	v19 =	vmov s9;
	v20 =	vmov s10;
	v17 =	vnsel vm1, $0x1, v17  }
0x4af: {  	v21 =	vmov s11;
	vm1 =	vgt.s32 v19, $0x1;
	v17 =	vadd.s32 $0x7FFFFFFF, v17;
	s1 =	spop @p0 (v2sf)  }
0x4b0: {  	vm2 =	vgt.s32 v20, $0x1;
	v19 =	vnsel vm1, $0x1, v19;
	v17 =	vand.u32 $0x7FFFFFFE, v17;
	v18, _, _ =	vpop (xrf0);
	s2 =	smov.u32 @p0 s1  }
0x4b1: {  	vm1 =	vgt.s32 v21, $0x1;
	v17 =	vbroadcast v17, $0x0;
	v18 =	vmax.f32 v18, s2  }
0x4b2: {  	v20 =	vnsel vm2, $0x1, v20;
	v22 =	vnsel vm1, $0x1, v21;
	(xrf0) =	vmax.scan.msk.f32 $0xffff, v18  }
0x4b3: {  	v20 =	vadd.s32 $0xFFFFFFFF, v20;
	v22 =	vadd.s32 $0xFFFFFFFF, v22  }
0x4b4: {  	v20 =	vbroadcast v20, $0x0  }
0x4b5: {  	v19 =	vadd.s32 $0x7FFFFFFF, v19  }
0x4b6: {  	s17 =	simm.s32 $0x5;
	s4 =	simm.s32 $0x6;
	v19 =	vand.u32 $0x7FFFFFFE, v19;
	[tilespmem:s0+$0xA080] =	vst v18  }
0x4b7: {  	s18 =	simm.s32 $0x4;
	s29 =	simm.s32 $0x8;
	v23 =	vmov s17;
	v24 =	vmov s4;
	v19 =	vbroadcast v19, $0x0;
	v17 =	vld.idx.msk [tilespmem:v17+s31+$0x0], $0xffff  }
0x4b8: {  	s13 =	simm.s32 $0x2020;
	s15 =	simm.s32 $0x7;
	v25 =	vmov s18;
	v29 =	vmov s29;
	vm3 =	vgt.s32 v23, $0x1;
	v22 =	vld.idx.msk [tilespmem:v22+s31+$0x0], $0xffff;
	v18, _, _ =	vpop (xrf0)  }
0x4b9: {  	vm1 =	veq.s32 v21, $0x0;
	v21 =	vmov s15;
	(v2sf) =	vpush v18, $0xF;
	v18 =	vld [tilespmem:s13+$0xFFFFFFF0]  }
0x4ba: {  	vm4 =	vgt.s32 v24, $0x1;
	v23 =	vnsel vm3, $0x1, v23;
	vm2 =	vgt.s32 v21, $0x1;
	v20 =	vld.idx.msk [tilespmem:v20+s31+$0x0], $0xffff  }
0x4bb: {  	v24 =	vnsel vm4, $0x1, v24;
	v21 =	vnsel vm2, $0x1, v21;
	vm2 =	vgt.s32 v25, $0x1;
	v26 =	vld [tilespmem:s13+$0xFFFFFFE0]  }
0x4bc: {  	v23 =	vadd.s32 $0x7FFFFFFF, v23;
	v24 =	vadd.s32 $0xFFFFFFFF, v24;
	v28 =	vnsel vm2, $0x1, v25;
	v27 =	vld [tilespmem:s13+$0x0]  }
0x4bd: {  	v23 =	vand.u32 $0x7FFFFFFE, v23;
	v24 =	vbroadcast v24, $0x0;
	v28 =	vadd.s32 $0xFFFFFFFF, v28;
	v19 =	vld.idx.msk [tilespmem:v19+s31+$0x0], $0xffff  }
0x4be: {  	v21 =	vadd.s32 $0x7FFFFFFF, v21;
	v17 =	vmax.f32 v18, v17;
	v18 =	vbroadcast v23, $0x0;
	v23 =	vld [tilespmem:s13+$0x10]  }
0x4bf: {  	vm1 =	vmmov vm1;
	vm2 =	veq.s32 v25, $0x0;
	v21 =	vand.u32 $0x7FFFFFFE, v21  }
0x4c0: {  	s20 =	simm.s32 $0x2060;
	s26 =	simm.s32 $0xA;
	vm2 =	vmmov vm2;
	v21 =	vbroadcast v21, $0x0;
	v22 =	vsel vm1, v11, v22  }
0x4c1: {  	v25 =	vld [tilespmem:s20+$0xFFFFFFF0];
	v20 =	vmax.f32 v27, v20;
	v27 =	vmov s26;
	v22 =	vmax.f32 v26, v22  }
0x4c2: {  	v28 =	vld.idx.msk [tilespmem:v28+s31+$0x0], $0xffff;
	v20 =	vtrunc.f32 v20;
	vm15 =	vgt.s32 v27, $0x1;
	v22 =	vtrunc.f32 v22  }
0x4c3: {  	v30 =	vld [tilespmem:s20+$0xFFFFFFE0];
	v26 =	vcvt.f32.s32 v22;
	v17 =	vtrunc.f32 v17;
	v19 =	vmax.f32 v23, v19  }
0x4c4: {  	s21 =	simm.s32 $0x9;
	v27 =	vnsel vm15, $0x1, v27;
	v17 =	vcvt.f32.s32 v17;
	v18 =	vld.idx.msk [tilespmem:v18+s31+$0x0], $0xffff;
	v19 =	vtrunc.f32 v19  }
0x4c5: {  	v27 =	vadd.s32 $0xFFFFFFFF, v27;
	v22 =	vcvt.f32.s32 v19;
	v19 =	vmov s21  }
0x4c6: {  	s19 =	simm.s32 $0xB;
	s2 =	simm.s32 $0x8020;
	v17 =	vsub.s32 v17, v5;
	v23 =	vcvt.f32.s32 v20;
	vm1 =	vgt.s32 v19, $0x1  }
0x4c7: {  	v24 =	vld.idx.msk [tilespmem:v24+s31+$0x0], $0xffff;
	v20 =	vmov s19;
	[tilespmem:s2+$0xFFFFFFF0] =	vst v17;
	v17 =	vsel vm2, v11, v28;
	v19 =	vnsel vm1, $0x1, v19  }
0x4c8: {  	v63 =	vld [tilespmem:s20+$0x10];
	vm3 =	vgt.s32 v20, $0x1;
	v17 =	vmax.f32 v30, v17;
	v19 =	vadd.s32 $0x7FFFFFFF, v19  }
0x4c9: {  	v20 =	vnsel vm3, $0x1, v20;
	v19 =	vand.u32 $0x7FFFFFFE, v19;
	v18 =	vmax.f32 v25, v18;
	v25 =	vld [tilespmem:s20+$0x0]  }
0x4ca: {  	v21 =	vld.idx.msk [tilespmem:v21+s31+$0x0], $0xffff;
	v23 =	vsub.s32 v23, v5;
	v20 =	vadd.s32 $0x7FFFFFFF, v20;
	v31 =	vbroadcast v19, $0x0  }
0x4cb: {  	vm1 =	vgt.s32 v29, $0x1;
	v32 =	vand.u32 $0x7FFFFFFE, v20;
	v18 =	vtrunc.f32 v18  }
0x4cc: {  	v19 =	vnsel vm1, $0x1, v29;
	vm1 =	veq.s32 v29, $0x0;
	v33 =	vcvt.f32.s32 v18  }
0x4cd: {  	v18 =	vbroadcast v27, $0x0;
	v20 =	vadd.s32 $0xFFFFFFFF, v19;
	v19 =	vbroadcast v32, $0x0  }
0x4ce: {  	s0 =	simm.s32 $0x8060;
	[tilespmem:s2+$0x0] =	vst v23;
	v27 =	vsub.s32 v33, v5;
	v24 =	vmax.f32 v25, v24;
	v25 =	vsub.s32 v22, v5  }
0x4cf: {  	s5 =	simm.s32 $0x80;
	[tilespmem:s0+$0xFFFFFFF0] =	vst v27;
	v22 =	vtrunc.f32 v17;
	v17 =	vtrunc.f32 v24;
	v24 =	vmax.f32 v63, v21  }
0x4d0: {  	s6 =	simm.s32 $0xF;
	s4 =	simm.s32 $0x20A0;
	s30 =	spop (v2sf);
	[tilespmem:s2+$0x10] =	vst v25;
	v21 =	vld.idx.msk [tilespmem:v31+s31+$0x0], $0xffff;
	v17 =	vcvt.f32.s32 v17;
	v23 =	vtrunc.f32 v24;
	v24 =	vsub.s32 v26, v5  }
.LBB2_54:
0x4d1: {  	s1 =	sadd.s32 $0xFFFFFFFE, s6;
	v25 =	vmov s6  }
0x4d2: {  	s7 =	sadd.s32 $0xFFFFFFFF, s6;
	s5 =	sadd.s32 $0x40, s5;
	v26 =	vld [tilespmem:s4+$0xFFFFFFF0];
	v27 =	vcvt.f32.s32 v22;
	v22 =	vcvt.f32.s32 v23;
	[tilespmem:s2+$0xFFFFFFE0] =	vst v24;
	vm2 =	vmmov vm1;
	s2 =	smov.u32 s0  }
0x4d3: {  	s9 =	sadd.s32 $0xFFFFFFFD, s6;
	v23 =	vmov s1;
	v24 =	vmov s7;
	vm1 =	vgt.s32 v25, $0x1;
	p0 =	slt.u32 s5, $0x1FC0;
	v28 =	vld.idx.msk [tilespmem:v20+s31+$0x0], $0xffff  }
0x4d4: {  	vm3 =	vgt.s32 v23, $0x1;
	vm4 =	vgt.s32 v24, $0x1;
	v20 =	vnsel vm1, $0x1, v25;
	v25 =	vld.idx.msk [tilespmem:v18+s31+$0x0], $0xffff  }
0x4d5: {  	v29 =	vmov s9;
	v18 =	vnsel vm3, $0x1, v23;
	v23 =	vnsel vm4, $0x1, v24;
	v24 =	vld.idx.msk [tilespmem:v19+s31+$0x0], $0xffff  }
0x4d6: {  	vm1 =	vgt.s32 v29, $0x1;
	v19 =	vadd.s32 $0x7FFFFFFF, v20;
	v18 =	vadd.s32 $0x7FFFFFFF, v18;
	v30 =	vld [tilespmem:s4+$0xFFFFFFE0]  }
0x4d7: {  	v20 =	vadd.s32 $0xFFFFFFFF, v23;
	v18 =	vand.u32 $0x7FFFFFFE, v18;
	v21 =	vmax.f32 v26, v21;
	v23 =	vld [tilespmem:s4+$0x0]  }
0x4d8: {  	v19 =	vand.u32 $0x7FFFFFFE, v19;
	v26 =	vbroadcast v18, $0x0;
	v21 =	vtrunc.f32 v21;
	v31 =	vld [tilespmem:s4+$0x10]  }
0x4d9: {  	v32 =	vnsel vm1, $0x1, v29;
	v18 =	vbroadcast v20, $0x0;
	v21 =	vcvt.f32.s32 v21  }
.Ltmp31:
0x4da: {  	vm1 =	veq.s32 v29, $0x0;
	v19 =	vbroadcast v19, $0x0;
	v20 =	vadd.s32 $0xFFFFFFFF, v32;
	(pc) =	sbr.rel @p0 .LBB2_54-.Ltmp31, $4  }
0x4db: {  	s0 =	sadd.s32 $0x40, s0;
	v17 =	vsub.s32 v17, v5;
	v28 =	vsel vm2, v11, v28;
	v21 =	vsub.s32 v21, v5  }
0x4dc: {  	v28 =	vmax.f32 v30, v28;
	[tilespmem:s0+$0xFFFFFFF0] =	vst v21;
	v21 =	vmax.f32 v23, v25;
	v25 =	vsub.s32 v22, v5  }
0x4dd: {  	v22 =	vtrunc.f32 v28;
	v23 =	vtrunc.f32 v21;
	v24 =	vmax.f32 v31, v24;
	[tilespmem:s2+$0x0] =	vst v17  }
0x4de: {  	s6 =	sadd.s32 $0x4, s6;
	s4 =	sadd.s32 $0x40, s4;
	v21 =	vld.idx.msk [tilespmem:v26+s31+$0x0], $0xffff;
	v17 =	vcvt.f32.s32 v23;
	v23 =	vtrunc.f32 v24;
	v24 =	vsub.s32 v27, v5;
	[tilespmem:s2+$0x10] =	vst v25  }
0x4df: {  	_ =	sdelay $0x2  }
0x4e0: {  	v25 =	vld [tilespmem:s4+$0xFFFFFFF0]  }
0x4e1: {  	v20 =	vld.idx.msk [tilespmem:v20+s31+$0x0], $0xffff  }
0x4e2: {  	v18 =	vld.idx.msk [tilespmem:v18+s31+$0x0], $0xffff  }
0x4e3: {  	v19 =	vld.idx.msk [tilespmem:v19+s31+$0x0], $0xffff  }
0x4e4: {  	v27 =	vld [tilespmem:s4+$0x0]  }
0x4e5: {  	v61 =	vld [tilespmem:s4+$0x10]  }
0x4e6: {  	v26 =	vld [tilespmem:s4+$0xFFFFFFE0];
	v22 =	vcvt.f32.s32 v22;
	v23 =	vcvt.f32.s32 v23  }
0x4e7: {  	vm1 =	vmmov vm1;
	v17 =	vsub.s32 v17, v5  }
0x4e8: {  	v62 =	vsub.s32 v23, v5;
	v63 =	vsub.s32 v22, v5;
	v21 =	vmax.f32 v25, v21  }
0x4e9: {  	[tilespmem:s2+$0xFFFFFFE0] =	vst v24;
	v20 =	vsel vm1, v11, v20;
	v18 =	vmax.f32 v27, v18;
	v21 =	vtrunc.f32 v21  }
0x4ea: {  	[tilespmem:s0+$0x0] =	vst v17;
	v19 =	vmax.f32 v61, v19;
	v18 =	vtrunc.f32 v18;
	v21 =	vcvt.f32.s32 v21  }
0x4eb: {  	[tilespmem:s0+$0x10] =	vst v62;
	v20 =	vmax.f32 v26, v20;
	v17 =	vcvt.f32.s32 v18;
	v18 =	vtrunc.f32 v19  }
0x4ec: {  	s1 =	sadd.s32 $0x40, s0;
	[tilespmem:s0+$0xFFFFFFE0] =	vst v63;
	v19 =	vtrunc.f32 v20;
	v18 =	vcvt.f32.s32 v18;
	v21 =	vsub.s32 v21, v5  }
0x4ed: {  	v19 =	vcvt.f32.s32 v19;
	v17 =	vsub.s32 v17, v5;
	[tilespmem:s1+$0xFFFFFFF0] =	vst v21  }
0x4ee: {  	v18 =	vsub.s32 v18, v5;
	[tilespmem:s1+$0x0] =	vst v17  }
0x4ef: {  	v17 =	vsub.s32 v19, v5;
	[tilespmem:s1+$0x10] =	vst v18  }
0x4f0: {  	[tilespmem:s1+$0xFFFFFFE0] =	vst v17  }
0x4f1: {  	s0 =	sld [smem:$0x7F0];
	_ =	sdelay $0x2  }
0x4f2: {  	[tilespmem:s12], [sflag:$0x1] =	stream.strided.gather [hbm4b:s0+s8], $0x4000, s14, s8, $0x38;
	[tilespmem:$0x1A280] =	vst v63  }
0x4f3: {  	s13 =	simm.s32 $0x0;
	s30 =	rddreg [dreg:$0x19]  }
0x4f4: {  	[tilespmem:s16], [sflag:$0x2] =	stream.strided.gather [hbm4b:s30+s8], $0x4000, s14, s8, $0x38;
	[tilespmem:$0x1A280] =	vst v63  }
.LBB2_56:
0x4f5: {  	_ =	swait.ge [sflag:s22], $0x4000  }
0x4f6: {  	[sflag:s22] =	ssyncset.done $0x0  }
0x4f7: {  	[sflag:s22] =	ssyncadd.s32 $0xFFFFC000  }
0x4f8: {  	_ =	swait.ge [sflag:s23], $0x4000  }
0x4f9: {  	p0 =	seq.s32 s13, $0x0;
	[sflag:s23] =	ssyncset.done $0x0  }
0x4fa: {  	s0 =	simm.s32 @!p0 $0x3;
	[sflag:s23] =	ssyncadd.s32 $0xFFFFC000  }
0x4fb: {  	_ =	swait.ge @!p0 [sflag:s0], $0x4000  }
0x4fc: {  	[sflag:s0] =	ssyncset.done @!p0 $0x0  }
0x4fd: {  	s1 =	simm.s32 $0x0;
	[sflag:s0] =	ssyncadd.s32 @!p0 $0xFFFFC000;
	s0 =	simm.s32 @!p0 $0x4  }
0x4fe: {  	s4 =	sand.u32 $0x40, s1;
	s1 =	sand.u32 $0x1F80, s1;
	_ =	swait.ge @!p0 [sflag:s0], $0x4000  }
0x4ff: {  	s1 =	sor.u32 $0x8000, s1;
	s5 =	sor.u32 $0x30, s4;
	[sflag:s0] =	ssyncset.done @!p0 $0x0  }
0x500: {  	s11 =	sor.u32 s5, s1;
	[sflag:s0] =	ssyncadd.s32 @!p0 $0xFFFFC000  }
0x501: {  	s2 =	simm.s32 $0x8000;
	v17 =	vld [tilespmem:s11+$0x0]  }
0x502: {  	s9 =	sor.u32 $0x10, s4;
	v18 =	vld [tilespmem:s2+$0x0]  }
0x503: {  	s10 =	sor.u32 $0x20, s4;
	s15 =	sor.u32 s9, s1  }
0x504: {  	s1 =	sor.u32 s10, s1;
	v19 =	vld [tilespmem:s15+$0x0]  }
0x505: {  	v20 =	vld [tilespmem:s1+$0x0]  }
0x506: {  	v21 =	vshll.u32 v17, $0x1  }
0x507: {  	v22 =	vshll.u32 v18, $0x1;
	v17 =	vand.u32 $0x7F, v17;
	v21 =	vand.u32 $0xFFFFFF00, v21  }
0x508: {  	s18 =	simm.s32 $0x40;
	v18 =	vand.u32 $0x7F, v18;
	v22 =	vand.u32 $0xFFFFFF00, v22;
	v17 =	vor.u32 v17, v21  }
0x509: {  	s6 =	sand.u32 $0x40, s18;
	s0 =	sand.u32 $0x1F80, s18;
	v18 =	vor.u32 v18, v22;
	v21 =	vshll.u32 v19, $0x1  }
0x50a: {  	s11 =	sor.u32 $0x8000, s0;
	s0 =	sor.u32 $0x10, s6;
	v22 =	vshll.u32 v20, $0x1;
	v19 =	vand.u32 $0x7F, v19;
	v21 =	vand.u32 $0xFFFFFF00, v21  }
0x50b: {  	s15 =	sor.u32 s0, s11;
	v20 =	vand.u32 $0x7F, v20;
	v22 =	vand.u32 $0xFFFFFF00, v22;
	v19 =	vor.u32 v19, v21  }
0x50c: {  	v27 =	vld [tilespmem:s15+$0x0];
	v20 =	vor.u32 v20, v22  }
0x50d: {  	v21 =	vld.idx.msk [tilespmem:v17+s12+$0x0], $0xffff  }
0x50e: {  	s17 =	simm.s32 $0x8040;
	v23 =	vld.idx.msk [tilespmem:v18+s12+$0x0], $0xffff  }
0x50f: {  	s19 =	simm.s32 $0x0;
	v22 =	vld [tilespmem:s17+$0x0]  }
0x510: {  	s20 =	sor.u32 $0x30, s6;
	s1 =	sand.u32 $0x3F00, s19;
	v24 =	vld.idx.msk [tilespmem:v19+s12+$0x0], $0xffff  }
0x511: {  	s5 =	sor.u32 s5, s1;
	s7 =	sor.u32 s20, s11;
	v25 =	vld.idx.msk [tilespmem:v20+s12+$0x0], $0xffff  }
0x512: {  	s9 =	sor.u32 s9, s1;
	s10 =	sor.u32 s10, s1;
	s1 =	sor.u32 s4, s1;
	[tilespmem:s5+$0x12280] =	vst v21;
	v21 =	vld [tilespmem:s7+$0x0]  }
0x513: {  	s7 =	sor.u32 $0x20, s6;
	[tilespmem:s1+$0x12280] =	vst v23;
	v26 =	vld.idx.msk [tilespmem:v17+s16+$0x0], $0xffff  }
0x514: {  	v28 =	vor.u32 $0x80, v17;
	s11 =	sor.u32 s7, s11;
	v17 =	vshll.u32 v22, $0x1;
	v29 =	vld.idx.msk [tilespmem:v18+s16+$0x0], $0xffff  }
0x515: {  	p0 =	por $0x0, $0x0;
	s4 =	simm.s32 $0x1;
	v22 =	vand.u32 $0x7F, v22;
	[tilespmem:s9+$0x12280] =	vst v24;
	v24 =	vld [tilespmem:s11+$0x0];
	v17 =	vand.u32 $0xFFFFFF00, v17  }
0x516: {  	s4 =	simm.s32 @!p0 $0x0;
	[tilespmem:s10+$0x12280] =	vst v25;
	v25 =	vld.idx.msk [tilespmem:v19+s16+$0x0], $0xffff;
	v17 =	vor.u32 v22, v17  }
0x517: {  	s4 =	sshll.u32 s4, $0x6;
	v19 =	vor.u32 $0x80, v19;
	v22 =	vld.idx.msk [tilespmem:v20+s16+$0x0], $0xffff  }
0x518: {  	s30 =	simm.s32 $0x8080;
	s11 =	sadd.s32 $0x0, s4;
	v20 =	vor.u32 $0x80, v20;
	v23 =	vshll.u32 v21, $0x1  }
0x519: {  	v31 =	vld [tilespmem:s30+$0x0];
	v21 =	vand.u32 $0x7F, v21;
	[tilespmem:s5+$0x16280] =	vst v26;
	v23 =	vand.u32 $0xFFFFFF00, v23;
	s5 =	sadd.s32 $0x10, s11  }
0x51a: {  	v26 =	vshll.u32 v27, $0x1;
	[tilespmem:s1+$0x16280] =	vst v29;
	v30 =	vld.idx.msk [tilespmem:v28+s12+$0x0], $0xffff;
	v21 =	vor.u32 v21, v23;
	s1 =	sor.u32 $0x80, s5;
	s5 =	simm.s32 $0x80  }
0x51b: {  	s17 =	simm.s32 $0x80;
	v27 =	vand.u32 $0x7F, v27;
	v23 =	vand.u32 $0xFFFFFF00, v26;
	v32 =	vld.idx.msk [tilespmem:v17+s12+$0x0], $0xffff;
	[tilespmem:s9+$0x16280] =	vst v25;
	s26 =	sand.u32 $0x40, s5;
	s21 =	sand.u32 $0x1F80, s5  }
0x51c: {  	s15 =	sand.u32 $0x3F00, s17;
	v26 =	vshll.u32 v24, $0x1;
	v33 =	vor.u32 v27, v23;
	[tilespmem:s10+$0x16280] =	vst v22;
	v23 =	vld.idx.msk [tilespmem:v19+s12+$0x0], $0xffff;
	s19 =	sor.u32 $0x8000, s21;
	s29 =	sor.u32 $0x30, s26  }
0x51d: {  	v34 =	vor.u32 $0x80, v18;
	s30 =	sor.u32 s20, s15;
	s4 =	sadd.s32 $0x30, s11;
	v24 =	vand.u32 $0x7F, v24;
	v26 =	vand.u32 $0xFFFFFF00, v26;
	v18 =	vld.idx.msk [tilespmem:v20+s12+$0x0], $0xffff;
	s20 =	sor.u32 s29, s19  }
0x51e: {  	s9 =	sor.u32 $0x80, s4;
	v24 =	vor.u32 v24, v26;
	v36 =	vld [tilespmem:s20+$0x0]  }
0x51f: {  	v22 =	vld.idx.msk [tilespmem:v21+s12+$0x0], $0xffff;
	[tilespmem:s9+$0x12280] =	vst v30  }
0x520: {  	v25 =	vld.idx.msk [tilespmem:v28+s16+$0x0], $0xffff  }
0x521: {  	s6 =	sor.u32 s6, s15;
	v26 =	vld.idx.msk [tilespmem:v33+s12+$0x0], $0xffff  }
0x522: {  	s10 =	sadd.s32 $0x20, s11;
	s2 =	sor.u32 $0x10, s26;
	v28 =	vld.idx.msk [tilespmem:v34+s12+$0x0], $0xffff;
	[tilespmem:s6+$0x12280] =	vst v32  }
0x523: {  	s18 =	sor.u32 $0x80, s10;
	s21 =	sor.u32 s2, s19;
	v27 =	vld.idx.msk [tilespmem:v24+s12+$0x0], $0xffff;
	[tilespmem:s1+$0x12280] =	vst v23  }
0x524: {  	[tilespmem:s18+$0x12280] =	vst v18;
	v23 =	vld [tilespmem:s21+$0x0]  }
0x525: {  	v29 =	vld.idx.msk [tilespmem:v19+s16+$0x0], $0xffff;
	[tilespmem:s30+$0x12280] =	vst v22  }
0x526: {  	s10 =	sor.u32 $0x80, s11;
	v30 =	vld.idx.msk [tilespmem:v21+s16+$0x0], $0xffff;
	[tilespmem:s9+$0x16280] =	vst v25  }
0x527: {  	s4 =	sor.u32 $0x20, s26;
	v35 =	vld.idx.msk [tilespmem:v20+s16+$0x0], $0xffff;
	v20 =	vor.u32 $0x80, v21;
	s9 =	sor.u32 s0, s15;
	[tilespmem:s10+$0x12280] =	vst v28  }
0x528: {  	s7 =	sor.u32 s7, s15;
	s20 =	sor.u32 s4, s19;
	v28 =	vld.idx.msk [tilespmem:v17+s16+$0x0], $0xffff;
	[tilespmem:s9+$0x12280] =	vst v26  }
0x529: {  	v18 =	vshll.u32 v31, $0x1;
	v26 =	vld [tilespmem:s20+$0x0];
	[tilespmem:s7+$0x12280] =	vst v27  }
0x52a: {  	v22 =	vand.u32 $0xFFFFFF00, v18;
	v21 =	vand.u32 $0x7F, v31;
	v27 =	vld.idx.msk [tilespmem:v33+s16+$0x0], $0xffff;
	[tilespmem:s1+$0x16280] =	vst v29  }
0x52b: {  	v22 =	vor.u32 v21, v22;
	v25 =	vld.idx.msk [tilespmem:v24+s16+$0x0], $0xffff;
	[tilespmem:s30+$0x16280] =	vst v30  }
0x52c: {  	v19 =	vor.u32 $0x80, v33;
	v18 =	vor.u32 $0x80, v24;
	v21 =	vshll.u32 v36, $0x1;
	s30 =	sshll.u32 s13, $0x2;
	v24 =	vld.idx.msk [tilespmem:v20+s12+$0x0], $0xffff;
	[smem:$0x7E8] =	sst s13  }
0x52d: {  	p0 =	por !p0, !p0;
	v63 =	vand.u32 $0x7F, v36;
	s15 =	simm.s32 $0x1;
	v21 =	vand.u32 $0xFFFFFF00, v21;
	v30 =	vshll.u32 v23, $0x1;
	[smem:$0x7E9] =	sst s30  }
0x52e: {  	s11 =	simm.s32 $0x80C0;
	s15 =	simm.s32 @!p0 $0x0;
	v21 =	vor.u32 v63, v21;
	v30 =	vand.u32 $0xFFFFFF00, v30;
	v31 =	vshll.u32 v26, $0x1;
	v29 =	vld.idx.msk [tilespmem:v34+s16+$0x0], $0xffff;
	[tilespmem:s18+$0x16280] =	vst v35  }
.LBB2_57:
0x52f: {  	v32 =	vld [tilespmem:s11+$0x0];
	v23 =	vand.u32 $0x7F, v23;
	v26 =	vand.u32 $0x7F, v26;
	v31 =	vand.u32 $0xFFFFFF00, v31;
	s0 =	sshll.u32 s15, $0x6  }
0x530: {  	v33 =	vld.idx.msk [tilespmem:v22+s12+$0x0], $0xffff;
	v30 =	vor.u32 v23, v30;
	v31 =	vor.u32 v26, v31;
	s1 =	sadd.s32 s0, s17;
	[tilespmem:s9+$0x16280] =	vst v27  }
0x531: {  	v23 =	vor.u32 $0x80, v30;
	v26 =	vor.u32 $0x80, v31;
	v27 =	vld.idx.msk [tilespmem:v19+s12+$0x0], $0xffff;
	s0 =	sadd.s32 $0x10, s1;
	[tilespmem:s7+$0x16280] =	vst v25;
	s7 =	sadd.s32 $0x20, s1;
	s9 =	sadd.s32 $0x30, s1  }
0x532: {  	v34 =	vor.u32 $0x80, v17;
	v17 =	vmov v22;
	[tilespmem:s6+$0x16280] =	vst v28;
	s15 =	sor.u32 $0x80, s0;
	v25 =	vld.idx.msk [tilespmem:v18+s12+$0x0], $0xffff;
	s0 =	sor.u32 $0x80, s7;
	s6 =	sor.u32 $0x80, s9  }
0x533: {  	s1 =	sor.u32 $0x80, s1;
	v22 =	vld.idx.msk [tilespmem:v21+s12+$0x0], $0xffff;
	[tilespmem:s6+$0x12280] =	vst v24  }
0x534: {  	v20 =	vld.idx.msk [tilespmem:v20+s16+$0x0], $0xffff;
	[tilespmem:s10+$0x16280] =	vst v29;
	s10 =	smov.u32 s1  }
0x535: {  	v24 =	vld.idx.msk [tilespmem:v30+s12+$0x0], $0xffff  }
0x536: {  	s17 =	sadd.s32 $0x80, s17;
	v28 =	vld.idx.msk [tilespmem:v31+s12+$0x0], $0xffff  }
0x537: {  	s5 =	sadd.s32 $0x40, s5;
	s1 =	sand.u32 $0x3F00, s17;
	v29 =	vld.idx.msk [tilespmem:v34+s12+$0x0], $0xffff;
	[tilespmem:s15+$0x12280] =	vst v27  }
0x538: {  	s18 =	sand.u32 $0x40, s5;
	s7 =	sand.u32 $0x1F80, s5;
	s19 =	sor.u32 s29, s1;
	v35 =	vld.idx.msk [tilespmem:v19+s16+$0x0], $0xffff;
	[tilespmem:s0+$0x12280] =	vst v25;
	v19 =	vmov v23  }
0x539: {  	s20 =	sor.u32 $0x10, s18;
	s7 =	sor.u32 $0x8000, s7;
	s29 =	sor.u32 $0x30, s18;
	[tilespmem:s19+$0x12280] =	vst v22;
	v36 =	vld.idx.msk [tilespmem:v18+s16+$0x0], $0xffff;
	v18 =	vmov v26  }
0x53a: {  	s30 =	sor.u32 $0x20, s18;
	s21 =	sor.u32 s20, s7;
	s9 =	sor.u32 s29, s7;
	v37 =	vld.idx.msk [tilespmem:v21+s16+$0x0], $0xffff;
	[tilespmem:s6+$0x16280] =	vst v20  }
0x53b: {  	s13 =	sor.u32 s30, s7;
	s7 =	sor.u32 s4, s1;
	v38 =	vld [tilespmem:s9+$0x0];
	s9 =	sor.u32 s2, s1  }
0x53c: {  	p1 =	slt.u32 s5, $0x1FC0;
	s6 =	sor.u32 s26, s1;
	v20 =	vor.u32 $0x80, v21;
	s26 =	smov.u32 s18;
	v23 =	vld [tilespmem:s21+$0x0];
	[tilespmem:s9+$0x12280] =	vst v24  }
0x53d: {  	s4 =	smov.u32 s30;
	v21 =	vshll.u32 v32, $0x1;
	s2 =	smov.u32 s20;
	v26 =	vld [tilespmem:s13+$0x0];
	[tilespmem:s7+$0x12280] =	vst v28  }
.Ltmp32:
0x53e: {  	v22 =	vand.u32 $0x7F, v32;
	v21 =	vand.u32 $0xFFFFFF00, v21;
	[tilespmem:s6+$0x12280] =	vst v33;
	v27 =	vld.idx.msk [tilespmem:v30+s16+$0x0], $0xffff;
	(pc) =	sbr.rel @p1 .LBB2_57-.Ltmp32, $4  }
0x53f: {  	v22 =	vor.u32 v22, v21;
	v25 =	vld.idx.msk [tilespmem:v31+s16+$0x0], $0xffff;
	[tilespmem:s10+$0x12280] =	vst v29  }
0x540: {  	v21 =	vshll.u32 v38, $0x1;
	v28 =	vld.idx.msk [tilespmem:v17+s16+$0x0], $0xffff;
	[tilespmem:s19+$0x16280] =	vst v37  }
0x541: {  	p0 =	por !p0, !p0;
	v32 =	vand.u32 $0x7F, v38;
	v29 =	vshll.u32 v23, $0x1;
	v21 =	vand.u32 $0xFFFFFF00, v21;
	v24 =	vld.idx.msk [tilespmem:v20+s12+$0x0], $0xffff;
	[tilespmem:s15+$0x16280] =	vst v35;
	s15 =	simm.s32 $0x1  }
0x542: {  	s11 =	sadd.s32 $0x40, s11;
	v30 =	vand.u32 $0xFFFFFF00, v29;
	v31 =	vshll.u32 v26, $0x1;
	v21 =	vor.u32 v32, v21;
	s15 =	simm.s32 @!p0 $0x0;
	v29 =	vld.idx.msk [tilespmem:v34+s16+$0x0], $0xffff;
	[tilespmem:s0+$0x16280] =	vst v36  }
0x543: {  	_ =	sdelay $0x1  }
0x544: {  	v23 =	vand.u32 $0x7F, v23  }
0x545: {  	v26 =	vand.u32 $0x7F, v26;
	v31 =	vand.u32 $0xFFFFFF00, v31;
	s0 =	sshll.u32 s15, $0x6;
	[tilespmem:s9+$0x16280] =	vst v27;
	v23 =	vor.u32 v23, v30  }
0x546: {  	v26 =	vor.u32 v26, v31;
	s0 =	sadd.s32 s0, s17;
	v27 =	vld.idx.msk [tilespmem:v19+s12+$0x0], $0xffff  }
0x547: {  	v48 =	vld.idx.msk [tilespmem:v21+s12+$0x0], $0xffff;
	[tilespmem:s7+$0x16280] =	vst v25;
	s1 =	sadd.s32 $0x30, s0  }
0x548: {  	v51 =	vld.idx.msk [tilespmem:v22+s12+$0x0], $0xffff;
	v17 =	vor.u32 $0x80, v17;
	[tilespmem:s6+$0x16280] =	vst v28;
	s1 =	sor.u32 $0x80, s1  }
0x549: {  	s30 =	sadd.s32 $0x80, s17;
	s5 =	sadd.s32 $0x10, s0;
	v52 =	vld.idx.msk [tilespmem:v18+s12+$0x0], $0xffff;
	[tilespmem:s1+$0x12280] =	vst v24  }
0x54a: {  	s5 =	sor.u32 $0x80, s5;
	[tilespmem:s10+$0x16280] =	vst v29;
	s10 =	sand.u32 $0x3F00, s30;
	v49 =	vld.idx.msk [tilespmem:v23+s12+$0x0], $0xffff  }
0x54b: {  	s11 =	sor.u32 s29, s10;
	v50 =	vld.idx.msk [tilespmem:v26+s12+$0x0], $0xffff;
	[tilespmem:s5+$0x12280] =	vst v27  }
0x54c: {  	s13 =	sadd.s32 $0x20, s0;
	v20 =	vld.idx.msk [tilespmem:v20+s16+$0x0], $0xffff;
	s7 =	sor.u32 s26, s10;
	[tilespmem:s11+$0x12280] =	vst v48  }
0x54d: {  	s2 =	sor.u32 s2, s10;
	s4 =	sor.u32 s4, s10;
	s10 =	sor.u32 $0x80, s13;
	v57 =	vld.idx.msk [tilespmem:v17+s12+$0x0], $0xffff;
	[tilespmem:s7+$0x12280] =	vst v51  }
0x54e: {  	v25 =	vld.idx.msk [tilespmem:v21+s16+$0x0], $0xffff;
	[tilespmem:s10+$0x12280] =	vst v52  }
0x54f: {  	v53 =	vor.u32 $0x80, v21;
	v56 =	vld.idx.msk [tilespmem:v22+s16+$0x0], $0xffff;
	[tilespmem:s2+$0x12280] =	vst v49  }
0x550: {  	v58 =	vor.u32 $0x80, v22;
	[tilespmem:s4+$0x12280] =	vst v50;
	v54 =	vld.idx.msk [tilespmem:v23+s16+$0x0], $0xffff  }
0x551: {  	s0 =	sor.u32 $0x80, s0;
	[tilespmem:s1+$0x16280] =	vst v20;
	v23 =	vor.u32 $0x80, v23;
	v55 =	vld.idx.msk [tilespmem:v26+s16+$0x0], $0xffff  }
0x552: {  	v19 =	vld.idx.msk [tilespmem:v19+s16+$0x0], $0xffff;
	[tilespmem:s0+$0x12280] =	vst v57;
	v26 =	vor.u32 $0x80, v26  }
0x553: {  	p0 =	por !p0, !p0;
	v18 =	vld.idx.msk [tilespmem:v18+s16+$0x0], $0xffff;
	s1 =	simm.s32 $0x1;
	[tilespmem:s11+$0x16280] =	vst v25  }
0x554: {  	s1 =	simm.s32 @!p0 $0x0;
	[tilespmem:s7+$0x16280] =	vst v56;
	v59 =	vld.idx.msk [tilespmem:v53+s12+$0x0], $0xffff  }
0x555: {  	s1 =	sshll.u32 s1, $0x6;
	v61 =	vld.idx.msk [tilespmem:v58+s12+$0x0], $0xffff;
	[tilespmem:s2+$0x16280] =	vst v54  }
0x556: {  	s1 =	sadd.s32 s1, s30;
	[tilespmem:s4+$0x16280] =	vst v55;
	v24 =	vld.idx.msk [tilespmem:v23+s12+$0x0], $0xffff  }
0x557: {  	[tilespmem:s5+$0x16280] =	vst v19;
	s15 =	sadd.s32 $0x30, s1;
	v60 =	vld.idx.msk [tilespmem:v26+s12+$0x0], $0xffff  }
0x558: {  	[tilespmem:s10+$0x16280] =	vst v18;
	s2 =	sor.u32 $0x80, s15  }
0x559: {  	s17 =	sadd.s32 $0x10, s1;
	s18 =	sadd.s32 $0x20, s1;
	s1 =	sor.u32 $0x80, s1;
	[tilespmem:s2+$0x12280] =	vst v59  }
0x55a: {  	v17 =	vld.idx.msk [tilespmem:v17+s16+$0x0], $0xffff;
	s4 =	sor.u32 $0x80, s17;
	[tilespmem:s1+$0x12280] =	vst v61  }
0x55b: {  	s5 =	sor.u32 $0x80, s18;
	v19 =	vld.idx.msk [tilespmem:v53+s16+$0x0], $0xffff;
	[tilespmem:s4+$0x12280] =	vst v24  }
0x55c: {  	[tilespmem:s5+$0x12280] =	vst v60;
	v62 =	vld.idx.msk [tilespmem:v23+s16+$0x0], $0xffff  }
0x55d: {  	s13 =	sld [smem:$0x7E8];
	_ =	sdelay $0x1  }
0x55e: {  	v63 =	vld.idx.msk [tilespmem:v26+s16+$0x0], $0xffff;
	[tilespmem:s0+$0x16280] =	vst v17  }
0x55f: {  	v18 =	vld.idx.msk [tilespmem:v58+s16+$0x0], $0xffff;
	[tilespmem:s2+$0x16280] =	vst v19;
	s19 =	sshll.u32 s13, $0x9;
	s20 =	sshll.u32 s13, $0xF  }
0x560: {  	s21 =	sand.u32 $0x200, s19;
	s26 =	sand.u32 $0x70000, s20;
	[tilespmem:s4+$0x16280] =	vst v62  }
0x561: {  	s0 =	sor.u32 s26, s21;
	s2 =	rddreg [dreg:$0x14]  }
0x562: {  	p0 =	seq.s32 s13, $0xF;
	s0 =	sor.u32 s2, s0  }
.Ltmp33:
0x563: {  	s18 =	rddreg [dreg:$0x3];
	[tilespmem:s5+$0x16280] =	vst v63;
	s0 =	sshrl.u32 s0, $0x3;
	(pc) =	sbr.rel @p0 .LBB2_63-.Ltmp33, $4  }
0x564: {  	s29 =	simm.s32 $0x12280;
	[tilespmem:s1+$0x16280] =	vst v18;
	s0 =	sadd.s32 s18, s0  }
0x565: {  	[hbm4b:s0+s8] =	stream.strided.scatter [tilespmem:s29], [sflag:$0x3], $0x4000, s14, s8, $0x38;
	[tilespmem:$0x1A280] =	vst v63  }
0x566: {  	s7 =	rddreg [dreg:$0x0];
	s30 =	simm.s32 $0x16280;
	s0 =	sadd.s32 $0x20, s0  }
0x567: {  	[hbm4b:s0+s8] =	stream.strided.scatter [tilespmem:s30], [sflag:$0x4], $0x4000, s14, s8, $0x38;
	[tilespmem:$0x1A280] =	vst v63  }
0x568: {  	s4 =	sld [smem:$0x7E9];
	_ =	sdelay $0x2  }
0x569: {  	s0 =	sadd.s32 $0x4, s4  }
0x56a: {  	s1 =	sshll.u32 s0, $0xD  }
0x56b: {  	s0 =	sshll.u32 s0, $0x7;
	s1 =	sand.u32 $0xF0000, s1  }
0x56c: {  	s0 =	sand.u32 $0x200, s0;
	s1 =	sadd.s32 s2, s1  }
0x56d: {  	s0 =	sor.u32 s0, s1  }
0x56e: {  	s29 =	sadd.s32 $0x6, s4;
	s0 =	sshrl.u32 s0, $0x3  }
0x56f: {  	s30 =	sshll.u32 s29, $0xD;
	s0 =	sadd.s32 s7, s0  }
0x570: {  	[tilespmem:s12], [sflag:$0x1] =	stream.strided.gather [hbm4b:s0+s8], $0x4000, s14, s8, $0x38;
	[tilespmem:$0x1A280] =	vst v63  }
0x571: {  	s1 =	sand.u32 $0xF0000, s30;
	s0 =	sshll.u32 s29, $0x7  }
.Ltmp34:
0x572: {  	s1 =	sadd.s32 s2, s1;
	s0 =	sand.u32 $0x300, s0;
	(pc) =	sbr.rel .LBB2_56-.Ltmp34, $4  }
0x573: {  	s0 =	sor.u32 s0, s1  }
0x574: {  	s0 =	sshrl.u32 s0, $0x3  }
0x575: {  	s13 =	sadd.s32 $0x1, s13;
	s0 =	sadd.s32 s7, s0  }
0x576: {  	[tilespmem:s16], [sflag:$0x2] =	stream.strided.gather [hbm4b:s0+s8], $0x4000, s14, s8, $0x38;
	[tilespmem:$0x1A280] =	vst v63  }
.LBB2_60:
0x577: {  	s0 =	rddreg [dreg:$0xe]  }
0x578: {  	s2 =	simm.s32 $0x80;
	s4 =	simm.s32 $0x2000;
	s1 =	simm.s32 $0x5  }
0x579: {  	[tilespmem:s4], [sflag:$0x5] =	stream.strided.gather [hbm4b:s0+s2], $0x2000, s14, s2, $0x38;
	[tilespmem:$0x1A280] =	vst v63  }
0x57a: {  	_ =	swait.ge [sflag:s1], $0x2000  }
0x57b: {  	[sflag:s1] =	ssyncset.done $0x0  }
0x57c: {  	s13 =	rddreg [dreg:$0xd];
	[sflag:s1] =	ssyncadd.s32 $0xFFFFE000  }
0x57d: {  	[hbm4b:s13+s2] =	stream.strided.scatter [tilespmem:s4], [sflag:$0x5], $0x2000, s14, s2, $0x38;
	[tilespmem:$0x1A280] =	vst v63  }
0x57e: {  	_ =	swait.ge [sflag:s1], $0x2000  }
0x57f: {  	s15 =	sld [smem:$0x7F0]  }
0x580: {  	[sflag:s1] =	ssyncset.done $0x0  }
0x581: {  	[sflag:s1] =	ssyncadd.s32 $0xFFFFE000  }
0x582: {  	[tilespmem:s12], [sflag:$0x1] =	stream.strided.gather [hbm4b:s15+s8], $0x4000, s14, s8, $0x38;
	[tilespmem:$0x1A280] =	vst v63  }
0x583: {  	s17 =	rddreg [dreg:$0x19]  }
0x584: {  	[tilespmem:s16], [sflag:$0x2] =	stream.strided.gather [hbm4b:s17+s8], $0x4000, s14, s8, $0x38;
	[tilespmem:$0x1A280] =	vst v63  }
0x585: {  	s19 =	simm.s32 $0x0;
	s20 =	simm.s32 $0x0;
	_ =	swait.ge [sflag:s22], $0x4000  }
0x586: {  	s0 =	sand.u32 $0x70000, s19;
	s1 =	sand.u32 $0x200, s20;
	[sflag:s22] =	ssyncset.done $0x0  }
0x587: {  	s0 =	sor.u32 s0, s1;
	s9 =	rddreg [dreg:$0x14];
	[sflag:s22] =	ssyncadd.s32 $0xFFFFC000  }
0x588: {  	s0 =	sor.u32 s9, s0;
	_ =	swait.ge [sflag:s23], $0x4000  }
0x589: {  	s0 =	sshrl.u32 s0, $0x3;
	[sflag:s23] =	ssyncset.done $0x0  }
0x58a: {  	s0 =	sadd.s32 s18, s0;
	[sflag:s23] =	ssyncadd.s32 $0xFFFFC000  }
0x58b: {  	[hbm4b:s0+s8] =	stream.strided.scatter [tilespmem:s12], [sflag:$0x3], $0x4000, s14, s8, $0x38;
	[tilespmem:$0x1A280] =	vst v63  }
0x58c: {  	s21 =	simm.s32 $0x300;
	s26 =	simm.s32 $0x200;
	s0 =	sadd.s32 $0x20, s0  }
0x58d: {  	[hbm4b:s0+s8] =	stream.strided.scatter [tilespmem:s16], [sflag:$0x4], $0x4000, s14, s8, $0x38;
	[tilespmem:$0x1A280] =	vst v63  }
0x58e: {  	s5 =	simm.s32 $0xC000;
	s0 =	simm.s32 $0x8000;
	_ =	swait.ge [sflag:s24], $0x4000  }
0x58f: {  	s30 =	sand.u32 $0xF0000, s5;
	s29 =	sand.u32 $0xF0000, s0;
	[sflag:s24] =	ssyncset.done $0x0  }
0x590: {  	s2 =	sand.u32 $0x200, s26;
	s4 =	sadd.s32 s9, s29;
	[sflag:s24] =	ssyncadd.s32 $0xFFFFC000  }
0x591: {  	s1 =	sand.u32 $0x300, s21;
	s2 =	sor.u32 s2, s4;
	_ =	swait.ge [sflag:s25], $0x4000  }
0x592: {  	s4 =	sadd.s32 s9, s30;
	s2 =	sshrl.u32 s2, $0x3;
	[sflag:s25] =	ssyncset.done $0x0  }
0x593: {  	s1 =	sor.u32 s1, s4;
	s2 =	sadd.s32 s7, s2;
	[sflag:s25] =	ssyncadd.s32 $0xFFFFC000  }
0x594: {  	[tilespmem:s12], [sflag:$0x1] =	stream.strided.gather [hbm4b:s2+s8], $0x4000, s14, s8, $0x38;
	[tilespmem:$0x1A280] =	vst v63  }
0x595: {  	s4 =	sshrl.u32 s1, $0x3;
	s2 =	simm.s32 $0x500  }
.LBB2_61:
0x596: {  	s1 =	sadd.s32 $0xFFFFFD00, s2  }
0x597: {  	s4 =	sadd.s32 s7, s4;
	s5 =	smov.u32 s2;
	s6 =	sadd.s32 $0x200, s2  }
0x598: {  	[tilespmem:s16], [sflag:$0x2] =	stream.strided.gather [hbm4b:s4+s8], $0x4000, s14, s8, $0x38;
	[tilespmem:$0x1A280] =	vst v63  }
0x599: {  	s1 =	sand.u32 $0x200, s1;
	s4 =	sand.u32 $0x70000, s0;
	_ =	swait.ge [sflag:s22], $0x4000  }
0x59a: {  	p0 =	sne.s32 s2, $0x1F00;
	s1 =	sor.u32 s4, s1;
	[sflag:s22] =	ssyncset.done $0x0  }
0x59b: {  	s1 =	sor.u32 s9, s1;
	[sflag:s22] =	ssyncadd.s32 $0xFFFFC000  }
0x59c: {  	s1 =	sshrl.u32 s1, $0x3;
	_ =	swait.ge [sflag:s23], $0x4000  }
0x59d: {  	s1 =	sadd.s32 s18, s1;
	[sflag:s23] =	ssyncset.done $0x0  }
0x59e: {  	s2 =	sadd.s32 $0xFFFFFF00, s5;
	s4 =	sand.u32 $0x300, s5;
	[sflag:s23] =	ssyncadd.s32 $0xFFFFC000  }
0x59f: {  	[hbm4b:s1+s8] =	stream.strided.scatter [tilespmem:s12], [sflag:$0x3], $0x4000, s14, s8, $0x38;
	[tilespmem:$0x1A280] =	vst v63  }
0x5a0: {  	s5 =	sadd.s32 $0xC000, s0;
	s0 =	sadd.s32 $0x8000, s0;
	s1 =	sadd.s32 $0x20, s1  }
0x5a1: {  	[hbm4b:s1+s8] =	stream.strided.scatter [tilespmem:s16], [sflag:$0x4], $0x4000, s14, s8, $0x38;
	[tilespmem:$0x1A280] =	vst v63  }
0x5a2: {  	s5 =	sand.u32 $0xF0000, s5;
	s1 =	sand.u32 $0xF0000, s0;
	_ =	swait.ge [sflag:s24], $0x4000  }
0x5a3: {  	s2 =	sand.u32 $0x200, s2;
	s1 =	sadd.s32 s9, s1;
	[sflag:s24] =	ssyncset.done $0x0  }
.Ltmp35:
0x5a4: {  	s1 =	sor.u32 s2, s1;
	[sflag:s24] =	ssyncadd.s32 $0xFFFFC000;
	(pc) =	sbr.rel @p0 .LBB2_61-.Ltmp35, $4  }
0x5a5: {  	s2 =	sadd.s32 s9, s5;
	s1 =	sshrl.u32 s1, $0x3;
	_ =	swait.ge [sflag:s25], $0x4000  }
0x5a6: {  	s2 =	sor.u32 s4, s2;
	s1 =	sadd.s32 s7, s1;
	[sflag:s25] =	ssyncset.done $0x0  }
0x5a7: {  	s4 =	sshrl.u32 s2, $0x3;
	s2 =	smov.u32 s6;
	[sflag:s25] =	ssyncadd.s32 $0xFFFFC000  }
0x5a8: {  	[tilespmem:s12], [sflag:$0x1] =	stream.strided.gather [hbm4b:s1+s8], $0x4000, s14, s8, $0x38;
	[tilespmem:$0x1A280] =	vst v63  }
0x5a9: {  	s0 =	sadd.s32 s7, s4  }
0x5aa: {  	[tilespmem:s16], [sflag:$0x2] =	stream.strided.gather [hbm4b:s0+s8], $0x4000, s14, s8, $0x38;
	[tilespmem:$0x1A280] =	vst v63  }
0x5ab: {  	_ =	swait.ge [sflag:s22], $0x4000  }
0x5ac: {  	[sflag:s22] =	ssyncset.done $0x0  }
0x5ad: {  	[sflag:s22] =	ssyncadd.s32 $0xFFFFC000  }
0x5ae: {  	_ =	swait.ge [sflag:s23], $0x4000  }
0x5af: {  	s29 =	sld [smem:$0x7F2]  }
0x5b0: {  	[sflag:s23] =	ssyncset.done $0x0  }
0x5b1: {  	s30 =	sld [smem:$0x7F3];
	[sflag:s23] =	ssyncadd.s32 $0xFFFFC000  }
0x5b2: {  	[hbm4b:s29+s8] =	stream.strided.scatter [tilespmem:s12], [sflag:$0x3], $0x4000, s14, s8, $0x38;
	[tilespmem:$0x1A280] =	vst v63  }
0x5b3: {  	_ = 	snop  }
0x5b4: {  	[hbm4b:s30+s8] =	stream.strided.scatter [tilespmem:s16], [sflag:$0x4], $0x4000, s14, s8, $0x38;
	[tilespmem:$0x1A280] =	vst v63  }
.LBB2_63:
0x5b5: {  	_ =	swait.ge [sflag:s24], $0x4000  }
0x5b6: {  	[sflag:s24] =	ssyncset.done $0x0  }
0x5b7: {  	[sflag:s24] =	ssyncadd.s32 $0xFFFFC000  }
0x5b8: {  	_ =	swait.ge [sflag:s25], $0x4000  }
0x5b9: {  	s0 =	sld [smem:$0x7F9]  }
0x5ba: {  	[sflag:s25] =	ssyncset.done $0x0  }
0x5bb: {  	[sflag:s25] =	ssyncadd.s32 $0xFFFFC000  }
0x5bc: {  	v17 =	vld [tilespmem:s0+$0xA000];
	_ =	sdelay $0x4  }
0x5bd: {  	v17 =	vnsel vm0, $0x0, v17  }
0x5be: {  	(xrf0) =	vmax.scan.msk.f32 $0xffff, v17;
	_ =	sdelay $0x5  }
0x5bf: {  	v17, _, _ =	vpop (xrf0)  }
0x5c0: {  	(v2sf) =	vpush v17, $0xF;
	_ =	sdelay $0xe  }
0x5c1: {  	s30 =	spop (v2sf)  }
0x5c2: {  	p0 =	slt.f32 s30, $0.0e+00;
	p1 =	sgt.f32 s30, $0.0e+00  }
0x5c3: {  	_ = 	snop  }
0x5c4: {  	p0 =	por p1, p0  }
0x5c5: {  	p0 =	por !p0, !p0  }
.Ltmp36:
0x5c6: {  	_ = 	snop;
	(pc) =	sbr.rel @p0 .LBB2_80-.Ltmp36, $1  }
0x5c7: {  	_ =	sdelay $0x3  }
0x5c8: {  	s0 =	simm.s32 $0x0  }
0x5c9: {  	s1 =	rddreg [dreg:$0xf];
	s4 =	simm.s32 $0x80;
	s2 =	simm.s32 $0x5  }
0x5ca: {  	[tilespmem:s0], [sflag:$0x5] =	stream.strided.gather [hbm4b:s1+s4], $0x2000, s14, s4, $0x38;
	[tilespmem:$0x1A280] =	vst v63  }
0x5cb: {  	_ =	swait.ge [sflag:s2], $0x2000  }
0x5cc: {  	s5 =	simm.s32 $0x4000;
	[sflag:s2] =	ssyncset.done $0x0  }
0x5cd: {  	s30 =	simm.s32 $0x30;
	s20 =	rddreg [dreg:$0x10];
	[sflag:s2] =	ssyncadd.s32 $0xFFFFE000  }
0x5ce: {  	[hbm4b:s20+s4] =	stream.strided.scatter [tilespmem:s5], [sflag:$0x5], $0x2000, s14, s4, $0x38;
	[tilespmem:$0x1A280] =	vst v63  }
0x5cf: {  	s29 =	simm.s32 $0x20;
	v21 =	vadd.s32 s30, v15;
	_ =	swait.ge [sflag:s2], $0x2000  }
0x5d0: {  	s26 =	simm.s32 $0x10;
	v20 =	vadd.s32 s29, v15;
	vm3 =	vgt.s32 v21, $0x0;
	[sflag:s2] =	ssyncset.done $0x0  }
0x5d1: {  	s21 =	simm.s32 $0x20;
	v17 =	vadd.s32 s26, v15;
	vm2 =	vgt.s32 v20, $0x0;
	v21 =	vnsel vm3, $0x0, v21;
	[sflag:s2] =	ssyncadd.s32 $0xFFFFE000  }
0x5d2: {  	vm1 =	vgt.s32 v17, $0x0;
	v20 =	vnsel vm2, $0x0, v20;
	v18 =	vld [tilespmem:s21+$0x0]  }
0x5d3: {  	v24 =	vnsel vm1, $0x0, v17;
	v19 =	vld [tilespmem:s21+$0xFFFFFFE0]  }
0x5d4: {  	v22 =	vld [tilespmem:s21+$0x10]  }
0x5d5: {  	v23 =	vld [tilespmem:s21+$0xFFFFFFF0]  }
0x5d6: {  	v21 =	vld.idx.msk [tilespmem:v21+s3+$0x0], $0xffff  }
0x5d7: {  	v20 =	vld.idx.msk [tilespmem:v20+s3+$0x0], $0xffff  }
0x5d8: {  	v25 =	vmov s30;
	v26 =	vor.u32 s30, v8;
	v27 =	vor.u32 s0, v8;
	v24 =	vld.idx.msk [tilespmem:v24+s3+$0x0], $0xffff  }
0x5d9: {  	v17 =	vor.u32 s26, v8;
	vm2 =	veq.s32 v25, v16;
	v25 =	vmov s0  }
0x5da: {  	vm3 =	veq.s32 v25, v0;
	v28 =	vmul.f32 $8.192000000e+03, v18;
	v19 =	vmul.f32 $8.192000000e+03, v19  }
0x5db: {  	v18 =	vcvt.s32.f32 v27;
	v27 =	vadd.s32 s0, v15;
	v22 =	vmul.f32 $8.192000000e+03, v22  }
0x5dc: {  	v23 =	vmul.f32 $8.192000000e+03, v23;
	v20 =	vmul.f32 $8.192000000e+03, v20;
	v28 =	vadd.f32 $-5.000000000e-01, v28  }
0x5dd: {  	v21 =	vmul.f32 $8.192000000e+03, v21;
	v24 =	vmul.f32 $8.192000000e+03, v24;
	vm1 =	vgt.s32 v27, $0x0  }
0x5de: {  	v19 =	vadd.f32 $-5.000000000e-01, v19;
	v27 =	vnsel vm1, $0x0, v27;
	v29 =	vtrunc.f32 v28  }
0x5df: {  	v22 =	vadd.f32 $-5.000000000e-01, v22;
	v23 =	vadd.f32 $-5.000000000e-01, v23;
	v25 =	vcvt.f32.s32 v29  }
0x5e0: {  	v20 =	vadd.f32 $-5.000000000e-01, v20;
	v21 =	vadd.f32 $-5.000000000e-01, v21;
	v61 =	vtrunc.f32 v19  }
0x5e1: {  	vm5 =	vlt.f32 v19, $0.0e+00;
	v19 =	vtrunc.f32 v22;
	v25 =	vadd.s32 $0x1, v25  }
0x5e2: {  	vm1 =	vlt.f32 v23, $0.0e+00;
	vm7 =	vlt.f32 v22, $0.0e+00;
	vm6 =	vlt.s32 v25, $0x2000  }
0x5e3: {  	v22 =	vtrunc.f32 v23;
	v19 =	vcvt.f32.s32 v19;
	v23 =	vnsel vm6, $0x2000, v25;
	v25 =	vld.idx.msk [tilespmem:v27+s3+$0x0], $0xffff  }
0x5e4: {  	vm4 =	vlt.f32 v28, $0.0e+00;
	v63 =	vtrunc.f32 v21;
	v22 =	vcvt.f32.s32 v22  }
0x5e5: {  	vm10 =	vlt.f32 v21, $0.0e+00;
	v29 =	vcvt.f32.s32 v61;
	v19 =	vadd.s32 $0x1, v19  }
0x5e6: {  	v62 =	vadd.s32 $0x1, v22;
	v22 =	vadd.f32 $-5.000000000e-01, v24;
	v24 =	vtrunc.f32 v20  }
0x5e7: {  	v24 =	vcvt.f32.s32 v24;
	v27 =	vadd.s32 $0x1, v29;
	v29 =	vcvt.f32.s32 v63  }
0x5e8: {  	vm6 =	vlt.s32 v19, $0x2000;
	v30 =	vtrunc.f32 v22;
	v25 =	vmul.f32 $8.192000000e+03, v25  }
0x5e9: {  	vm9 =	vlt.f32 v22, $0.0e+00;
	vm8 =	vlt.s32 v27, $0x2000;
	v19 =	vnsel vm6, $0x2000, v19  }
0x5ea: {  	vm6 =	vlt.f32 v20, $0.0e+00;
	v23 =	vsel vm4, $0x0, v23;
	v20 =	vadd.f32 $-5.000000000e-01, v25  }
0x5eb: {  	v19 =	vsel vm7, $0x0, v19;
	vm7 =	vlt.s32 v62, $0x2000;
	v21 =	vnsel vm8, $0x2000, v27  }
0x5ec: {  	v19 =	vsel vm2, $0x2000, v19;
	v25 =	vadd.s32 $0x1, v29;
	v22 =	vtrunc.f32 v20  }
0x5ed: {  	v27 =	vnsel vm7, $0x2000, v62;
	vm11 =	vlt.s32 v25, $0x2000;
	v22 =	vcvt.f32.s32 v22  }
0x5ee: {  	v25 =	vnsel vm11, $0x2000, v25;
	vm14 =	vlt.f32 v20, $0.0e+00;
	v20 =	vsel vm5, $0x0, v21  }
0x5ef: {  	v21 =	vadd.s32 $0x1, v24;
	v24 =	vsel vm10, $0x0, v25;
	v22 =	vadd.s32 $0x1, v22  }
0x5f0: {  	vm2 =	vmor vm3, vm14;
	v25 =	vcvt.f32.s32 v30;
	vm3 =	vlt.s32 v22, $0x2000  }
0x5f1: {  	vm5 =	vlt.s32 v21, $0x2000;
	vm15 =	vlt.s32 v24, $0x1FFF;
	v22 =	vnsel vm3, $0x2000, v22  }
0x5f2: {  	v21 =	vnsel vm5, $0x2000, v21;
	v25 =	vadd.s32 $0x1, v25;
	v22 =	vsel vm2, $0x0, v22  }
0x5f3: {  	v21 =	vsel vm6, $0x0, v21;
	vm2 =	vgt.s32 v20, v22;
	vm3 =	vlt.s32 v22, $0x1FFF  }
0x5f4: {  	vm4 =	vlt.s32 v25, $0x2000;
	vm5 =	vlt.s32 v21, $0x1FFF;
	v22 =	vnsel vm3, $0x1FFF, v22  }
0x5f5: {  	v20 =	vnsel vm4, $0x2000, v25;
	vm4 =	vgt.s32 v19, v24;
	v19 =	vcvt.s32.f32 v26  }
0x5f6: {  	v25 =	vsel vm9, $0x0, v20;
	vm3 =	vgt.s32 v23, v21;
	v23 =	vsel vm1, $0x0, v27  }
0x5f7: {  	v20 =	vnsel vm15, $0x1FFF, v24;
	vm1 =	vgt.s32 v23, v25;
	vm6 =	vlt.s32 v25, $0x1FFF  }
0x5f8: {  	s4 =	simm.s32 $0x60;
	s2 =	simm.s32 $0x40;
	s0 =	simm.s32 $0x2020;
	v21 =	vnsel vm5, $0x1FFF, v21;
	v24 =	vor.u32 s29, v8;
	v23 =	vnsel vm6, $0x1FFF, v25  }
.LBB2_65:
0x5f9: {  	s1 =	sadd.s32 $0x10, s2;
	s5 =	sadd.s32 $0x20, s2;
	v25 =	vld [tilespmem:s4+$0x0];
	s6 =	sadd.s32 $0x30, s2;
	[tilespmem:v22+s28+$0x0] =	vst.idx.msk vm2, v18;
	v18 =	vcvt.s32.f32 v17;
	v22 =	vcvt.s32.f32 v24  }
0x5fa: {  	p0 =	slt.u32 s2, $0x1FC0;
	s7 =	smov.u32 s2;
	s2 =	sadd.s32 $0x40, s2;
	v24 =	vld [tilespmem:s4+$0xFFFFFFE0];
	v17 =	vadd.s32 s1, v15;
	v26 =	vadd.s32 s5, v15;
	v27 =	vadd.s32 s6, v15  }
0x5fb: {  	vm2 =	vgt.s32 v17, $0x0;
	vm5 =	vgt.s32 v26, $0x0;
	v28 =	vld [tilespmem:s4+$0x10];
	vm6 =	vgt.s32 v27, $0x0  }
0x5fc: {  	v29 =	vld [tilespmem:s4+$0xFFFFFFF0];
	v30 =	vnsel vm2, $0x0, v17;
	v26 =	vnsel vm5, $0x0, v26;
	v27 =	vnsel vm6, $0x0, v27;
	[tilespmem:v20+s28+$0x0] =	vst.idx.msk vm4, v19  }
0x5fd: {  	v17 =	vor.u32 s1, v8;
	v20 =	vmov s6;
	v19 =	vor.u32 s6, v8;
	[tilespmem:v23+s28+$0x0] =	vst.idx.msk vm1, v18  }
0x5fe: {  	v18 =	vor.u32 s7, v8;
	vm2 =	veq.s32 v20, v16;
	v23 =	vmul.f32 $8.192000000e+03, v25;
	[tilespmem:v21+s28+$0x0] =	vst.idx.msk vm3, v22  }
0x5ff: {  	v20 =	vmov s7;
	v18 =	vcvt.s32.f32 v18;
	v21 =	vmul.f32 $8.192000000e+03, v24  }
0x600: {  	v22 =	vadd.s32 s7, v15;
	v23 =	vadd.f32 $-5.000000000e-01, v23;
	v24 =	vmul.f32 $8.192000000e+03, v28  }
0x601: {  	vm1 =	vgt.s32 v22, $0x0;
	v21 =	vadd.f32 $-5.000000000e-01, v21;
	v25 =	vmul.f32 $8.192000000e+03, v29;
	v27 =	vld.idx.msk [tilespmem:v27+s3+$0x0], $0xffff  }
0x602: {  	v22 =	vnsel vm1, $0x0, v22;
	v26 =	vld.idx.msk [tilespmem:v26+s3+$0x0], $0xffff;
	v28 =	vtrunc.f32 v23;
	v24 =	vadd.f32 $-5.000000000e-01, v24  }
0x603: {  	vm3 =	veq.s32 v20, v0;
	v20 =	vld.idx.msk [tilespmem:v30+s3+$0x0], $0xffff;
	v25 =	vadd.f32 $-5.000000000e-01, v25;
	v28 =	vcvt.f32.s32 v28  }
0x604: {  	v29 =	vtrunc.f32 v21;
	vm4 =	vlt.f32 v21, $0.0e+00;
	v21 =	vtrunc.f32 v24  }
0x605: {  	v29 =	vcvt.f32.s32 v29;
	vm1 =	vlt.f32 v25, $0.0e+00;
	v28 =	vadd.s32 $0x1, v28  }
0x606: {  	vm7 =	vlt.f32 v24, $0.0e+00;
	v21 =	vcvt.f32.s32 v21;
	vm6 =	vlt.s32 v28, $0x2000  }
0x607: {  	vm5 =	vlt.f32 v23, $0.0e+00;
	v24 =	vtrunc.f32 v25;
	v22 =	vld.idx.msk [tilespmem:v22+s3+$0x0], $0xffff;
	v23 =	vnsel vm6, $0x2000, v28  }
0x608: {  	v25 =	vmul.f32 $8.192000000e+03, v26;
	v21 =	vadd.s32 $0x1, v21;
	v26 =	vmul.f32 $8.192000000e+03, v27  }
0x609: {  	v24 =	vcvt.f32.s32 v24;
	v27 =	vadd.s32 $0x1, v29;
	v20 =	vmul.f32 $8.192000000e+03, v20  }
0x60a: {  	vm6 =	vlt.s32 v21, $0x2000;
	v25 =	vadd.f32 $-5.000000000e-01, v25;
	v26 =	vadd.f32 $-5.000000000e-01, v26  }
0x60b: {  	vm9 =	vlt.s32 v27, $0x2000;
	v24 =	vadd.s32 $0x1, v24;
	v20 =	vadd.f32 $-5.000000000e-01, v20  }
0x60c: {  	v21 =	vnsel vm6, $0x2000, v21;
	v28 =	vtrunc.f32 v25;
	v29 =	vtrunc.f32 v26  }
0x60d: {  	v21 =	vsel vm7, $0x0, v21;
	v22 =	vmul.f32 $8.192000000e+03, v22;
	v29 =	vcvt.f32.s32 v29  }
0x60e: {  	vm8 =	vlt.f32 v25, $0.0e+00;
	v30 =	vtrunc.f32 v20;
	v28 =	vcvt.f32.s32 v28  }
0x60f: {  	vm6 =	vlt.s32 v24, $0x2000;
	v22 =	vadd.f32 $-5.000000000e-01, v22;
	v25 =	vadd.s32 $0x1, v29  }
0x610: {  	vm10 =	vlt.f32 v26, $0.0e+00;
	vm7 =	vlt.f32 v20, $0.0e+00;
	vm11 =	vlt.s32 v25, $0x2000  }
0x611: {  	v20 =	vnsel vm9, $0x2000, v27;
	v26 =	vtrunc.f32 v22;
	v25 =	vnsel vm11, $0x2000, v25  }
0x612: {  	v21 =	vsel vm2, $0x2000, v21;
	vm9 =	vlt.f32 v22, $0.0e+00;
	v26 =	vcvt.f32.s32 v26  }
0x613: {  	v20 =	vsel vm4, $0x0, v20;
	v22 =	vadd.s32 $0x1, v28;
	v25 =	vsel vm10, $0x0, v25  }
0x614: {  	v27 =	vcvt.f32.s32 v30;
	vm2 =	vmor vm3, vm9;
	v26 =	vadd.s32 $0x1, v26  }
0x615: {  	vm4 =	vlt.s32 v22, $0x2000;
	vm9 =	vlt.s32 v25, $0x1FFF;
	vm3 =	vlt.s32 v26, $0x2000  }
0x616: {  	v23 =	vsel vm5, $0x0, v23;
	v22 =	vnsel vm4, $0x2000, v22;
	v26 =	vnsel vm3, $0x2000, v26  }
0x617: {  	v27 =	vadd.s32 $0x1, v27;
	v28 =	vsel vm8, $0x0, v22;
	v26 =	vsel vm2, $0x0, v26  }
0x618: {  	vm4 =	vlt.s32 v27, $0x2000;
	vm2 =	vgt.s32 v20, v26;
	vm3 =	vlt.s32 v26, $0x1FFF  }
.Ltmp37:
0x619: {  	v24 =	vnsel vm6, $0x2000, v24;
	v20 =	vnsel vm4, $0x2000, v27;
	v22 =	vnsel vm3, $0x1FFF, v26;
	(pc) =	sbr.rel @p0 .LBB2_65-.Ltmp37, $4  }
0x61a: {  	v26 =	vsel vm7, $0x0, v20;
	vm3 =	vgt.s32 v23, v28;
	v20 =	vnsel vm9, $0x1FFF, v25  }
0x61b: {  	vm5 =	vlt.s32 v28, $0x1FFF;
	vm4 =	vgt.s32 v21, v25;
	v23 =	vsel vm1, $0x0, v24  }
0x61c: {  	s6 =	simm.s32 $0x6020;
	v21 =	vnsel vm5, $0x1FFF, v28;
	vm1 =	vgt.s32 v23, v26;
	vm6 =	vlt.s32 v26, $0x1FFF  }
0x61d: {  	s4 =	sadd.s32 $0x40, s4;
	v19 =	vcvt.s32.f32 v19;
	v24 =	vor.u32 s5, v8;
	s5 =	simm.s32 $0x3;
	v23 =	vnsel vm6, $0x1FFF, v26  }
0x61e: {  	_ =	sdelay $0x4  }
0x61f: {  	[tilespmem:v22+s28+$0x0] =	vst.idx.msk vm2, v18;
	v17 =	vcvt.s32.f32 v17  }
0x620: {  	v18 =	vcvt.s32.f32 v24;
	[tilespmem:v20+s28+$0x0] =	vst.idx.msk vm4, v19  }
0x621: {  	[tilespmem:v23+s28+$0x0] =	vst.idx.msk vm1, v17  }
0x622: {  	[tilespmem:v21+s28+$0x0] =	vst.idx.msk vm3, v18  }
0x623: {  	v17 =	vld [tilespmem:s6+$0x10];
	_ =	sdelay $0x1  }
0x624: {  	v18 =	vld [tilespmem:s6+$0xFFFFFFE0]  }
0x625: {  	v19 =	vld [tilespmem:s6+$0xFFFFFFF0];
	_ =	sdelay $0x1  }
0x626: {  	(xrf0) =	vmax.scan.msk.f32 $0xffff, v17  }
0x627: {  	v17 =	vld [tilespmem:s6+$0x0]  }
0x628: {  	(xrf0) =	vmax.scan.msk.f32 $0xffff, v18  }
0x629: {  	(xrf0) =	vmax.scan.msk.f32 $0xffff, v19;
	_ =	sdelay $0x1  }
0x62a: {  	s1 =	simm.s32 $0x6060  }
0x62b: {  	v18 =	vld [tilespmem:s1+$0x10];
	(xrf0) =	vmax.scan.msk.f32 $0xffff, v17;
	v19, _, _ =	vpop (xrf0)  }
0x62c: {  	v17 =	vld [tilespmem:s1+$0xFFFFFFE0];
	(xrf0) =	vmax.scan.msk.f32 $0xffff, v19  }
0x62d: {  	v20 =	vld [tilespmem:s1+$0xFFFFFFF0];
	v24, _, _ =	vpop (xrf0)  }
0x62e: {  	(xrf0) =	vmax.scan.msk.f32 $0xffff, v24;
	v26, _, _ =	vpop (xrf0)  }
0x62f: {  	v21 =	vld [tilespmem:s1+$0x0];
	(xrf0) =	vmax.scan.msk.f32 $0xffff, v26  }
0x630: {  	(xrf0) =	vmax.scan.msk.f32 $0xffff, v18  }
0x631: {  	(xrf0) =	vmax.scan.msk.f32 $0xffff, v17;
	v27, _, _ =	vpop (xrf0)  }
0x632: {  	(xrf0) =	vmax.scan.msk.f32 $0xffff, v20;
	v17, _, _ =	vpop (xrf0)  }
0x633: {  	v17 =	vadd.f32 $0.0e+00, v17  }
0x634: {  	s26 =	simm.s32 $0x60A0;
	(xrf0) =	vmax.scan.msk.f32 $0xffff, v21;
	v21, _, _ =	vpop (xrf0)  }
0x635: {  	s2 =	simm.s32 $0x0;
	v23 =	vld [tilespmem:s26+$0x10];
	v18 =	vmov s5;
	(xrf0) =	vmax.scan.msk.f32 $0xffff, v27;
	v22, _, _ =	vpop (xrf0)  }
0x636: {  	s4 =	simm.s32 $0x1;
	v25 =	vmov s2;
	v28 =	vld [tilespmem:s26+$0xFFFFFFE0];
	v20, _, _ =	vpop (xrf0)  }
0x637: {  	s29 =	simm.s32 $0x2;
	v29 =	vmov s4;
	v31 =	vld [tilespmem:s26+$0xFFFFFFF0];
	[tilespmem:s0+$0x10] =	vst v19;
	v30 =	vbroadcast v17, $0xF;
	v17, _, _ =	vpop (xrf0);
	(xrf0) =	vmax.scan.msk.f32 $0xffff, v20  }
0x638: {  	v32 =	vmov s29;
	v25 =	vand.u32 $0xFFFFFFFC, v25;
	v33 =	vld [tilespmem:s26+$0x0];
	[tilespmem:s0+$0xFFFFFFE0] =	vst v24;
	(xrf0) =	vmax.scan.msk.f32 $0xffff, v17;
	v19, _, _ =	vpop (xrf0)  }
0x639: {  	v29 =	vand.u32 $0xFFFFFFFD, v29;
	v25 =	vbroadcast v25, $0x0;
	[tilespmem:s0+$0xFFFFFFF0] =	vst v26;
	(xrf0) =	vmax.scan.msk.f32 $0xffff, v19  }
0x63a: {  	s2 =	simm.s32 $0x7;
	v26 =	vbroadcast v29, $0x0;
	v21 =	vadd.f32 $0.0e+00, v21;
	[tilespmem:v18+s31+$0x0] =	vst.idx.msk $0x1, v30;
	v18, _, _ =	vpop (xrf0);
	(xrf0) =	vmax.scan.msk.f32 $0xffff, v23  }
0x63b: {  	[tilespmem:s0+$0x0] =	vst v27;
	v27 =	vmov s2;
	v34 =	vadd.f32 $0.0e+00, v22;
	v30, _, _ =	vpop (xrf0);
	(xrf0) =	vmax.scan.msk.f32 $0xffff, v28  }
0x63c: {  	s30 =	simm.s32 $0x4;
	v22 =	vbroadcast v21, $0xF;
	v21 =	vand.u32 $0xFFFFFFFE, v32;
	v28 =	vadd.f32 $0.0e+00, v30;
	(xrf0) =	vmax.scan.msk.f32 $0xffff, v31  }
0x63d: {  	s7 =	simm.s32 $0x5;
	v21 =	vbroadcast v21, $0x0;
	v23 =	vbroadcast v34, $0xF;
	v31 =	vmov s30;
	(xrf0) =	vmax.scan.msk.f32 $0xffff, v33;
	v29, _, _ =	vpop (xrf0)  }
0x63e: {  	s4 =	simm.s32 $0x80;
	s6 =	simm.s32 $0x6;
	s5 =	simm.s32 $0x60E0;
	v24 =	vbroadcast v28, $0xF;
	v28 =	vmov s7;
	v29 =	vadd.f32 $0.0e+00, v29;
	v30, _, _ =	vpop (xrf0);
	(xrf0) =	vmax.scan.msk.f32 $0xffff, v18  }
.LBB2_67:
0x63f: {  	v32 =	vld [tilespmem:s5+$0x10];
	s4 =	sadd.s32 $0x40, s4;
	v30 =	vadd.f32 $0.0e+00, v30;
	v31 =	vand.u32 $0xFFFFFFFC, v31;
	v33 =	vmov s6;
	v34, _, _ =	vpop (xrf0);
	[tilespmem:v25+s31+$0x0] =	vst.idx.msk $0x1, v22  }
0x640: {  	v28 =	vand.u32 $0xFFFFFFFD, v28;
	s0 =	sadd.s32 $0x40, s0;
	v35 =	vld [tilespmem:s5+$0xFFFFFFE0];
	p0 =	slt.u32 s4, $0x1FC0;
	v36, _, _ =	vpop (xrf0);
	v34 =	vadd.f32 $0.0e+00, v34;
	v29 =	vbroadcast v29, $0xF;
	[tilespmem:v26+s31+$0x0] =	vst.idx.msk $0x1, v23  }
0x641: {  	v37 =	vld [tilespmem:s5+$0xFFFFFFF0];
	v38, _, _ =	vpop (xrf0);
	(xrf0) =	vmax.scan.msk.f32 $0xffff, v36;
	v22 =	vbroadcast v30, $0xF;
	v30 =	vand.u32 $0xFFFFFFFE, v33;
	[tilespmem:s0+$0x10] =	vst v20  }
0x642: {  	v25 =	vbroadcast v31, $0x0;
	v33 =	vld [tilespmem:s5+$0x0];
	(xrf0) =	vmax.scan.msk.f32 $0xffff, v38;
	v39, _, _ =	vpop (xrf0);
	v23 =	vbroadcast v34, $0xF;
	[tilespmem:v27+s31+$0x0] =	vst.idx.msk $0x1, v29  }
0x643: {  	v26 =	vbroadcast v28, $0x0;
	v28 =	vbroadcast v30, $0x0;
	(xrf0) =	vmax.scan.msk.f32 $0xffff, v39;
	v27, _, _ =	vpop (xrf0);
	[tilespmem:s0+$0xFFFFFFF0] =	vst v19  }
.Ltmp38:
0x644: {  	v20 =	vmov v36;
	v19 =	vmov v39;
	(xrf0) =	vmax.scan.msk.f32 $0xffff, v32;
	v29, _, _ =	vpop (xrf0);
	[tilespmem:v21+s31+$0x0] =	vst.idx.msk $0x1, v24;
	(pc) =	sbr.rel @p0 .LBB2_67-.Ltmp38, $4  }
0x645: {  	v21 =	vmovc v28;
	(xrf0) =	vmax.scan.msk.f32 $0xffff, v35;
	[tilespmem:s0+$0xFFFFFFE0] =	vst v17;
	v24 =	vadd.f32 $0.0e+00, v29;
	v17 =	vmov v38  }
0x646: {  	s2 =	sadd.s32 $0x4, s2;
	(xrf0) =	vmax.scan.msk.f32 $0xffff, v37;
	[tilespmem:s0+$0x0] =	vst v18;
	v18 =	vmov v27  }
0x647: {  	s1 =	sadd.s32 $0xFFFFFFFD, s2;
	s7 =	sadd.s32 $0xFFFFFFFE, s2;
	s6 =	sadd.s32 $0xFFFFFFFF, s2;
	v27 =	vmov s2;
	(xrf0) =	vmax.scan.msk.f32 $0xffff, v33;
	v29, _, _ =	vpop (xrf0);
	v24 =	vbroadcast v24, $0xF  }
0x648: {  	v31 =	vmov s1;
	s5 =	sadd.s32 $0x40, s5;
	v28 =	vmov s7;
	v29 =	vadd.f32 $0.0e+00, v29;
	v30, _, _ =	vpop (xrf0);
	(xrf0) =	vmax.scan.msk.f32 $0xffff, v18  }
0x649: {  	_ =	sdelay $0x1  }
0x64a: {  	v32, _, _ =	vpop (xrf0)  }
0x64b: {  	v33, _, _ =	vpop (xrf0)  }
0x64c: {  	[tilespmem:v25+s31+$0x0] =	vst.idx.msk $0x1, v22;
	(xrf0) =	vmax.scan.msk.f32 $0xffff, v33  }
0x64d: {  	v42 =	vand.u32 $0xFFFFFFFC, v31;
	[tilespmem:v26+s31+$0x0] =	vst.idx.msk $0x1, v23  }
0x64e: {  	s0 =	sadd.s32 $0x40, s0;
	[tilespmem:v21+s31+$0x0] =	vst.idx.msk $0x1, v24;
	v46 =	vbroadcast v42, $0x0;
	v45, _, _ =	vpop (xrf0)  }
0x64f: {  	[tilespmem:s0+$0x10] =	vst v20;
	v48, _, _ =	vpop (xrf0)  }
0x650: {  	v44 =	vand.u32 $0xFFFFFFFD, v28;
	v47 =	vadd.f32 $0.0e+00, v30;
	v49 =	vmov s6;
	[tilespmem:s0+$0xFFFFFFF0] =	vst v19;
	v51, _, _ =	vpop (xrf0)  }
0x651: {  	s1 =	sadd.s32 $0x4, s2;
	v43 =	vbroadcast v29, $0xF;
	v23 =	vbroadcast v44, $0x0;
	[tilespmem:s0+$0xFFFFFFE0] =	vst v17;
	(xrf0) =	vmax.scan.msk.f32 $0xffff, v45;
	v53, _, _ =	vpop (xrf0)  }
0x652: {  	v17 =	vmov s1;
	[tilespmem:s0+$0x0] =	vst v18;
	s0 =	sadd.s32 $0x40, s0;
	v19 =	vbroadcast v47, $0xF;
	(xrf0) =	vmax.scan.msk.f32 $0xffff, v48;
	v55, _, _ =	vpop (xrf0)  }
0x653: {  	v52 =	vand.u32 $0xFFFFFFFE, v49;
	s2 =	sadd.s32 $0xFFFFFFFD, s1;
	s4 =	sadd.s32 $0xFFFFFFFE, s1;
	[tilespmem:s0+$0x10] =	vst v33;
	(xrf0) =	vmax.scan.msk.f32 $0xffff, v51;
	v18 =	vadd.f32 $0.0e+00, v55  }
0x654: {  	v22 =	vbroadcast v52, $0x0;
	v57 =	vmov s2;
	[tilespmem:v46+s31+$0x0] =	vst.idx.msk $0x1, v19;
	v19 =	vmov s4  }
0x655: {  	s1 =	sadd.s32 $0xFFFFFFFF, s1;
	[tilespmem:v27+s31+$0x0] =	vst.idx.msk $0x1, v43;
	v58 =	vand.u32 $0xFFFFFFFC, v57;
	v19 =	vand.u32 $0xFFFFFFFD, v19;
	v18 =	vbroadcast v18, $0xF  }
0x656: {  	v50 =	vadd.f32 $0.0e+00, v32;
	v59 =	vmov s1;
	[tilespmem:s0+$0xFFFFFFE0] =	vst v45;
	v20 =	vbroadcast v58, $0x0  }
0x657: {  	v21 =	vand.u32 $0xFFFFFFFE, v59;
	v56 =	vadd.f32 $0.0e+00, v53;
	v61, _, _ =	vpop (xrf0);
	[tilespmem:v17+s31+$0x0] =	vst.idx.msk $0x1, v18;
	v17 =	vbroadcast v19, $0x0  }
0x658: {  	v54 =	vbroadcast v50, $0xF;
	[tilespmem:s0+$0xFFFFFFF0] =	vst v48;
	v21 =	vbroadcast v21, $0x0;
	v18 =	vadd.f32 $0.0e+00, v61;
	v19, _, _ =	vpop (xrf0)  }
0x659: {  	p1 =	por $0x1, $0x1;
	[tilespmem:s0+$0x0] =	vst v51;
	v60 =	vbroadcast v56, $0xF;
	v19 =	vadd.f32 $0.0e+00, v19;
	v62, _, _ =	vpop (xrf0)  }
.Ltmp39:
0x65a: {  	[tilespmem:v23+s31+$0x0] =	vst.idx.msk $0x1, v54;
	v18 =	vbroadcast v18, $0xF;
	v63 =	vadd.f32 $0.0e+00, v62;
	(pc) =	sbr.rel @!p1 .LBB2_73-.Ltmp39, $4  }
0x65b: {  	[tilespmem:v22+s31+$0x0] =	vst.idx.msk $0x1, v60;
	v19 =	vbroadcast v19, $0xF  }
0x65c: {  	v22 =	vbroadcast v63, $0xF;
	[tilespmem:v20+s31+$0x0] =	vst.idx.msk $0x1, v18  }
0x65d: {  	[tilespmem:v17+s31+$0x0] =	vst.idx.msk $0x1, v19  }
0x65e: {  	p0 =	por $0x0, $0x0;
	s2 =	simm.s32 $0x0;
	s0 =	simm.s32 $0x40;
	[tilespmem:v21+s31+$0x0] =	vst.idx.msk $0x1, v22  }
0x65f: {  	s1 =	simm.s32 $0x0  }
0x660: {  	v17 =	vld [tilespmem:s1+$0xA080];
	_ =	sdelay $0x4  }
0x661: {  	(xrf0) =	vmax.scan.msk.f32 $0xffff, v17;
	_ =	sdelay $0x3  }
0x662: {  	s2 =	sld [smem:$0x7FD];
	_ =	sdelay $0x1  }
0x663: {  	p1 =	por $0x1, $0x1;
	v17, _, _ =	vpop (xrf0)  }
.Ltmp40:
0x664: {  	v17 =	vmax.f32 v17, s2;
	(pc) =	sbr.rel @!p1 .LBB2_70-.Ltmp40, $2  }
0x665: {  	(xrf0) =	vmax.scan.msk.f32 $0xffff, v17;
	_ =	sdelay $0x2  }
0x666: {  	p0 =	por $0x1, $0x1;
	s2 =	simm.s32 $0x80;
	[tilespmem:s1+$0xA080] =	vst v17  }
.LBB2_71:
0x667: {  	p1 =	sne.s32 s2, $0x7C0;
	_ =	sdelay $0x1  }
0x668: {  	v17, _, _ =	vpop (xrf0)  }
0x669: {  	(v2sf) =	vpush v17, $0xF;
	_ =	sdelay $0x2  }
0x66a: {  	s1 =	sshra.s32 s0, $0x2;
	s0 =	smov.u32 s2  }
0x66b: {  	v17 =	vld [tilespmem:s1+$0xA080];
	_ =	sdelay $0x4  }
0x66c: {  	(xrf0) =	vmax.scan.msk.f32 $0xffff, v17;
	_ =	sdelay $0x5  }
0x66d: {  	v17, _, _ =	vpop (xrf0);
	s4 =	spop (v2sf)  }
.Ltmp41:
0x66e: {  	v17 =	vmax.f32 v17, s4;
	(pc) =	sbr.rel @p1 .LBB2_71-.Ltmp41, $2  }
0x66f: {  	[tilespmem:s1+$0xA080] =	vst v17;
	(xrf0) =	vmax.scan.msk.f32 $0xffff, v17;
	_ =	sdelay $0x2  }
0x670: {  	s2 =	sadd.s32 $0x40, s2  }
0x671: {  	s2 =	smov.u32 s0  }
.LBB2_73:
0x672: {  	_ = 	snop  }
0x673: {  	v17, _, _ =	vpop @p0 (xrf0)  }
0x674: {  	(v2sf) =	vpush @p0 v17, $0xF;
	_ =	sdelay $0x3  }
0x675: {  	s0 =	sshra.s32 s2, $0x2  }
0x676: {  	v17 =	vld [tilespmem:s0+$0xA080];
	_ =	sdelay $0x4  }
0x677: {  	(xrf0) =	vmax.scan.msk.f32 $0xffff, v17  }
0x678: {  	s1 =	simm.s32 $0x1  }
0x679: {  	v17 =	vmov s1  }
0x67a: {  	s2 =	sld [smem:$0x7FD];
	s9 =	simm.s32 $0x3;
	s10 =	simm.s32 $0x2;
	vm1 =	vgt.s32 v17, $0x1  }
0x67b: {  	s11 =	simm.s32 $0x0;
	v19 =	vmov s9;
	v20 =	vmov s10;
	v17 =	vnsel vm1, $0x1, v17  }
0x67c: {  	v21 =	vmov s11;
	vm1 =	vgt.s32 v19, $0x1;
	v17 =	vadd.s32 $0x7FFFFFFF, v17;
	s1 =	spop @p0 (v2sf)  }
0x67d: {  	vm2 =	vgt.s32 v20, $0x1;
	v19 =	vnsel vm1, $0x1, v19;
	v17 =	vand.u32 $0x7FFFFFFE, v17;
	v18, _, _ =	vpop (xrf0);
	s2 =	smov.u32 @p0 s1  }
0x67e: {  	vm1 =	vgt.s32 v21, $0x1;
	v17 =	vbroadcast v17, $0x0;
	v18 =	vmax.f32 v18, s2  }
0x67f: {  	v20 =	vnsel vm2, $0x1, v20;
	v22 =	vnsel vm1, $0x1, v21;
	(xrf0) =	vmax.scan.msk.f32 $0xffff, v18  }
0x680: {  	v20 =	vadd.s32 $0xFFFFFFFF, v20;
	v22 =	vadd.s32 $0xFFFFFFFF, v22  }
0x681: {  	v20 =	vbroadcast v20, $0x0  }
0x682: {  	v19 =	vadd.s32 $0x7FFFFFFF, v19  }
0x683: {  	s17 =	simm.s32 $0x5;
	s4 =	simm.s32 $0x6;
	v19 =	vand.u32 $0x7FFFFFFE, v19;
	[tilespmem:s0+$0xA080] =	vst v18  }
0x684: {  	s18 =	simm.s32 $0x4;
	s29 =	simm.s32 $0x8;
	v23 =	vmov s17;
	v24 =	vmov s4;
	v19 =	vbroadcast v19, $0x0;
	v17 =	vld.idx.msk [tilespmem:v17+s31+$0x0], $0xffff  }
0x685: {  	s13 =	simm.s32 $0x2020;
	s15 =	simm.s32 $0x7;
	v25 =	vmov s18;
	v29 =	vmov s29;
	vm3 =	vgt.s32 v23, $0x1;
	v22 =	vld.idx.msk [tilespmem:v22+s31+$0x0], $0xffff;
	v18, _, _ =	vpop (xrf0)  }
0x686: {  	vm1 =	veq.s32 v21, $0x0;
	v21 =	vmov s15;
	(v2sf) =	vpush v18, $0xF;
	v18 =	vld [tilespmem:s13+$0xFFFFFFF0]  }
0x687: {  	vm4 =	vgt.s32 v24, $0x1;
	v23 =	vnsel vm3, $0x1, v23;
	vm2 =	vgt.s32 v21, $0x1;
	v20 =	vld.idx.msk [tilespmem:v20+s31+$0x0], $0xffff  }
0x688: {  	v24 =	vnsel vm4, $0x1, v24;
	v21 =	vnsel vm2, $0x1, v21;
	vm2 =	vgt.s32 v25, $0x1;
	v26 =	vld [tilespmem:s13+$0xFFFFFFE0]  }
0x689: {  	v23 =	vadd.s32 $0x7FFFFFFF, v23;
	v24 =	vadd.s32 $0xFFFFFFFF, v24;
	v28 =	vnsel vm2, $0x1, v25;
	v27 =	vld [tilespmem:s13+$0x0]  }
0x68a: {  	v23 =	vand.u32 $0x7FFFFFFE, v23;
	v24 =	vbroadcast v24, $0x0;
	v28 =	vadd.s32 $0xFFFFFFFF, v28;
	v19 =	vld.idx.msk [tilespmem:v19+s31+$0x0], $0xffff  }
0x68b: {  	v21 =	vadd.s32 $0x7FFFFFFF, v21;
	v17 =	vmax.f32 v18, v17;
	v18 =	vbroadcast v23, $0x0;
	v23 =	vld [tilespmem:s13+$0x10]  }
0x68c: {  	vm1 =	vmmov vm1;
	vm2 =	veq.s32 v25, $0x0;
	v21 =	vand.u32 $0x7FFFFFFE, v21  }
0x68d: {  	s20 =	simm.s32 $0x2060;
	s26 =	simm.s32 $0xA;
	vm2 =	vmmov vm2;
	v21 =	vbroadcast v21, $0x0;
	v22 =	vsel vm1, v12, v22  }
0x68e: {  	v25 =	vld [tilespmem:s20+$0xFFFFFFF0];
	v20 =	vmax.f32 v27, v20;
	v27 =	vmov s26;
	v22 =	vmax.f32 v26, v22  }
0x68f: {  	v28 =	vld.idx.msk [tilespmem:v28+s31+$0x0], $0xffff;
	v20 =	vtrunc.f32 v20;
	vm15 =	vgt.s32 v27, $0x1;
	v22 =	vtrunc.f32 v22  }
0x690: {  	v30 =	vld [tilespmem:s20+$0xFFFFFFE0];
	v26 =	vcvt.f32.s32 v22;
	v17 =	vtrunc.f32 v17;
	v19 =	vmax.f32 v23, v19  }
0x691: {  	s21 =	simm.s32 $0x9;
	v27 =	vnsel vm15, $0x1, v27;
	v17 =	vcvt.f32.s32 v17;
	v18 =	vld.idx.msk [tilespmem:v18+s31+$0x0], $0xffff;
	v19 =	vtrunc.f32 v19  }
0x692: {  	v27 =	vadd.s32 $0xFFFFFFFF, v27;
	v22 =	vcvt.f32.s32 v19;
	v19 =	vmov s21  }
0x693: {  	s19 =	simm.s32 $0xB;
	s2 =	simm.s32 $0x8020;
	v17 =	vsub.s32 v17, v7;
	v23 =	vcvt.f32.s32 v20;
	vm1 =	vgt.s32 v19, $0x1  }
0x694: {  	v24 =	vld.idx.msk [tilespmem:v24+s31+$0x0], $0xffff;
	v20 =	vmov s19;
	[tilespmem:s2+$0xFFFFFFF0] =	vst v17;
	v17 =	vsel vm2, v12, v28;
	v19 =	vnsel vm1, $0x1, v19  }
0x695: {  	v63 =	vld [tilespmem:s20+$0x10];
	vm3 =	vgt.s32 v20, $0x1;
	v17 =	vmax.f32 v30, v17;
	v19 =	vadd.s32 $0x7FFFFFFF, v19  }
0x696: {  	v20 =	vnsel vm3, $0x1, v20;
	v19 =	vand.u32 $0x7FFFFFFE, v19;
	v18 =	vmax.f32 v25, v18;
	v25 =	vld [tilespmem:s20+$0x0]  }
0x697: {  	v21 =	vld.idx.msk [tilespmem:v21+s31+$0x0], $0xffff;
	v23 =	vsub.s32 v23, v7;
	v20 =	vadd.s32 $0x7FFFFFFF, v20;
	v31 =	vbroadcast v19, $0x0  }
0x698: {  	vm1 =	vgt.s32 v29, $0x1;
	v32 =	vand.u32 $0x7FFFFFFE, v20;
	v18 =	vtrunc.f32 v18  }
0x699: {  	v19 =	vnsel vm1, $0x1, v29;
	vm1 =	veq.s32 v29, $0x0;
	v33 =	vcvt.f32.s32 v18  }
0x69a: {  	v18 =	vbroadcast v27, $0x0;
	v20 =	vadd.s32 $0xFFFFFFFF, v19;
	v19 =	vbroadcast v32, $0x0  }
0x69b: {  	s0 =	simm.s32 $0x8060;
	[tilespmem:s2+$0x0] =	vst v23;
	v27 =	vsub.s32 v33, v7;
	v24 =	vmax.f32 v25, v24;
	v25 =	vsub.s32 v22, v7  }
0x69c: {  	s5 =	simm.s32 $0x80;
	[tilespmem:s0+$0xFFFFFFF0] =	vst v27;
	v22 =	vtrunc.f32 v17;
	v17 =	vtrunc.f32 v24;
	v24 =	vmax.f32 v63, v21  }
0x69d: {  	s6 =	simm.s32 $0xF;
	s4 =	simm.s32 $0x20A0;
	s30 =	spop (v2sf);
	[tilespmem:s2+$0x10] =	vst v25;
	v21 =	vld.idx.msk [tilespmem:v31+s31+$0x0], $0xffff;
	v17 =	vcvt.f32.s32 v17;
	v23 =	vtrunc.f32 v24;
	v24 =	vsub.s32 v26, v7  }
.LBB2_74:
0x69e: {  	s1 =	sadd.s32 $0xFFFFFFFE, s6;
	v25 =	vmov s6  }
0x69f: {  	s7 =	sadd.s32 $0xFFFFFFFF, s6;
	s5 =	sadd.s32 $0x40, s5;
	v26 =	vld [tilespmem:s4+$0xFFFFFFF0];
	v27 =	vcvt.f32.s32 v22;
	v22 =	vcvt.f32.s32 v23;
	[tilespmem:s2+$0xFFFFFFE0] =	vst v24;
	vm2 =	vmmov vm1;
	s2 =	smov.u32 s0  }
0x6a0: {  	s9 =	sadd.s32 $0xFFFFFFFD, s6;
	v23 =	vmov s1;
	v24 =	vmov s7;
	vm1 =	vgt.s32 v25, $0x1;
	p0 =	slt.u32 s5, $0x1FC0;
	v28 =	vld.idx.msk [tilespmem:v20+s31+$0x0], $0xffff  }
0x6a1: {  	vm3 =	vgt.s32 v23, $0x1;
	vm4 =	vgt.s32 v24, $0x1;
	v20 =	vnsel vm1, $0x1, v25;
	v25 =	vld.idx.msk [tilespmem:v18+s31+$0x0], $0xffff  }
0x6a2: {  	v29 =	vmov s9;
	v18 =	vnsel vm3, $0x1, v23;
	v23 =	vnsel vm4, $0x1, v24;
	v24 =	vld.idx.msk [tilespmem:v19+s31+$0x0], $0xffff  }
0x6a3: {  	vm1 =	vgt.s32 v29, $0x1;
	v19 =	vadd.s32 $0x7FFFFFFF, v20;
	v18 =	vadd.s32 $0x7FFFFFFF, v18;
	v30 =	vld [tilespmem:s4+$0xFFFFFFE0]  }
0x6a4: {  	v20 =	vadd.s32 $0xFFFFFFFF, v23;
	v18 =	vand.u32 $0x7FFFFFFE, v18;
	v21 =	vmax.f32 v26, v21;
	v23 =	vld [tilespmem:s4+$0x0]  }
0x6a5: {  	v19 =	vand.u32 $0x7FFFFFFE, v19;
	v26 =	vbroadcast v18, $0x0;
	v21 =	vtrunc.f32 v21;
	v31 =	vld [tilespmem:s4+$0x10]  }
0x6a6: {  	v32 =	vnsel vm1, $0x1, v29;
	v18 =	vbroadcast v20, $0x0;
	v21 =	vcvt.f32.s32 v21  }
.Ltmp42:
0x6a7: {  	vm1 =	veq.s32 v29, $0x0;
	v19 =	vbroadcast v19, $0x0;
	v20 =	vadd.s32 $0xFFFFFFFF, v32;
	(pc) =	sbr.rel @p0 .LBB2_74-.Ltmp42, $4  }
0x6a8: {  	s0 =	sadd.s32 $0x40, s0;
	v17 =	vsub.s32 v17, v7;
	v28 =	vsel vm2, v12, v28;
	v21 =	vsub.s32 v21, v7  }
0x6a9: {  	v28 =	vmax.f32 v30, v28;
	[tilespmem:s0+$0xFFFFFFF0] =	vst v21;
	v21 =	vmax.f32 v23, v25;
	v25 =	vsub.s32 v22, v7  }
0x6aa: {  	v22 =	vtrunc.f32 v28;
	v23 =	vtrunc.f32 v21;
	v24 =	vmax.f32 v31, v24;
	[tilespmem:s2+$0x0] =	vst v17  }
0x6ab: {  	s6 =	sadd.s32 $0x4, s6;
	s4 =	sadd.s32 $0x40, s4;
	v21 =	vld.idx.msk [tilespmem:v26+s31+$0x0], $0xffff;
	v17 =	vcvt.f32.s32 v23;
	v23 =	vtrunc.f32 v24;
	v24 =	vsub.s32 v27, v7;
	[tilespmem:s2+$0x10] =	vst v25  }
0x6ac: {  	_ =	sdelay $0x2  }
0x6ad: {  	v25 =	vld [tilespmem:s4+$0xFFFFFFF0]  }
0x6ae: {  	v20 =	vld.idx.msk [tilespmem:v20+s31+$0x0], $0xffff  }
0x6af: {  	v18 =	vld.idx.msk [tilespmem:v18+s31+$0x0], $0xffff  }
0x6b0: {  	v19 =	vld.idx.msk [tilespmem:v19+s31+$0x0], $0xffff  }
0x6b1: {  	v27 =	vld [tilespmem:s4+$0x0]  }
0x6b2: {  	v61 =	vld [tilespmem:s4+$0x10]  }
0x6b3: {  	v26 =	vld [tilespmem:s4+$0xFFFFFFE0];
	v22 =	vcvt.f32.s32 v22;
	v23 =	vcvt.f32.s32 v23  }
0x6b4: {  	vm1 =	vmmov vm1;
	v17 =	vsub.s32 v17, v7  }
0x6b5: {  	v62 =	vsub.s32 v23, v7;
	v63 =	vsub.s32 v22, v7;
	v21 =	vmax.f32 v25, v21  }
0x6b6: {  	[tilespmem:s2+$0xFFFFFFE0] =	vst v24;
	v20 =	vsel vm1, v12, v20;
	v18 =	vmax.f32 v27, v18;
	v21 =	vtrunc.f32 v21  }
0x6b7: {  	[tilespmem:s0+$0x0] =	vst v17;
	v19 =	vmax.f32 v61, v19;
	v18 =	vtrunc.f32 v18;
	v21 =	vcvt.f32.s32 v21  }
0x6b8: {  	[tilespmem:s0+$0x10] =	vst v62;
	v20 =	vmax.f32 v26, v20;
	v17 =	vcvt.f32.s32 v18;
	v18 =	vtrunc.f32 v19  }
0x6b9: {  	s1 =	sadd.s32 $0x40, s0;
	[tilespmem:s0+$0xFFFFFFE0] =	vst v63;
	v19 =	vtrunc.f32 v20;
	v18 =	vcvt.f32.s32 v18;
	v21 =	vsub.s32 v21, v7  }
0x6ba: {  	v19 =	vcvt.f32.s32 v19;
	v17 =	vsub.s32 v17, v7;
	[tilespmem:s1+$0xFFFFFFF0] =	vst v21  }
0x6bb: {  	v18 =	vsub.s32 v18, v7;
	[tilespmem:s1+$0x0] =	vst v17  }
0x6bc: {  	v17 =	vsub.s32 v19, v7;
	[tilespmem:s1+$0x10] =	vst v18  }
0x6bd: {  	[tilespmem:s1+$0xFFFFFFE0] =	vst v17  }
0x6be: {  	s0 =	sld [smem:$0x7F1];
	_ =	sdelay $0x2  }
0x6bf: {  	[tilespmem:s12], [sflag:$0x1] =	stream.strided.gather [hbm4b:s0+s8], $0x4000, s14, s8, $0x38;
	[tilespmem:$0x1A280] =	vst v63  }
0x6c0: {  	s13 =	simm.s32 $0x0;
	s30 =	rddreg [dreg:$0x1a]  }
0x6c1: {  	[tilespmem:s16], [sflag:$0x2] =	stream.strided.gather [hbm4b:s30+s8], $0x4000, s14, s8, $0x38;
	[tilespmem:$0x1A280] =	vst v63  }
.LBB2_76:
0x6c2: {  	_ =	swait.ge [sflag:s22], $0x4000  }
0x6c3: {  	[sflag:s22] =	ssyncset.done $0x0  }
0x6c4: {  	[sflag:s22] =	ssyncadd.s32 $0xFFFFC000  }
0x6c5: {  	_ =	swait.ge [sflag:s23], $0x4000  }
0x6c6: {  	p0 =	seq.s32 s13, $0x0;
	[sflag:s23] =	ssyncset.done $0x0  }
0x6c7: {  	s0 =	simm.s32 @!p0 $0x3;
	[sflag:s23] =	ssyncadd.s32 $0xFFFFC000  }
0x6c8: {  	_ =	swait.ge @!p0 [sflag:s0], $0x4000  }
0x6c9: {  	[sflag:s0] =	ssyncset.done @!p0 $0x0  }
0x6ca: {  	s1 =	simm.s32 $0x0;
	[sflag:s0] =	ssyncadd.s32 @!p0 $0xFFFFC000;
	s0 =	simm.s32 @!p0 $0x4  }
0x6cb: {  	s4 =	sand.u32 $0x40, s1;
	s1 =	sand.u32 $0x1F80, s1;
	_ =	swait.ge @!p0 [sflag:s0], $0x4000  }
0x6cc: {  	s1 =	sor.u32 $0x8000, s1;
	s5 =	sor.u32 $0x30, s4;
	[sflag:s0] =	ssyncset.done @!p0 $0x0  }
0x6cd: {  	s11 =	sor.u32 s5, s1;
	[sflag:s0] =	ssyncadd.s32 @!p0 $0xFFFFC000  }
0x6ce: {  	s2 =	simm.s32 $0x8000;
	v17 =	vld [tilespmem:s11+$0x0]  }
0x6cf: {  	s9 =	sor.u32 $0x10, s4;
	v18 =	vld [tilespmem:s2+$0x0]  }
0x6d0: {  	s10 =	sor.u32 $0x20, s4;
	s15 =	sor.u32 s9, s1  }
0x6d1: {  	s1 =	sor.u32 s10, s1;
	v19 =	vld [tilespmem:s15+$0x0]  }
0x6d2: {  	v20 =	vld [tilespmem:s1+$0x0]  }
0x6d3: {  	v21 =	vshll.u32 v17, $0x1  }
0x6d4: {  	v22 =	vshll.u32 v18, $0x1;
	v17 =	vand.u32 $0x7F, v17;
	v21 =	vand.u32 $0xFFFFFF00, v21  }
0x6d5: {  	s18 =	simm.s32 $0x40;
	v18 =	vand.u32 $0x7F, v18;
	v22 =	vand.u32 $0xFFFFFF00, v22;
	v17 =	vor.u32 v17, v21  }
0x6d6: {  	s6 =	sand.u32 $0x40, s18;
	s0 =	sand.u32 $0x1F80, s18;
	v18 =	vor.u32 v18, v22;
	v21 =	vshll.u32 v19, $0x1  }
0x6d7: {  	s11 =	sor.u32 $0x8000, s0;
	s0 =	sor.u32 $0x10, s6;
	v22 =	vshll.u32 v20, $0x1;
	v19 =	vand.u32 $0x7F, v19;
	v21 =	vand.u32 $0xFFFFFF00, v21  }
0x6d8: {  	s15 =	sor.u32 s0, s11;
	v20 =	vand.u32 $0x7F, v20;
	v22 =	vand.u32 $0xFFFFFF00, v22;
	v19 =	vor.u32 v19, v21  }
0x6d9: {  	v27 =	vld [tilespmem:s15+$0x0];
	v20 =	vor.u32 v20, v22  }
0x6da: {  	v21 =	vld.idx.msk [tilespmem:v17+s12+$0x0], $0xffff  }
0x6db: {  	s17 =	simm.s32 $0x8040;
	v23 =	vld.idx.msk [tilespmem:v18+s12+$0x0], $0xffff  }
0x6dc: {  	s19 =	simm.s32 $0x0;
	v22 =	vld [tilespmem:s17+$0x0]  }
0x6dd: {  	s20 =	sor.u32 $0x30, s6;
	s1 =	sand.u32 $0x3F00, s19;
	v24 =	vld.idx.msk [tilespmem:v19+s12+$0x0], $0xffff  }
0x6de: {  	s5 =	sor.u32 s5, s1;
	s7 =	sor.u32 s20, s11;
	v25 =	vld.idx.msk [tilespmem:v20+s12+$0x0], $0xffff  }
0x6df: {  	s9 =	sor.u32 s9, s1;
	s10 =	sor.u32 s10, s1;
	s1 =	sor.u32 s4, s1;
	[tilespmem:s5+$0x12280] =	vst v21;
	v21 =	vld [tilespmem:s7+$0x0]  }
0x6e0: {  	s7 =	sor.u32 $0x20, s6;
	[tilespmem:s1+$0x12280] =	vst v23;
	v26 =	vld.idx.msk [tilespmem:v17+s16+$0x0], $0xffff  }
0x6e1: {  	v28 =	vor.u32 $0x80, v17;
	s11 =	sor.u32 s7, s11;
	v17 =	vshll.u32 v22, $0x1;
	v29 =	vld.idx.msk [tilespmem:v18+s16+$0x0], $0xffff  }
0x6e2: {  	p0 =	por $0x0, $0x0;
	s4 =	simm.s32 $0x1;
	v22 =	vand.u32 $0x7F, v22;
	[tilespmem:s9+$0x12280] =	vst v24;
	v24 =	vld [tilespmem:s11+$0x0];
	v17 =	vand.u32 $0xFFFFFF00, v17  }
0x6e3: {  	s4 =	simm.s32 @!p0 $0x0;
	[tilespmem:s10+$0x12280] =	vst v25;
	v25 =	vld.idx.msk [tilespmem:v19+s16+$0x0], $0xffff;
	v17 =	vor.u32 v22, v17  }
0x6e4: {  	s4 =	sshll.u32 s4, $0x6;
	v19 =	vor.u32 $0x80, v19;
	v22 =	vld.idx.msk [tilespmem:v20+s16+$0x0], $0xffff  }
0x6e5: {  	s30 =	simm.s32 $0x8080;
	s11 =	sadd.s32 $0x0, s4;
	v20 =	vor.u32 $0x80, v20;
	v23 =	vshll.u32 v21, $0x1  }
0x6e6: {  	v31 =	vld [tilespmem:s30+$0x0];
	v21 =	vand.u32 $0x7F, v21;
	[tilespmem:s5+$0x16280] =	vst v26;
	v23 =	vand.u32 $0xFFFFFF00, v23;
	s5 =	sadd.s32 $0x10, s11  }
0x6e7: {  	v26 =	vshll.u32 v27, $0x1;
	[tilespmem:s1+$0x16280] =	vst v29;
	v30 =	vld.idx.msk [tilespmem:v28+s12+$0x0], $0xffff;
	v21 =	vor.u32 v21, v23;
	s1 =	sor.u32 $0x80, s5;
	s5 =	simm.s32 $0x80  }
0x6e8: {  	s17 =	simm.s32 $0x80;
	v27 =	vand.u32 $0x7F, v27;
	v23 =	vand.u32 $0xFFFFFF00, v26;
	v32 =	vld.idx.msk [tilespmem:v17+s12+$0x0], $0xffff;
	[tilespmem:s9+$0x16280] =	vst v25;
	s26 =	sand.u32 $0x40, s5;
	s21 =	sand.u32 $0x1F80, s5  }
0x6e9: {  	s15 =	sand.u32 $0x3F00, s17;
	v26 =	vshll.u32 v24, $0x1;
	v33 =	vor.u32 v27, v23;
	[tilespmem:s10+$0x16280] =	vst v22;
	v23 =	vld.idx.msk [tilespmem:v19+s12+$0x0], $0xffff;
	s19 =	sor.u32 $0x8000, s21;
	s29 =	sor.u32 $0x30, s26  }
0x6ea: {  	v34 =	vor.u32 $0x80, v18;
	s30 =	sor.u32 s20, s15;
	s4 =	sadd.s32 $0x30, s11;
	v24 =	vand.u32 $0x7F, v24;
	v26 =	vand.u32 $0xFFFFFF00, v26;
	v18 =	vld.idx.msk [tilespmem:v20+s12+$0x0], $0xffff;
	s20 =	sor.u32 s29, s19  }
0x6eb: {  	s9 =	sor.u32 $0x80, s4;
	v24 =	vor.u32 v24, v26;
	v36 =	vld [tilespmem:s20+$0x0]  }
0x6ec: {  	v22 =	vld.idx.msk [tilespmem:v21+s12+$0x0], $0xffff;
	[tilespmem:s9+$0x12280] =	vst v30  }
0x6ed: {  	v25 =	vld.idx.msk [tilespmem:v28+s16+$0x0], $0xffff  }
0x6ee: {  	s6 =	sor.u32 s6, s15;
	v26 =	vld.idx.msk [tilespmem:v33+s12+$0x0], $0xffff  }
0x6ef: {  	s10 =	sadd.s32 $0x20, s11;
	s2 =	sor.u32 $0x10, s26;
	v28 =	vld.idx.msk [tilespmem:v34+s12+$0x0], $0xffff;
	[tilespmem:s6+$0x12280] =	vst v32  }
0x6f0: {  	s18 =	sor.u32 $0x80, s10;
	s21 =	sor.u32 s2, s19;
	v27 =	vld.idx.msk [tilespmem:v24+s12+$0x0], $0xffff;
	[tilespmem:s1+$0x12280] =	vst v23  }
0x6f1: {  	[tilespmem:s18+$0x12280] =	vst v18;
	v23 =	vld [tilespmem:s21+$0x0]  }
0x6f2: {  	v29 =	vld.idx.msk [tilespmem:v19+s16+$0x0], $0xffff;
	[tilespmem:s30+$0x12280] =	vst v22  }
0x6f3: {  	s10 =	sor.u32 $0x80, s11;
	v30 =	vld.idx.msk [tilespmem:v21+s16+$0x0], $0xffff;
	[tilespmem:s9+$0x16280] =	vst v25  }
0x6f4: {  	s4 =	sor.u32 $0x20, s26;
	v35 =	vld.idx.msk [tilespmem:v20+s16+$0x0], $0xffff;
	v20 =	vor.u32 $0x80, v21;
	s9 =	sor.u32 s0, s15;
	[tilespmem:s10+$0x12280] =	vst v28  }
0x6f5: {  	s7 =	sor.u32 s7, s15;
	s20 =	sor.u32 s4, s19;
	v28 =	vld.idx.msk [tilespmem:v17+s16+$0x0], $0xffff;
	[tilespmem:s9+$0x12280] =	vst v26  }
0x6f6: {  	v18 =	vshll.u32 v31, $0x1;
	v26 =	vld [tilespmem:s20+$0x0];
	[tilespmem:s7+$0x12280] =	vst v27  }
0x6f7: {  	v22 =	vand.u32 $0xFFFFFF00, v18;
	v21 =	vand.u32 $0x7F, v31;
	v27 =	vld.idx.msk [tilespmem:v33+s16+$0x0], $0xffff;
	[tilespmem:s1+$0x16280] =	vst v29  }
0x6f8: {  	v22 =	vor.u32 v21, v22;
	v25 =	vld.idx.msk [tilespmem:v24+s16+$0x0], $0xffff;
	[tilespmem:s30+$0x16280] =	vst v30  }
0x6f9: {  	v19 =	vor.u32 $0x80, v33;
	v18 =	vor.u32 $0x80, v24;
	v21 =	vshll.u32 v36, $0x1;
	s30 =	sshll.u32 s13, $0x2;
	v24 =	vld.idx.msk [tilespmem:v20+s12+$0x0], $0xffff;
	[smem:$0x7E6] =	sst s13  }
0x6fa: {  	p0 =	por !p0, !p0;
	v63 =	vand.u32 $0x7F, v36;
	s15 =	simm.s32 $0x1;
	v21 =	vand.u32 $0xFFFFFF00, v21;
	v30 =	vshll.u32 v23, $0x1;
	[smem:$0x7E7] =	sst s30  }
0x6fb: {  	s11 =	simm.s32 $0x80C0;
	s15 =	simm.s32 @!p0 $0x0;
	v21 =	vor.u32 v63, v21;
	v30 =	vand.u32 $0xFFFFFF00, v30;
	v31 =	vshll.u32 v26, $0x1;
	v29 =	vld.idx.msk [tilespmem:v34+s16+$0x0], $0xffff;
	[tilespmem:s18+$0x16280] =	vst v35  }
.LBB2_77:
0x6fc: {  	v32 =	vld [tilespmem:s11+$0x0];
	v23 =	vand.u32 $0x7F, v23;
	v26 =	vand.u32 $0x7F, v26;
	v31 =	vand.u32 $0xFFFFFF00, v31;
	s0 =	sshll.u32 s15, $0x6  }
0x6fd: {  	v33 =	vld.idx.msk [tilespmem:v22+s12+$0x0], $0xffff;
	v30 =	vor.u32 v23, v30;
	v31 =	vor.u32 v26, v31;
	s1 =	sadd.s32 s0, s17;
	[tilespmem:s9+$0x16280] =	vst v27  }
0x6fe: {  	v23 =	vor.u32 $0x80, v30;
	v26 =	vor.u32 $0x80, v31;
	v27 =	vld.idx.msk [tilespmem:v19+s12+$0x0], $0xffff;
	s0 =	sadd.s32 $0x10, s1;
	[tilespmem:s7+$0x16280] =	vst v25;
	s7 =	sadd.s32 $0x20, s1;
	s9 =	sadd.s32 $0x30, s1  }
0x6ff: {  	v34 =	vor.u32 $0x80, v17;
	v17 =	vmov v22;
	[tilespmem:s6+$0x16280] =	vst v28;
	s15 =	sor.u32 $0x80, s0;
	v25 =	vld.idx.msk [tilespmem:v18+s12+$0x0], $0xffff;
	s0 =	sor.u32 $0x80, s7;
	s6 =	sor.u32 $0x80, s9  }
0x700: {  	s1 =	sor.u32 $0x80, s1;
	v22 =	vld.idx.msk [tilespmem:v21+s12+$0x0], $0xffff;
	[tilespmem:s6+$0x12280] =	vst v24  }
0x701: {  	v20 =	vld.idx.msk [tilespmem:v20+s16+$0x0], $0xffff;
	[tilespmem:s10+$0x16280] =	vst v29;
	s10 =	smov.u32 s1  }
0x702: {  	v24 =	vld.idx.msk [tilespmem:v30+s12+$0x0], $0xffff  }
0x703: {  	s17 =	sadd.s32 $0x80, s17;
	v28 =	vld.idx.msk [tilespmem:v31+s12+$0x0], $0xffff  }
0x704: {  	s5 =	sadd.s32 $0x40, s5;
	s1 =	sand.u32 $0x3F00, s17;
	v29 =	vld.idx.msk [tilespmem:v34+s12+$0x0], $0xffff;
	[tilespmem:s15+$0x12280] =	vst v27  }
0x705: {  	s18 =	sand.u32 $0x40, s5;
	s7 =	sand.u32 $0x1F80, s5;
	s19 =	sor.u32 s29, s1;
	v35 =	vld.idx.msk [tilespmem:v19+s16+$0x0], $0xffff;
	[tilespmem:s0+$0x12280] =	vst v25;
	v19 =	vmov v23  }
0x706: {  	s20 =	sor.u32 $0x10, s18;
	s7 =	sor.u32 $0x8000, s7;
	s29 =	sor.u32 $0x30, s18;
	[tilespmem:s19+$0x12280] =	vst v22;
	v36 =	vld.idx.msk [tilespmem:v18+s16+$0x0], $0xffff;
	v18 =	vmov v26  }
0x707: {  	s30 =	sor.u32 $0x20, s18;
	s21 =	sor.u32 s20, s7;
	s9 =	sor.u32 s29, s7;
	v37 =	vld.idx.msk [tilespmem:v21+s16+$0x0], $0xffff;
	[tilespmem:s6+$0x16280] =	vst v20  }
0x708: {  	s13 =	sor.u32 s30, s7;
	s7 =	sor.u32 s4, s1;
	v38 =	vld [tilespmem:s9+$0x0];
	s9 =	sor.u32 s2, s1  }
0x709: {  	p1 =	slt.u32 s5, $0x1FC0;
	s6 =	sor.u32 s26, s1;
	v20 =	vor.u32 $0x80, v21;
	s26 =	smov.u32 s18;
	v23 =	vld [tilespmem:s21+$0x0];
	[tilespmem:s9+$0x12280] =	vst v24  }
0x70a: {  	s4 =	smov.u32 s30;
	v21 =	vshll.u32 v32, $0x1;
	s2 =	smov.u32 s20;
	v26 =	vld [tilespmem:s13+$0x0];
	[tilespmem:s7+$0x12280] =	vst v28  }
.Ltmp43:
0x70b: {  	v22 =	vand.u32 $0x7F, v32;
	v21 =	vand.u32 $0xFFFFFF00, v21;
	[tilespmem:s6+$0x12280] =	vst v33;
	v27 =	vld.idx.msk [tilespmem:v30+s16+$0x0], $0xffff;
	(pc) =	sbr.rel @p1 .LBB2_77-.Ltmp43, $4  }
0x70c: {  	v22 =	vor.u32 v22, v21;
	v25 =	vld.idx.msk [tilespmem:v31+s16+$0x0], $0xffff;
	[tilespmem:s10+$0x12280] =	vst v29  }
0x70d: {  	v21 =	vshll.u32 v38, $0x1;
	v28 =	vld.idx.msk [tilespmem:v17+s16+$0x0], $0xffff;
	[tilespmem:s19+$0x16280] =	vst v37  }
0x70e: {  	p0 =	por !p0, !p0;
	v32 =	vand.u32 $0x7F, v38;
	v29 =	vshll.u32 v23, $0x1;
	v21 =	vand.u32 $0xFFFFFF00, v21;
	v24 =	vld.idx.msk [tilespmem:v20+s12+$0x0], $0xffff;
	[tilespmem:s15+$0x16280] =	vst v35;
	s15 =	simm.s32 $0x1  }
0x70f: {  	s11 =	sadd.s32 $0x40, s11;
	v30 =	vand.u32 $0xFFFFFF00, v29;
	v31 =	vshll.u32 v26, $0x1;
	v21 =	vor.u32 v32, v21;
	s15 =	simm.s32 @!p0 $0x0;
	v29 =	vld.idx.msk [tilespmem:v34+s16+$0x0], $0xffff;
	[tilespmem:s0+$0x16280] =	vst v36  }
0x710: {  	_ =	sdelay $0x1  }
0x711: {  	v23 =	vand.u32 $0x7F, v23  }
0x712: {  	v26 =	vand.u32 $0x7F, v26;
	v31 =	vand.u32 $0xFFFFFF00, v31;
	s0 =	sshll.u32 s15, $0x6;
	[tilespmem:s9+$0x16280] =	vst v27;
	v23 =	vor.u32 v23, v30  }
0x713: {  	v26 =	vor.u32 v26, v31;
	s0 =	sadd.s32 s0, s17;
	v27 =	vld.idx.msk [tilespmem:v19+s12+$0x0], $0xffff  }
0x714: {  	v48 =	vld.idx.msk [tilespmem:v21+s12+$0x0], $0xffff;
	[tilespmem:s7+$0x16280] =	vst v25;
	s1 =	sadd.s32 $0x30, s0  }
0x715: {  	v51 =	vld.idx.msk [tilespmem:v22+s12+$0x0], $0xffff;
	v17 =	vor.u32 $0x80, v17;
	[tilespmem:s6+$0x16280] =	vst v28;
	s1 =	sor.u32 $0x80, s1  }
0x716: {  	s30 =	sadd.s32 $0x80, s17;
	s5 =	sadd.s32 $0x10, s0;
	v52 =	vld.idx.msk [tilespmem:v18+s12+$0x0], $0xffff;
	[tilespmem:s1+$0x12280] =	vst v24  }
0x717: {  	s5 =	sor.u32 $0x80, s5;
	[tilespmem:s10+$0x16280] =	vst v29;
	s10 =	sand.u32 $0x3F00, s30;
	v49 =	vld.idx.msk [tilespmem:v23+s12+$0x0], $0xffff  }
0x718: {  	s11 =	sor.u32 s29, s10;
	v50 =	vld.idx.msk [tilespmem:v26+s12+$0x0], $0xffff;
	[tilespmem:s5+$0x12280] =	vst v27  }
0x719: {  	s13 =	sadd.s32 $0x20, s0;
	v20 =	vld.idx.msk [tilespmem:v20+s16+$0x0], $0xffff;
	s7 =	sor.u32 s26, s10;
	[tilespmem:s11+$0x12280] =	vst v48  }
0x71a: {  	s2 =	sor.u32 s2, s10;
	s4 =	sor.u32 s4, s10;
	s10 =	sor.u32 $0x80, s13;
	v57 =	vld.idx.msk [tilespmem:v17+s12+$0x0], $0xffff;
	[tilespmem:s7+$0x12280] =	vst v51  }
0x71b: {  	v25 =	vld.idx.msk [tilespmem:v21+s16+$0x0], $0xffff;
	[tilespmem:s10+$0x12280] =	vst v52  }
0x71c: {  	v53 =	vor.u32 $0x80, v21;
	v56 =	vld.idx.msk [tilespmem:v22+s16+$0x0], $0xffff;
	[tilespmem:s2+$0x12280] =	vst v49  }
0x71d: {  	v58 =	vor.u32 $0x80, v22;
	[tilespmem:s4+$0x12280] =	vst v50;
	v54 =	vld.idx.msk [tilespmem:v23+s16+$0x0], $0xffff  }
0x71e: {  	s0 =	sor.u32 $0x80, s0;
	[tilespmem:s1+$0x16280] =	vst v20;
	v23 =	vor.u32 $0x80, v23;
	v55 =	vld.idx.msk [tilespmem:v26+s16+$0x0], $0xffff  }
0x71f: {  	v19 =	vld.idx.msk [tilespmem:v19+s16+$0x0], $0xffff;
	[tilespmem:s0+$0x12280] =	vst v57;
	v26 =	vor.u32 $0x80, v26  }
0x720: {  	p0 =	por !p0, !p0;
	v18 =	vld.idx.msk [tilespmem:v18+s16+$0x0], $0xffff;
	s1 =	simm.s32 $0x1;
	[tilespmem:s11+$0x16280] =	vst v25  }
0x721: {  	s1 =	simm.s32 @!p0 $0x0;
	[tilespmem:s7+$0x16280] =	vst v56;
	v59 =	vld.idx.msk [tilespmem:v53+s12+$0x0], $0xffff  }
0x722: {  	s1 =	sshll.u32 s1, $0x6;
	v61 =	vld.idx.msk [tilespmem:v58+s12+$0x0], $0xffff;
	[tilespmem:s2+$0x16280] =	vst v54  }
0x723: {  	s1 =	sadd.s32 s1, s30;
	[tilespmem:s4+$0x16280] =	vst v55;
	v24 =	vld.idx.msk [tilespmem:v23+s12+$0x0], $0xffff  }
0x724: {  	[tilespmem:s5+$0x16280] =	vst v19;
	s15 =	sadd.s32 $0x30, s1;
	v60 =	vld.idx.msk [tilespmem:v26+s12+$0x0], $0xffff  }
0x725: {  	[tilespmem:s10+$0x16280] =	vst v18;
	s2 =	sor.u32 $0x80, s15  }
0x726: {  	s17 =	sadd.s32 $0x10, s1;
	s18 =	sadd.s32 $0x20, s1;
	s1 =	sor.u32 $0x80, s1;
	[tilespmem:s2+$0x12280] =	vst v59  }
0x727: {  	v17 =	vld.idx.msk [tilespmem:v17+s16+$0x0], $0xffff;
	s4 =	sor.u32 $0x80, s17;
	[tilespmem:s1+$0x12280] =	vst v61  }
0x728: {  	s5 =	sor.u32 $0x80, s18;
	v19 =	vld.idx.msk [tilespmem:v53+s16+$0x0], $0xffff;
	[tilespmem:s4+$0x12280] =	vst v24  }
0x729: {  	[tilespmem:s5+$0x12280] =	vst v60;
	v62 =	vld.idx.msk [tilespmem:v23+s16+$0x0], $0xffff  }
0x72a: {  	s13 =	sld [smem:$0x7E6];
	_ =	sdelay $0x1  }
0x72b: {  	v63 =	vld.idx.msk [tilespmem:v26+s16+$0x0], $0xffff;
	[tilespmem:s0+$0x16280] =	vst v17  }
0x72c: {  	v18 =	vld.idx.msk [tilespmem:v58+s16+$0x0], $0xffff;
	[tilespmem:s2+$0x16280] =	vst v19;
	s19 =	sshll.u32 s13, $0x9;
	s20 =	sshll.u32 s13, $0xF  }
0x72d: {  	s21 =	sand.u32 $0x200, s19;
	s26 =	sand.u32 $0x70000, s20;
	[tilespmem:s4+$0x16280] =	vst v62  }
0x72e: {  	s0 =	sor.u32 s26, s21;
	s4 =	rddreg [dreg:$0x15]  }
0x72f: {  	p0 =	seq.s32 s13, $0xF;
	s0 =	sor.u32 s4, s0  }
.Ltmp44:
0x730: {  	s18 =	rddreg [dreg:$0x3];
	[tilespmem:s5+$0x16280] =	vst v63;
	s0 =	sshrl.u32 s0, $0x3;
	(pc) =	sbr.rel @p0 .LBB2_83-.Ltmp44, $4  }
0x731: {  	s29 =	simm.s32 $0x12280;
	[tilespmem:s1+$0x16280] =	vst v18;
	s0 =	sadd.s32 s18, s0  }
0x732: {  	[hbm4b:s0+s8] =	stream.strided.scatter [tilespmem:s29], [sflag:$0x3], $0x4000, s14, s8, $0x38;
	[tilespmem:$0x1A280] =	vst v63  }
0x733: {  	s30 =	simm.s32 $0x16280;
	s0 =	sadd.s32 $0x20, s0  }
0x734: {  	[hbm4b:s0+s8] =	stream.strided.scatter [tilespmem:s30], [sflag:$0x4], $0x4000, s14, s8, $0x38;
	[tilespmem:$0x1A280] =	vst v63  }
0x735: {  	s5 =	sld [smem:$0x7E7];
	_ =	sdelay $0x2  }
0x736: {  	s0 =	sadd.s32 $0x4, s5  }
0x737: {  	s1 =	sshll.u32 s0, $0xD  }
0x738: {  	s0 =	sshll.u32 s0, $0x7;
	s1 =	sand.u32 $0xF0000, s1  }
0x739: {  	s0 =	sand.u32 $0x200, s0;
	s1 =	sadd.s32 s4, s1  }
0x73a: {  	s0 =	sor.u32 s0, s1  }
0x73b: {  	s2 =	rddreg [dreg:$0x0];
	s29 =	sadd.s32 $0x6, s5;
	s0 =	sshrl.u32 s0, $0x3  }
0x73c: {  	s30 =	sshll.u32 s29, $0xD;
	s0 =	sadd.s32 s2, s0  }
0x73d: {  	[tilespmem:s12], [sflag:$0x1] =	stream.strided.gather [hbm4b:s0+s8], $0x4000, s14, s8, $0x38;
	[tilespmem:$0x1A280] =	vst v63  }
0x73e: {  	s1 =	sand.u32 $0xF0000, s30;
	s0 =	sshll.u32 s29, $0x7  }
.Ltmp45:
0x73f: {  	s1 =	sadd.s32 s4, s1;
	s0 =	sand.u32 $0x300, s0;
	(pc) =	sbr.rel .LBB2_76-.Ltmp45, $4  }
0x740: {  	s0 =	sor.u32 s0, s1  }
0x741: {  	s0 =	sshrl.u32 s0, $0x3  }
0x742: {  	s13 =	sadd.s32 $0x1, s13;
	s0 =	sadd.s32 s2, s0  }
0x743: {  	[tilespmem:s16], [sflag:$0x2] =	stream.strided.gather [hbm4b:s0+s8], $0x4000, s14, s8, $0x38;
	[tilespmem:$0x1A280] =	vst v63  }
.LBB2_80:
0x744: {  	s0 =	rddreg [dreg:$0x11]  }
0x745: {  	s2 =	simm.s32 $0x80;
	s4 =	simm.s32 $0x2000;
	s1 =	simm.s32 $0x5  }
0x746: {  	[tilespmem:s4], [sflag:$0x5] =	stream.strided.gather [hbm4b:s0+s2], $0x2000, s14, s2, $0x38;
	[tilespmem:$0x1A280] =	vst v63  }
0x747: {  	_ =	swait.ge [sflag:s1], $0x2000  }
0x748: {  	[sflag:s1] =	ssyncset.done $0x0  }
0x749: {  	s13 =	rddreg [dreg:$0x10];
	[sflag:s1] =	ssyncadd.s32 $0xFFFFE000  }
0x74a: {  	[hbm4b:s13+s2] =	stream.strided.scatter [tilespmem:s4], [sflag:$0x5], $0x2000, s14, s2, $0x38;
	[tilespmem:$0x1A280] =	vst v63  }
0x74b: {  	_ =	swait.ge [sflag:s1], $0x2000  }
0x74c: {  	s15 =	sld [smem:$0x7F1]  }
0x74d: {  	[sflag:s1] =	ssyncset.done $0x0  }
0x74e: {  	[sflag:s1] =	ssyncadd.s32 $0xFFFFE000  }
0x74f: {  	[tilespmem:s12], [sflag:$0x1] =	stream.strided.gather [hbm4b:s15+s8], $0x4000, s14, s8, $0x38;
	[tilespmem:$0x1A280] =	vst v63  }
0x750: {  	s17 =	rddreg [dreg:$0x1a]  }
0x751: {  	[tilespmem:s16], [sflag:$0x2] =	stream.strided.gather [hbm4b:s17+s8], $0x4000, s14, s8, $0x38;
	[tilespmem:$0x1A280] =	vst v63  }
0x752: {  	s19 =	simm.s32 $0x0;
	s20 =	simm.s32 $0x0;
	_ =	swait.ge [sflag:s22], $0x4000  }
0x753: {  	s0 =	sand.u32 $0x70000, s19;
	s1 =	sand.u32 $0x200, s20;
	[sflag:s22] =	ssyncset.done $0x0  }
0x754: {  	s0 =	sor.u32 s0, s1;
	s9 =	rddreg [dreg:$0x15];
	[sflag:s22] =	ssyncadd.s32 $0xFFFFC000  }
0x755: {  	s0 =	sor.u32 s9, s0;
	_ =	swait.ge [sflag:s23], $0x4000  }
0x756: {  	s0 =	sshrl.u32 s0, $0x3;
	[sflag:s23] =	ssyncset.done $0x0  }
0x757: {  	s0 =	sadd.s32 s18, s0;
	[sflag:s23] =	ssyncadd.s32 $0xFFFFC000  }
0x758: {  	[hbm4b:s0+s8] =	stream.strided.scatter [tilespmem:s12], [sflag:$0x3], $0x4000, s14, s8, $0x38;
	[tilespmem:$0x1A280] =	vst v63  }
0x759: {  	s21 =	simm.s32 $0x300;
	s26 =	simm.s32 $0x200;
	s0 =	sadd.s32 $0x20, s0  }
0x75a: {  	[hbm4b:s0+s8] =	stream.strided.scatter [tilespmem:s16], [sflag:$0x4], $0x4000, s14, s8, $0x38;
	[tilespmem:$0x1A280] =	vst v63  }
0x75b: {  	s5 =	simm.s32 $0xC000;
	s0 =	simm.s32 $0x8000;
	_ =	swait.ge [sflag:s24], $0x4000  }
0x75c: {  	s30 =	sand.u32 $0xF0000, s5;
	s29 =	sand.u32 $0xF0000, s0;
	[sflag:s24] =	ssyncset.done $0x0  }
0x75d: {  	s2 =	sand.u32 $0x200, s26;
	s4 =	sadd.s32 s9, s29;
	[sflag:s24] =	ssyncadd.s32 $0xFFFFC000  }
0x75e: {  	s1 =	sand.u32 $0x300, s21;
	s2 =	sor.u32 s2, s4;
	_ =	swait.ge [sflag:s25], $0x4000  }
0x75f: {  	s4 =	sadd.s32 s9, s30;
	s2 =	sshrl.u32 s2, $0x3;
	[sflag:s25] =	ssyncset.done $0x0  }
0x760: {  	s1 =	sor.u32 s1, s4;
	s2 =	sadd.s32 s7, s2;
	[sflag:s25] =	ssyncadd.s32 $0xFFFFC000  }
0x761: {  	[tilespmem:s12], [sflag:$0x1] =	stream.strided.gather [hbm4b:s2+s8], $0x4000, s14, s8, $0x38;
	[tilespmem:$0x1A280] =	vst v63  }
0x762: {  	s4 =	sshrl.u32 s1, $0x3;
	s2 =	simm.s32 $0x500  }
.LBB2_81:
0x763: {  	s1 =	sadd.s32 $0xFFFFFD00, s2  }
0x764: {  	s4 =	sadd.s32 s7, s4;
	s5 =	smov.u32 s2;
	s6 =	sadd.s32 $0x200, s2  }
0x765: {  	[tilespmem:s16], [sflag:$0x2] =	stream.strided.gather [hbm4b:s4+s8], $0x4000, s14, s8, $0x38;
	[tilespmem:$0x1A280] =	vst v63  }
0x766: {  	s1 =	sand.u32 $0x200, s1;
	s4 =	sand.u32 $0x70000, s0;
	_ =	swait.ge [sflag:s22], $0x4000  }
0x767: {  	p0 =	sne.s32 s2, $0x1F00;
	s1 =	sor.u32 s4, s1;
	[sflag:s22] =	ssyncset.done $0x0  }
0x768: {  	s1 =	sor.u32 s9, s1;
	[sflag:s22] =	ssyncadd.s32 $0xFFFFC000  }
0x769: {  	s1 =	sshrl.u32 s1, $0x3;
	_ =	swait.ge [sflag:s23], $0x4000  }
0x76a: {  	s1 =	sadd.s32 s18, s1;
	[sflag:s23] =	ssyncset.done $0x0  }
0x76b: {  	s2 =	sadd.s32 $0xFFFFFF00, s5;
	s4 =	sand.u32 $0x300, s5;
	[sflag:s23] =	ssyncadd.s32 $0xFFFFC000  }
0x76c: {  	[hbm4b:s1+s8] =	stream.strided.scatter [tilespmem:s12], [sflag:$0x3], $0x4000, s14, s8, $0x38;
	[tilespmem:$0x1A280] =	vst v63  }
0x76d: {  	s5 =	sadd.s32 $0xC000, s0;
	s0 =	sadd.s32 $0x8000, s0;
	s1 =	sadd.s32 $0x20, s1  }
0x76e: {  	[hbm4b:s1+s8] =	stream.strided.scatter [tilespmem:s16], [sflag:$0x4], $0x4000, s14, s8, $0x38;
	[tilespmem:$0x1A280] =	vst v63  }
0x76f: {  	s5 =	sand.u32 $0xF0000, s5;
	s1 =	sand.u32 $0xF0000, s0;
	_ =	swait.ge [sflag:s24], $0x4000  }
0x770: {  	s2 =	sand.u32 $0x200, s2;
	s1 =	sadd.s32 s9, s1;
	[sflag:s24] =	ssyncset.done $0x0  }
.Ltmp46:
0x771: {  	s1 =	sor.u32 s2, s1;
	[sflag:s24] =	ssyncadd.s32 $0xFFFFC000;
	(pc) =	sbr.rel @p0 .LBB2_81-.Ltmp46, $4  }
0x772: {  	s2 =	sadd.s32 s9, s5;
	s1 =	sshrl.u32 s1, $0x3;
	_ =	swait.ge [sflag:s25], $0x4000  }
0x773: {  	s2 =	sor.u32 s4, s2;
	s1 =	sadd.s32 s7, s1;
	[sflag:s25] =	ssyncset.done $0x0  }
0x774: {  	s4 =	sshrl.u32 s2, $0x3;
	s2 =	smov.u32 s6;
	[sflag:s25] =	ssyncadd.s32 $0xFFFFC000  }
0x775: {  	[tilespmem:s12], [sflag:$0x1] =	stream.strided.gather [hbm4b:s1+s8], $0x4000, s14, s8, $0x38;
	[tilespmem:$0x1A280] =	vst v63  }
0x776: {  	s0 =	sadd.s32 s7, s4  }
0x777: {  	[tilespmem:s16], [sflag:$0x2] =	stream.strided.gather [hbm4b:s0+s8], $0x4000, s14, s8, $0x38;
	[tilespmem:$0x1A280] =	vst v63  }
0x778: {  	_ =	swait.ge [sflag:s22], $0x4000  }
0x779: {  	[sflag:s22] =	ssyncset.done $0x0  }
0x77a: {  	[sflag:s22] =	ssyncadd.s32 $0xFFFFC000  }
0x77b: {  	_ =	swait.ge [sflag:s23], $0x4000  }
0x77c: {  	s29 =	sld [smem:$0x7F4]  }
.Ltmp47:
0x77d: {  	[sflag:s23] =	ssyncset.done $0x0;
	(pc) =	sbr.rel .LBB2_83-.Ltmp47, $4  }
0x77e: {  	s30 =	sld [smem:$0x7F5];
	[sflag:s23] =	ssyncadd.s32 $0xFFFFC000  }
0x77f: {  	[hbm4b:s29+s8] =	stream.strided.scatter [tilespmem:s12], [sflag:$0x3], $0x4000, s14, s8, $0x38;
	[tilespmem:$0x1A280] =	vst v63  }
0x780: {  	_ = 	snop  }
0x781: {  	[hbm4b:s30+s8] =	stream.strided.scatter [tilespmem:s16], [sflag:$0x4], $0x4000, s14, s8, $0x38;
	[tilespmem:$0x1A280] =	vst v63  }
.LBB2_10:
.Ltmp48:
0x782: {  	(pc) =	sbr.rel .LBB2_13-.Ltmp48, $2  }
0x783: {  	_ =	sdelay $0x2  }
0x784: {  	s2 =	simm.s32 $0x40  }
.LBB2_30:
.Ltmp49:
0x785: {  	(pc) =	sbr.rel .LBB2_33-.Ltmp49, $2  }
0x786: {  	_ =	sdelay $0x2  }
0x787: {  	s2 =	simm.s32 $0x40  }
.LBB2_50:
.Ltmp50:
0x788: {  	(pc) =	sbr.rel .LBB2_53-.Ltmp50, $2  }
0x789: {  	_ =	sdelay $0x2  }
0x78a: {  	s2 =	simm.s32 $0x40  }
.LBB2_70:
.Ltmp51:
0x78b: {  	(pc) =	sbr.rel .LBB2_73-.Ltmp51, $2  }
0x78c: {  	_ =	sdelay $0x2  }
0x78d: {  	s2 =	simm.s32 $0x40  }
.LBB2_84:
0x78e: {  	_ =	sfence.sel $0x180000  }
0x78f: {  	[bflag:$0x0] =	sbarrier.arrive $0xFFFF  }
0x790: {  	_ =	strace $0x90000047  }
0x791: {  	s0 =	stileid.u32;
	[bflag:$0x2] =	sbarrier.arrive $0xFFFF  }
0x792: {  	p0 =	sne.s32 s0, $0x0;
	s0 =	rddreg [dreg:$0x5]  }
0x793: {  	s0 =	sadd.s32 @!p0 $0x100000, s0  }
0x794: {  	[sflag:s0] =	ssyncadd.tile.s32 @!p0 $0x1;
	_ =	shalt  }
.Lfunc_end2:
_tile_overlayer_lowered:
.L_overlay_start_2:
0x795: {  	(tag) =	ssettag $0x2  }
0x796: {  	s0 =	rddreg [dreg:$0x0];
	s2 =	stileid.u32  }
0x797: {  	s1 =	rddreg [dreg:$0x1];
	p0 =	sne.s32 s2, $0x0  }
0x798: {  	s3 =	rddreg [dreg:$0x2];
	[bflag:$0x3] =	sbarrier.arrive $0xFFFF;
	s2 =	simm.s32 @!p0 $0x1C05  }
0x799: {  	[timem:s3], [sflag:s2] =	dma.local @!p0 [hbm:s0], s1  }
0x79a: {  	s0 =	simm.s32 @!p0 $0x5  }
0x79b: {  	_ =	swait.ge @!p0 [sflag:s0], s1  }
0x79c: {  	s1 =	ssub.s32 @!p0 $0x0, s1;
	[sflag:s0] =	ssyncset.done @!p0 $0x0  }
0x79d: {  	[sflag:s0] =	ssyncadd.s32 @!p0 s1  }
0x79e: {  	[bflag:$0x3] =	sbarrier.arrive $0xFFFF  }
0x79f: {  	_ =	shalt  }

</sc_bundles>
